<compile_context>
chip_gen: v7x
topology: tpu7x:2x2x1
jax: 0.10.2.dev20260603
libtpu: 0.0.44.dev20260713+nightly
codegen_flags: <defaults>
</compile_context>

<pallas_src>
import functools

import jax
import jax.numpy as jnp
from jax import lax
from jax.experimental import pallas as pl
from jax.experimental.pallas import tpu as pltpu
from jax.experimental.pallas import tpu_sc as plsc

_W = 0.3
_M, _D = 100000, 128

_BLOCK_A = 4000
_BLOCK_B = 2000
_K = 50000

_NW = 32
_EPW = (_M - _K) * _D // _NW
_CE = 20000
_NCHUNK = _EPW // _CE
_NBUF = 2
_UNROLL = 10
_NVEC = _CE // 16


def _tc_body(c_ref, h_ref, o_ref):
    o_ref[...] = (1.0 - _W) * c_ref[...] + _W * h_ref[...]


def _tc_fuse(core, hg):
    spec = pl.BlockSpec((_BLOCK_A, _D), lambda i: (i, 0))
    return pl.pallas_call(
        _tc_body,
        grid=(_M // _BLOCK_A,),
        in_specs=[spec, spec],
        out_specs=spec,
        out_shape=jax.ShapeDtypeStruct((_M, _D), core.dtype),
    )(core, hg)


def _tc_patch_body(c_ref, h_ref, _sc_ref, o_ref):
    o_ref[...] = (1.0 - _W) * c_ref[...] + _W * h_ref[...]


def _tc_patch(core, hg, sc_out):
    spec = pl.BlockSpec((_BLOCK_B, _D), lambda i: (i, 0))
    return pl.pallas_call(
        _tc_patch_body,
        grid=(_K // _BLOCK_B,),
        in_specs=[spec, spec, pl.BlockSpec(memory_space=pl.ANY)],
        out_specs=spec,
        out_shape=jax.ShapeDtypeStruct((_M, _D), core.dtype),
        input_output_aliases={2: 0},
    )(core, hg, sc_out)


_sc_mesh = plsc.VectorSubcoreMesh(core_axis_name="c", subcore_axis_name="s")


@functools.partial(
    pl.kernel,
    out_type=jax.ShapeDtypeStruct((_M * _D,), jnp.float32),
    mesh=_sc_mesh,
    scratch_types=(
        [pltpu.VMEM((_CE,), jnp.float32) for _ in range(3 * _NBUF)]
        + [pltpu.SemaphoreType.DMA, pltpu.SemaphoreType.DMA,
           pltpu.SemaphoreType.DMA, pltpu.SemaphoreType.DMA]
    ),
)
def _sc_fuse(core_hbm, hg_hbm, out_hbm, a0, b0, o0, a1, b1, o1,
             in_sem0, in_sem1, out_sem0, out_sem1):
    a_bufs, b_bufs, o_bufs = (a0, a1), (b0, b1), (o0, o1)
    in_sems, out_sems = (in_sem0, in_sem1), (out_sem0, out_sem1)
    wid = lax.axis_index("s") * 2 + lax.axis_index("c")
    base = _K * _D + wid * _EPW

    def start_in(g):
        off = base + g * _CE
        k = g % _NBUF
        ha = pltpu.async_copy(core_hbm.at[pl.ds(off, _CE)], a_bufs[k], in_sems[k])
        hb = pltpu.async_copy(hg_hbm.at[pl.ds(off, _CE)], b_bufs[k], in_sems[k])
        return ha, hb

    handles_in = {}
    handles_out = {}
    for k in range(_NBUF):
        handles_in[k] = start_in(k)

    for g in range(_NCHUNK):
        k = g % _NBUF
        ha, hb = handles_in[k]
        ha.wait()
        hb.wait()
        if g >= _NBUF:
            handles_out[k].wait()
        a_ref, b_ref, o_ref = a_bufs[k], b_bufs[k], o_bufs[k]

        def inner(i, c):
            for u in range(_UNROLL):
                sl = pl.ds(i * (16 * _UNROLL) + u * 16, 16)
                o_ref[sl] = (1.0 - _W) * a_ref[sl] + _W * b_ref[sl]
            return c

        lax.fori_loop(0, _NVEC // _UNROLL, inner, 0, unroll=False)

        off = base + g * _CE
        handles_out[k] = pltpu.async_copy(
            o_bufs[k], out_hbm.at[pl.ds(off, _CE)], out_sems[k]
        )
        if g + _NBUF < _NCHUNK:
            handles_in[k] = start_in(g + _NBUF)

    for k in range(min(_NBUF, _NCHUNK)):
        handles_out[k].wait()


def kernel(core_user_emb, core_item_emb, hg_user_emb, hg_item_emb):
    sc_item = _sc_fuse(
        core_item_emb.reshape(-1), hg_item_emb.reshape(-1)
    ).reshape(_M, _D)
    out_user = _tc_fuse(core_user_emb, hg_user_emb)
    out_item = _tc_patch(core_item_emb, hg_item_emb, sc_item)
    return (out_user, out_item)

# --- scband reference (transcript-rebuilt; emitter-appended) ---
"""Pipeline reference for scband-hyper-diff-rec-core-13975823581875 (READ-ONLY COPY).

The authoritative reference and input builder live on the scoring server;
editing this copy changes nothing except your own understanding.
"""

import jax, jax.numpy as jnp
import numpy as np

HYPERGRAPH_WEIGHT = 0.3


def setup_inputs(seed: int = 0) -> dict:
    key = jax.random.key(seed)
    k1, k2, k3, k4 = jax.random.split(key, 4)
    M, N, D = 100000, 100000, 128
    core_user_emb = jax.random.normal(k1, (M, D), dtype=jnp.float32)
    core_item_emb = jax.random.normal(k2, (N, D), dtype=jnp.float32)
    hg_user_emb = jax.random.normal(k3, (M, D), dtype=jnp.float32)
    hg_item_emb = jax.random.normal(k4, (N, D), dtype=jnp.float32)
    return {
        "core_user_emb": core_user_emb,
        "core_item_emb": core_item_emb,
        "hg_user_emb": hg_user_emb,
        "hg_item_emb": hg_item_emb,
    }


def reference(core_user_emb, core_item_emb, hg_user_emb, hg_item_emb):
    # AdaptiveFeatureFusion with fusion_strategy='weighted' (eval mode, dropout = identity)
    w = HYPERGRAPH_WEIGHT
    fused_user_emb = (1.0 - w) * core_user_emb + w * hg_user_emb
    fused_item_emb = (1.0 - w) * core_item_emb + w * hg_item_emb
    return (fused_user_emb, fused_item_emb)

if __name__ == "__main__":
    import jax
    _d = setup_inputs()
    print(jax.jit(kernel)(*tuple(_d.values())))

</pallas_src>

<mosaic_0001>
#map = affine_map<(d0, d1) -> (0)>
module attributes {stable_mosaic.version = 14 : i64} {
  func.func @_sc_fuse(%arg0: i32, %arg1: i32, %arg2: memref<12800000xf32, #tpu.memory_space<hbm>>, %arg3: memref<12800000xf32, #tpu.memory_space<hbm>>, %arg4: memref<12800000xf32, #tpu.memory_space<hbm>>, %arg5: memref<20000xf32, #tpu.memory_space<vmem>>, %arg6: memref<20000xf32, #tpu.memory_space<vmem>>, %arg7: memref<20000xf32, #tpu.memory_space<vmem>>, %arg8: memref<20000xf32, #tpu.memory_space<vmem>>, %arg9: memref<20000xf32, #tpu.memory_space<vmem>>, %arg10: memref<20000xf32, #tpu.memory_space<vmem>>, %arg11: memref<!tpu.dma_semaphore, #tpu.memory_space<semaphore_mem>>, %arg12: memref<!tpu.dma_semaphore, #tpu.memory_space<semaphore_mem>>, %arg13: memref<!tpu.dma_semaphore, #tpu.memory_space<semaphore_mem>>, %arg14: memref<!tpu.dma_semaphore, #tpu.memory_space<semaphore_mem>>) attributes {dimension_semantics = [#tpu.dimension_semantics<core_parallel>, #tpu.dimension_semantics<subcore_parallel>], iteration_bounds = array<i64: 2, 16>, scalar_prefetch = 0 : i64, scratch_operands = 10 : i64, tpu.core_type = #tpu.core_type<sc_vector_subcore>, window_params = [{transform_indices = #map}, {transform_indices = #map}, {transform_indices = #map}]} {
    %mul3A = arith.constant 2 : i32
    %mul3A_0 = arith.muli %arg1, %mul3A : i32
    %add3A = arith.addi %mul3A_0, %arg0 : i32
    %mul3A_1 = arith.constant 200000 : i32
    %mul3A_2 = arith.muli %add3A, %mul3A_1 : i32
    %add3A_3 = arith.constant 6400000 : i32
    %add3A_4 = arith.addi %add3A_3, %mul3A_2 : i32
    %add3A_5 = arith.constant 0 : i32
    %add3A_6 = arith.addi %add3A_4, %add3A_5 : i32
    %dma_start3A = tpu.memref_slice %arg2[%add3A_6] : memref<12800000xf32, #tpu.memory_space<hbm>> -> memref<20000xf32, #tpu.memory_space<hbm>>
    %dma_start3A_7 = tpu.memref_slice %arg2[%add3A_6] : memref<12800000xf32, #tpu.memory_space<hbm>> -> memref<20000xf32, #tpu.memory_space<hbm>>
    tpu.enqueue_dma source(%dma_start3A_7 : memref<20000xf32, #tpu.memory_space<hbm>>) target(%arg5 : memref<20000xf32, #tpu.memory_space<vmem>>) target_semaphore(%arg11 : memref<!tpu.dma_semaphore, #tpu.memory_space<semaphore_mem>>)
    %dma_start3A_8 = tpu.memref_slice %arg3[%add3A_6] : memref<12800000xf32, #tpu.memory_space<hbm>> -> memref<20000xf32, #tpu.memory_space<hbm>>
    %dma_start3A_9 = tpu.memref_slice %arg3[%add3A_6] : memref<12800000xf32, #tpu.memory_space<hbm>> -> memref<20000xf32, #tpu.memory_space<hbm>>
    tpu.enqueue_dma source(%dma_start3A_9 : memref<20000xf32, #tpu.memory_space<hbm>>) target(%arg6 : memref<20000xf32, #tpu.memory_space<vmem>>) target_semaphore(%arg11 : memref<!tpu.dma_semaphore, #tpu.memory_space<semaphore_mem>>)
    %add3A_10 = arith.constant 20000 : i32
    %add3A_11 = arith.addi %add3A_4, %add3A_10 : i32
    %dma_start3A_12 = tpu.memref_slice %arg2[%add3A_11] : memref<12800000xf32, #tpu.memory_space<hbm>> -> memref<20000xf32, #tpu.memory_space<hbm>>
    %dma_start3A_13 = tpu.memref_slice %arg2[%add3A_11] : memref<12800000xf32, #tpu.memory_space<hbm>> -> memref<20000xf32, #tpu.memory_space<hbm>>
    tpu.enqueue_dma source(%dma_start3A_13 : memref<20000xf32, #tpu.memory_space<hbm>>) target(%arg8 : memref<20000xf32, #tpu.memory_space<vmem>>) target_semaphore(%arg12 : memref<!tpu.dma_semaphore, #tpu.memory_space<semaphore_mem>>)
    %dma_start3A_14 = tpu.memref_slice %arg3[%add3A_11] : memref<12800000xf32, #tpu.memory_space<hbm>> -> memref<20000xf32, #tpu.memory_space<hbm>>
    %dma_start3A_15 = tpu.memref_slice %arg3[%add3A_11] : memref<12800000xf32, #tpu.memory_space<hbm>> -> memref<20000xf32, #tpu.memory_space<hbm>>
    tpu.enqueue_dma source(%dma_start3A_15 : memref<20000xf32, #tpu.memory_space<hbm>>) target(%arg9 : memref<20000xf32, #tpu.memory_space<vmem>>) target_semaphore(%arg12 : memref<!tpu.dma_semaphore, #tpu.memory_space<semaphore_mem>>)
    %dma_wait3A = tpu.memref_slice %arg2[%add3A_6] : memref<12800000xf32, #tpu.memory_space<hbm>> -> memref<20000xf32, #tpu.memory_space<hbm>>
    %dma_wait3A_16 = tpu.memref_slice %arg2[%add3A_6] : memref<12800000xf32, #tpu.memory_space<hbm>> -> memref<20000xf32, #tpu.memory_space<hbm>>
    tpu.wait_dma2 semaphore(%arg11 : memref<!tpu.dma_semaphore, #tpu.memory_space<semaphore_mem>>) src(%dma_wait3A_16 : memref<20000xf32, #tpu.memory_space<hbm>>) dst(%arg5 : memref<20000xf32, #tpu.memory_space<vmem>>)
    %dma_wait3A_17 = tpu.memref_slice %arg3[%add3A_6] : memref<12800000xf32, #tpu.memory_space<hbm>> -> memref<20000xf32, #tpu.memory_space<hbm>>
    %dma_wait3A_18 = tpu.memref_slice %arg3[%add3A_6] : memref<12800000xf32, #tpu.memory_space<hbm>> -> memref<20000xf32, #tpu.memory_space<hbm>>
    tpu.wait_dma2 semaphore(%arg11 : memref<!tpu.dma_semaphore, #tpu.memory_space<semaphore_mem>>) src(%dma_wait3A_18 : memref<20000xf32, #tpu.memory_space<hbm>>) dst(%arg6 : memref<20000xf32, #tpu.memory_space<vmem>>)
    %scan3A = arith.constant 0 : i32
    %scan3A_19 = arith.constant 0 : i32
    %scan3A_20 = arith.constant 125 : i32
    %scan3A_21 = arith.addi %scan3A_19, %scan3A_20 : i32
    %scan3A_22 = arith.constant 1 : i32
    scf.for %scan3A_222 = %scan3A_19 to %scan3A_21 step %scan3A_22  : i32 {
      %mul3A_223 = arith.constant 160 : i32
      %mul3A_224 = arith.muli %scan3A_222, %mul3A_223 : i32
      %add3A_225 = arith.constant 0 : i32
      %add3A_226 = arith.addi %mul3A_224, %add3A_225 : i32
      %get3A = arith.index_cast %add3A_226 : i32 to index
      %get3A_227 = tpu.vector_load %arg5[%get3A] {strides = array<i32>} : memref<20000xf32, #tpu.memory_space<vmem>>, vector<16xf32>,
      %get3A_228 = vector.shape_cast %get3A_227 : vector<16xf32> to vector<16xf32>
      %mul3A_229 = arith.constant 0.699999988 : f32
      %mul3A_230 = vector.broadcast %mul3A_229 : f32 to vector<16xf32>
      %mul3A_231 = arith.mulf %mul3A_230, %get3A_228 : vector<16xf32>
      %get3A_232 = arith.index_cast %add3A_226 : i32 to index
      %get3A_233 = tpu.vector_load %arg6[%get3A_232] {strides = array<i32>} : memref<20000xf32, #tpu.memory_space<vmem>>, vector<16xf32>,
      %get3A_234 = vector.shape_cast %get3A_233 : vector<16xf32> to vector<16xf32>
      %mul3A_235 = arith.constant 3.000000e-01 : f32
      %mul3A_236 = vector.broadcast %mul3A_235 : f32 to vector<16xf32>
      %mul3A_237 = arith.mulf %mul3A_236, %get3A_234 : vector<16xf32>
      %add3A_238 = arith.addf %mul3A_231, %mul3A_237 : vector<16xf32>
      %swap3A = arith.index_cast %add3A_226 : i32 to index
      %swap3A_239 = tpu.vector_load %arg7[%swap3A] {strides = array<i32>} : memref<20000xf32, #tpu.memory_space<vmem>>, vector<16xf32>,
      %swap3A_240 = vector.shape_cast %swap3A_239 : vector<16xf32> to vector<16xf32>
      %swap3A_241 = vector.shape_cast %add3A_238 : vector<16xf32> to vector<16xf32>
      tpu.vector_store %arg7[%swap3A], %swap3A_241 {strides = array<i32>} : memref<20000xf32, #tpu.memory_space<vmem>>, vector<16xf32>,
      %mul3A_242 = arith.constant 160 : i32
      %mul3A_243 = arith.muli %scan3A_222, %mul3A_242 : i32
      %add3A_244 = arith.constant 16 : i32
      %add3A_245 = arith.addi %mul3A_243, %add3A_244 : i32
      %get3A_246 = arith.index_cast %add3A_245 : i32 to index
      %get3A_247 = tpu.vector_load %arg5[%get3A_246] {strides = array<i32>} : memref<20000xf32, #tpu.memory_space<vmem>>, vector<16xf32>,
      %get3A_248 = vector.shape_cast %get3A_247 : vector<16xf32> to vector<16xf32>
      %mul3A_249 = arith.constant 0.699999988 : f32
      %mul3A_250 = vector.broadcast %mul3A_249 : f32 to vector<16xf32>
      %mul3A_251 = arith.mulf %mul3A_250, %get3A_248 : vector<16xf32>
      %get3A_252 = arith.index_cast %add3A_245 : i32 to index
      %get3A_253 = tpu.vector_load %arg6[%get3A_252] {strides = array<i32>} : memref<20000xf32, #tpu.memory_space<vmem>>, vector<16xf32>,
      %get3A_254 = vector.shape_cast %get3A_253 : vector<16xf32> to vector<16xf32>
      %mul3A_255 = arith.constant 3.000000e-01 : f32
      %mul3A_256 = vector.broadcast %mul3A_255 : f32 to vector<16xf32>
      %mul3A_257 = arith.mulf %mul3A_256, %get3A_254 : vector<16xf32>
      %add3A_258 = arith.addf %mul3A_251, %mul3A_257 : vector<16xf32>
      %swap3A_259 = arith.index_cast %add3A_245 : i32 to index
      %swap3A_260 = tpu.vector_load %arg7[%swap3A_259] {strides = array<i32>} : memref<20000xf32, #tpu.memory_space<vmem>>, vector<16xf32>,
      %swap3A_261 = vector.shape_cast %swap3A_260 : vector<16xf32> to vector<16xf32>
      %swap3A_262 = vector.shape_cast %add3A_258 : vector<16xf32> to vector<16xf32>
      tpu.vector_store %arg7[%swap3A_259], %swap3A_262 {strides = array<i32>} : memref<20000xf32, #tpu.memory_space<vmem>>, vector<16xf32>,
      %mul3A_263 = arith.constant 160 : i32
      %mul3A_264 = arith.muli %scan3A_222, %mul3A_263 : i32
      %add3A_265 = arith.constant 32 : i32
      %add3A_266 = arith.addi %mul3A_264, %add3A_265 : i32
      %get3A_267 = arith.index_cast %add3A_266 : i32 to index
      %get3A_268 = tpu.vector_load %arg5[%get3A_267] {strides = array<i32>} : memref<20000xf32, #tpu.memory_space<vmem>>, vector<16xf32>,
      %get3A_269 = vector.shape_cast %get3A_268 : vector<16xf32> to vector<16xf32>
      %mul3A_270 = arith.constant 0.699999988 : f32
      %mul3A_271 = vector.broadcast %mul3A_270 : f32 to vector<16xf32>
      %mul3A_272 = arith.mulf %mul3A_271, %get3A_269 : vector<16xf32>
      %get3A_273 = arith.index_cast %add3A_266 : i32 to index
      %get3A_274 = tpu.vector_load %arg6[%get3A_273] {strides = array<i32>} : memref<20000xf32, #tpu.memory_space<vmem>>, vector<16xf32>,
      %get3A_275 = vector.shape_cast %get3A_274 : vector<16xf32> to vector<16xf32>
      %mul3A_276 = arith.constant 3.000000e-01 : f32
      %mul3A_277 = vector.broadcast %mul3A_276 : f32 to vector<16xf32>
      %mul3A_278 = arith.mulf %mul3A_277, %get3A_275 : vector<16xf32>
      %add3A_279 = arith.addf %mul3A_272, %mul3A_278 : vector<16xf32>
      %swap3A_280 = arith.index_cast %add3A_266 : i32 to index
      %swap3A_281 = tpu.vector_load %arg7[%swap3A_280] {strides = array<i32>} : memref<20000xf32, #tpu.memory_space<vmem>>, vector<16xf32>,
      %swap3A_282 = vector.shape_cast %swap3A_281 : vector<16xf32> to vector<16xf32>
      %swap3A_283 = vector.shape_cast %add3A_279 : vector<16xf32> to vector<16xf32>
      tpu.vector_store %arg7[%swap3A_280], %swap3A_283 {strides = array<i32>} : memref<20000xf32, #tpu.memory_space<vmem>>, vector<16xf32>,
      %mul3A_284 = arith.constant 160 : i32
      %mul3A_285 = arith.muli %scan3A_222, %mul3A_284 : i32
      %add3A_286 = arith.constant 48 : i32
      %add3A_287 = arith.addi %mul3A_285, %add3A_286 : i32
      %get3A_288 = arith.index_cast %add3A_287 : i32 to index
      %get3A_289 = tpu.vector_load %arg5[%get3A_288] {strides = array<i32>} : memref<20000xf32, #tpu.memory_space<vmem>>, vector<16xf32>,
      %get3A_290 = vector.shape_cast %get3A_289 : vector<16xf32> to vector<16xf32>
      %mul3A_291 = arith.constant 0.699999988 : f32
      %mul3A_292 = vector.broadcast %mul3A_291 : f32 to vector<16xf32>
      %mul3A_293 = arith.mulf %mul3A_292, %get3A_290 : vector<16xf32>
      %get3A_294 = arith.index_cast %add3A_287 : i32 to index
      %get3A_295 = tpu.vector_load %arg6[%get3A_294] {strides = array<i32>} : memref<20000xf32, #tpu.memory_space<vmem>>, vector<16xf32>,
      %get3A_296 = vector.shape_cast %get3A_295 : vector<16xf32> to vector<16xf32>
      %mul3A_297 = arith.constant 3.000000e-01 : f32
      %mul3A_298 = vector.broadcast %mul3A_297 : f32 to vector<16xf32>
      %mul3A_299 = arith.mulf %mul3A_298, %get3A_296 : vector<16xf32>
      %add3A_300 = arith.addf %mul3A_293, %mul3A_299 : vector<16xf32>
      %swap3A_301 = arith.index_cast %add3A_287 : i32 to index
      %swap3A_302 = tpu.vector_load %arg7[%swap3A_301] {strides = array<i32>} : memref<20000xf32, #tpu.memory_space<vmem>>, vector<16xf32>,
      %swap3A_303 = vector.shape_cast %swap3A_302 : vector<16xf32> to vector<16xf32>
      %swap3A_304 = vector.shape_cast %add3A_300 : vector<16xf32> to vector<16xf32>
      tpu.vector_store %arg7[%swap3A_301], %swap3A_304 {strides = array<i32>} : memref<20000xf32, #tpu.memory_space<vmem>>, vector<16xf32>,
      %mul3A_305 = arith.constant 160 : i32
      %mul3A_306 = arith.muli %scan3A_222, %mul3A_305 : i32
      %add3A_307 = arith.constant 64 : i32
      %add3A_308 = arith.addi %mul3A_306, %add3A_307 : i32
      %get3A_309 = arith.index_cast %add3A_308 : i32 to index
      %get3A_310 = tpu.vector_load %arg5[%get3A_309] {strides = array<i32>} : memref<20000xf32, #tpu.memory_space<vmem>>, vector<16xf32>,
      %get3A_311 = vector.shape_cast %get3A_310 : vector<16xf32> to vector<16xf32>
      %mul3A_312 = arith.constant 0.699999988 : f32
      %mul3A_313 = vector.broadcast %mul3A_312 : f32 to vector<16xf32>
      %mul3A_314 = arith.mulf %mul3A_313, %get3A_311 : vector<16xf32>
      %get3A_315 = arith.index_cast %add3A_308 : i32 to index
      %get3A_316 = tpu.vector_load %arg6[%get3A_315] {strides = array<i32>} : memref<20000xf32, #tpu.memory_space<vmem>>, vector<16xf32>,
      %get3A_317 = vector.shape_cast %get3A_316 : vector<16xf32> to vector<16xf32>
      %mul3A_318 = arith.constant 3.000000e-01 : f32
      %mul3A_319 = vector.broadcast %mul3A_318 : f32 to vector<16xf32>
      %mul3A_320 = arith.mulf %mul3A_319, %get3A_317 : vector<16xf32>
      %add3A_321 = arith.addf %mul3A_314, %mul3A_320 : vector<16xf32>
      %swap3A_322 = arith.index_cast %add3A_308 : i32 to index
      %swap3A_323 = tpu.vector_load %arg7[%swap3A_322] {strides = array<i32>} : memref<20000xf32, #tpu.memory_space<vmem>>, vector<16xf32>,
      %swap3A_324 = vector.shape_cast %swap3A_323 : vector<16xf32> to vector<16xf32>
      %swap3A_325 = vector.shape_cast %add3A_321 : vector<16xf32> to vector<16xf32>
      tpu.vector_store %arg7[%swap3A_322], %swap3A_325 {strides = array<i32>} : memref<20000xf32, #tpu.memory_space<vmem>>, vector<16xf32>,
      %mul3A_326 = arith.constant 160 : i32
      %mul3A_327 = arith.muli %scan3A_222, %mul3A_326 : i32
      %add3A_328 = arith.constant 80 : i32
      %add3A_329 = arith.addi %mul3A_327, %add3A_328 : i32
      %get3A_330 = arith.index_cast %add3A_329 : i32 to index
      %get3A_331 = tpu.vector_load %arg5[%get3A_330] {strides = array<i32>} : memref<20000xf32, #tpu.memory_space<vmem>>, vector<16xf32>,
      %get3A_332 = vector.shape_cast %get3A_331 : vector<16xf32> to vector<16xf32>
      %mul3A_333 = arith.constant 0.699999988 : f32
      %mul3A_334 = vector.broadcast %mul3A_333 : f32 to vector<16xf32>
      %mul3A_335 = arith.mulf %mul3A_334, %get3A_332 : vector<16xf32>
      %get3A_336 = arith.index_cast %add3A_329 : i32 to index
      %get3A_337 = tpu.vector_load %arg6[%get3A_336] {strides = array<i32>} : memref<20000xf32, #tpu.memory_space<vmem>>, vector<16xf32>,
      %get3A_338 = vector.shape_cast %get3A_337 : vector<16xf32> to vector<16xf32>
      %mul3A_339 = arith.constant 3.000000e-01 : f32
      %mul3A_340 = vector.broadcast %mul3A_339 : f32 to vector<16xf32>
      %mul3A_341 = arith.mulf %mul3A_340, %get3A_338 : vector<16xf32>
      %add3A_342 = arith.addf %mul3A_335, %mul3A_341 : vector<16xf32>
      %swap3A_343 = arith.index_cast %add3A_329 : i32 to index
      %swap3A_344 = tpu.vector_load %arg7[%swap3A_343] {strides = array<i32>} : memref<20000xf32, #tpu.memory_space<vmem>>, vector<16xf32>,
      %swap3A_345 = vector.shape_cast %swap3A_344 : vector<16xf32> to vector<16xf32>
      %swap3A_346 = vector.shape_cast %add3A_342 : vector<16xf32> to vector<16xf32>
      tpu.vector_store %arg7[%swap3A_343], %swap3A_346 {strides = array<i32>} : memref<20000xf32, #tpu.memory_space<vmem>>, vector<16xf32>,
      %mul3A_347 = arith.constant 160 : i32
      %mul3A_348 = arith.muli %scan3A_222, %mul3A_347 : i32
      %add3A_349 = arith.constant 96 : i32
      %add3A_350 = arith.addi %mul3A_348, %add3A_349 : i32
      %get3A_351 = arith.index_cast %add3A_350 : i32 to index
      %get3A_352 = tpu.vector_load %arg5[%get3A_351] {strides = array<i32>} : memref<20000xf32, #tpu.memory_space<vmem>>, vector<16xf32>,
      %get3A_353 = vector.shape_cast %get3A_352 : vector<16xf32> to vector<16xf32>
      %mul3A_354 = arith.constant 0.699999988 : f32
      %mul3A_355 = vector.broadcast %mul3A_354 : f32 to vector<16xf32>
      %mul3A_356 = arith.mulf %mul3A_355, %get3A_353 : vector<16xf32>
      %get3A_357 = arith.index_cast %add3A_350 : i32 to index
      %get3A_358 = tpu.vector_load %arg6[%get3A_357] {strides = array<i32>} : memref<20000xf32, #tpu.memory_space<vmem>>, vector<16xf32>,
      %get3A_359 = vector.shape_cast %get3A_358 : vector<16xf32> to vector<16xf32>
      %mul3A_360 = arith.constant 3.000000e-01 : f32
      %mul3A_361 = vector.broadcast %mul3A_360 : f32 to vector<16xf32>
      %mul3A_362 = arith.mulf %mul3A_361, %get3A_359 : vector<16xf32>
      %add3A_363 = arith.addf %mul3A_356, %mul3A_362 : vector<16xf32>
      %swap3A_364 = arith.index_cast %add3A_350 : i32 to index
      %swap3A_365 = tpu.vector_load %arg7[%swap3A_364] {strides = array<i32>} : memref<20000xf32, #tpu.memory_space<vmem>>, vector<16xf32>,
      %swap3A_366 = vector.shape_cast %swap3A_365 : vector<16xf32> to vector<16xf32>
      %swap3A_367 = vector.shape_cast %add3A_363 : vector<16xf32> to vector<16xf32>
      tpu.vector_store %arg7[%swap3A_364], %swap3A_367 {strides = array<i32>} : memref<20000xf32, #tpu.memory_space<vmem>>, vector<16xf32>,
      %mul3A_368 = arith.constant 160 : i32
      %mul3A_369 = arith.muli %scan3A_222, %mul3A_368 : i32
      %add3A_370 = arith.constant 112 : i32
      %add3A_371 = arith.addi %mul3A_369, %add3A_370 : i32
      %get3A_372 = arith.index_cast %add3A_371 : i32 to index
      %get3A_373 = tpu.vector_load %arg5[%get3A_372] {strides = array<i32>} : memref<20000xf32, #tpu.memory_space<vmem>>, vector<16xf32>,
      %get3A_374 = vector.shape_cast %get3A_373 : vector<16xf32> to vector<16xf32>
      %mul3A_375 = arith.constant 0.699999988 : f32
      %mul3A_376 = vector.broadcast %mul3A_375 : f32 to vector<16xf32>
      %mul3A_377 = arith.mulf %mul3A_376, %get3A_374 : vector<16xf32>
      %get3A_378 = arith.index_cast %add3A_371 : i32 to index
      %get3A_379 = tpu.vector_load %arg6[%get3A_378] {strides = array<i32>} : memref<20000xf32, #tpu.memory_space<vmem>>, vector<16xf32>,
      %get3A_380 = vector.shape_cast %get3A_379 : vector<16xf32> to vector<16xf32>
      %mul3A_381 = arith.constant 3.000000e-01 : f32
      %mul3A_382 = vector.broadcast %mul3A_381 : f32 to vector<16xf32>
      %mul3A_383 = arith.mulf %mul3A_382, %get3A_380 : vector<16xf32>
      %add3A_384 = arith.addf %mul3A_377, %mul3A_383 : vector<16xf32>
      %swap3A_385 = arith.index_cast %add3A_371 : i32 to index
      %swap3A_386 = tpu.vector_load %arg7[%swap3A_385] {strides = array<i32>} : memref<20000xf32, #tpu.memory_space<vmem>>, vector<16xf32>,
      %swap3A_387 = vector.shape_cast %swap3A_386 : vector<16xf32> to vector<16xf32>
      %swap3A_388 = vector.shape_cast %add3A_384 : vector<16xf32> to vector<16xf32>
      tpu.vector_store %arg7[%swap3A_385], %swap3A_388 {strides = array<i32>} : memref<20000xf32, #tpu.memory_space<vmem>>, vector<16xf32>,
      %mul3A_389 = arith.constant 160 : i32
      %mul3A_390 = arith.muli %scan3A_222, %mul3A_389 : i32
      %add3A_391 = arith.constant 128 : i32
      %add3A_392 = arith.addi %mul3A_390, %add3A_391 : i32
      %get3A_393 = arith.index_cast %add3A_392 : i32 to index
      %get3A_394 = tpu.vector_load %arg5[%get3A_393] {strides = array<i32>} : memref<20000xf32, #tpu.memory_space<vmem>>, vector<16xf32>,
      %get3A_395 = vector.shape_cast %get3A_394 : vector<16xf32> to vector<16xf32>
      %mul3A_396 = arith.constant 0.699999988 : f32
      %mul3A_397 = vector.broadcast %mul3A_396 : f32 to vector<16xf32>
      %mul3A_398 = arith.mulf %mul3A_397, %get3A_395 : vector<16xf32>
      %get3A_399 = arith.index_cast %add3A_392 : i32 to index
      %get3A_400 = tpu.vector_load %arg6[%get3A_399] {strides = array<i32>} : memref<20000xf32, #tpu.memory_space<vmem>>, vector<16xf32>,
      %get3A_401 = vector.shape_cast %get3A_400 : vector<16xf32> to vector<16xf32>
      %mul3A_402 = arith.constant 3.000000e-01 : f32
      %mul3A_403 = vector.broadcast %mul3A_402 : f32 to vector<16xf32>
      %mul3A_404 = arith.mulf %mul3A_403, %get3A_401 : vector<16xf32>
      %add3A_405 = arith.addf %mul3A_398, %mul3A_404 : vector<16xf32>
      %swap3A_406 = arith.index_cast %add3A_392 : i32 to index
      %swap3A_407 = tpu.vector_load %arg7[%swap3A_406] {strides = array<i32>} : memref<20000xf32, #tpu.memory_space<vmem>>, vector<16xf32>,
      %swap3A_408 = vector.shape_cast %swap3A_407 : vector<16xf32> to vector<16xf32>
      %swap3A_409 = vector.shape_cast %add3A_405 : vector<16xf32> to vector<16xf32>
      tpu.vector_store %arg7[%swap3A_406], %swap3A_409 {strides = array<i32>} : memref<20000xf32, #tpu.memory_space<vmem>>, vector<16xf32>,
      %mul3A_410 = arith.constant 160 : i32
      %mul3A_411 = arith.muli %scan3A_222, %mul3A_410 : i32
      %add3A_412 = arith.constant 144 : i32
      %add3A_413 = arith.addi %mul3A_411, %add3A_412 : i32
      %get3A_414 = arith.index_cast %add3A_413 : i32 to index
      %get3A_415 = tpu.vector_load %arg5[%get3A_414] {strides = array<i32>} : memref<20000xf32, #tpu.memory_space<vmem>>, vector<16xf32>,
      %get3A_416 = vector.shape_cast %get3A_415 : vector<16xf32> to vector<16xf32>
      %mul3A_417 = arith.constant 0.699999988 : f32
      %mul3A_418 = vector.broadcast %mul3A_417 : f32 to vector<16xf32>
      %mul3A_419 = arith.mulf %mul3A_418, %get3A_416 : vector<16xf32>
      %get3A_420 = arith.index_cast %add3A_413 : i32 to index
      %get3A_421 = tpu.vector_load %arg6[%get3A_420] {strides = array<i32>} : memref<20000xf32, #tpu.memory_space<vmem>>, vector<16xf32>,
      %get3A_422 = vector.shape_cast %get3A_421 : vector<16xf32> to vector<16xf32>
      %mul3A_423 = arith.constant 3.000000e-01 : f32
      %mul3A_424 = vector.broadcast %mul3A_423 : f32 to vector<16xf32>
      %mul3A_425 = arith.mulf %mul3A_424, %get3A_422 : vector<16xf32>
      %add3A_426 = arith.addf %mul3A_419, %mul3A_425 : vector<16xf32>
      %swap3A_427 = arith.index_cast %add3A_413 : i32 to index
      %swap3A_428 = tpu.vector_load %arg7[%swap3A_427] {strides = array<i32>} : memref<20000xf32, #tpu.memory_space<vmem>>, vector<16xf32>,
      %swap3A_429 = vector.shape_cast %swap3A_428 : vector<16xf32> to vector<16xf32>
      %swap3A_430 = vector.shape_cast %add3A_426 : vector<16xf32> to vector<16xf32>
      tpu.vector_store %arg7[%swap3A_427], %swap3A_430 {strides = array<i32>} : memref<20000xf32, #tpu.memory_space<vmem>>, vector<16xf32>,
    }
    %scan3A_23 = arith.constant 125 : i32
    %add3A_24 = arith.constant 0 : i32
    %add3A_25 = arith.addi %add3A_4, %add3A_24 : i32
    %dma_start3A_26 = tpu.memref_slice %arg4[%add3A_25] : memref<12800000xf32, #tpu.memory_space<hbm>> -> memref<20000xf32, #tpu.memory_space<hbm>>
    %dma_start3A_27 = tpu.memref_slice %arg4[%add3A_25] : memref<12800000xf32, #tpu.memory_space<hbm>> -> memref<20000xf32, #tpu.memory_space<hbm>>
    tpu.enqueue_dma source(%arg7 : memref<20000xf32, #tpu.memory_space<vmem>>) target(%dma_start3A_27 : memref<20000xf32, #tpu.memory_space<hbm>>) target_semaphore(%arg13 : memref<!tpu.dma_semaphore, #tpu.memory_space<semaphore_mem>>)
    %add3A_28 = arith.constant 40000 : i32
    %add3A_29 = arith.addi %add3A_4, %add3A_28 : i32
    %dma_start3A_30 = tpu.memref_slice %arg2[%add3A_29] : memref<12800000xf32, #tpu.memory_space<hbm>> -> memref<20000xf32, #tpu.memory_space<hbm>>
    %dma_start3A_31 = tpu.memref_slice %arg2[%add3A_29] : memref<12800000xf32, #tpu.memory_space<hbm>> -> memref<20000xf32, #tpu.memory_space<hbm>>
    tpu.enqueue_dma source(%dma_start3A_31 : memref<20000xf32, #tpu.memory_space<hbm>>) target(%arg5 : memref<20000xf32, #tpu.memory_space<vmem>>) target_semaphore(%arg11 : memref<!tpu.dma_semaphore, #tpu.memory_space<semaphore_mem>>)
    %dma_start3A_32 = tpu.memref_slice %arg3[%add3A_29] : memref<12800000xf32, #tpu.memory_space<hbm>> -> memref<20000xf32, #tpu.memory_space<hbm>>
    %dma_start3A_33 = tpu.memref_slice %arg3[%add3A_29] : memref<12800000xf32, #tpu.memory_space<hbm>> -> memref<20000xf32, #tpu.memory_space<hbm>>
    tpu.enqueue_dma source(%dma_start3A_33 : memref<20000xf32, #tpu.memory_space<hbm>>) target(%arg6 : memref<20000xf32, #tpu.memory_space<vmem>>) target_semaphore(%arg11 : memref<!tpu.dma_semaphore, #tpu.memory_space<semaphore_mem>>)
    %dma_wait3A_34 = tpu.memref_slice %arg2[%add3A_11] : memref<12800000xf32, #tpu.memory_space<hbm>> -> memref<20000xf32, #tpu.memory_space<hbm>>
    %dma_wait3A_35 = tpu.memref_slice %arg2[%add3A_11] : memref<12800000xf32, #tpu.memory_space<hbm>> -> memref<20000xf32, #tpu.memory_space<hbm>>
    tpu.wait_dma2 semaphore(%arg12 : memref<!tpu.dma_semaphore, #tpu.memory_space<semaphore_mem>>) src(%dma_wait3A_35 : memref<20000xf32, #tpu.memory_space<hbm>>) dst(%arg8 : memref<20000xf32, #tpu.memory_space<vmem>>)
    %dma_wait3A_36 = tpu.memref_slice %arg3[%add3A_11] : memref<12800000xf32, #tpu.memory_space<hbm>> -> memref<20000xf32, #tpu.memory_space<hbm>>
    %dma_wait3A_37 = tpu.memref_slice %arg3[%add3A_11] : memref<12800000xf32, #tpu.memory_space<hbm>> -> memref<20000xf32, #tpu.memory_space<hbm>>
    tpu.wait_dma2 semaphore(%arg12 : memref<!tpu.dma_semaphore, #tpu.memory_space<semaphore_mem>>) src(%dma_wait3A_37 : memref<20000xf32, #tpu.memory_space<hbm>>) dst(%arg9 : memref<20000xf32, #tpu.memory_space<vmem>>)
    %scan3A_38 = arith.constant 0 : i32
    %scan3A_39 = arith.constant 0 : i32
    %scan3A_40 = arith.constant 125 : i32
    %scan3A_41 = arith.addi %scan3A_39, %scan3A_40 : i32
    %scan3A_42 = arith.constant 1 : i32
    scf.for %scan3A_222 = %scan3A_39 to %scan3A_41 step %scan3A_42  : i32 {
      %mul3A_223 = arith.constant 160 : i32
      %mul3A_224 = arith.muli %scan3A_222, %mul3A_223 : i32
      %add3A_225 = arith.constant 0 : i32
      %add3A_226 = arith.addi %mul3A_224, %add3A_225 : i32
      %get3A = arith.index_cast %add3A_226 : i32 to index
      %get3A_227 = tpu.vector_load %arg8[%get3A] {strides = array<i32>} : memref<20000xf32, #tpu.memory_space<vmem>>, vector<16xf32>,
      %get3A_228 = vector.shape_cast %get3A_227 : vector<16xf32> to vector<16xf32>
      %mul3A_229 = arith.constant 0.699999988 : f32
      %mul3A_230 = vector.broadcast %mul3A_229 : f32 to vector<16xf32>
      %mul3A_231 = arith.mulf %mul3A_230, %get3A_228 : vector<16xf32>
      %get3A_232 = arith.index_cast %add3A_226 : i32 to index
      %get3A_233 = tpu.vector_load %arg9[%get3A_232] {strides = array<i32>} : memref<20000xf32, #tpu.memory_space<vmem>>, vector<16xf32>,
      %get3A_234 = vector.shape_cast %get3A_233 : vector<16xf32> to vector<16xf32>
      %mul3A_235 = arith.constant 3.000000e-01 : f32
      %mul3A_236 = vector.broadcast %mul3A_235 : f32 to vector<16xf32>
      %mul3A_237 = arith.mulf %mul3A_236, %get3A_234 : vector<16xf32>
      %add3A_238 = arith.addf %mul3A_231, %mul3A_237 : vector<16xf32>
      %swap3A = arith.index_cast %add3A_226 : i32 to index
      %swap3A_239 = tpu.vector_load %arg10[%swap3A] {strides = array<i32>} : memref<20000xf32, #tpu.memory_space<vmem>>, vector<16xf32>,
      %swap3A_240 = vector.shape_cast %swap3A_239 : vector<16xf32> to vector<16xf32>
      %swap3A_241 = vector.shape_cast %add3A_238 : vector<16xf32> to vector<16xf32>
      tpu.vector_store %arg10[%swap3A], %swap3A_241 {strides = array<i32>} : memref<20000xf32, #tpu.memory_space<vmem>>, vector<16xf32>,
      %mul3A_242 = arith.constant 160 : i32
      %mul3A_243 = arith.muli %scan3A_222, %mul3A_242 : i32
      %add3A_244 = arith.constant 16 : i32
      %add3A_245 = arith.addi %mul3A_243, %add3A_244 : i32
      %get3A_246 = arith.index_cast %add3A_245 : i32 to index
      %get3A_247 = tpu.vector_load %arg8[%get3A_246] {strides = array<i32>} : memref<20000xf32, #tpu.memory_space<vmem>>, vector<16xf32>,
      %get3A_248 = vector.shape_cast %get3A_247 : vector<16xf32> to vector<16xf32>
      %mul3A_249 = arith.constant 0.699999988 : f32
      %mul3A_250 = vector.broadcast %mul3A_249 : f32 to vector<16xf32>
      %mul3A_251 = arith.mulf %mul3A_250, %get3A_248 : vector<16xf32>
      %get3A_252 = arith.index_cast %add3A_245 : i32 to index
      %get3A_253 = tpu.vector_load %arg9[%get3A_252] {strides = array<i32>} : memref<20000xf32, #tpu.memory_space<vmem>>, vector<16xf32>,
      %get3A_254 = vector.shape_cast %get3A_253 : vector<16xf32> to vector<16xf32>
      %mul3A_255 = arith.constant 3.000000e-01 : f32
      %mul3A_256 = vector.broadcast %mul3A_255 : f32 to vector<16xf32>
      %mul3A_257 = arith.mulf %mul3A_256, %get3A_254 : vector<16xf32>
      %add3A_258 = arith.addf %mul3A_251, %mul3A_257 : vector<16xf32>
      %swap3A_259 = arith.index_cast %add3A_245 : i32 to index
      %swap3A_260 = tpu.vector_load %arg10[%swap3A_259] {strides = array<i32>} : memref<20000xf32, #tpu.memory_space<vmem>>, vector<16xf32>,
      %swap3A_261 = vector.shape_cast %swap3A_260 : vector<16xf32> to vector<16xf32>
      %swap3A_262 = vector.shape_cast %add3A_258 : vector<16xf32> to vector<16xf32>
      tpu.vector_store %arg10[%swap3A_259], %swap3A_262 {strides = array<i32>} : memref<20000xf32, #tpu.memory_space<vmem>>, vector<16xf32>,
      %mul3A_263 = arith.constant 160 : i32
      %mul3A_264 = arith.muli %scan3A_222, %mul3A_263 : i32
      %add3A_265 = arith.constant 32 : i32
      %add3A_266 = arith.addi %mul3A_264, %add3A_265 : i32
      %get3A_267 = arith.index_cast %add3A_266 : i32 to index
      %get3A_268 = tpu.vector_load %arg8[%get3A_267] {strides = array<i32>} : memref<20000xf32, #tpu.memory_space<vmem>>, vector<16xf32>,
      %get3A_269 = vector.shape_cast %get3A_268 : vector<16xf32> to vector<16xf32>
      %mul3A_270 = arith.constant 0.699999988 : f32
      %mul3A_271 = vector.broadcast %mul3A_270 : f32 to vector<16xf32>
      %mul3A_272 = arith.mulf %mul3A_271, %get3A_269 : vector<16xf32>
      %get3A_273 = arith.index_cast %add3A_266 : i32 to index
      %get3A_274 = tpu.vector_load %arg9[%get3A_273] {strides = array<i32>} : memref<20000xf32, #tpu.memory_space<vmem>>, vector<16xf32>,
      %get3A_275 = vector.shape_cast %get3A_274 : vector<16xf32> to vector<16xf32>
      %mul3A_276 = arith.constant 3.000000e-01 : f32
      %mul3A_277 = vector.broadcast %mul3A_276 : f32 to vector<16xf32>
      %mul3A_278 = arith.mulf %mul3A_277, %get3A_275 : vector<16xf32>
      %add3A_279 = arith.addf %mul3A_272, %mul3A_278 : vector<16xf32>
      %swap3A_280 = arith.index_cast %add3A_266 : i32 to index
      %swap3A_281 = tpu.vector_load %arg10[%swap3A_280] {strides = array<i32>} : memref<20000xf32, #tpu.memory_space<vmem>>, vector<16xf32>,
      %swap3A_282 = vector.shape_cast %swap3A_281 : vector<16xf32> to vector<16xf32>
      %swap3A_283 = vector.shape_cast %add3A_279 : vector<16xf32> to vector<16xf32>
      tpu.vector_store %arg10[%swap3A_280], %swap3A_283 {strides = array<i32>} : memref<20000xf32, #tpu.memory_space<vmem>>, vector<16xf32>,
      %mul3A_284 = arith.constant 160 : i32
      %mul3A_285 = arith.muli %scan3A_222, %mul3A_284 : i32
      %add3A_286 = arith.constant 48 : i32
      %add3A_287 = arith.addi %mul3A_285, %add3A_286 : i32
      %get3A_288 = arith.index_cast %add3A_287 : i32 to index
      %get3A_289 = tpu.vector_load %arg8[%get3A_288] {strides = array<i32>} : memref<20000xf32, #tpu.memory_space<vmem>>, vector<16xf32>,
      %get3A_290 = vector.shape_cast %get3A_289 : vector<16xf32> to vector<16xf32>
      %mul3A_291 = arith.constant 0.699999988 : f32
      %mul3A_292 = vector.broadcast %mul3A_291 : f32 to vector<16xf32>
      %mul3A_293 = arith.mulf %mul3A_292, %get3A_290 : vector<16xf32>
      %get3A_294 = arith.index_cast %add3A_287 : i32 to index
      %get3A_295 = tpu.vector_load %arg9[%get3A_294] {strides = array<i32>} : memref<20000xf32, #tpu.memory_space<vmem>>, vector<16xf32>,
      %get3A_296 = vector.shape_cast %get3A_295 : vector<16xf32> to vector<16xf32>
      %mul3A_297 = arith.constant 3.000000e-01 : f32
      %mul3A_298 = vector.broadcast %mul3A_297 : f32 to vector<16xf32>
      %mul3A_299 = arith.mulf %mul3A_298, %get3A_296 : vector<16xf32>
      %add3A_300 = arith.addf %mul3A_293, %mul3A_299 : vector<16xf32>
      %swap3A_301 = arith.index_cast %add3A_287 : i32 to index
      %swap3A_302 = tpu.vector_load %arg10[%swap3A_301] {strides = array<i32>} : memref<20000xf32, #tpu.memory_space<vmem>>, vector<16xf32>,
      %swap3A_303 = vector.shape_cast %swap3A_302 : vector<16xf32> to vector<16xf32>
      %swap3A_304 = vector.shape_cast %add3A_300 : vector<16xf32> to vector<16xf32>
      tpu.vector_store %arg10[%swap3A_301], %swap3A_304 {strides = array<i32>} : memref<20000xf32, #tpu.memory_space<vmem>>, vector<16xf32>,
      %mul3A_305 = arith.constant 160 : i32
      %mul3A_306 = arith.muli %scan3A_222, %mul3A_305 : i32
      %add3A_307 = arith.constant 64 : i32
      %add3A_308 = arith.addi %mul3A_306, %add3A_307 : i32
      %get3A_309 = arith.index_cast %add3A_308 : i32 to index
      %get3A_310 = tpu.vector_load %arg8[%get3A_309] {strides = array<i32>} : memref<20000xf32, #tpu.memory_space<vmem>>, vector<16xf32>,
      %get3A_311 = vector.shape_cast %get3A_310 : vector<16xf32> to vector<16xf32>
      %mul3A_312 = arith.constant 0.699999988 : f32
      %mul3A_313 = vector.broadcast %mul3A_312 : f32 to vector<16xf32>
      %mul3A_314 = arith.mulf %mul3A_313, %get3A_311 : vector<16xf32>
      %get3A_315 = arith.index_cast %add3A_308 : i32 to index
      %get3A_316 = tpu.vector_load %arg9[%get3A_315] {strides = array<i32>} : memref<20000xf32, #tpu.memory_space<vmem>>, vector<16xf32>,
      %get3A_317 = vector.shape_cast %get3A_316 : vector<16xf32> to vector<16xf32>
      %mul3A_318 = arith.constant 3.000000e-01 : f32
      %mul3A_319 = vector.broadcast %mul3A_318 : f32 to vector<16xf32>
      %mul3A_320 = arith.mulf %mul3A_319, %get3A_317 : vector<16xf32>
      %add3A_321 = arith.addf %mul3A_314, %mul3A_320 : vector<16xf32>
      %swap3A_322 = arith.index_cast %add3A_308 : i32 to index
      %swap3A_323 = tpu.vector_load %arg10[%swap3A_322] {strides = array<i32>} : memref<20000xf32, #tpu.memory_space<vmem>>, vector<16xf32>,
      %swap3A_324 = vector.shape_cast %swap3A_323 : vector<16xf32> to vector<16xf32>
      %swap3A_325 = vector.shape_cast %add3A_321 : vector<16xf32> to vector<16xf32>
      tpu.vector_store %arg10[%swap3A_322], %swap3A_325 {strides = array<i32>} : memref<20000xf32, #tpu.memory_space<vmem>>, vector<16xf32>,
      %mul3A_326 = arith.constant 160 : i32
      %mul3A_327 = arith.muli %scan3A_222, %mul3A_326 : i32
      %add3A_328 = arith.constant 80 : i32
      %add3A_329 = arith.addi %mul3A_327, %add3A_328 : i32
      %get3A_330 = arith.index_cast %add3A_329 : i32 to index
      %get3A_331 = tpu.vector_load %arg8[%get3A_330] {strides = array<i32>} : memref<20000xf32, #tpu.memory_space<vmem>>, vector<16xf32>,
      %get3A_332 = vector.shape_cast %get3A_331 : vector<16xf32> to vector<16xf32>
      %mul3A_333 = arith.constant 0.699999988 : f32
      %mul3A_334 = vector.broadcast %mul3A_333 : f32 to vector<16xf32>
      %mul3A_335 = arith.mulf %mul3A_334, %get3A_332 : vector<16xf32>
      %get3A_336 = arith.index_cast %add3A_329 : i32 to index
      %get3A_337 = tpu.vector_load %arg9[%get3A_336] {strides = array<i32>} : memref<20000xf32, #tpu.memory_space<vmem>>, vector<16xf32>,
      %get3A_338 = vector.shape_cast %get3A_337 : vector<16xf32> to vector<16xf32>
      %mul3A_339 = arith.constant 3.000000e-01 : f32
      %mul3A_340 = vector.broadcast %mul3A_339 : f32 to vector<16xf32>
      %mul3A_341 = arith.mulf %mul3A_340, %get3A_338 : vector<16xf32>
      %add3A_342 = arith.addf %mul3A_335, %mul3A_341 : vector<16xf32>
      %swap3A_343 = arith.index_cast %add3A_329 : i32 to index
      %swap3A_344 = tpu.vector_load %arg10[%swap3A_343] {strides = array<i32>} : memref<20000xf32, #tpu.memory_space<vmem>>, vector<16xf32>,
      %swap3A_345 = vector.shape_cast %swap3A_344 : vector<16xf32> to vector<16xf32>
      %swap3A_346 = vector.shape_cast %add3A_342 : vector<16xf32> to vector<16xf32>
      tpu.vector_store %arg10[%swap3A_343], %swap3A_346 {strides = array<i32>} : memref<20000xf32, #tpu.memory_space<vmem>>, vector<16xf32>,
      %mul3A_347 = arith.constant 160 : i32
      %mul3A_348 = arith.muli %scan3A_222, %mul3A_347 : i32
      %add3A_349 = arith.constant 96 : i32
      %add3A_350 = arith.addi %mul3A_348, %add3A_349 : i32
      %get3A_351 = arith.index_cast %add3A_350 : i32 to index
      %get3A_352 = tpu.vector_load %arg8[%get3A_351] {strides = array<i32>} : memref<20000xf32, #tpu.memory_space<vmem>>, vector<16xf32>,
      %get3A_353 = vector.shape_cast %get3A_352 : vector<16xf32> to vector<16xf32>
      %mul3A_354 = arith.constant 0.699999988 : f32
      %mul3A_355 = vector.broadcast %mul3A_354 : f32 to vector<16xf32>
      %mul3A_356 = arith.mulf %mul3A_355, %get3A_353 : vector<16xf32>
      %get3A_357 = arith.index_cast %add3A_350 : i32 to index
      %get3A_358 = tpu.vector_load %arg9[%get3A_357] {strides = array<i32>} : memref<20000xf32, #tpu.memory_space<vmem>>, vector<16xf32>,
      %get3A_359 = vector.shape_cast %get3A_358 : vector<16xf32> to vector<16xf32>
      %mul3A_360 = arith.constant 3.000000e-01 : f32
      %mul3A_361 = vector.broadcast %mul3A_360 : f32 to vector<16xf32>
      %mul3A_362 = arith.mulf %mul3A_361, %get3A_359 : vector<16xf32>
      %add3A_363 = arith.addf %mul3A_356, %mul3A_362 : vector<16xf32>
      %swap3A_364 = arith.index_cast %add3A_350 : i32 to index
      %swap3A_365 = tpu.vector_load %arg10[%swap3A_364] {strides = array<i32>} : memref<20000xf32, #tpu.memory_space<vmem>>, vector<16xf32>,
      %swap3A_366 = vector.shape_cast %swap3A_365 : vector<16xf32> to vector<16xf32>
      %swap3A_367 = vector.shape_cast %add3A_363 : vector<16xf32> to vector<16xf32>
      tpu.vector_store %arg10[%swap3A_364], %swap3A_367 {strides = array<i32>} : memref<20000xf32, #tpu.memory_space<vmem>>, vector<16xf32>,
      %mul3A_368 = arith.constant 160 : i32
      %mul3A_369 = arith.muli %scan3A_222, %mul3A_368 : i32
      %add3A_370 = arith.constant 112 : i32
      %add3A_371 = arith.addi %mul3A_369, %add3A_370 : i32
      %get3A_372 = arith.index_cast %add3A_371 : i32 to index
      %get3A_373 = tpu.vector_load %arg8[%get3A_372] {strides = array<i32>} : memref<20000xf32, #tpu.memory_space<vmem>>, vector<16xf32>,
      %get3A_374 = vector.shape_cast %get3A_373 : vector<16xf32> to vector<16xf32>
      %mul3A_375 = arith.constant 0.699999988 : f32
      %mul3A_376 = vector.broadcast %mul3A_375 : f32 to vector<16xf32>
      %mul3A_377 = arith.mulf %mul3A_376, %get3A_374 : vector<16xf32>
      %get3A_378 = arith.index_cast %add3A_371 : i32 to index
      %get3A_379 = tpu.vector_load %arg9[%get3A_378] {strides = array<i32>} : memref<20000xf32, #tpu.memory_space<vmem>>, vector<16xf32>,
      %get3A_380 = vector.shape_cast %get3A_379 : vector<16xf32> to vector<16xf32>
      %mul3A_381 = arith.constant 3.000000e-01 : f32
      %mul3A_382 = vector.broadcast %mul3A_381 : f32 to vector<16xf32>
      %mul3A_383 = arith.mulf %mul3A_382, %get3A_380 : vector<16xf32>
      %add3A_384 = arith.addf %mul3A_377, %mul3A_383 : vector<16xf32>
      %swap3A_385 = arith.index_cast %add3A_371 : i32 to index
      %swap3A_386 = tpu.vector_load %arg10[%swap3A_385] {strides = array<i32>} : memref<20000xf32, #tpu.memory_space<vmem>>, vector<16xf32>,
      %swap3A_387 = vector.shape_cast %swap3A_386 : vector<16xf32> to vector<16xf32>
      %swap3A_388 = vector.shape_cast %add3A_384 : vector<16xf32> to vector<16xf32>
      tpu.vector_store %arg10[%swap3A_385], %swap3A_388 {strides = array<i32>} : memref<20000xf32, #tpu.memory_space<vmem>>, vector<16xf32>,
      %mul3A_389 = arith.constant 160 : i32
      %mul3A_390 = arith.muli %scan3A_222, %mul3A_389 : i32
      %add3A_391 = arith.constant 128 : i32
      %add3A_392 = arith.addi %mul3A_390, %add3A_391 : i32
      %get3A_393 = arith.index_cast %add3A_392 : i32 to index
      %get3A_394 = tpu.vector_load %arg8[%get3A_393] {strides = array<i32>} : memref<20000xf32, #tpu.memory_space<vmem>>, vector<16xf32>,
      %get3A_395 = vector.shape_cast %get3A_394 : vector<16xf32> to vector<16xf32>
      %mul3A_396 = arith.constant 0.699999988 : f32
      %mul3A_397 = vector.broadcast %mul3A_396 : f32 to vector<16xf32>
      %mul3A_398 = arith.mulf %mul3A_397, %get3A_395 : vector<16xf32>
      %get3A_399 = arith.index_cast %add3A_392 : i32 to index
      %get3A_400 = tpu.vector_load %arg9[%get3A_399] {strides = array<i32>} : memref<20000xf32, #tpu.memory_space<vmem>>, vector<16xf32>,
      %get3A_401 = vector.shape_cast %get3A_400 : vector<16xf32> to vector<16xf32>
      %mul3A_402 = arith.constant 3.000000e-01 : f32
      %mul3A_403 = vector.broadcast %mul3A_402 : f32 to vector<16xf32>
      %mul3A_404 = arith.mulf %mul3A_403, %get3A_401 : vector<16xf32>
      %add3A_405 = arith.addf %mul3A_398, %mul3A_404 : vector<16xf32>
      %swap3A_406 = arith.index_cast %add3A_392 : i32 to index
      %swap3A_407 = tpu.vector_load %arg10[%swap3A_406] {strides = array<i32>} : memref<20000xf32, #tpu.memory_space<vmem>>, vector<16xf32>,
      %swap3A_408 = vector.shape_cast %swap3A_407 : vector<16xf32> to vector<16xf32>
      %swap3A_409 = vector.shape_cast %add3A_405 : vector<16xf32> to vector<16xf32>
      tpu.vector_store %arg10[%swap3A_406], %swap3A_409 {strides = array<i32>} : memref<20000xf32, #tpu.memory_space<vmem>>, vector<16xf32>,
      %mul3A_410 = arith.constant 160 : i32
      %mul3A_411 = arith.muli %scan3A_222, %mul3A_410 : i32
      %add3A_412 = arith.constant 144 : i32
      %add3A_413 = arith.addi %mul3A_411, %add3A_412 : i32
      %get3A_414 = arith.index_cast %add3A_413 : i32 to index
      %get3A_415 = tpu.vector_load %arg8[%get3A_414] {strides = array<i32>} : memref<20000xf32, #tpu.memory_space<vmem>>, vector<16xf32>,
      %get3A_416 = vector.shape_cast %get3A_415 : vector<16xf32> to vector<16xf32>
      %mul3A_417 = arith.constant 0.699999988 : f32
      %mul3A_418 = vector.broadcast %mul3A_417 : f32 to vector<16xf32>
      %mul3A_419 = arith.mulf %mul3A_418, %get3A_416 : vector<16xf32>
      %get3A_420 = arith.index_cast %add3A_413 : i32 to index
      %get3A_421 = tpu.vector_load %arg9[%get3A_420] {strides = array<i32>} : memref<20000xf32, #tpu.memory_space<vmem>>, vector<16xf32>,
      %get3A_422 = vector.shape_cast %get3A_421 : vector<16xf32> to vector<16xf32>
      %mul3A_423 = arith.constant 3.000000e-01 : f32
      %mul3A_424 = vector.broadcast %mul3A_423 : f32 to vector<16xf32>
      %mul3A_425 = arith.mulf %mul3A_424, %get3A_422 : vector<16xf32>
      %add3A_426 = arith.addf %mul3A_419, %mul3A_425 : vector<16xf32>
      %swap3A_427 = arith.index_cast %add3A_413 : i32 to index
      %swap3A_428 = tpu.vector_load %arg10[%swap3A_427] {strides = array<i32>} : memref<20000xf32, #tpu.memory_space<vmem>>, vector<16xf32>,
      %swap3A_429 = vector.shape_cast %swap3A_428 : vector<16xf32> to vector<16xf32>
      %swap3A_430 = vector.shape_cast %add3A_426 : vector<16xf32> to vector<16xf32>
      tpu.vector_store %arg10[%swap3A_427], %swap3A_430 {strides = array<i32>} : memref<20000xf32, #tpu.memory_space<vmem>>, vector<16xf32>,
    }
    %scan3A_43 = arith.constant 125 : i32
    %add3A_44 = arith.constant 20000 : i32
    %add3A_45 = arith.addi %add3A_4, %add3A_44 : i32
    %dma_start3A_46 = tpu.memref_slice %arg4[%add3A_45] : memref<12800000xf32, #tpu.memory_space<hbm>> -> memref<20000xf32, #tpu.memory_space<hbm>>
    %dma_start3A_47 = tpu.memref_slice %arg4[%add3A_45] : memref<12800000xf32, #tpu.memory_space<hbm>> -> memref<20000xf32, #tpu.memory_space<hbm>>
    tpu.enqueue_dma source(%arg10 : memref<20000xf32, #tpu.memory_space<vmem>>) target(%dma_start3A_47 : memref<20000xf32, #tpu.memory_space<hbm>>) target_semaphore(%arg14 : memref<!tpu.dma_semaphore, #tpu.memory_space<semaphore_mem>>)
    %add3A_48 = arith.constant 60000 : i32
    %add3A_49 = arith.addi %add3A_4, %add3A_48 : i32
    %dma_start3A_50 = tpu.memref_slice %arg2[%add3A_49] : memref<12800000xf32, #tpu.memory_space<hbm>> -> memref<20000xf32, #tpu.memory_space<hbm>>
    %dma_start3A_51 = tpu.memref_slice %arg2[%add3A_49] : memref<12800000xf32, #tpu.memory_space<hbm>> -> memref<20000xf32, #tpu.memory_space<hbm>>
    tpu.enqueue_dma source(%dma_start3A_51 : memref<20000xf32, #tpu.memory_space<hbm>>) target(%arg8 : memref<20000xf32, #tpu.memory_space<vmem>>) target_semaphore(%arg12 : memref<!tpu.dma_semaphore, #tpu.memory_space<semaphore_mem>>)
    %dma_start3A_52 = tpu.memref_slice %arg3[%add3A_49] : memref<12800000xf32, #tpu.memory_space<hbm>> -> memref<20000xf32, #tpu.memory_space<hbm>>
    %dma_start3A_53 = tpu.memref_slice %arg3[%add3A_49] : memref<12800000xf32, #tpu.memory_space<hbm>> -> memref<20000xf32, #tpu.memory_space<hbm>>
    tpu.enqueue_dma source(%dma_start3A_53 : memref<20000xf32, #tpu.memory_space<hbm>>) target(%arg9 : memref<20000xf32, #tpu.memory_space<vmem>>) target_semaphore(%arg12 : memref<!tpu.dma_semaphore, #tpu.memory_space<semaphore_mem>>)
    %dma_wait3A_54 = tpu.memref_slice %arg2[%add3A_29] : memref<12800000xf32, #tpu.memory_space<hbm>> -> memref<20000xf32, #tpu.memory_space<hbm>>
    %dma_wait3A_55 = tpu.memref_slice %arg2[%add3A_29] : memref<12800000xf32, #tpu.memory_space<hbm>> -> memref<20000xf32, #tpu.memory_space<hbm>>
    tpu.wait_dma2 semaphore(%arg11 : memref<!tpu.dma_semaphore, #tpu.memory_space<semaphore_mem>>) src(%dma_wait3A_55 : memref<20000xf32, #tpu.memory_space<hbm>>) dst(%arg5 : memref<20000xf32, #tpu.memory_space<vmem>>)
    %dma_wait3A_56 = tpu.memref_slice %arg3[%add3A_29] : memref<12800000xf32, #tpu.memory_space<hbm>> -> memref<20000xf32, #tpu.memory_space<hbm>>
    %dma_wait3A_57 = tpu.memref_slice %arg3[%add3A_29] : memref<12800000xf32, #tpu.memory_space<hbm>> -> memref<20000xf32, #tpu.memory_space<hbm>>
    tpu.wait_dma2 semaphore(%arg11 : memref<!tpu.dma_semaphore, #tpu.memory_space<semaphore_mem>>) src(%dma_wait3A_57 : memref<20000xf32, #tpu.memory_space<hbm>>) dst(%arg6 : memref<20000xf32, #tpu.memory_space<vmem>>)
    %dma_wait3A_58 = tpu.memref_slice %arg4[%add3A_25] : memref<12800000xf32, #tpu.memory_space<hbm>> -> memref<20000xf32, #tpu.memory_space<hbm>>
    %dma_wait3A_59 = tpu.memref_slice %arg4[%add3A_25] : memref<12800000xf32, #tpu.memory_space<hbm>> -> memref<20000xf32, #tpu.memory_space<hbm>>
    tpu.wait_dma2 semaphore(%arg13 : memref<!tpu.dma_semaphore, #tpu.memory_space<semaphore_mem>>) src(%arg7 : memref<20000xf32, #tpu.memory_space<vmem>>) dst(%dma_wait3A_59 : memref<20000xf32, #tpu.memory_space<hbm>>)
    %scan3A_60 = arith.constant 0 : i32
    %scan3A_61 = arith.constant 0 : i32
    %scan3A_62 = arith.constant 125 : i32
    %scan3A_63 = arith.addi %scan3A_61, %scan3A_62 : i32
    %scan3A_64 = arith.constant 1 : i32
    scf.for %scan3A_222 = %scan3A_61 to %scan3A_63 step %scan3A_64  : i32 {
      %mul3A_223 = arith.constant 160 : i32
      %mul3A_224 = arith.muli %scan3A_222, %mul3A_223 : i32
      %add3A_225 = arith.constant 0 : i32
      %add3A_226 = arith.addi %mul3A_224, %add3A_225 : i32
      %get3A = arith.index_cast %add3A_226 : i32 to index
      %get3A_227 = tpu.vector_load %arg5[%get3A] {strides = array<i32>} : memref<20000xf32, #tpu.memory_space<vmem>>, vector<16xf32>,
      %get3A_228 = vector.shape_cast %get3A_227 : vector<16xf32> to vector<16xf32>
      %mul3A_229 = arith.constant 0.699999988 : f32
      %mul3A_230 = vector.broadcast %mul3A_229 : f32 to vector<16xf32>
      %mul3A_231 = arith.mulf %mul3A_230, %get3A_228 : vector<16xf32>
      %get3A_232 = arith.index_cast %add3A_226 : i32 to index
      %get3A_233 = tpu.vector_load %arg6[%get3A_232] {strides = array<i32>} : memref<20000xf32, #tpu.memory_space<vmem>>, vector<16xf32>,
      %get3A_234 = vector.shape_cast %get3A_233 : vector<16xf32> to vector<16xf32>
      %mul3A_235 = arith.constant 3.000000e-01 : f32
      %mul3A_236 = vector.broadcast %mul3A_235 : f32 to vector<16xf32>
      %mul3A_237 = arith.mulf %mul3A_236, %get3A_234 : vector<16xf32>
      %add3A_238 = arith.addf %mul3A_231, %mul3A_237 : vector<16xf32>
      %swap3A = arith.index_cast %add3A_226 : i32 to index
      %swap3A_239 = tpu.vector_load %arg7[%swap3A] {strides = array<i32>} : memref<20000xf32, #tpu.memory_space<vmem>>, vector<16xf32>,
      %swap3A_240 = vector.shape_cast %swap3A_239 : vector<16xf32> to vector<16xf32>
      %swap3A_241 = vector.shape_cast %add3A_238 : vector<16xf32> to vector<16xf32>
      tpu.vector_store %arg7[%swap3A], %swap3A_241 {strides = array<i32>} : memref<20000xf32, #tpu.memory_space<vmem>>, vector<16xf32>,
      %mul3A_242 = arith.constant 160 : i32
      %mul3A_243 = arith.muli %scan3A_222, %mul3A_242 : i32
      %add3A_244 = arith.constant 16 : i32
      %add3A_245 = arith.addi %mul3A_243, %add3A_244 : i32
      %get3A_246 = arith.index_cast %add3A_245 : i32 to index
      %get3A_247 = tpu.vector_load %arg5[%get3A_246] {strides = array<i32>} : memref<20000xf32, #tpu.memory_space<vmem>>, vector<16xf32>,
      %get3A_248 = vector.shape_cast %get3A_247 : vector<16xf32> to vector<16xf32>
      %mul3A_249 = arith.constant 0.699999988 : f32
      %mul3A_250 = vector.broadcast %mul3A_249 : f32 to vector<16xf32>
      %mul3A_251 = arith.mulf %mul3A_250, %get3A_248 : vector<16xf32>
      %get3A_252 = arith.index_cast %add3A_245 : i32 to index
      %get3A_253 = tpu.vector_load %arg6[%get3A_252] {strides = array<i32>} : memref<20000xf32, #tpu.memory_space<vmem>>, vector<16xf32>,
      %get3A_254 = vector.shape_cast %get3A_253 : vector<16xf32> to vector<16xf32>
      %mul3A_255 = arith.constant 3.000000e-01 : f32
      %mul3A_256 = vector.broadcast %mul3A_255 : f32 to vector<16xf32>
      %mul3A_257 = arith.mulf %mul3A_256, %get3A_254 : vector<16xf32>
      %add3A_258 = arith.addf %mul3A_251, %mul3A_257 : vector<16xf32>
      %swap3A_259 = arith.index_cast %add3A_245 : i32 to index
      %swap3A_260 = tpu.vector_load %arg7[%swap3A_259] {strides = array<i32>} : memref<20000xf32, #tpu.memory_space<vmem>>, vector<16xf32>,
      %swap3A_261 = vector.shape_cast %swap3A_260 : vector<16xf32> to vector<16xf32>
      %swap3A_262 = vector.shape_cast %add3A_258 : vector<16xf32> to vector<16xf32>
      tpu.vector_store %arg7[%swap3A_259], %swap3A_262 {strides = array<i32>} : memref<20000xf32, #tpu.memory_space<vmem>>, vector<16xf32>,
      %mul3A_263 = arith.constant 160 : i32
      %mul3A_264 = arith.muli %scan3A_222, %mul3A_263 : i32
      %add3A_265 = arith.constant 32 : i32
      %add3A_266 = arith.addi %mul3A_264, %add3A_265 : i32
      %get3A_267 = arith.index_cast %add3A_266 : i32 to index
      %get3A_268 = tpu.vector_load %arg5[%get3A_267] {strides = array<i32>} : memref<20000xf32, #tpu.memory_space<vmem>>, vector<16xf32>,
      %get3A_269 = vector.shape_cast %get3A_268 : vector<16xf32> to vector<16xf32>
      %mul3A_270 = arith.constant 0.699999988 : f32
      %mul3A_271 = vector.broadcast %mul3A_270 : f32 to vector<16xf32>
      %mul3A_272 = arith.mulf %mul3A_271, %get3A_269 : vector<16xf32>
      %get3A_273 = arith.index_cast %add3A_266 : i32 to index
      %get3A_274 = tpu.vector_load %arg6[%get3A_273] {strides = array<i32>} : memref<20000xf32, #tpu.memory_space<vmem>>, vector<16xf32>,
      %get3A_275 = vector.shape_cast %get3A_274 : vector<16xf32> to vector<16xf32>
      %mul3A_276 = arith.constant 3.000000e-01 : f32
      %mul3A_277 = vector.broadcast %mul3A_276 : f32 to vector<16xf32>
      %mul3A_278 = arith.mulf %mul3A_277, %get3A_275 : vector<16xf32>
      %add3A_279 = arith.addf %mul3A_272, %mul3A_278 : vector<16xf32>
      %swap3A_280 = arith.index_cast %add3A_266 : i32 to index
      %swap3A_281 = tpu.vector_load %arg7[%swap3A_280] {strides = array<i32>} : memref<20000xf32, #tpu.memory_space<vmem>>, vector<16xf32>,
      %swap3A_282 = vector.shape_cast %swap3A_281 : vector<16xf32> to vector<16xf32>
      %swap3A_283 = vector.shape_cast %add3A_279 : vector<16xf32> to vector<16xf32>
      tpu.vector_store %arg7[%swap3A_280], %swap3A_283 {strides = array<i32>} : memref<20000xf32, #tpu.memory_space<vmem>>, vector<16xf32>,
      %mul3A_284 = arith.constant 160 : i32
      %mul3A_285 = arith.muli %scan3A_222, %mul3A_284 : i32
      %add3A_286 = arith.constant 48 : i32
      %add3A_287 = arith.addi %mul3A_285, %add3A_286 : i32
      %get3A_288 = arith.index_cast %add3A_287 : i32 to index
      %get3A_289 = tpu.vector_load %arg5[%get3A_288] {strides = array<i32>} : memref<20000xf32, #tpu.memory_space<vmem>>, vector<16xf32>,
      %get3A_290 = vector.shape_cast %get3A_289 : vector<16xf32> to vector<16xf32>
      %mul3A_291 = arith.constant 0.699999988 : f32
      %mul3A_292 = vector.broadcast %mul3A_291 : f32 to vector<16xf32>
      %mul3A_293 = arith.mulf %mul3A_292, %get3A_290 : vector<16xf32>
      %get3A_294 = arith.index_cast %add3A_287 : i32 to index
      %get3A_295 = tpu.vector_load %arg6[%get3A_294] {strides = array<i32>} : memref<20000xf32, #tpu.memory_space<vmem>>, vector<16xf32>,
      %get3A_296 = vector.shape_cast %get3A_295 : vector<16xf32> to vector<16xf32>
      %mul3A_297 = arith.constant 3.000000e-01 : f32
      %mul3A_298 = vector.broadcast %mul3A_297 : f32 to vector<16xf32>
      %mul3A_299 = arith.mulf %mul3A_298, %get3A_296 : vector<16xf32>
      %add3A_300 = arith.addf %mul3A_293, %mul3A_299 : vector<16xf32>
      %swap3A_301 = arith.index_cast %add3A_287 : i32 to index
      %swap3A_302 = tpu.vector_load %arg7[%swap3A_301] {strides = array<i32>} : memref<20000xf32, #tpu.memory_space<vmem>>, vector<16xf32>,
      %swap3A_303 = vector.shape_cast %swap3A_302 : vector<16xf32> to vector<16xf32>
      %swap3A_304 = vector.shape_cast %add3A_300 : vector<16xf32> to vector<16xf32>
      tpu.vector_store %arg7[%swap3A_301], %swap3A_304 {strides = array<i32>} : memref<20000xf32, #tpu.memory_space<vmem>>, vector<16xf32>,
      %mul3A_305 = arith.constant 160 : i32
      %mul3A_306 = arith.muli %scan3A_222, %mul3A_305 : i32
      %add3A_307 = arith.constant 64 : i32
      %add3A_308 = arith.addi %mul3A_306, %add3A_307 : i32
      %get3A_309 = arith.index_cast %add3A_308 : i32 to index
      %get3A_310 = tpu.vector_load %arg5[%get3A_309] {strides = array<i32>} : memref<20000xf32, #tpu.memory_space<vmem>>, vector<16xf32>,
      %get3A_311 = vector.shape_cast %get3A_310 : vector<16xf32> to vector<16xf32>
      %mul3A_312 = arith.constant 0.699999988 : f32
      %mul3A_313 = vector.broadcast %mul3A_312 : f32 to vector<16xf32>
      %mul3A_314 = arith.mulf %mul3A_313, %get3A_311 : vector<16xf32>
      %get3A_315 = arith.index_cast %add3A_308 : i32 to index
      %get3A_316 = tpu.vector_load %arg6[%get3A_315] {strides = array<i32>} : memref<20000xf32, #tpu.memory_space<vmem>>, vector<16xf32>,
      %get3A_317 = vector.shape_cast %get3A_316 : vector<16xf32> to vector<16xf32>
      %mul3A_318 = arith.constant 3.000000e-01 : f32
      %mul3A_319 = vector.broadcast %mul3A_318 : f32 to vector<16xf32>
      %mul3A_320 = arith.mulf %mul3A_319, %get3A_317 : vector<16xf32>
      %add3A_321 = arith.addf %mul3A_314, %mul3A_320 : vector<16xf32>
      %swap3A_322 = arith.index_cast %add3A_308 : i32 to index
      %swap3A_323 = tpu.vector_load %arg7[%swap3A_322] {strides = array<i32>} : memref<20000xf32, #tpu.memory_space<vmem>>, vector<16xf32>,
      %swap3A_324 = vector.shape_cast %swap3A_323 : vector<16xf32> to vector<16xf32>
      %swap3A_325 = vector.shape_cast %add3A_321 : vector<16xf32> to vector<16xf32>
      tpu.vector_store %arg7[%swap3A_322], %swap3A_325 {strides = array<i32>} : memref<20000xf32, #tpu.memory_space<vmem>>, vector<16xf32>,
      %mul3A_326 = arith.constant 160 : i32
      %mul3A_327 = arith.muli %scan3A_222, %mul3A_326 : i32
      %add3A_328 = arith.constant 80 : i32
      %add3A_329 = arith.addi %mul3A_327, %add3A_328 : i32
      %get3A_330 = arith.index_cast %add3A_329 : i32 to index
      %get3A_331 = tpu.vector_load %arg5[%get3A_330] {strides = array<i32>} : memref<20000xf32, #tpu.memory_space<vmem>>, vector<16xf32>,
      %get3A_332 = vector.shape_cast %get3A_331 : vector<16xf32> to vector<16xf32>
      %mul3A_333 = arith.constant 0.699999988 : f32
      %mul3A_334 = vector.broadcast %mul3A_333 : f32 to vector<16xf32>
      %mul3A_335 = arith.mulf %mul3A_334, %get3A_332 : vector<16xf32>
      %get3A_336 = arith.index_cast %add3A_329 : i32 to index
      %get3A_337 = tpu.vector_load %arg6[%get3A_336] {strides = array<i32>} : memref<20000xf32, #tpu.memory_space<vmem>>, vector<16xf32>,
      %get3A_338 = vector.shape_cast %get3A_337 : vector<16xf32> to vector<16xf32>
      %mul3A_339 = arith.constant 3.000000e-01 : f32
      %mul3A_340 = vector.broadcast %mul3A_339 : f32 to vector<16xf32>
      %mul3A_341 = arith.mulf %mul3A_340, %get3A_338 : vector<16xf32>
      %add3A_342 = arith.addf %mul3A_335, %mul3A_341 : vector<16xf32>
      %swap3A_343 = arith.index_cast %add3A_329 : i32 to index
      %swap3A_344 = tpu.vector_load %arg7[%swap3A_343] {strides = array<i32>} : memref<20000xf32, #tpu.memory_space<vmem>>, vector<16xf32>,
      %swap3A_345 = vector.shape_cast %swap3A_344 : vector<16xf32> to vector<16xf32>
      %swap3A_346 = vector.shape_cast %add3A_342 : vector<16xf32> to vector<16xf32>
      tpu.vector_store %arg7[%swap3A_343], %swap3A_346 {strides = array<i32>} : memref<20000xf32, #tpu.memory_space<vmem>>, vector<16xf32>,
      %mul3A_347 = arith.constant 160 : i32
      %mul3A_348 = arith.muli %scan3A_222, %mul3A_347 : i32
      %add3A_349 = arith.constant 96 : i32
      %add3A_350 = arith.addi %mul3A_348, %add3A_349 : i32
      %get3A_351 = arith.index_cast %add3A_350 : i32 to index
      %get3A_352 = tpu.vector_load %arg5[%get3A_351] {strides = array<i32>} : memref<20000xf32, #tpu.memory_space<vmem>>, vector<16xf32>,
      %get3A_353 = vector.shape_cast %get3A_352 : vector<16xf32> to vector<16xf32>
      %mul3A_354 = arith.constant 0.699999988 : f32
      %mul3A_355 = vector.broadcast %mul3A_354 : f32 to vector<16xf32>
      %mul3A_356 = arith.mulf %mul3A_355, %get3A_353 : vector<16xf32>
      %get3A_357 = arith.index_cast %add3A_350 : i32 to index
      %get3A_358 = tpu.vector_load %arg6[%get3A_357] {strides = array<i32>} : memref<20000xf32, #tpu.memory_space<vmem>>, vector<16xf32>,
      %get3A_359 = vector.shape_cast %get3A_358 : vector<16xf32> to vector<16xf32>
      %mul3A_360 = arith.constant 3.000000e-01 : f32
      %mul3A_361 = vector.broadcast %mul3A_360 : f32 to vector<16xf32>
      %mul3A_362 = arith.mulf %mul3A_361, %get3A_359 : vector<16xf32>
      %add3A_363 = arith.addf %mul3A_356, %mul3A_362 : vector<16xf32>
      %swap3A_364 = arith.index_cast %add3A_350 : i32 to index
      %swap3A_365 = tpu.vector_load %arg7[%swap3A_364] {strides = array<i32>} : memref<20000xf32, #tpu.memory_space<vmem>>, vector<16xf32>,
      %swap3A_366 = vector.shape_cast %swap3A_365 : vector<16xf32> to vector<16xf32>
      %swap3A_367 = vector.shape_cast %add3A_363 : vector<16xf32> to vector<16xf32>
      tpu.vector_store %arg7[%swap3A_364], %swap3A_367 {strides = array<i32>} : memref<20000xf32, #tpu.memory_space<vmem>>, vector<16xf32>,
      %mul3A_368 = arith.constant 160 : i32
      %mul3A_369 = arith.muli %scan3A_222, %mul3A_368 : i32
      %add3A_370 = arith.constant 112 : i32
      %add3A_371 = arith.addi %mul3A_369, %add3A_370 : i32
      %get3A_372 = arith.index_cast %add3A_371 : i32 to index
      %get3A_373 = tpu.vector_load %arg5[%get3A_372] {strides = array<i32>} : memref<20000xf32, #tpu.memory_space<vmem>>, vector<16xf32>,
      %get3A_374 = vector.shape_cast %get3A_373 : vector<16xf32> to vector<16xf32>
      %mul3A_375 = arith.constant 0.699999988 : f32
      %mul3A_376 = vector.broadcast %mul3A_375 : f32 to vector<16xf32>
      %mul3A_377 = arith.mulf %mul3A_376, %get3A_374 : vector<16xf32>
      %get3A_378 = arith.index_cast %add3A_371 : i32 to index
      %get3A_379 = tpu.vector_load %arg6[%get3A_378] {strides = array<i32>} : memref<20000xf32, #tpu.memory_space<vmem>>, vector<16xf32>,
      %get3A_380 = vector.shape_cast %get3A_379 : vector<16xf32> to vector<16xf32>
      %mul3A_381 = arith.constant 3.000000e-01 : f32
      %mul3A_382 = vector.broadcast %mul3A_381 : f32 to vector<16xf32>
      %mul3A_383 = arith.mulf %mul3A_382, %get3A_380 : vector<16xf32>
      %add3A_384 = arith.addf %mul3A_377, %mul3A_383 : vector<16xf32>
      %swap3A_385 = arith.index_cast %add3A_371 : i32 to index
      %swap3A_386 = tpu.vector_load %arg7[%swap3A_385] {strides = array<i32>} : memref<20000xf32, #tpu.memory_space<vmem>>, vector<16xf32>,
      %swap3A_387 = vector.shape_cast %swap3A_386 : vector<16xf32> to vector<16xf32>
      %swap3A_388 = vector.shape_cast %add3A_384 : vector<16xf32> to vector<16xf32>
      tpu.vector_store %arg7[%swap3A_385], %swap3A_388 {strides = array<i32>} : memref<20000xf32, #tpu.memory_space<vmem>>, vector<16xf32>,
      %mul3A_389 = arith.constant 160 : i32
      %mul3A_390 = arith.muli %scan3A_222, %mul3A_389 : i32
      %add3A_391 = arith.constant 128 : i32
      %add3A_392 = arith.addi %mul3A_390, %add3A_391 : i32
      %get3A_393 = arith.index_cast %add3A_392 : i32 to index
      %get3A_394 = tpu.vector_load %arg5[%get3A_393] {strides = array<i32>} : memref<20000xf32, #tpu.memory_space<vmem>>, vector<16xf32>,
      %get3A_395 = vector.shape_cast %get3A_394 : vector<16xf32> to vector<16xf32>
      %mul3A_396 = arith.constant 0.699999988 : f32
      %mul3A_397 = vector.broadcast %mul3A_396 : f32 to vector<16xf32>
      %mul3A_398 = arith.mulf %mul3A_397, %get3A_395 : vector<16xf32>
      %get3A_399 = arith.index_cast %add3A_392 : i32 to index
      %get3A_400 = tpu.vector_load %arg6[%get3A_399] {strides = array<i32>} : memref<20000xf32, #tpu.memory_space<vmem>>, vector<16xf32>,
      %get3A_401 = vector.shape_cast %get3A_400 : vector<16xf32> to vector<16xf32>
      %mul3A_402 = arith.constant 3.000000e-01 : f32
      %mul3A_403 = vector.broadcast %mul3A_402 : f32 to vector<16xf32>
      %mul3A_404 = arith.mulf %mul3A_403, %get3A_401 : vector<16xf32>
      %add3A_405 = arith.addf %mul3A_398, %mul3A_404 : vector<16xf32>
      %swap3A_406 = arith.index_cast %add3A_392 : i32 to index
      %swap3A_407 = tpu.vector_load %arg7[%swap3A_406] {strides = array<i32>} : memref<20000xf32, #tpu.memory_space<vmem>>, vector<16xf32>,
      %swap3A_408 = vector.shape_cast %swap3A_407 : vector<16xf32> to vector<16xf32>
      %swap3A_409 = vector.shape_cast %add3A_405 : vector<16xf32> to vector<16xf32>
      tpu.vector_store %arg7[%swap3A_406], %swap3A_409 {strides = array<i32>} : memref<20000xf32, #tpu.memory_space<vmem>>, vector<16xf32>,
      %mul3A_410 = arith.constant 160 : i32
      %mul3A_411 = arith.muli %scan3A_222, %mul3A_410 : i32
      %add3A_412 = arith.constant 144 : i32
      %add3A_413 = arith.addi %mul3A_411, %add3A_412 : i32
      %get3A_414 = arith.index_cast %add3A_413 : i32 to index
      %get3A_415 = tpu.vector_load %arg5[%get3A_414] {strides = array<i32>} : memref<20000xf32, #tpu.memory_space<vmem>>, vector<16xf32>,
      %get3A_416 = vector.shape_cast %get3A_415 : vector<16xf32> to vector<16xf32>
      %mul3A_417 = arith.constant 0.699999988 : f32
      %mul3A_418 = vector.broadcast %mul3A_417 : f32 to vector<16xf32>
      %mul3A_419 = arith.mulf %mul3A_418, %get3A_416 : vector<16xf32>
      %get3A_420 = arith.index_cast %add3A_413 : i32 to index
      %get3A_421 = tpu.vector_load %arg6[%get3A_420] {strides = array<i32>} : memref<20000xf32, #tpu.memory_space<vmem>>, vector<16xf32>,
      %get3A_422 = vector.shape_cast %get3A_421 : vector<16xf32> to vector<16xf32>
      %mul3A_423 = arith.constant 3.000000e-01 : f32
      %mul3A_424 = vector.broadcast %mul3A_423 : f32 to vector<16xf32>
      %mul3A_425 = arith.mulf %mul3A_424, %get3A_422 : vector<16xf32>
      %add3A_426 = arith.addf %mul3A_419, %mul3A_425 : vector<16xf32>
      %swap3A_427 = arith.index_cast %add3A_413 : i32 to index
      %swap3A_428 = tpu.vector_load %arg7[%swap3A_427] {strides = array<i32>} : memref<20000xf32, #tpu.memory_space<vmem>>, vector<16xf32>,
      %swap3A_429 = vector.shape_cast %swap3A_428 : vector<16xf32> to vector<16xf32>
      %swap3A_430 = vector.shape_cast %add3A_426 : vector<16xf32> to vector<16xf32>
      tpu.vector_store %arg7[%swap3A_427], %swap3A_430 {strides = array<i32>} : memref<20000xf32, #tpu.memory_space<vmem>>, vector<16xf32>,
    }
    %scan3A_65 = arith.constant 125 : i32
    %add3A_66 = arith.constant 40000 : i32
    %add3A_67 = arith.addi %add3A_4, %add3A_66 : i32
    %dma_start3A_68 = tpu.memref_slice %arg4[%add3A_67] : memref<12800000xf32, #tpu.memory_space<hbm>> -> memref<20000xf32, #tpu.memory_space<hbm>>
    %dma_start3A_69 = tpu.memref_slice %arg4[%add3A_67] : memref<12800000xf32, #tpu.memory_space<hbm>> -> memref<20000xf32, #tpu.memory_space<hbm>>
    tpu.enqueue_dma source(%arg7 : memref<20000xf32, #tpu.memory_space<vmem>>) target(%dma_start3A_69 : memref<20000xf32, #tpu.memory_space<hbm>>) target_semaphore(%arg13 : memref<!tpu.dma_semaphore, #tpu.memory_space<semaphore_mem>>)
    %add3A_70 = arith.constant 80000 : i32
    %add3A_71 = arith.addi %add3A_4, %add3A_70 : i32
    %dma_start3A_72 = tpu.memref_slice %arg2[%add3A_71] : memref<12800000xf32, #tpu.memory_space<hbm>> -> memref<20000xf32, #tpu.memory_space<hbm>>
    %dma_start3A_73 = tpu.memref_slice %arg2[%add3A_71] : memref<12800000xf32, #tpu.memory_space<hbm>> -> memref<20000xf32, #tpu.memory_space<hbm>>
    tpu.enqueue_dma source(%dma_start3A_73 : memref<20000xf32, #tpu.memory_space<hbm>>) target(%arg5 : memref<20000xf32, #tpu.memory_space<vmem>>) target_semaphore(%arg11 : memref<!tpu.dma_semaphore, #tpu.memory_space<semaphore_mem>>)
    %dma_start3A_74 = tpu.memref_slice %arg3[%add3A_71] : memref<12800000xf32, #tpu.memory_space<hbm>> -> memref<20000xf32, #tpu.memory_space<hbm>>
    %dma_start3A_75 = tpu.memref_slice %arg3[%add3A_71] : memref<12800000xf32, #tpu.memory_space<hbm>> -> memref<20000xf32, #tpu.memory_space<hbm>>
    tpu.enqueue_dma source(%dma_start3A_75 : memref<20000xf32, #tpu.memory_space<hbm>>) target(%arg6 : memref<20000xf32, #tpu.memory_space<vmem>>) target_semaphore(%arg11 : memref<!tpu.dma_semaphore, #tpu.memory_space<semaphore_mem>>)
    %dma_wait3A_76 = tpu.memref_slice %arg2[%add3A_49] : memref<12800000xf32, #tpu.memory_space<hbm>> -> memref<20000xf32, #tpu.memory_space<hbm>>
    %dma_wait3A_77 = tpu.memref_slice %arg2[%add3A_49] : memref<12800000xf32, #tpu.memory_space<hbm>> -> memref<20000xf32, #tpu.memory_space<hbm>>
    tpu.wait_dma2 semaphore(%arg12 : memref<!tpu.dma_semaphore, #tpu.memory_space<semaphore_mem>>) src(%dma_wait3A_77 : memref<20000xf32, #tpu.memory_space<hbm>>) dst(%arg8 : memref<20000xf32, #tpu.memory_space<vmem>>)
    %dma_wait3A_78 = tpu.memref_slice %arg3[%add3A_49] : memref<12800000xf32, #tpu.memory_space<hbm>> -> memref<20000xf32, #tpu.memory_space<hbm>>
    %dma_wait3A_79 = tpu.memref_slice %arg3[%add3A_49] : memref<12800000xf32, #tpu.memory_space<hbm>> -> memref<20000xf32, #tpu.memory_space<hbm>>
    tpu.wait_dma2 semaphore(%arg12 : memref<!tpu.dma_semaphore, #tpu.memory_space<semaphore_mem>>) src(%dma_wait3A_79 : memref<20000xf32, #tpu.memory_space<hbm>>) dst(%arg9 : memref<20000xf32, #tpu.memory_space<vmem>>)
    %dma_wait3A_80 = tpu.memref_slice %arg4[%add3A_45] : memref<12800000xf32, #tpu.memory_space<hbm>> -> memref<20000xf32, #tpu.memory_space<hbm>>
    %dma_wait3A_81 = tpu.memref_slice %arg4[%add3A_45] : memref<12800000xf32, #tpu.memory_space<hbm>> -> memref<20000xf32, #tpu.memory_space<hbm>>
    tpu.wait_dma2 semaphore(%arg14 : memref<!tpu.dma_semaphore, #tpu.memory_space<semaphore_mem>>) src(%arg10 : memref<20000xf32, #tpu.memory_space<vmem>>) dst(%dma_wait3A_81 : memref<20000xf32, #tpu.memory_space<hbm>>)
    %scan3A_82 = arith.constant 0 : i32
    %scan3A_83 = arith.constant 0 : i32
    %scan3A_84 = arith.constant 125 : i32
    %scan3A_85 = arith.addi %scan3A_83, %scan3A_84 : i32
    %scan3A_86 = arith.constant 1 : i32
    scf.for %scan3A_222 = %scan3A_83 to %scan3A_85 step %scan3A_86  : i32 {
      %mul3A_223 = arith.constant 160 : i32
      %mul3A_224 = arith.muli %scan3A_222, %mul3A_223 : i32
      %add3A_225 = arith.constant 0 : i32
      %add3A_226 = arith.addi %mul3A_224, %add3A_225 : i32
      %get3A = arith.index_cast %add3A_226 : i32 to index
      %get3A_227 = tpu.vector_load %arg8[%get3A] {strides = array<i32>} : memref<20000xf32, #tpu.memory_space<vmem>>, vector<16xf32>,
      %get3A_228 = vector.shape_cast %get3A_227 : vector<16xf32> to vector<16xf32>
      %mul3A_229 = arith.constant 0.699999988 : f32
      %mul3A_230 = vector.broadcast %mul3A_229 : f32 to vector<16xf32>
      %mul3A_231 = arith.mulf %mul3A_230, %get3A_228 : vector<16xf32>
      %get3A_232 = arith.index_cast %add3A_226 : i32 to index
      %get3A_233 = tpu.vector_load %arg9[%get3A_232] {strides = array<i32>} : memref<20000xf32, #tpu.memory_space<vmem>>, vector<16xf32>,
      %get3A_234 = vector.shape_cast %get3A_233 : vector<16xf32> to vector<16xf32>
      %mul3A_235 = arith.constant 3.000000e-01 : f32
      %mul3A_236 = vector.broadcast %mul3A_235 : f32 to vector<16xf32>
      %mul3A_237 = arith.mulf %mul3A_236, %get3A_234 : vector<16xf32>
      %add3A_238 = arith.addf %mul3A_231, %mul3A_237 : vector<16xf32>
      %swap3A = arith.index_cast %add3A_226 : i32 to index
      %swap3A_239 = tpu.vector_load %arg10[%swap3A] {strides = array<i32>} : memref<20000xf32, #tpu.memory_space<vmem>>, vector<16xf32>,
      %swap3A_240 = vector.shape_cast %swap3A_239 : vector<16xf32> to vector<16xf32>
      %swap3A_241 = vector.shape_cast %add3A_238 : vector<16xf32> to vector<16xf32>
      tpu.vector_store %arg10[%swap3A], %swap3A_241 {strides = array<i32>} : memref<20000xf32, #tpu.memory_space<vmem>>, vector<16xf32>,
      %mul3A_242 = arith.constant 160 : i32
      %mul3A_243 = arith.muli %scan3A_222, %mul3A_242 : i32
      %add3A_244 = arith.constant 16 : i32
      %add3A_245 = arith.addi %mul3A_243, %add3A_244 : i32
      %get3A_246 = arith.index_cast %add3A_245 : i32 to index
      %get3A_247 = tpu.vector_load %arg8[%get3A_246] {strides = array<i32>} : memref<20000xf32, #tpu.memory_space<vmem>>, vector<16xf32>,
      %get3A_248 = vector.shape_cast %get3A_247 : vector<16xf32> to vector<16xf32>
      %mul3A_249 = arith.constant 0.699999988 : f32
      %mul3A_250 = vector.broadcast %mul3A_249 : f32 to vector<16xf32>
      %mul3A_251 = arith.mulf %mul3A_250, %get3A_248 : vector<16xf32>
      %get3A_252 = arith.index_cast %add3A_245 : i32 to index
      %get3A_253 = tpu.vector_load %arg9[%get3A_252] {strides = array<i32>} : memref<20000xf32, #tpu.memory_space<vmem>>, vector<16xf32>,
      %get3A_254 = vector.shape_cast %get3A_253 : vector<16xf32> to vector<16xf32>
      %mul3A_255 = arith.constant 3.000000e-01 : f32
      %mul3A_256 = vector.broadcast %mul3A_255 : f32 to vector<16xf32>
      %mul3A_257 = arith.mulf %mul3A_256, %get3A_254 : vector<16xf32>
      %add3A_258 = arith.addf %mul3A_251, %mul3A_257 : vector<16xf32>
      %swap3A_259 = arith.index_cast %add3A_245 : i32 to index
      %swap3A_260 = tpu.vector_load %arg10[%swap3A_259] {strides = array<i32>} : memref<20000xf32, #tpu.memory_space<vmem>>, vector<16xf32>,
      %swap3A_261 = vector.shape_cast %swap3A_260 : vector<16xf32> to vector<16xf32>
      %swap3A_262 = vector.shape_cast %add3A_258 : vector<16xf32> to vector<16xf32>
      tpu.vector_store %arg10[%swap3A_259], %swap3A_262 {strides = array<i32>} : memref<20000xf32, #tpu.memory_space<vmem>>, vector<16xf32>,
      %mul3A_263 = arith.constant 160 : i32
      %mul3A_264 = arith.muli %scan3A_222, %mul3A_263 : i32
      %add3A_265 = arith.constant 32 : i32
      %add3A_266 = arith.addi %mul3A_264, %add3A_265 : i32
      %get3A_267 = arith.index_cast %add3A_266 : i32 to index
      %get3A_268 = tpu.vector_load %arg8[%get3A_267] {strides = array<i32>} : memref<20000xf32, #tpu.memory_space<vmem>>, vector<16xf32>,
      %get3A_269 = vector.shape_cast %get3A_268 : vector<16xf32> to vector<16xf32>
      %mul3A_270 = arith.constant 0.699999988 : f32
      %mul3A_271 = vector.broadcast %mul3A_270 : f32 to vector<16xf32>
      %mul3A_272 = arith.mulf %mul3A_271, %get3A_269 : vector<16xf32>
      %get3A_273 = arith.index_cast %add3A_266 : i32 to index
      %get3A_274 = tpu.vector_load %arg9[%get3A_273] {strides = array<i32>} : memref<20000xf32, #tpu.memory_space<vmem>>, vector<16xf32>,
      %get3A_275 = vector.shape_cast %get3A_274 : vector<16xf32> to vector<16xf32>
      %mul3A_276 = arith.constant 3.000000e-01 : f32
      %mul3A_277 = vector.broadcast %mul3A_276 : f32 to vector<16xf32>
      %mul3A_278 = arith.mulf %mul3A_277, %get3A_275 : vector<16xf32>
      %add3A_279 = arith.addf %mul3A_272, %mul3A_278 : vector<16xf32>
      %swap3A_280 = arith.index_cast %add3A_266 : i32 to index
      %swap3A_281 = tpu.vector_load %arg10[%swap3A_280] {strides = array<i32>} : memref<20000xf32, #tpu.memory_space<vmem>>, vector<16xf32>,
      %swap3A_282 = vector.shape_cast %swap3A_281 : vector<16xf32> to vector<16xf32>
      %swap3A_283 = vector.shape_cast %add3A_279 : vector<16xf32> to vector<16xf32>
      tpu.vector_store %arg10[%swap3A_280], %swap3A_283 {strides = array<i32>} : memref<20000xf32, #tpu.memory_space<vmem>>, vector<16xf32>,
      %mul3A_284 = arith.constant 160 : i32
      %mul3A_285 = arith.muli %scan3A_222, %mul3A_284 : i32
      %add3A_286 = arith.constant 48 : i32
      %add3A_287 = arith.addi %mul3A_285, %add3A_286 : i32
      %get3A_288 = arith.index_cast %add3A_287 : i32 to index
      %get3A_289 = tpu.vector_load %arg8[%get3A_288] {strides = array<i32>} : memref<20000xf32, #tpu.memory_space<vmem>>, vector<16xf32>,
      %get3A_290 = vector.shape_cast %get3A_289 : vector<16xf32> to vector<16xf32>
      %mul3A_291 = arith.constant 0.699999988 : f32
      %mul3A_292 = vector.broadcast %mul3A_291 : f32 to vector<16xf32>
      %mul3A_293 = arith.mulf %mul3A_292, %get3A_290 : vector<16xf32>
      %get3A_294 = arith.index_cast %add3A_287 : i32 to index
      %get3A_295 = tpu.vector_load %arg9[%get3A_294] {strides = array<i32>} : memref<20000xf32, #tpu.memory_space<vmem>>, vector<16xf32>,
      %get3A_296 = vector.shape_cast %get3A_295 : vector<16xf32> to vector<16xf32>
      %mul3A_297 = arith.constant 3.000000e-01 : f32
      %mul3A_298 = vector.broadcast %mul3A_297 : f32 to vector<16xf32>
      %mul3A_299 = arith.mulf %mul3A_298, %get3A_296 : vector<16xf32>
      %add3A_300 = arith.addf %mul3A_293, %mul3A_299 : vector<16xf32>
      %swap3A_301 = arith.index_cast %add3A_287 : i32 to index
      %swap3A_302 = tpu.vector_load %arg10[%swap3A_301] {strides = array<i32>} : memref<20000xf32, #tpu.memory_space<vmem>>, vector<16xf32>,
      %swap3A_303 = vector.shape_cast %swap3A_302 : vector<16xf32> to vector<16xf32>
      %swap3A_304 = vector.shape_cast %add3A_300 : vector<16xf32> to vector<16xf32>
      tpu.vector_store %arg10[%swap3A_301], %swap3A_304 {strides = array<i32>} : memref<20000xf32, #tpu.memory_space<vmem>>, vector<16xf32>,
      %mul3A_305 = arith.constant 160 : i32
      %mul3A_306 = arith.muli %scan3A_222, %mul3A_305 : i32
      %add3A_307 = arith.constant 64 : i32
      %add3A_308 = arith.addi %mul3A_306, %add3A_307 : i32
      %get3A_309 = arith.index_cast %add3A_308 : i32 to index
      %get3A_310 = tpu.vector_load %arg8[%get3A_309] {strides = array<i32>} : memref<20000xf32, #tpu.memory_space<vmem>>, vector<16xf32>,
      %get3A_311 = vector.shape_cast %get3A_310 : vector<16xf32> to vector<16xf32>
      %mul3A_312 = arith.constant 0.699999988 : f32
      %mul3A_313 = vector.broadcast %mul3A_312 : f32 to vector<16xf32>
      %mul3A_314 = arith.mulf %mul3A_313, %get3A_311 : vector<16xf32>
      %get3A_315 = arith.index_cast %add3A_308 : i32 to index
      %get3A_316 = tpu.vector_load %arg9[%get3A_315] {strides = array<i32>} : memref<20000xf32, #tpu.memory_space<vmem>>, vector<16xf32>,
      %get3A_317 = vector.shape_cast %get3A_316 : vector<16xf32> to vector<16xf32>
      %mul3A_318 = arith.constant 3.000000e-01 : f32
      %mul3A_319 = vector.broadcast %mul3A_318 : f32 to vector<16xf32>
      %mul3A_320 = arith.mulf %mul3A_319, %get3A_317 : vector<16xf32>
      %add3A_321 = arith.addf %mul3A_314, %mul3A_320 : vector<16xf32>
      %swap3A_322 = arith.index_cast %add3A_308 : i32 to index
      %swap3A_323 = tpu.vector_load %arg10[%swap3A_322] {strides = array<i32>} : memref<20000xf32, #tpu.memory_space<vmem>>, vector<16xf32>,
      %swap3A_324 = vector.shape_cast %swap3A_323 : vector<16xf32> to vector<16xf32>
      %swap3A_325 = vector.shape_cast %add3A_321 : vector<16xf32> to vector<16xf32>
      tpu.vector_store %arg10[%swap3A_322], %swap3A_325 {strides = array<i32>} : memref<20000xf32, #tpu.memory_space<vmem>>, vector<16xf32>,
      %mul3A_326 = arith.constant 160 : i32
      %mul3A_327 = arith.muli %scan3A_222, %mul3A_326 : i32
      %add3A_328 = arith.constant 80 : i32
      %add3A_329 = arith.addi %mul3A_327, %add3A_328 : i32
      %get3A_330 = arith.index_cast %add3A_329 : i32 to index
      %get3A_331 = tpu.vector_load %arg8[%get3A_330] {strides = array<i32>} : memref<20000xf32, #tpu.memory_space<vmem>>, vector<16xf32>,
      %get3A_332 = vector.shape_cast %get3A_331 : vector<16xf32> to vector<16xf32>
      %mul3A_333 = arith.constant 0.699999988 : f32
      %mul3A_334 = vector.broadcast %mul3A_333 : f32 to vector<16xf32>
      %mul3A_335 = arith.mulf %mul3A_334, %get3A_332 : vector<16xf32>
      %get3A_336 = arith.index_cast %add3A_329 : i32 to index
      %get3A_337 = tpu.vector_load %arg9[%get3A_336] {strides = array<i32>} : memref<20000xf32, #tpu.memory_space<vmem>>, vector<16xf32>,
      %get3A_338 = vector.shape_cast %get3A_337 : vector<16xf32> to vector<16xf32>
      %mul3A_339 = arith.constant 3.000000e-01 : f32
      %mul3A_340 = vector.broadcast %mul3A_339 : f32 to vector<16xf32>
      %mul3A_341 = arith.mulf %mul3A_340, %get3A_338 : vector<16xf32>
      %add3A_342 = arith.addf %mul3A_335, %mul3A_341 : vector<16xf32>
      %swap3A_343 = arith.index_cast %add3A_329 : i32 to index
      %swap3A_344 = tpu.vector_load %arg10[%swap3A_343] {strides = array<i32>} : memref<20000xf32, #tpu.memory_space<vmem>>, vector<16xf32>,
      %swap3A_345 = vector.shape_cast %swap3A_344 : vector<16xf32> to vector<16xf32>
      %swap3A_346 = vector.shape_cast %add3A_342 : vector<16xf32> to vector<16xf32>
      tpu.vector_store %arg10[%swap3A_343], %swap3A_346 {strides = array<i32>} : memref<20000xf32, #tpu.memory_space<vmem>>, vector<16xf32>,
      %mul3A_347 = arith.constant 160 : i32
      %mul3A_348 = arith.muli %scan3A_222, %mul3A_347 : i32
      %add3A_349 = arith.constant 96 : i32
      %add3A_350 = arith.addi %mul3A_348, %add3A_349 : i32
      %get3A_351 = arith.index_cast %add3A_350 : i32 to index
      %get3A_352 = tpu.vector_load %arg8[%get3A_351] {strides = array<i32>} : memref<20000xf32, #tpu.memory_space<vmem>>, vector<16xf32>,
      %get3A_353 = vector.shape_cast %get3A_352 : vector<16xf32> to vector<16xf32>
      %mul3A_354 = arith.constant 0.699999988 : f32
      %mul3A_355 = vector.broadcast %mul3A_354 : f32 to vector<16xf32>
      %mul3A_356 = arith.mulf %mul3A_355, %get3A_353 : vector<16xf32>
      %get3A_357 = arith.index_cast %add3A_350 : i32 to index
      %get3A_358 = tpu.vector_load %arg9[%get3A_357] {strides = array<i32>} : memref<20000xf32, #tpu.memory_space<vmem>>, vector<16xf32>,
      %get3A_359 = vector.shape_cast %get3A_358 : vector<16xf32> to vector<16xf32>
      %mul3A_360 = arith.constant 3.000000e-01 : f32
      %mul3A_361 = vector.broadcast %mul3A_360 : f32 to vector<16xf32>
      %mul3A_362 = arith.mulf %mul3A_361, %get3A_359 : vector<16xf32>
      %add3A_363 = arith.addf %mul3A_356, %mul3A_362 : vector<16xf32>
      %swap3A_364 = arith.index_cast %add3A_350 : i32 to index
      %swap3A_365 = tpu.vector_load %arg10[%swap3A_364] {strides = array<i32>} : memref<20000xf32, #tpu.memory_space<vmem>>, vector<16xf32>,
      %swap3A_366 = vector.shape_cast %swap3A_365 : vector<16xf32> to vector<16xf32>
      %swap3A_367 = vector.shape_cast %add3A_363 : vector<16xf32> to vector<16xf32>
      tpu.vector_store %arg10[%swap3A_364], %swap3A_367 {strides = array<i32>} : memref<20000xf32, #tpu.memory_space<vmem>>, vector<16xf32>,
      %mul3A_368 = arith.constant 160 : i32
      %mul3A_369 = arith.muli %scan3A_222, %mul3A_368 : i32
      %add3A_370 = arith.constant 112 : i32
      %add3A_371 = arith.addi %mul3A_369, %add3A_370 : i32
      %get3A_372 = arith.index_cast %add3A_371 : i32 to index
      %get3A_373 = tpu.vector_load %arg8[%get3A_372] {strides = array<i32>} : memref<20000xf32, #tpu.memory_space<vmem>>, vector<16xf32>,
      %get3A_374 = vector.shape_cast %get3A_373 : vector<16xf32> to vector<16xf32>
      %mul3A_375 = arith.constant 0.699999988 : f32
      %mul3A_376 = vector.broadcast %mul3A_375 : f32 to vector<16xf32>
      %mul3A_377 = arith.mulf %mul3A_376, %get3A_374 : vector<16xf32>
      %get3A_378 = arith.index_cast %add3A_371 : i32 to index
      %get3A_379 = tpu.vector_load %arg9[%get3A_378] {strides = array<i32>} : memref<20000xf32, #tpu.memory_space<vmem>>, vector<16xf32>,
      %get3A_380 = vector.shape_cast %get3A_379 : vector<16xf32> to vector<16xf32>
      %mul3A_381 = arith.constant 3.000000e-01 : f32
      %mul3A_382 = vector.broadcast %mul3A_381 : f32 to vector<16xf32>
      %mul3A_383 = arith.mulf %mul3A_382, %get3A_380 : vector<16xf32>
      %add3A_384 = arith.addf %mul3A_377, %mul3A_383 : vector<16xf32>
      %swap3A_385 = arith.index_cast %add3A_371 : i32 to index
      %swap3A_386 = tpu.vector_load %arg10[%swap3A_385] {strides = array<i32>} : memref<20000xf32, #tpu.memory_space<vmem>>, vector<16xf32>,
      %swap3A_387 = vector.shape_cast %swap3A_386 : vector<16xf32> to vector<16xf32>
      %swap3A_388 = vector.shape_cast %add3A_384 : vector<16xf32> to vector<16xf32>
      tpu.vector_store %arg10[%swap3A_385], %swap3A_388 {strides = array<i32>} : memref<20000xf32, #tpu.memory_space<vmem>>, vector<16xf32>,
      %mul3A_389 = arith.constant 160 : i32
      %mul3A_390 = arith.muli %scan3A_222, %mul3A_389 : i32
      %add3A_391 = arith.constant 128 : i32
      %add3A_392 = arith.addi %mul3A_390, %add3A_391 : i32
      %get3A_393 = arith.index_cast %add3A_392 : i32 to index
      %get3A_394 = tpu.vector_load %arg8[%get3A_393] {strides = array<i32>} : memref<20000xf32, #tpu.memory_space<vmem>>, vector<16xf32>,
      %get3A_395 = vector.shape_cast %get3A_394 : vector<16xf32> to vector<16xf32>
      %mul3A_396 = arith.constant 0.699999988 : f32
      %mul3A_397 = vector.broadcast %mul3A_396 : f32 to vector<16xf32>
      %mul3A_398 = arith.mulf %mul3A_397, %get3A_395 : vector<16xf32>
      %get3A_399 = arith.index_cast %add3A_392 : i32 to index
      %get3A_400 = tpu.vector_load %arg9[%get3A_399] {strides = array<i32>} : memref<20000xf32, #tpu.memory_space<vmem>>, vector<16xf32>,
      %get3A_401 = vector.shape_cast %get3A_400 : vector<16xf32> to vector<16xf32>
      %mul3A_402 = arith.constant 3.000000e-01 : f32
      %mul3A_403 = vector.broadcast %mul3A_402 : f32 to vector<16xf32>
      %mul3A_404 = arith.mulf %mul3A_403, %get3A_401 : vector<16xf32>
      %add3A_405 = arith.addf %mul3A_398, %mul3A_404 : vector<16xf32>
      %swap3A_406 = arith.index_cast %add3A_392 : i32 to index
      %swap3A_407 = tpu.vector_load %arg10[%swap3A_406] {strides = array<i32>} : memref<20000xf32, #tpu.memory_space<vmem>>, vector<16xf32>,
      %swap3A_408 = vector.shape_cast %swap3A_407 : vector<16xf32> to vector<16xf32>
      %swap3A_409 = vector.shape_cast %add3A_405 : vector<16xf32> to vector<16xf32>
      tpu.vector_store %arg10[%swap3A_406], %swap3A_409 {strides = array<i32>} : memref<20000xf32, #tpu.memory_space<vmem>>, vector<16xf32>,
      %mul3A_410 = arith.constant 160 : i32
      %mul3A_411 = arith.muli %scan3A_222, %mul3A_410 : i32
      %add3A_412 = arith.constant 144 : i32
      %add3A_413 = arith.addi %mul3A_411, %add3A_412 : i32
      %get3A_414 = arith.index_cast %add3A_413 : i32 to index
      %get3A_415 = tpu.vector_load %arg8[%get3A_414] {strides = array<i32>} : memref<20000xf32, #tpu.memory_space<vmem>>, vector<16xf32>,
      %get3A_416 = vector.shape_cast %get3A_415 : vector<16xf32> to vector<16xf32>
      %mul3A_417 = arith.constant 0.699999988 : f32
      %mul3A_418 = vector.broadcast %mul3A_417 : f32 to vector<16xf32>
      %mul3A_419 = arith.mulf %mul3A_418, %get3A_416 : vector<16xf32>
      %get3A_420 = arith.index_cast %add3A_413 : i32 to index
      %get3A_421 = tpu.vector_load %arg9[%get3A_420] {strides = array<i32>} : memref<20000xf32, #tpu.memory_space<vmem>>, vector<16xf32>,
      %get3A_422 = vector.shape_cast %get3A_421 : vector<16xf32> to vector<16xf32>
      %mul3A_423 = arith.constant 3.000000e-01 : f32
      %mul3A_424 = vector.broadcast %mul3A_423 : f32 to vector<16xf32>
      %mul3A_425 = arith.mulf %mul3A_424, %get3A_422 : vector<16xf32>
      %add3A_426 = arith.addf %mul3A_419, %mul3A_425 : vector<16xf32>
      %swap3A_427 = arith.index_cast %add3A_413 : i32 to index
      %swap3A_428 = tpu.vector_load %arg10[%swap3A_427] {strides = array<i32>} : memref<20000xf32, #tpu.memory_space<vmem>>, vector<16xf32>,
      %swap3A_429 = vector.shape_cast %swap3A_428 : vector<16xf32> to vector<16xf32>
      %swap3A_430 = vector.shape_cast %add3A_426 : vector<16xf32> to vector<16xf32>
      tpu.vector_store %arg10[%swap3A_427], %swap3A_430 {strides = array<i32>} : memref<20000xf32, #tpu.memory_space<vmem>>, vector<16xf32>,
    }
    %scan3A_87 = arith.constant 125 : i32
    %add3A_88 = arith.constant 60000 : i32
    %add3A_89 = arith.addi %add3A_4, %add3A_88 : i32
    %dma_start3A_90 = tpu.memref_slice %arg4[%add3A_89] : memref<12800000xf32, #tpu.memory_space<hbm>> -> memref<20000xf32, #tpu.memory_space<hbm>>
    %dma_start3A_91 = tpu.memref_slice %arg4[%add3A_89] : memref<12800000xf32, #tpu.memory_space<hbm>> -> memref<20000xf32, #tpu.memory_space<hbm>>
    tpu.enqueue_dma source(%arg10 : memref<20000xf32, #tpu.memory_space<vmem>>) target(%dma_start3A_91 : memref<20000xf32, #tpu.memory_space<hbm>>) target_semaphore(%arg14 : memref<!tpu.dma_semaphore, #tpu.memory_space<semaphore_mem>>)
    %add3A_92 = arith.constant 100000 : i32
    %add3A_93 = arith.addi %add3A_4, %add3A_92 : i32
    %dma_start3A_94 = tpu.memref_slice %arg2[%add3A_93] : memref<12800000xf32, #tpu.memory_space<hbm>> -> memref<20000xf32, #tpu.memory_space<hbm>>
    %dma_start3A_95 = tpu.memref_slice %arg2[%add3A_93] : memref<12800000xf32, #tpu.memory_space<hbm>> -> memref<20000xf32, #tpu.memory_space<hbm>>
    tpu.enqueue_dma source(%dma_start3A_95 : memref<20000xf32, #tpu.memory_space<hbm>>) target(%arg8 : memref<20000xf32, #tpu.memory_space<vmem>>) target_semaphore(%arg12 : memref<!tpu.dma_semaphore, #tpu.memory_space<semaphore_mem>>)
    %dma_start3A_96 = tpu.memref_slice %arg3[%add3A_93] : memref<12800000xf32, #tpu.memory_space<hbm>> -> memref<20000xf32, #tpu.memory_space<hbm>>
    %dma_start3A_97 = tpu.memref_slice %arg3[%add3A_93] : memref<12800000xf32, #tpu.memory_space<hbm>> -> memref<20000xf32, #tpu.memory_space<hbm>>
    tpu.enqueue_dma source(%dma_start3A_97 : memref<20000xf32, #tpu.memory_space<hbm>>) target(%arg9 : memref<20000xf32, #tpu.memory_space<vmem>>) target_semaphore(%arg12 : memref<!tpu.dma_semaphore, #tpu.memory_space<semaphore_mem>>)
    %dma_wait3A_98 = tpu.memref_slice %arg2[%add3A_71] : memref<12800000xf32, #tpu.memory_space<hbm>> -> memref<20000xf32, #tpu.memory_space<hbm>>
    %dma_wait3A_99 = tpu.memref_slice %arg2[%add3A_71] : memref<12800000xf32, #tpu.memory_space<hbm>> -> memref<20000xf32, #tpu.memory_space<hbm>>
    tpu.wait_dma2 semaphore(%arg11 : memref<!tpu.dma_semaphore, #tpu.memory_space<semaphore_mem>>) src(%dma_wait3A_99 : memref<20000xf32, #tpu.memory_space<hbm>>) dst(%arg5 : memref<20000xf32, #tpu.memory_space<vmem>>)
    %dma_wait3A_100 = tpu.memref_slice %arg3[%add3A_71] : memref<12800000xf32, #tpu.memory_space<hbm>> -> memref<20000xf32, #tpu.memory_space<hbm>>
    %dma_wait3A_101 = tpu.memref_slice %arg3[%add3A_71] : memref<12800000xf32, #tpu.memory_space<hbm>> -> memref<20000xf32, #tpu.memory_space<hbm>>
    tpu.wait_dma2 semaphore(%arg11 : memref<!tpu.dma_semaphore, #tpu.memory_space<semaphore_mem>>) src(%dma_wait3A_101 : memref<20000xf32, #tpu.memory_space<hbm>>) dst(%arg6 : memref<20000xf32, #tpu.memory_space<vmem>>)
    %dma_wait3A_102 = tpu.memref_slice %arg4[%add3A_67] : memref<12800000xf32, #tpu.memory_space<hbm>> -> memref<20000xf32, #tpu.memory_space<hbm>>
    %dma_wait3A_103 = tpu.memref_slice %arg4[%add3A_67] : memref<12800000xf32, #tpu.memory_space<hbm>> -> memref<20000xf32, #tpu.memory_space<hbm>>
    tpu.wait_dma2 semaphore(%arg13 : memref<!tpu.dma_semaphore, #tpu.memory_space<semaphore_mem>>) src(%arg7 : memref<20000xf32, #tpu.memory_space<vmem>>) dst(%dma_wait3A_103 : memref<20000xf32, #tpu.memory_space<hbm>>)
    %scan3A_104 = arith.constant 0 : i32
    %scan3A_105 = arith.constant 0 : i32
    %scan3A_106 = arith.constant 125 : i32
    %scan3A_107 = arith.addi %scan3A_105, %scan3A_106 : i32
    %scan3A_108 = arith.constant 1 : i32
    scf.for %scan3A_222 = %scan3A_105 to %scan3A_107 step %scan3A_108  : i32 {
      %mul3A_223 = arith.constant 160 : i32
      %mul3A_224 = arith.muli %scan3A_222, %mul3A_223 : i32
      %add3A_225 = arith.constant 0 : i32
      %add3A_226 = arith.addi %mul3A_224, %add3A_225 : i32
      %get3A = arith.index_cast %add3A_226 : i32 to index
      %get3A_227 = tpu.vector_load %arg5[%get3A] {strides = array<i32>} : memref<20000xf32, #tpu.memory_space<vmem>>, vector<16xf32>,
      %get3A_228 = vector.shape_cast %get3A_227 : vector<16xf32> to vector<16xf32>
      %mul3A_229 = arith.constant 0.699999988 : f32
      %mul3A_230 = vector.broadcast %mul3A_229 : f32 to vector<16xf32>
      %mul3A_231 = arith.mulf %mul3A_230, %get3A_228 : vector<16xf32>
      %get3A_232 = arith.index_cast %add3A_226 : i32 to index
      %get3A_233 = tpu.vector_load %arg6[%get3A_232] {strides = array<i32>} : memref<20000xf32, #tpu.memory_space<vmem>>, vector<16xf32>,
      %get3A_234 = vector.shape_cast %get3A_233 : vector<16xf32> to vector<16xf32>
      %mul3A_235 = arith.constant 3.000000e-01 : f32
      %mul3A_236 = vector.broadcast %mul3A_235 : f32 to vector<16xf32>
      %mul3A_237 = arith.mulf %mul3A_236, %get3A_234 : vector<16xf32>
      %add3A_238 = arith.addf %mul3A_231, %mul3A_237 : vector<16xf32>
      %swap3A = arith.index_cast %add3A_226 : i32 to index
      %swap3A_239 = tpu.vector_load %arg7[%swap3A] {strides = array<i32>} : memref<20000xf32, #tpu.memory_space<vmem>>, vector<16xf32>,
      %swap3A_240 = vector.shape_cast %swap3A_239 : vector<16xf32> to vector<16xf32>
      %swap3A_241 = vector.shape_cast %add3A_238 : vector<16xf32> to vector<16xf32>
      tpu.vector_store %arg7[%swap3A], %swap3A_241 {strides = array<i32>} : memref<20000xf32, #tpu.memory_space<vmem>>, vector<16xf32>,
      %mul3A_242 = arith.constant 160 : i32
      %mul3A_243 = arith.muli %scan3A_222, %mul3A_242 : i32
      %add3A_244 = arith.constant 16 : i32
      %add3A_245 = arith.addi %mul3A_243, %add3A_244 : i32
      %get3A_246 = arith.index_cast %add3A_245 : i32 to index
      %get3A_247 = tpu.vector_load %arg5[%get3A_246] {strides = array<i32>} : memref<20000xf32, #tpu.memory_space<vmem>>, vector<16xf32>,
      %get3A_248 = vector.shape_cast %get3A_247 : vector<16xf32> to vector<16xf32>
      %mul3A_249 = arith.constant 0.699999988 : f32
      %mul3A_250 = vector.broadcast %mul3A_249 : f32 to vector<16xf32>
      %mul3A_251 = arith.mulf %mul3A_250, %get3A_248 : vector<16xf32>
      %get3A_252 = arith.index_cast %add3A_245 : i32 to index
      %get3A_253 = tpu.vector_load %arg6[%get3A_252] {strides = array<i32>} : memref<20000xf32, #tpu.memory_space<vmem>>, vector<16xf32>,
      %get3A_254 = vector.shape_cast %get3A_253 : vector<16xf32> to vector<16xf32>
      %mul3A_255 = arith.constant 3.000000e-01 : f32
      %mul3A_256 = vector.broadcast %mul3A_255 : f32 to vector<16xf32>
      %mul3A_257 = arith.mulf %mul3A_256, %get3A_254 : vector<16xf32>
      %add3A_258 = arith.addf %mul3A_251, %mul3A_257 : vector<16xf32>
      %swap3A_259 = arith.index_cast %add3A_245 : i32 to index
      %swap3A_260 = tpu.vector_load %arg7[%swap3A_259] {strides = array<i32>} : memref<20000xf32, #tpu.memory_space<vmem>>, vector<16xf32>,
      %swap3A_261 = vector.shape_cast %swap3A_260 : vector<16xf32> to vector<16xf32>
      %swap3A_262 = vector.shape_cast %add3A_258 : vector<16xf32> to vector<16xf32>
      tpu.vector_store %arg7[%swap3A_259], %swap3A_262 {strides = array<i32>} : memref<20000xf32, #tpu.memory_space<vmem>>, vector<16xf32>,
      %mul3A_263 = arith.constant 160 : i32
      %mul3A_264 = arith.muli %scan3A_222, %mul3A_263 : i32
      %add3A_265 = arith.constant 32 : i32
      %add3A_266 = arith.addi %mul3A_264, %add3A_265 : i32
      %get3A_267 = arith.index_cast %add3A_266 : i32 to index
      %get3A_268 = tpu.vector_load %arg5[%get3A_267] {strides = array<i32>} : memref<20000xf32, #tpu.memory_space<vmem>>, vector<16xf32>,
      %get3A_269 = vector.shape_cast %get3A_268 : vector<16xf32> to vector<16xf32>
      %mul3A_270 = arith.constant 0.699999988 : f32
      %mul3A_271 = vector.broadcast %mul3A_270 : f32 to vector<16xf32>
      %mul3A_272 = arith.mulf %mul3A_271, %get3A_269 : vector<16xf32>
      %get3A_273 = arith.index_cast %add3A_266 : i32 to index
      %get3A_274 = tpu.vector_load %arg6[%get3A_273] {strides = array<i32>} : memref<20000xf32, #tpu.memory_space<vmem>>, vector<16xf32>,
      %get3A_275 = vector.shape_cast %get3A_274 : vector<16xf32> to vector<16xf32>
      %mul3A_276 = arith.constant 3.000000e-01 : f32
      %mul3A_277 = vector.broadcast %mul3A_276 : f32 to vector<16xf32>
      %mul3A_278 = arith.mulf %mul3A_277, %get3A_275 : vector<16xf32>
      %add3A_279 = arith.addf %mul3A_272, %mul3A_278 : vector<16xf32>
      %swap3A_280 = arith.index_cast %add3A_266 : i32 to index
      %swap3A_281 = tpu.vector_load %arg7[%swap3A_280] {strides = array<i32>} : memref<20000xf32, #tpu.memory_space<vmem>>, vector<16xf32>,
      %swap3A_282 = vector.shape_cast %swap3A_281 : vector<16xf32> to vector<16xf32>
      %swap3A_283 = vector.shape_cast %add3A_279 : vector<16xf32> to vector<16xf32>
      tpu.vector_store %arg7[%swap3A_280], %swap3A_283 {strides = array<i32>} : memref<20000xf32, #tpu.memory_space<vmem>>, vector<16xf32>,
      %mul3A_284 = arith.constant 160 : i32
      %mul3A_285 = arith.muli %scan3A_222, %mul3A_284 : i32
      %add3A_286 = arith.constant 48 : i32
      %add3A_287 = arith.addi %mul3A_285, %add3A_286 : i32
      %get3A_288 = arith.index_cast %add3A_287 : i32 to index
      %get3A_289 = tpu.vector_load %arg5[%get3A_288] {strides = array<i32>} : memref<20000xf32, #tpu.memory_space<vmem>>, vector<16xf32>,
      %get3A_290 = vector.shape_cast %get3A_289 : vector<16xf32> to vector<16xf32>
      %mul3A_291 = arith.constant 0.699999988 : f32
      %mul3A_292 = vector.broadcast %mul3A_291 : f32 to vector<16xf32>
      %mul3A_293 = arith.mulf %mul3A_292, %get3A_290 : vector<16xf32>
      %get3A_294 = arith.index_cast %add3A_287 : i32 to index
      %get3A_295 = tpu.vector_load %arg6[%get3A_294] {strides = array<i32>} : memref<20000xf32, #tpu.memory_space<vmem>>, vector<16xf32>,
      %get3A_296 = vector.shape_cast %get3A_295 : vector<16xf32> to vector<16xf32>
      %mul3A_297 = arith.constant 3.000000e-01 : f32
      %mul3A_298 = vector.broadcast %mul3A_297 : f32 to vector<16xf32>
      %mul3A_299 = arith.mulf %mul3A_298, %get3A_296 : vector<16xf32>
      %add3A_300 = arith.addf %mul3A_293, %mul3A_299 : vector<16xf32>
      %swap3A_301 = arith.index_cast %add3A_287 : i32 to index
      %swap3A_302 = tpu.vector_load %arg7[%swap3A_301] {strides = array<i32>} : memref<20000xf32, #tpu.memory_space<vmem>>, vector<16xf32>,
      %swap3A_303 = vector.shape_cast %swap3A_302 : vector<16xf32> to vector<16xf32>
      %swap3A_304 = vector.shape_cast %add3A_300 : vector<16xf32> to vector<16xf32>
      tpu.vector_store %arg7[%swap3A_301], %swap3A_304 {strides = array<i32>} : memref<20000xf32, #tpu.memory_space<vmem>>, vector<16xf32>,
      %mul3A_305 = arith.constant 160 : i32
      %mul3A_306 = arith.muli %scan3A_222, %mul3A_305 : i32
      %add3A_307 = arith.constant 64 : i32
      %add3A_308 = arith.addi %mul3A_306, %add3A_307 : i32
      %get3A_309 = arith.index_cast %add3A_308 : i32 to index
      %get3A_310 = tpu.vector_load %arg5[%get3A_309] {strides = array<i32>} : memref<20000xf32, #tpu.memory_space<vmem>>, vector<16xf32>,
      %get3A_311 = vector.shape_cast %get3A_310 : vector<16xf32> to vector<16xf32>
      %mul3A_312 = arith.constant 0.699999988 : f32
      %mul3A_313 = vector.broadcast %mul3A_312 : f32 to vector<16xf32>
      %mul3A_314 = arith.mulf %mul3A_313, %get3A_311 : vector<16xf32>
      %get3A_315 = arith.index_cast %add3A_308 : i32 to index
      %get3A_316 = tpu.vector_load %arg6[%get3A_315] {strides = array<i32>} : memref<20000xf32, #tpu.memory_space<vmem>>, vector<16xf32>,
      %get3A_317 = vector.shape_cast %get3A_316 : vector<16xf32> to vector<16xf32>
      %mul3A_318 = arith.constant 3.000000e-01 : f32
      %mul3A_319 = vector.broadcast %mul3A_318 : f32 to vector<16xf32>
      %mul3A_320 = arith.mulf %mul3A_319, %get3A_317 : vector<16xf32>
      %add3A_321 = arith.addf %mul3A_314, %mul3A_320 : vector<16xf32>
      %swap3A_322 = arith.index_cast %add3A_308 : i32 to index
      %swap3A_323 = tpu.vector_load %arg7[%swap3A_322] {strides = array<i32>} : memref<20000xf32, #tpu.memory_space<vmem>>, vector<16xf32>,
      %swap3A_324 = vector.shape_cast %swap3A_323 : vector<16xf32> to vector<16xf32>
      %swap3A_325 = vector.shape_cast %add3A_321 : vector<16xf32> to vector<16xf32>
      tpu.vector_store %arg7[%swap3A_322], %swap3A_325 {strides = array<i32>} : memref<20000xf32, #tpu.memory_space<vmem>>, vector<16xf32>,
      %mul3A_326 = arith.constant 160 : i32
      %mul3A_327 = arith.muli %scan3A_222, %mul3A_326 : i32
      %add3A_328 = arith.constant 80 : i32
      %add3A_329 = arith.addi %mul3A_327, %add3A_328 : i32
      %get3A_330 = arith.index_cast %add3A_329 : i32 to index
      %get3A_331 = tpu.vector_load %arg5[%get3A_330] {strides = array<i32>} : memref<20000xf32, #tpu.memory_space<vmem>>, vector<16xf32>,
      %get3A_332 = vector.shape_cast %get3A_331 : vector<16xf32> to vector<16xf32>
      %mul3A_333 = arith.constant 0.699999988 : f32
      %mul3A_334 = vector.broadcast %mul3A_333 : f32 to vector<16xf32>
      %mul3A_335 = arith.mulf %mul3A_334, %get3A_332 : vector<16xf32>
      %get3A_336 = arith.index_cast %add3A_329 : i32 to index
      %get3A_337 = tpu.vector_load %arg6[%get3A_336] {strides = array<i32>} : memref<20000xf32, #tpu.memory_space<vmem>>, vector<16xf32>,
      %get3A_338 = vector.shape_cast %get3A_337 : vector<16xf32> to vector<16xf32>
      %mul3A_339 = arith.constant 3.000000e-01 : f32
      %mul3A_340 = vector.broadcast %mul3A_339 : f32 to vector<16xf32>
      %mul3A_341 = arith.mulf %mul3A_340, %get3A_338 : vector<16xf32>
      %add3A_342 = arith.addf %mul3A_335, %mul3A_341 : vector<16xf32>
      %swap3A_343 = arith.index_cast %add3A_329 : i32 to index
      %swap3A_344 = tpu.vector_load %arg7[%swap3A_343] {strides = array<i32>} : memref<20000xf32, #tpu.memory_space<vmem>>, vector<16xf32>,
      %swap3A_345 = vector.shape_cast %swap3A_344 : vector<16xf32> to vector<16xf32>
      %swap3A_346 = vector.shape_cast %add3A_342 : vector<16xf32> to vector<16xf32>
      tpu.vector_store %arg7[%swap3A_343], %swap3A_346 {strides = array<i32>} : memref<20000xf32, #tpu.memory_space<vmem>>, vector<16xf32>,
      %mul3A_347 = arith.constant 160 : i32
      %mul3A_348 = arith.muli %scan3A_222, %mul3A_347 : i32
      %add3A_349 = arith.constant 96 : i32
      %add3A_350 = arith.addi %mul3A_348, %add3A_349 : i32
      %get3A_351 = arith.index_cast %add3A_350 : i32 to index
      %get3A_352 = tpu.vector_load %arg5[%get3A_351] {strides = array<i32>} : memref<20000xf32, #tpu.memory_space<vmem>>, vector<16xf32>,
      %get3A_353 = vector.shape_cast %get3A_352 : vector<16xf32> to vector<16xf32>
      %mul3A_354 = arith.constant 0.699999988 : f32
      %mul3A_355 = vector.broadcast %mul3A_354 : f32 to vector<16xf32>
      %mul3A_356 = arith.mulf %mul3A_355, %get3A_353 : vector<16xf32>
      %get3A_357 = arith.index_cast %add3A_350 : i32 to index
      %get3A_358 = tpu.vector_load %arg6[%get3A_357] {strides = array<i32>} : memref<20000xf32, #tpu.memory_space<vmem>>, vector<16xf32>,
      %get3A_359 = vector.shape_cast %get3A_358 : vector<16xf32> to vector<16xf32>
      %mul3A_360 = arith.constant 3.000000e-01 : f32
      %mul3A_361 = vector.broadcast %mul3A_360 : f32 to vector<16xf32>
      %mul3A_362 = arith.mulf %mul3A_361, %get3A_359 : vector<16xf32>
      %add3A_363 = arith.addf %mul3A_356, %mul3A_362 : vector<16xf32>
      %swap3A_364 = arith.index_cast %add3A_350 : i32 to index
      %swap3A_365 = tpu.vector_load %arg7[%swap3A_364] {strides = array<i32>} : memref<20000xf32, #tpu.memory_space<vmem>>, vector<16xf32>,
      %swap3A_366 = vector.shape_cast %swap3A_365 : vector<16xf32> to vector<16xf32>
      %swap3A_367 = vector.shape_cast %add3A_363 : vector<16xf32> to vector<16xf32>
      tpu.vector_store %arg7[%swap3A_364], %swap3A_367 {strides = array<i32>} : memref<20000xf32, #tpu.memory_space<vmem>>, vector<16xf32>,
      %mul3A_368 = arith.constant 160 : i32
      %mul3A_369 = arith.muli %scan3A_222, %mul3A_368 : i32
      %add3A_370 = arith.constant 112 : i32
      %add3A_371 = arith.addi %mul3A_369, %add3A_370 : i32
      %get3A_372 = arith.index_cast %add3A_371 : i32 to index
      %get3A_373 = tpu.vector_load %arg5[%get3A_372] {strides = array<i32>} : memref<20000xf32, #tpu.memory_space<vmem>>, vector<16xf32>,
      %get3A_374 = vector.shape_cast %get3A_373 : vector<16xf32> to vector<16xf32>
      %mul3A_375 = arith.constant 0.699999988 : f32
      %mul3A_376 = vector.broadcast %mul3A_375 : f32 to vector<16xf32>
      %mul3A_377 = arith.mulf %mul3A_376, %get3A_374 : vector<16xf32>
      %get3A_378 = arith.index_cast %add3A_371 : i32 to index
      %get3A_379 = tpu.vector_load %arg6[%get3A_378] {strides = array<i32>} : memref<20000xf32, #tpu.memory_space<vmem>>, vector<16xf32>,
      %get3A_380 = vector.shape_cast %get3A_379 : vector<16xf32> to vector<16xf32>
      %mul3A_381 = arith.constant 3.000000e-01 : f32
      %mul3A_382 = vector.broadcast %mul3A_381 : f32 to vector<16xf32>
      %mul3A_383 = arith.mulf %mul3A_382, %get3A_380 : vector<16xf32>
      %add3A_384 = arith.addf %mul3A_377, %mul3A_383 : vector<16xf32>
      %swap3A_385 = arith.index_cast %add3A_371 : i32 to index
      %swap3A_386 = tpu.vector_load %arg7[%swap3A_385] {strides = array<i32>} : memref<20000xf32, #tpu.memory_space<vmem>>, vector<16xf32>,
      %swap3A_387 = vector.shape_cast %swap3A_386 : vector<16xf32> to vector<16xf32>
      %swap3A_388 = vector.shape_cast %add3A_384 : vector<16xf32> to vector<16xf32>
      tpu.vector_store %arg7[%swap3A_385], %swap3A_388 {strides = array<i32>} : memref<20000xf32, #tpu.memory_space<vmem>>, vector<16xf32>,
      %mul3A_389 = arith.constant 160 : i32
      %mul3A_390 = arith.muli %scan3A_222, %mul3A_389 : i32
      %add3A_391 = arith.constant 128 : i32
      %add3A_392 = arith.addi %mul3A_390, %add3A_391 : i32
      %get3A_393 = arith.index_cast %add3A_392 : i32 to index
      %get3A_394 = tpu.vector_load %arg5[%get3A_393] {strides = array<i32>} : memref<20000xf32, #tpu.memory_space<vmem>>, vector<16xf32>,
      %get3A_395 = vector.shape_cast %get3A_394 : vector<16xf32> to vector<16xf32>
      %mul3A_396 = arith.constant 0.699999988 : f32
      %mul3A_397 = vector.broadcast %mul3A_396 : f32 to vector<16xf32>
      %mul3A_398 = arith.mulf %mul3A_397, %get3A_395 : vector<16xf32>
      %get3A_399 = arith.index_cast %add3A_392 : i32 to index
      %get3A_400 = tpu.vector_load %arg6[%get3A_399] {strides = array<i32>} : memref<20000xf32, #tpu.memory_space<vmem>>, vector<16xf32>,
      %get3A_401 = vector.shape_cast %get3A_400 : vector<16xf32> to vector<16xf32>
      %mul3A_402 = arith.constant 3.000000e-01 : f32
      %mul3A_403 = vector.broadcast %mul3A_402 : f32 to vector<16xf32>
      %mul3A_404 = arith.mulf %mul3A_403, %get3A_401 : vector<16xf32>
      %add3A_405 = arith.addf %mul3A_398, %mul3A_404 : vector<16xf32>
      %swap3A_406 = arith.index_cast %add3A_392 : i32 to index
      %swap3A_407 = tpu.vector_load %arg7[%swap3A_406] {strides = array<i32>} : memref<20000xf32, #tpu.memory_space<vmem>>, vector<16xf32>,
      %swap3A_408 = vector.shape_cast %swap3A_407 : vector<16xf32> to vector<16xf32>
      %swap3A_409 = vector.shape_cast %add3A_405 : vector<16xf32> to vector<16xf32>
      tpu.vector_store %arg7[%swap3A_406], %swap3A_409 {strides = array<i32>} : memref<20000xf32, #tpu.memory_space<vmem>>, vector<16xf32>,
      %mul3A_410 = arith.constant 160 : i32
      %mul3A_411 = arith.muli %scan3A_222, %mul3A_410 : i32
      %add3A_412 = arith.constant 144 : i32
      %add3A_413 = arith.addi %mul3A_411, %add3A_412 : i32
      %get3A_414 = arith.index_cast %add3A_413 : i32 to index
      %get3A_415 = tpu.vector_load %arg5[%get3A_414] {strides = array<i32>} : memref<20000xf32, #tpu.memory_space<vmem>>, vector<16xf32>,
      %get3A_416 = vector.shape_cast %get3A_415 : vector<16xf32> to vector<16xf32>
      %mul3A_417 = arith.constant 0.699999988 : f32
      %mul3A_418 = vector.broadcast %mul3A_417 : f32 to vector<16xf32>
      %mul3A_419 = arith.mulf %mul3A_418, %get3A_416 : vector<16xf32>
      %get3A_420 = arith.index_cast %add3A_413 : i32 to index
      %get3A_421 = tpu.vector_load %arg6[%get3A_420] {strides = array<i32>} : memref<20000xf32, #tpu.memory_space<vmem>>, vector<16xf32>,
      %get3A_422 = vector.shape_cast %get3A_421 : vector<16xf32> to vector<16xf32>
      %mul3A_423 = arith.constant 3.000000e-01 : f32
      %mul3A_424 = vector.broadcast %mul3A_423 : f32 to vector<16xf32>
      %mul3A_425 = arith.mulf %mul3A_424, %get3A_422 : vector<16xf32>
      %add3A_426 = arith.addf %mul3A_419, %mul3A_425 : vector<16xf32>
      %swap3A_427 = arith.index_cast %add3A_413 : i32 to index
      %swap3A_428 = tpu.vector_load %arg7[%swap3A_427] {strides = array<i32>} : memref<20000xf32, #tpu.memory_space<vmem>>, vector<16xf32>,
      %swap3A_429 = vector.shape_cast %swap3A_428 : vector<16xf32> to vector<16xf32>
      %swap3A_430 = vector.shape_cast %add3A_426 : vector<16xf32> to vector<16xf32>
      tpu.vector_store %arg7[%swap3A_427], %swap3A_430 {strides = array<i32>} : memref<20000xf32, #tpu.memory_space<vmem>>, vector<16xf32>,
    }
    %scan3A_109 = arith.constant 125 : i32
    %add3A_110 = arith.constant 80000 : i32
    %add3A_111 = arith.addi %add3A_4, %add3A_110 : i32
    %dma_start3A_112 = tpu.memref_slice %arg4[%add3A_111] : memref<12800000xf32, #tpu.memory_space<hbm>> -> memref<20000xf32, #tpu.memory_space<hbm>>
    %dma_start3A_113 = tpu.memref_slice %arg4[%add3A_111] : memref<12800000xf32, #tpu.memory_space<hbm>> -> memref<20000xf32, #tpu.memory_space<hbm>>
    tpu.enqueue_dma source(%arg7 : memref<20000xf32, #tpu.memory_space<vmem>>) target(%dma_start3A_113 : memref<20000xf32, #tpu.memory_space<hbm>>) target_semaphore(%arg13 : memref<!tpu.dma_semaphore, #tpu.memory_space<semaphore_mem>>)
    %add3A_114 = arith.constant 120000 : i32
    %add3A_115 = arith.addi %add3A_4, %add3A_114 : i32
    %dma_start3A_116 = tpu.memref_slice %arg2[%add3A_115] : memref<12800000xf32, #tpu.memory_space<hbm>> -> memref<20000xf32, #tpu.memory_space<hbm>>
    %dma_start3A_117 = tpu.memref_slice %arg2[%add3A_115] : memref<12800000xf32, #tpu.memory_space<hbm>> -> memref<20000xf32, #tpu.memory_space<hbm>>
    tpu.enqueue_dma source(%dma_start3A_117 : memref<20000xf32, #tpu.memory_space<hbm>>) target(%arg5 : memref<20000xf32, #tpu.memory_space<vmem>>) target_semaphore(%arg11 : memref<!tpu.dma_semaphore, #tpu.memory_space<semaphore_mem>>)
    %dma_start3A_118 = tpu.memref_slice %arg3[%add3A_115] : memref<12800000xf32, #tpu.memory_space<hbm>> -> memref<20000xf32, #tpu.memory_space<hbm>>
    %dma_start3A_119 = tpu.memref_slice %arg3[%add3A_115] : memref<12800000xf32, #tpu.memory_space<hbm>> -> memref<20000xf32, #tpu.memory_space<hbm>>
    tpu.enqueue_dma source(%dma_start3A_119 : memref<20000xf32, #tpu.memory_space<hbm>>) target(%arg6 : memref<20000xf32, #tpu.memory_space<vmem>>) target_semaphore(%arg11 : memref<!tpu.dma_semaphore, #tpu.memory_space<semaphore_mem>>)
    %dma_wait3A_120 = tpu.memref_slice %arg2[%add3A_93] : memref<12800000xf32, #tpu.memory_space<hbm>> -> memref<20000xf32, #tpu.memory_space<hbm>>
    %dma_wait3A_121 = tpu.memref_slice %arg2[%add3A_93] : memref<12800000xf32, #tpu.memory_space<hbm>> -> memref<20000xf32, #tpu.memory_space<hbm>>
    tpu.wait_dma2 semaphore(%arg12 : memref<!tpu.dma_semaphore, #tpu.memory_space<semaphore_mem>>) src(%dma_wait3A_121 : memref<20000xf32, #tpu.memory_space<hbm>>) dst(%arg8 : memref<20000xf32, #tpu.memory_space<vmem>>)
    %dma_wait3A_122 = tpu.memref_slice %arg3[%add3A_93] : memref<12800000xf32, #tpu.memory_space<hbm>> -> memref<20000xf32, #tpu.memory_space<hbm>>
    %dma_wait3A_123 = tpu.memref_slice %arg3[%add3A_93] : memref<12800000xf32, #tpu.memory_space<hbm>> -> memref<20000xf32, #tpu.memory_space<hbm>>
    tpu.wait_dma2 semaphore(%arg12 : memref<!tpu.dma_semaphore, #tpu.memory_space<semaphore_mem>>) src(%dma_wait3A_123 : memref<20000xf32, #tpu.memory_space<hbm>>) dst(%arg9 : memref<20000xf32, #tpu.memory_space<vmem>>)
    %dma_wait3A_124 = tpu.memref_slice %arg4[%add3A_89] : memref<12800000xf32, #tpu.memory_space<hbm>> -> memref<20000xf32, #tpu.memory_space<hbm>>
    %dma_wait3A_125 = tpu.memref_slice %arg4[%add3A_89] : memref<12800000xf32, #tpu.memory_space<hbm>> -> memref<20000xf32, #tpu.memory_space<hbm>>
    tpu.wait_dma2 semaphore(%arg14 : memref<!tpu.dma_semaphore, #tpu.memory_space<semaphore_mem>>) src(%arg10 : memref<20000xf32, #tpu.memory_space<vmem>>) dst(%dma_wait3A_125 : memref<20000xf32, #tpu.memory_space<hbm>>)
    %scan3A_126 = arith.constant 0 : i32
    %scan3A_127 = arith.constant 0 : i32
    %scan3A_128 = arith.constant 125 : i32
    %scan3A_129 = arith.addi %scan3A_127, %scan3A_128 : i32
    %scan3A_130 = arith.constant 1 : i32
    scf.for %scan3A_222 = %scan3A_127 to %scan3A_129 step %scan3A_130  : i32 {
      %mul3A_223 = arith.constant 160 : i32
      %mul3A_224 = arith.muli %scan3A_222, %mul3A_223 : i32
      %add3A_225 = arith.constant 0 : i32
      %add3A_226 = arith.addi %mul3A_224, %add3A_225 : i32
      %get3A = arith.index_cast %add3A_226 : i32 to index
      %get3A_227 = tpu.vector_load %arg8[%get3A] {strides = array<i32>} : memref<20000xf32, #tpu.memory_space<vmem>>, vector<16xf32>,
      %get3A_228 = vector.shape_cast %get3A_227 : vector<16xf32> to vector<16xf32>
      %mul3A_229 = arith.constant 0.699999988 : f32
      %mul3A_230 = vector.broadcast %mul3A_229 : f32 to vector<16xf32>
      %mul3A_231 = arith.mulf %mul3A_230, %get3A_228 : vector<16xf32>
      %get3A_232 = arith.index_cast %add3A_226 : i32 to index
      %get3A_233 = tpu.vector_load %arg9[%get3A_232] {strides = array<i32>} : memref<20000xf32, #tpu.memory_space<vmem>>, vector<16xf32>,
      %get3A_234 = vector.shape_cast %get3A_233 : vector<16xf32> to vector<16xf32>
      %mul3A_235 = arith.constant 3.000000e-01 : f32
      %mul3A_236 = vector.broadcast %mul3A_235 : f32 to vector<16xf32>
      %mul3A_237 = arith.mulf %mul3A_236, %get3A_234 : vector<16xf32>
      %add3A_238 = arith.addf %mul3A_231, %mul3A_237 : vector<16xf32>
      %swap3A = arith.index_cast %add3A_226 : i32 to index
      %swap3A_239 = tpu.vector_load %arg10[%swap3A] {strides = array<i32>} : memref<20000xf32, #tpu.memory_space<vmem>>, vector<16xf32>,
      %swap3A_240 = vector.shape_cast %swap3A_239 : vector<16xf32> to vector<16xf32>
      %swap3A_241 = vector.shape_cast %add3A_238 : vector<16xf32> to vector<16xf32>
      tpu.vector_store %arg10[%swap3A], %swap3A_241 {strides = array<i32>} : memref<20000xf32, #tpu.memory_space<vmem>>, vector<16xf32>,
      %mul3A_242 = arith.constant 160 : i32
      %mul3A_243 = arith.muli %scan3A_222, %mul3A_242 : i32
      %add3A_244 = arith.constant 16 : i32
      %add3A_245 = arith.addi %mul3A_243, %add3A_244 : i32
      %get3A_246 = arith.index_cast %add3A_245 : i32 to index
      %get3A_247 = tpu.vector_load %arg8[%get3A_246] {strides = array<i32>} : memref<20000xf32, #tpu.memory_space<vmem>>, vector<16xf32>,
      %get3A_248 = vector.shape_cast %get3A_247 : vector<16xf32> to vector<16xf32>
      %mul3A_249 = arith.constant 0.699999988 : f32
      %mul3A_250 = vector.broadcast %mul3A_249 : f32 to vector<16xf32>
      %mul3A_251 = arith.mulf %mul3A_250, %get3A_248 : vector<16xf32>
      %get3A_252 = arith.index_cast %add3A_245 : i32 to index
      %get3A_253 = tpu.vector_load %arg9[%get3A_252] {strides = array<i32>} : memref<20000xf32, #tpu.memory_space<vmem>>, vector<16xf32>,
      %get3A_254 = vector.shape_cast %get3A_253 : vector<16xf32> to vector<16xf32>
      %mul3A_255 = arith.constant 3.000000e-01 : f32
      %mul3A_256 = vector.broadcast %mul3A_255 : f32 to vector<16xf32>
      %mul3A_257 = arith.mulf %mul3A_256, %get3A_254 : vector<16xf32>
      %add3A_258 = arith.addf %mul3A_251, %mul3A_257 : vector<16xf32>
      %swap3A_259 = arith.index_cast %add3A_245 : i32 to index
      %swap3A_260 = tpu.vector_load %arg10[%swap3A_259] {strides = array<i32>} : memref<20000xf32, #tpu.memory_space<vmem>>, vector<16xf32>,
      %swap3A_261 = vector.shape_cast %swap3A_260 : vector<16xf32> to vector<16xf32>
      %swap3A_262 = vector.shape_cast %add3A_258 : vector<16xf32> to vector<16xf32>
      tpu.vector_store %arg10[%swap3A_259], %swap3A_262 {strides = array<i32>} : memref<20000xf32, #tpu.memory_space<vmem>>, vector<16xf32>,
      %mul3A_263 = arith.constant 160 : i32
      %mul3A_264 = arith.muli %scan3A_222, %mul3A_263 : i32
      %add3A_265 = arith.constant 32 : i32
      %add3A_266 = arith.addi %mul3A_264, %add3A_265 : i32
      %get3A_267 = arith.index_cast %add3A_266 : i32 to index
      %get3A_268 = tpu.vector_load %arg8[%get3A_267] {strides = array<i32>} : memref<20000xf32, #tpu.memory_space<vmem>>, vector<16xf32>,
      %get3A_269 = vector.shape_cast %get3A_268 : vector<16xf32> to vector<16xf32>
      %mul3A_270 = arith.constant 0.699999988 : f32
      %mul3A_271 = vector.broadcast %mul3A_270 : f32 to vector<16xf32>
      %mul3A_272 = arith.mulf %mul3A_271, %get3A_269 : vector<16xf32>
      %get3A_273 = arith.index_cast %add3A_266 : i32 to index
      %get3A_274 = tpu.vector_load %arg9[%get3A_273] {strides = array<i32>} : memref<20000xf32, #tpu.memory_space<vmem>>, vector<16xf32>,
      %get3A_275 = vector.shape_cast %get3A_274 : vector<16xf32> to vector<16xf32>
      %mul3A_276 = arith.constant 3.000000e-01 : f32
      %mul3A_277 = vector.broadcast %mul3A_276 : f32 to vector<16xf32>
      %mul3A_278 = arith.mulf %mul3A_277, %get3A_275 : vector<16xf32>
      %add3A_279 = arith.addf %mul3A_272, %mul3A_278 : vector<16xf32>
      %swap3A_280 = arith.index_cast %add3A_266 : i32 to index
      %swap3A_281 = tpu.vector_load %arg10[%swap3A_280] {strides = array<i32>} : memref<20000xf32, #tpu.memory_space<vmem>>, vector<16xf32>,
      %swap3A_282 = vector.shape_cast %swap3A_281 : vector<16xf32> to vector<16xf32>
      %swap3A_283 = vector.shape_cast %add3A_279 : vector<16xf32> to vector<16xf32>
      tpu.vector_store %arg10[%swap3A_280], %swap3A_283 {strides = array<i32>} : memref<20000xf32, #tpu.memory_space<vmem>>, vector<16xf32>,
      %mul3A_284 = arith.constant 160 : i32
      %mul3A_285 = arith.muli %scan3A_222, %mul3A_284 : i32
      %add3A_286 = arith.constant 48 : i32
      %add3A_287 = arith.addi %mul3A_285, %add3A_286 : i32
      %get3A_288 = arith.index_cast %add3A_287 : i32 to index
      %get3A_289 = tpu.vector_load %arg8[%get3A_288] {strides = array<i32>} : memref<20000xf32, #tpu.memory_space<vmem>>, vector<16xf32>,
      %get3A_290 = vector.shape_cast %get3A_289 : vector<16xf32> to vector<16xf32>
      %mul3A_291 = arith.constant 0.699999988 : f32
      %mul3A_292 = vector.broadcast %mul3A_291 : f32 to vector<16xf32>
      %mul3A_293 = arith.mulf %mul3A_292, %get3A_290 : vector<16xf32>
      %get3A_294 = arith.index_cast %add3A_287 : i32 to index
      %get3A_295 = tpu.vector_load %arg9[%get3A_294] {strides = array<i32>} : memref<20000xf32, #tpu.memory_space<vmem>>, vector<16xf32>,
      %get3A_296 = vector.shape_cast %get3A_295 : vector<16xf32> to vector<16xf32>
      %mul3A_297 = arith.constant 3.000000e-01 : f32
      %mul3A_298 = vector.broadcast %mul3A_297 : f32 to vector<16xf32>
      %mul3A_299 = arith.mulf %mul3A_298, %get3A_296 : vector<16xf32>
      %add3A_300 = arith.addf %mul3A_293, %mul3A_299 : vector<16xf32>
      %swap3A_301 = arith.index_cast %add3A_287 : i32 to index
      %swap3A_302 = tpu.vector_load %arg10[%swap3A_301] {strides = array<i32>} : memref<20000xf32, #tpu.memory_space<vmem>>, vector<16xf32>,
      %swap3A_303 = vector.shape_cast %swap3A_302 : vector<16xf32> to vector<16xf32>
      %swap3A_304 = vector.shape_cast %add3A_300 : vector<16xf32> to vector<16xf32>
      tpu.vector_store %arg10[%swap3A_301], %swap3A_304 {strides = array<i32>} : memref<20000xf32, #tpu.memory_space<vmem>>, vector<16xf32>,
      %mul3A_305 = arith.constant 160 : i32
      %mul3A_306 = arith.muli %scan3A_222, %mul3A_305 : i32
      %add3A_307 = arith.constant 64 : i32
      %add3A_308 = arith.addi %mul3A_306, %add3A_307 : i32
      %get3A_309 = arith.index_cast %add3A_308 : i32 to index
      %get3A_310 = tpu.vector_load %arg8[%get3A_309] {strides = array<i32>} : memref<20000xf32, #tpu.memory_space<vmem>>, vector<16xf32>,
      %get3A_311 = vector.shape_cast %get3A_310 : vector<16xf32> to vector<16xf32>
      %mul3A_312 = arith.constant 0.699999988 : f32
      %mul3A_313 = vector.broadcast %mul3A_312 : f32 to vector<16xf32>
      %mul3A_314 = arith.mulf %mul3A_313, %get3A_311 : vector<16xf32>
      %get3A_315 = arith.index_cast %add3A_308 : i32 to index
      %get3A_316 = tpu.vector_load %arg9[%get3A_315] {strides = array<i32>} : memref<20000xf32, #tpu.memory_space<vmem>>, vector<16xf32>,
      %get3A_317 = vector.shape_cast %get3A_316 : vector<16xf32> to vector<16xf32>
      %mul3A_318 = arith.constant 3.000000e-01 : f32
      %mul3A_319 = vector.broadcast %mul3A_318 : f32 to vector<16xf32>
      %mul3A_320 = arith.mulf %mul3A_319, %get3A_317 : vector<16xf32>
      %add3A_321 = arith.addf %mul3A_314, %mul3A_320 : vector<16xf32>
      %swap3A_322 = arith.index_cast %add3A_308 : i32 to index
      %swap3A_323 = tpu.vector_load %arg10[%swap3A_322] {strides = array<i32>} : memref<20000xf32, #tpu.memory_space<vmem>>, vector<16xf32>,
      %swap3A_324 = vector.shape_cast %swap3A_323 : vector<16xf32> to vector<16xf32>
      %swap3A_325 = vector.shape_cast %add3A_321 : vector<16xf32> to vector<16xf32>
      tpu.vector_store %arg10[%swap3A_322], %swap3A_325 {strides = array<i32>} : memref<20000xf32, #tpu.memory_space<vmem>>, vector<16xf32>,
      %mul3A_326 = arith.constant 160 : i32
      %mul3A_327 = arith.muli %scan3A_222, %mul3A_326 : i32
      %add3A_328 = arith.constant 80 : i32
      %add3A_329 = arith.addi %mul3A_327, %add3A_328 : i32
      %get3A_330 = arith.index_cast %add3A_329 : i32 to index
      %get3A_331 = tpu.vector_load %arg8[%get3A_330] {strides = array<i32>} : memref<20000xf32, #tpu.memory_space<vmem>>, vector<16xf32>,
      %get3A_332 = vector.shape_cast %get3A_331 : vector<16xf32> to vector<16xf32>
      %mul3A_333 = arith.constant 0.699999988 : f32
      %mul3A_334 = vector.broadcast %mul3A_333 : f32 to vector<16xf32>
      %mul3A_335 = arith.mulf %mul3A_334, %get3A_332 : vector<16xf32>
      %get3A_336 = arith.index_cast %add3A_329 : i32 to index
      %get3A_337 = tpu.vector_load %arg9[%get3A_336] {strides = array<i32>} : memref<20000xf32, #tpu.memory_space<vmem>>, vector<16xf32>,
      %get3A_338 = vector.shape_cast %get3A_337 : vector<16xf32> to vector<16xf32>
      %mul3A_339 = arith.constant 3.000000e-01 : f32
      %mul3A_340 = vector.broadcast %mul3A_339 : f32 to vector<16xf32>
      %mul3A_341 = arith.mulf %mul3A_340, %get3A_338 : vector<16xf32>
      %add3A_342 = arith.addf %mul3A_335, %mul3A_341 : vector<16xf32>
      %swap3A_343 = arith.index_cast %add3A_329 : i32 to index
      %swap3A_344 = tpu.vector_load %arg10[%swap3A_343] {strides = array<i32>} : memref<20000xf32, #tpu.memory_space<vmem>>, vector<16xf32>,
      %swap3A_345 = vector.shape_cast %swap3A_344 : vector<16xf32> to vector<16xf32>
      %swap3A_346 = vector.shape_cast %add3A_342 : vector<16xf32> to vector<16xf32>
      tpu.vector_store %arg10[%swap3A_343], %swap3A_346 {strides = array<i32>} : memref<20000xf32, #tpu.memory_space<vmem>>, vector<16xf32>,
      %mul3A_347 = arith.constant 160 : i32
      %mul3A_348 = arith.muli %scan3A_222, %mul3A_347 : i32
      %add3A_349 = arith.constant 96 : i32
      %add3A_350 = arith.addi %mul3A_348, %add3A_349 : i32
      %get3A_351 = arith.index_cast %add3A_350 : i32 to index
      %get3A_352 = tpu.vector_load %arg8[%get3A_351] {strides = array<i32>} : memref<20000xf32, #tpu.memory_space<vmem>>, vector<16xf32>,
      %get3A_353 = vector.shape_cast %get3A_352 : vector<16xf32> to vector<16xf32>
      %mul3A_354 = arith.constant 0.699999988 : f32
      %mul3A_355 = vector.broadcast %mul3A_354 : f32 to vector<16xf32>
      %mul3A_356 = arith.mulf %mul3A_355, %get3A_353 : vector<16xf32>
      %get3A_357 = arith.index_cast %add3A_350 : i32 to index
      %get3A_358 = tpu.vector_load %arg9[%get3A_357] {strides = array<i32>} : memref<20000xf32, #tpu.memory_space<vmem>>, vector<16xf32>,
      %get3A_359 = vector.shape_cast %get3A_358 : vector<16xf32> to vector<16xf32>
      %mul3A_360 = arith.constant 3.000000e-01 : f32
      %mul3A_361 = vector.broadcast %mul3A_360 : f32 to vector<16xf32>
      %mul3A_362 = arith.mulf %mul3A_361, %get3A_359 : vector<16xf32>
      %add3A_363 = arith.addf %mul3A_356, %mul3A_362 : vector<16xf32>
      %swap3A_364 = arith.index_cast %add3A_350 : i32 to index
      %swap3A_365 = tpu.vector_load %arg10[%swap3A_364] {strides = array<i32>} : memref<20000xf32, #tpu.memory_space<vmem>>, vector<16xf32>,
      %swap3A_366 = vector.shape_cast %swap3A_365 : vector<16xf32> to vector<16xf32>
      %swap3A_367 = vector.shape_cast %add3A_363 : vector<16xf32> to vector<16xf32>
      tpu.vector_store %arg10[%swap3A_364], %swap3A_367 {strides = array<i32>} : memref<20000xf32, #tpu.memory_space<vmem>>, vector<16xf32>,
      %mul3A_368 = arith.constant 160 : i32
      %mul3A_369 = arith.muli %scan3A_222, %mul3A_368 : i32
      %add3A_370 = arith.constant 112 : i32
      %add3A_371 = arith.addi %mul3A_369, %add3A_370 : i32
      %get3A_372 = arith.index_cast %add3A_371 : i32 to index
      %get3A_373 = tpu.vector_load %arg8[%get3A_372] {strides = array<i32>} : memref<20000xf32, #tpu.memory_space<vmem>>, vector<16xf32>,
      %get3A_374 = vector.shape_cast %get3A_373 : vector<16xf32> to vector<16xf32>
      %mul3A_375 = arith.constant 0.699999988 : f32
      %mul3A_376 = vector.broadcast %mul3A_375 : f32 to vector<16xf32>
      %mul3A_377 = arith.mulf %mul3A_376, %get3A_374 : vector<16xf32>
      %get3A_378 = arith.index_cast %add3A_371 : i32 to index
      %get3A_379 = tpu.vector_load %arg9[%get3A_378] {strides = array<i32>} : memref<20000xf32, #tpu.memory_space<vmem>>, vector<16xf32>,
      %get3A_380 = vector.shape_cast %get3A_379 : vector<16xf32> to vector<16xf32>
      %mul3A_381 = arith.constant 3.000000e-01 : f32
      %mul3A_382 = vector.broadcast %mul3A_381 : f32 to vector<16xf32>
      %mul3A_383 = arith.mulf %mul3A_382, %get3A_380 : vector<16xf32>
      %add3A_384 = arith.addf %mul3A_377, %mul3A_383 : vector<16xf32>
      %swap3A_385 = arith.index_cast %add3A_371 : i32 to index
      %swap3A_386 = tpu.vector_load %arg10[%swap3A_385] {strides = array<i32>} : memref<20000xf32, #tpu.memory_space<vmem>>, vector<16xf32>,
      %swap3A_387 = vector.shape_cast %swap3A_386 : vector<16xf32> to vector<16xf32>
      %swap3A_388 = vector.shape_cast %add3A_384 : vector<16xf32> to vector<16xf32>
      tpu.vector_store %arg10[%swap3A_385], %swap3A_388 {strides = array<i32>} : memref<20000xf32, #tpu.memory_space<vmem>>, vector<16xf32>,
      %mul3A_389 = arith.constant 160 : i32
      %mul3A_390 = arith.muli %scan3A_222, %mul3A_389 : i32
      %add3A_391 = arith.constant 128 : i32
      %add3A_392 = arith.addi %mul3A_390, %add3A_391 : i32
      %get3A_393 = arith.index_cast %add3A_392 : i32 to index
      %get3A_394 = tpu.vector_load %arg8[%get3A_393] {strides = array<i32>} : memref<20000xf32, #tpu.memory_space<vmem>>, vector<16xf32>,
      %get3A_395 = vector.shape_cast %get3A_394 : vector<16xf32> to vector<16xf32>
      %mul3A_396 = arith.constant 0.699999988 : f32
      %mul3A_397 = vector.broadcast %mul3A_396 : f32 to vector<16xf32>
      %mul3A_398 = arith.mulf %mul3A_397, %get3A_395 : vector<16xf32>
      %get3A_399 = arith.index_cast %add3A_392 : i32 to index
      %get3A_400 = tpu.vector_load %arg9[%get3A_399] {strides = array<i32>} : memref<20000xf32, #tpu.memory_space<vmem>>, vector<16xf32>,
      %get3A_401 = vector.shape_cast %get3A_400 : vector<16xf32> to vector<16xf32>
      %mul3A_402 = arith.constant 3.000000e-01 : f32
      %mul3A_403 = vector.broadcast %mul3A_402 : f32 to vector<16xf32>
      %mul3A_404 = arith.mulf %mul3A_403, %get3A_401 : vector<16xf32>
      %add3A_405 = arith.addf %mul3A_398, %mul3A_404 : vector<16xf32>
      %swap3A_406 = arith.index_cast %add3A_392 : i32 to index
      %swap3A_407 = tpu.vector_load %arg10[%swap3A_406] {strides = array<i32>} : memref<20000xf32, #tpu.memory_space<vmem>>, vector<16xf32>,
      %swap3A_408 = vector.shape_cast %swap3A_407 : vector<16xf32> to vector<16xf32>
      %swap3A_409 = vector.shape_cast %add3A_405 : vector<16xf32> to vector<16xf32>
      tpu.vector_store %arg10[%swap3A_406], %swap3A_409 {strides = array<i32>} : memref<20000xf32, #tpu.memory_space<vmem>>, vector<16xf32>,
      %mul3A_410 = arith.constant 160 : i32
      %mul3A_411 = arith.muli %scan3A_222, %mul3A_410 : i32
      %add3A_412 = arith.constant 144 : i32
      %add3A_413 = arith.addi %mul3A_411, %add3A_412 : i32
      %get3A_414 = arith.index_cast %add3A_413 : i32 to index
      %get3A_415 = tpu.vector_load %arg8[%get3A_414] {strides = array<i32>} : memref<20000xf32, #tpu.memory_space<vmem>>, vector<16xf32>,
      %get3A_416 = vector.shape_cast %get3A_415 : vector<16xf32> to vector<16xf32>
      %mul3A_417 = arith.constant 0.699999988 : f32
      %mul3A_418 = vector.broadcast %mul3A_417 : f32 to vector<16xf32>
      %mul3A_419 = arith.mulf %mul3A_418, %get3A_416 : vector<16xf32>
      %get3A_420 = arith.index_cast %add3A_413 : i32 to index
      %get3A_421 = tpu.vector_load %arg9[%get3A_420] {strides = array<i32>} : memref<20000xf32, #tpu.memory_space<vmem>>, vector<16xf32>,
      %get3A_422 = vector.shape_cast %get3A_421 : vector<16xf32> to vector<16xf32>
      %mul3A_423 = arith.constant 3.000000e-01 : f32
      %mul3A_424 = vector.broadcast %mul3A_423 : f32 to vector<16xf32>
      %mul3A_425 = arith.mulf %mul3A_424, %get3A_422 : vector<16xf32>
      %add3A_426 = arith.addf %mul3A_419, %mul3A_425 : vector<16xf32>
      %swap3A_427 = arith.index_cast %add3A_413 : i32 to index
      %swap3A_428 = tpu.vector_load %arg10[%swap3A_427] {strides = array<i32>} : memref<20000xf32, #tpu.memory_space<vmem>>, vector<16xf32>,
      %swap3A_429 = vector.shape_cast %swap3A_428 : vector<16xf32> to vector<16xf32>
      %swap3A_430 = vector.shape_cast %add3A_426 : vector<16xf32> to vector<16xf32>
      tpu.vector_store %arg10[%swap3A_427], %swap3A_430 {strides = array<i32>} : memref<20000xf32, #tpu.memory_space<vmem>>, vector<16xf32>,
    }
    %scan3A_131 = arith.constant 125 : i32
    %add3A_132 = arith.constant 100000 : i32
    %add3A_133 = arith.addi %add3A_4, %add3A_132 : i32
    %dma_start3A_134 = tpu.memref_slice %arg4[%add3A_133] : memref<12800000xf32, #tpu.memory_space<hbm>> -> memref<20000xf32, #tpu.memory_space<hbm>>
    %dma_start3A_135 = tpu.memref_slice %arg4[%add3A_133] : memref<12800000xf32, #tpu.memory_space<hbm>> -> memref<20000xf32, #tpu.memory_space<hbm>>
    tpu.enqueue_dma source(%arg10 : memref<20000xf32, #tpu.memory_space<vmem>>) target(%dma_start3A_135 : memref<20000xf32, #tpu.memory_space<hbm>>) target_semaphore(%arg14 : memref<!tpu.dma_semaphore, #tpu.memory_space<semaphore_mem>>)
    %add3A_136 = arith.constant 140000 : i32
    %add3A_137 = arith.addi %add3A_4, %add3A_136 : i32
    %dma_start3A_138 = tpu.memref_slice %arg2[%add3A_137] : memref<12800000xf32, #tpu.memory_space<hbm>> -> memref<20000xf32, #tpu.memory_space<hbm>>
    %dma_start3A_139 = tpu.memref_slice %arg2[%add3A_137] : memref<12800000xf32, #tpu.memory_space<hbm>> -> memref<20000xf32, #tpu.memory_space<hbm>>
    tpu.enqueue_dma source(%dma_start3A_139 : memref<20000xf32, #tpu.memory_space<hbm>>) target(%arg8 : memref<20000xf32, #tpu.memory_space<vmem>>) target_semaphore(%arg12 : memref<!tpu.dma_semaphore, #tpu.memory_space<semaphore_mem>>)
    %dma_start3A_140 = tpu.memref_slice %arg3[%add3A_137] : memref<12800000xf32, #tpu.memory_space<hbm>> -> memref<20000xf32, #tpu.memory_space<hbm>>
    %dma_start3A_141 = tpu.memref_slice %arg3[%add3A_137] : memref<12800000xf32, #tpu.memory_space<hbm>> -> memref<20000xf32, #tpu.memory_space<hbm>>
    tpu.enqueue_dma source(%dma_start3A_141 : memref<20000xf32, #tpu.memory_space<hbm>>) target(%arg9 : memref<20000xf32, #tpu.memory_space<vmem>>) target_semaphore(%arg12 : memref<!tpu.dma_semaphore, #tpu.memory_space<semaphore_mem>>)
    %dma_wait3A_142 = tpu.memref_slice %arg2[%add3A_115] : memref<12800000xf32, #tpu.memory_space<hbm>> -> memref<20000xf32, #tpu.memory_space<hbm>>
    %dma_wait3A_143 = tpu.memref_slice %arg2[%add3A_115] : memref<12800000xf32, #tpu.memory_space<hbm>> -> memref<20000xf32, #tpu.memory_space<hbm>>
    tpu.wait_dma2 semaphore(%arg11 : memref<!tpu.dma_semaphore, #tpu.memory_space<semaphore_mem>>) src(%dma_wait3A_143 : memref<20000xf32, #tpu.memory_space<hbm>>) dst(%arg5 : memref<20000xf32, #tpu.memory_space<vmem>>)
    %dma_wait3A_144 = tpu.memref_slice %arg3[%add3A_115] : memref<12800000xf32, #tpu.memory_space<hbm>> -> memref<20000xf32, #tpu.memory_space<hbm>>
    %dma_wait3A_145 = tpu.memref_slice %arg3[%add3A_115] : memref<12800000xf32, #tpu.memory_space<hbm>> -> memref<20000xf32, #tpu.memory_space<hbm>>
    tpu.wait_dma2 semaphore(%arg11 : memref<!tpu.dma_semaphore, #tpu.memory_space<semaphore_mem>>) src(%dma_wait3A_145 : memref<20000xf32, #tpu.memory_space<hbm>>) dst(%arg6 : memref<20000xf32, #tpu.memory_space<vmem>>)
    %dma_wait3A_146 = tpu.memref_slice %arg4[%add3A_111] : memref<12800000xf32, #tpu.memory_space<hbm>> -> memref<20000xf32, #tpu.memory_space<hbm>>
    %dma_wait3A_147 = tpu.memref_slice %arg4[%add3A_111] : memref<12800000xf32, #tpu.memory_space<hbm>> -> memref<20000xf32, #tpu.memory_space<hbm>>
    tpu.wait_dma2 semaphore(%arg13 : memref<!tpu.dma_semaphore, #tpu.memory_space<semaphore_mem>>) src(%arg7 : memref<20000xf32, #tpu.memory_space<vmem>>) dst(%dma_wait3A_147 : memref<20000xf32, #tpu.memory_space<hbm>>)
    %scan3A_148 = arith.constant 0 : i32
    %scan3A_149 = arith.constant 0 : i32
    %scan3A_150 = arith.constant 125 : i32
    %scan3A_151 = arith.addi %scan3A_149, %scan3A_150 : i32
    %scan3A_152 = arith.constant 1 : i32
    scf.for %scan3A_222 = %scan3A_149 to %scan3A_151 step %scan3A_152  : i32 {
      %mul3A_223 = arith.constant 160 : i32
      %mul3A_224 = arith.muli %scan3A_222, %mul3A_223 : i32
      %add3A_225 = arith.constant 0 : i32
      %add3A_226 = arith.addi %mul3A_224, %add3A_225 : i32
      %get3A = arith.index_cast %add3A_226 : i32 to index
      %get3A_227 = tpu.vector_load %arg5[%get3A] {strides = array<i32>} : memref<20000xf32, #tpu.memory_space<vmem>>, vector<16xf32>,
      %get3A_228 = vector.shape_cast %get3A_227 : vector<16xf32> to vector<16xf32>
      %mul3A_229 = arith.constant 0.699999988 : f32
      %mul3A_230 = vector.broadcast %mul3A_229 : f32 to vector<16xf32>
      %mul3A_231 = arith.mulf %mul3A_230, %get3A_228 : vector<16xf32>
      %get3A_232 = arith.index_cast %add3A_226 : i32 to index
      %get3A_233 = tpu.vector_load %arg6[%get3A_232] {strides = array<i32>} : memref<20000xf32, #tpu.memory_space<vmem>>, vector<16xf32>,
      %get3A_234 = vector.shape_cast %get3A_233 : vector<16xf32> to vector<16xf32>
      %mul3A_235 = arith.constant 3.000000e-01 : f32
      %mul3A_236 = vector.broadcast %mul3A_235 : f32 to vector<16xf32>
      %mul3A_237 = arith.mulf %mul3A_236, %get3A_234 : vector<16xf32>
      %add3A_238 = arith.addf %mul3A_231, %mul3A_237 : vector<16xf32>
      %swap3A = arith.index_cast %add3A_226 : i32 to index
      %swap3A_239 = tpu.vector_load %arg7[%swap3A] {strides = array<i32>} : memref<20000xf32, #tpu.memory_space<vmem>>, vector<16xf32>,
      %swap3A_240 = vector.shape_cast %swap3A_239 : vector<16xf32> to vector<16xf32>
      %swap3A_241 = vector.shape_cast %add3A_238 : vector<16xf32> to vector<16xf32>
      tpu.vector_store %arg7[%swap3A], %swap3A_241 {strides = array<i32>} : memref<20000xf32, #tpu.memory_space<vmem>>, vector<16xf32>,
      %mul3A_242 = arith.constant 160 : i32
      %mul3A_243 = arith.muli %scan3A_222, %mul3A_242 : i32
      %add3A_244 = arith.constant 16 : i32
      %add3A_245 = arith.addi %mul3A_243, %add3A_244 : i32
      %get3A_246 = arith.index_cast %add3A_245 : i32 to index
      %get3A_247 = tpu.vector_load %arg5[%get3A_246] {strides = array<i32>} : memref<20000xf32, #tpu.memory_space<vmem>>, vector<16xf32>,
      %get3A_248 = vector.shape_cast %get3A_247 : vector<16xf32> to vector<16xf32>
      %mul3A_249 = arith.constant 0.699999988 : f32
      %mul3A_250 = vector.broadcast %mul3A_249 : f32 to vector<16xf32>
      %mul3A_251 = arith.mulf %mul3A_250, %get3A_248 : vector<16xf32>
      %get3A_252 = arith.index_cast %add3A_245 : i32 to index
      %get3A_253 = tpu.vector_load %arg6[%get3A_252] {strides = array<i32>} : memref<20000xf32, #tpu.memory_space<vmem>>, vector<16xf32>,
      %get3A_254 = vector.shape_cast %get3A_253 : vector<16xf32> to vector<16xf32>
      %mul3A_255 = arith.constant 3.000000e-01 : f32
      %mul3A_256 = vector.broadcast %mul3A_255 : f32 to vector<16xf32>
      %mul3A_257 = arith.mulf %mul3A_256, %get3A_254 : vector<16xf32>
      %add3A_258 = arith.addf %mul3A_251, %mul3A_257 : vector<16xf32>
      %swap3A_259 = arith.index_cast %add3A_245 : i32 to index
      %swap3A_260 = tpu.vector_load %arg7[%swap3A_259] {strides = array<i32>} : memref<20000xf32, #tpu.memory_space<vmem>>, vector<16xf32>,
      %swap3A_261 = vector.shape_cast %swap3A_260 : vector<16xf32> to vector<16xf32>
      %swap3A_262 = vector.shape_cast %add3A_258 : vector<16xf32> to vector<16xf32>
      tpu.vector_store %arg7[%swap3A_259], %swap3A_262 {strides = array<i32>} : memref<20000xf32, #tpu.memory_space<vmem>>, vector<16xf32>,
      %mul3A_263 = arith.constant 160 : i32
      %mul3A_264 = arith.muli %scan3A_222, %mul3A_263 : i32
      %add3A_265 = arith.constant 32 : i32
      %add3A_266 = arith.addi %mul3A_264, %add3A_265 : i32
      %get3A_267 = arith.index_cast %add3A_266 : i32 to index
      %get3A_268 = tpu.vector_load %arg5[%get3A_267] {strides = array<i32>} : memref<20000xf32, #tpu.memory_space<vmem>>, vector<16xf32>,
      %get3A_269 = vector.shape_cast %get3A_268 : vector<16xf32> to vector<16xf32>
      %mul3A_270 = arith.constant 0.699999988 : f32
      %mul3A_271 = vector.broadcast %mul3A_270 : f32 to vector<16xf32>
      %mul3A_272 = arith.mulf %mul3A_271, %get3A_269 : vector<16xf32>
      %get3A_273 = arith.index_cast %add3A_266 : i32 to index
      %get3A_274 = tpu.vector_load %arg6[%get3A_273] {strides = array<i32>} : memref<20000xf32, #tpu.memory_space<vmem>>, vector<16xf32>,
      %get3A_275 = vector.shape_cast %get3A_274 : vector<16xf32> to vector<16xf32>
      %mul3A_276 = arith.constant 3.000000e-01 : f32
      %mul3A_277 = vector.broadcast %mul3A_276 : f32 to vector<16xf32>
      %mul3A_278 = arith.mulf %mul3A_277, %get3A_275 : vector<16xf32>
      %add3A_279 = arith.addf %mul3A_272, %mul3A_278 : vector<16xf32>
      %swap3A_280 = arith.index_cast %add3A_266 : i32 to index
      %swap3A_281 = tpu.vector_load %arg7[%swap3A_280] {strides = array<i32>} : memref<20000xf32, #tpu.memory_space<vmem>>, vector<16xf32>,
      %swap3A_282 = vector.shape_cast %swap3A_281 : vector<16xf32> to vector<16xf32>
      %swap3A_283 = vector.shape_cast %add3A_279 : vector<16xf32> to vector<16xf32>
      tpu.vector_store %arg7[%swap3A_280], %swap3A_283 {strides = array<i32>} : memref<20000xf32, #tpu.memory_space<vmem>>, vector<16xf32>,
      %mul3A_284 = arith.constant 160 : i32
      %mul3A_285 = arith.muli %scan3A_222, %mul3A_284 : i32
      %add3A_286 = arith.constant 48 : i32
      %add3A_287 = arith.addi %mul3A_285, %add3A_286 : i32
      %get3A_288 = arith.index_cast %add3A_287 : i32 to index
      %get3A_289 = tpu.vector_load %arg5[%get3A_288] {strides = array<i32>} : memref<20000xf32, #tpu.memory_space<vmem>>, vector<16xf32>,
      %get3A_290 = vector.shape_cast %get3A_289 : vector<16xf32> to vector<16xf32>
      %mul3A_291 = arith.constant 0.699999988 : f32
      %mul3A_292 = vector.broadcast %mul3A_291 : f32 to vector<16xf32>
      %mul3A_293 = arith.mulf %mul3A_292, %get3A_290 : vector<16xf32>
      %get3A_294 = arith.index_cast %add3A_287 : i32 to index
      %get3A_295 = tpu.vector_load %arg6[%get3A_294] {strides = array<i32>} : memref<20000xf32, #tpu.memory_space<vmem>>, vector<16xf32>,
      %get3A_296 = vector.shape_cast %get3A_295 : vector<16xf32> to vector<16xf32>
      %mul3A_297 = arith.constant 3.000000e-01 : f32
      %mul3A_298 = vector.broadcast %mul3A_297 : f32 to vector<16xf32>
      %mul3A_299 = arith.mulf %mul3A_298, %get3A_296 : vector<16xf32>
      %add3A_300 = arith.addf %mul3A_293, %mul3A_299 : vector<16xf32>
      %swap3A_301 = arith.index_cast %add3A_287 : i32 to index
      %swap3A_302 = tpu.vector_load %arg7[%swap3A_301] {strides = array<i32>} : memref<20000xf32, #tpu.memory_space<vmem>>, vector<16xf32>,
      %swap3A_303 = vector.shape_cast %swap3A_302 : vector<16xf32> to vector<16xf32>
      %swap3A_304 = vector.shape_cast %add3A_300 : vector<16xf32> to vector<16xf32>
      tpu.vector_store %arg7[%swap3A_301], %swap3A_304 {strides = array<i32>} : memref<20000xf32, #tpu.memory_space<vmem>>, vector<16xf32>,
      %mul3A_305 = arith.constant 160 : i32
      %mul3A_306 = arith.muli %scan3A_222, %mul3A_305 : i32
      %add3A_307 = arith.constant 64 : i32
      %add3A_308 = arith.addi %mul3A_306, %add3A_307 : i32
      %get3A_309 = arith.index_cast %add3A_308 : i32 to index
      %get3A_310 = tpu.vector_load %arg5[%get3A_309] {strides = array<i32>} : memref<20000xf32, #tpu.memory_space<vmem>>, vector<16xf32>,
      %get3A_311 = vector.shape_cast %get3A_310 : vector<16xf32> to vector<16xf32>
      %mul3A_312 = arith.constant 0.699999988 : f32
      %mul3A_313 = vector.broadcast %mul3A_312 : f32 to vector<16xf32>
      %mul3A_314 = arith.mulf %mul3A_313, %get3A_311 : vector<16xf32>
      %get3A_315 = arith.index_cast %add3A_308 : i32 to index
      %get3A_316 = tpu.vector_load %arg6[%get3A_315] {strides = array<i32>} : memref<20000xf32, #tpu.memory_space<vmem>>, vector<16xf32>,
      %get3A_317 = vector.shape_cast %get3A_316 : vector<16xf32> to vector<16xf32>
      %mul3A_318 = arith.constant 3.000000e-01 : f32
      %mul3A_319 = vector.broadcast %mul3A_318 : f32 to vector<16xf32>
      %mul3A_320 = arith.mulf %mul3A_319, %get3A_317 : vector<16xf32>
      %add3A_321 = arith.addf %mul3A_314, %mul3A_320 : vector<16xf32>
      %swap3A_322 = arith.index_cast %add3A_308 : i32 to index
      %swap3A_323 = tpu.vector_load %arg7[%swap3A_322] {strides = array<i32>} : memref<20000xf32, #tpu.memory_space<vmem>>, vector<16xf32>,
      %swap3A_324 = vector.shape_cast %swap3A_323 : vector<16xf32> to vector<16xf32>
      %swap3A_325 = vector.shape_cast %add3A_321 : vector<16xf32> to vector<16xf32>
      tpu.vector_store %arg7[%swap3A_322], %swap3A_325 {strides = array<i32>} : memref<20000xf32, #tpu.memory_space<vmem>>, vector<16xf32>,
      %mul3A_326 = arith.constant 160 : i32
      %mul3A_327 = arith.muli %scan3A_222, %mul3A_326 : i32
      %add3A_328 = arith.constant 80 : i32
      %add3A_329 = arith.addi %mul3A_327, %add3A_328 : i32
      %get3A_330 = arith.index_cast %add3A_329 : i32 to index
      %get3A_331 = tpu.vector_load %arg5[%get3A_330] {strides = array<i32>} : memref<20000xf32, #tpu.memory_space<vmem>>, vector<16xf32>,
      %get3A_332 = vector.shape_cast %get3A_331 : vector<16xf32> to vector<16xf32>
      %mul3A_333 = arith.constant 0.699999988 : f32
      %mul3A_334 = vector.broadcast %mul3A_333 : f32 to vector<16xf32>
      %mul3A_335 = arith.mulf %mul3A_334, %get3A_332 : vector<16xf32>
      %get3A_336 = arith.index_cast %add3A_329 : i32 to index
      %get3A_337 = tpu.vector_load %arg6[%get3A_336] {strides = array<i32>} : memref<20000xf32, #tpu.memory_space<vmem>>, vector<16xf32>,
      %get3A_338 = vector.shape_cast %get3A_337 : vector<16xf32> to vector<16xf32>
      %mul3A_339 = arith.constant 3.000000e-01 : f32
      %mul3A_340 = vector.broadcast %mul3A_339 : f32 to vector<16xf32>
      %mul3A_341 = arith.mulf %mul3A_340, %get3A_338 : vector<16xf32>
      %add3A_342 = arith.addf %mul3A_335, %mul3A_341 : vector<16xf32>
      %swap3A_343 = arith.index_cast %add3A_329 : i32 to index
      %swap3A_344 = tpu.vector_load %arg7[%swap3A_343] {strides = array<i32>} : memref<20000xf32, #tpu.memory_space<vmem>>, vector<16xf32>,
      %swap3A_345 = vector.shape_cast %swap3A_344 : vector<16xf32> to vector<16xf32>
      %swap3A_346 = vector.shape_cast %add3A_342 : vector<16xf32> to vector<16xf32>
      tpu.vector_store %arg7[%swap3A_343], %swap3A_346 {strides = array<i32>} : memref<20000xf32, #tpu.memory_space<vmem>>, vector<16xf32>,
      %mul3A_347 = arith.constant 160 : i32
      %mul3A_348 = arith.muli %scan3A_222, %mul3A_347 : i32
      %add3A_349 = arith.constant 96 : i32
      %add3A_350 = arith.addi %mul3A_348, %add3A_349 : i32
      %get3A_351 = arith.index_cast %add3A_350 : i32 to index
      %get3A_352 = tpu.vector_load %arg5[%get3A_351] {strides = array<i32>} : memref<20000xf32, #tpu.memory_space<vmem>>, vector<16xf32>,
      %get3A_353 = vector.shape_cast %get3A_352 : vector<16xf32> to vector<16xf32>
      %mul3A_354 = arith.constant 0.699999988 : f32
      %mul3A_355 = vector.broadcast %mul3A_354 : f32 to vector<16xf32>
      %mul3A_356 = arith.mulf %mul3A_355, %get3A_353 : vector<16xf32>
      %get3A_357 = arith.index_cast %add3A_350 : i32 to index
      %get3A_358 = tpu.vector_load %arg6[%get3A_357] {strides = array<i32>} : memref<20000xf32, #tpu.memory_space<vmem>>, vector<16xf32>,
      %get3A_359 = vector.shape_cast %get3A_358 : vector<16xf32> to vector<16xf32>
      %mul3A_360 = arith.constant 3.000000e-01 : f32
      %mul3A_361 = vector.broadcast %mul3A_360 : f32 to vector<16xf32>
      %mul3A_362 = arith.mulf %mul3A_361, %get3A_359 : vector<16xf32>
      %add3A_363 = arith.addf %mul3A_356, %mul3A_362 : vector<16xf32>
      %swap3A_364 = arith.index_cast %add3A_350 : i32 to index
      %swap3A_365 = tpu.vector_load %arg7[%swap3A_364] {strides = array<i32>} : memref<20000xf32, #tpu.memory_space<vmem>>, vector<16xf32>,
      %swap3A_366 = vector.shape_cast %swap3A_365 : vector<16xf32> to vector<16xf32>
      %swap3A_367 = vector.shape_cast %add3A_363 : vector<16xf32> to vector<16xf32>
      tpu.vector_store %arg7[%swap3A_364], %swap3A_367 {strides = array<i32>} : memref<20000xf32, #tpu.memory_space<vmem>>, vector<16xf32>,
      %mul3A_368 = arith.constant 160 : i32
      %mul3A_369 = arith.muli %scan3A_222, %mul3A_368 : i32
      %add3A_370 = arith.constant 112 : i32
      %add3A_371 = arith.addi %mul3A_369, %add3A_370 : i32
      %get3A_372 = arith.index_cast %add3A_371 : i32 to index
      %get3A_373 = tpu.vector_load %arg5[%get3A_372] {strides = array<i32>} : memref<20000xf32, #tpu.memory_space<vmem>>, vector<16xf32>,
      %get3A_374 = vector.shape_cast %get3A_373 : vector<16xf32> to vector<16xf32>
      %mul3A_375 = arith.constant 0.699999988 : f32
      %mul3A_376 = vector.broadcast %mul3A_375 : f32 to vector<16xf32>
      %mul3A_377 = arith.mulf %mul3A_376, %get3A_374 : vector<16xf32>
      %get3A_378 = arith.index_cast %add3A_371 : i32 to index
      %get3A_379 = tpu.vector_load %arg6[%get3A_378] {strides = array<i32>} : memref<20000xf32, #tpu.memory_space<vmem>>, vector<16xf32>,
      %get3A_380 = vector.shape_cast %get3A_379 : vector<16xf32> to vector<16xf32>
      %mul3A_381 = arith.constant 3.000000e-01 : f32
      %mul3A_382 = vector.broadcast %mul3A_381 : f32 to vector<16xf32>
      %mul3A_383 = arith.mulf %mul3A_382, %get3A_380 : vector<16xf32>
      %add3A_384 = arith.addf %mul3A_377, %mul3A_383 : vector<16xf32>
      %swap3A_385 = arith.index_cast %add3A_371 : i32 to index
      %swap3A_386 = tpu.vector_load %arg7[%swap3A_385] {strides = array<i32>} : memref<20000xf32, #tpu.memory_space<vmem>>, vector<16xf32>,
      %swap3A_387 = vector.shape_cast %swap3A_386 : vector<16xf32> to vector<16xf32>
      %swap3A_388 = vector.shape_cast %add3A_384 : vector<16xf32> to vector<16xf32>
      tpu.vector_store %arg7[%swap3A_385], %swap3A_388 {strides = array<i32>} : memref<20000xf32, #tpu.memory_space<vmem>>, vector<16xf32>,
      %mul3A_389 = arith.constant 160 : i32
      %mul3A_390 = arith.muli %scan3A_222, %mul3A_389 : i32
      %add3A_391 = arith.constant 128 : i32
      %add3A_392 = arith.addi %mul3A_390, %add3A_391 : i32
      %get3A_393 = arith.index_cast %add3A_392 : i32 to index
      %get3A_394 = tpu.vector_load %arg5[%get3A_393] {strides = array<i32>} : memref<20000xf32, #tpu.memory_space<vmem>>, vector<16xf32>,
      %get3A_395 = vector.shape_cast %get3A_394 : vector<16xf32> to vector<16xf32>
      %mul3A_396 = arith.constant 0.699999988 : f32
      %mul3A_397 = vector.broadcast %mul3A_396 : f32 to vector<16xf32>
      %mul3A_398 = arith.mulf %mul3A_397, %get3A_395 : vector<16xf32>
      %get3A_399 = arith.index_cast %add3A_392 : i32 to index
      %get3A_400 = tpu.vector_load %arg6[%get3A_399] {strides = array<i32>} : memref<20000xf32, #tpu.memory_space<vmem>>, vector<16xf32>,
      %get3A_401 = vector.shape_cast %get3A_400 : vector<16xf32> to vector<16xf32>
      %mul3A_402 = arith.constant 3.000000e-01 : f32
      %mul3A_403 = vector.broadcast %mul3A_402 : f32 to vector<16xf32>
      %mul3A_404 = arith.mulf %mul3A_403, %get3A_401 : vector<16xf32>
      %add3A_405 = arith.addf %mul3A_398, %mul3A_404 : vector<16xf32>
      %swap3A_406 = arith.index_cast %add3A_392 : i32 to index
      %swap3A_407 = tpu.vector_load %arg7[%swap3A_406] {strides = array<i32>} : memref<20000xf32, #tpu.memory_space<vmem>>, vector<16xf32>,
      %swap3A_408 = vector.shape_cast %swap3A_407 : vector<16xf32> to vector<16xf32>
      %swap3A_409 = vector.shape_cast %add3A_405 : vector<16xf32> to vector<16xf32>
      tpu.vector_store %arg7[%swap3A_406], %swap3A_409 {strides = array<i32>} : memref<20000xf32, #tpu.memory_space<vmem>>, vector<16xf32>,
      %mul3A_410 = arith.constant 160 : i32
      %mul3A_411 = arith.muli %scan3A_222, %mul3A_410 : i32
      %add3A_412 = arith.constant 144 : i32
      %add3A_413 = arith.addi %mul3A_411, %add3A_412 : i32
      %get3A_414 = arith.index_cast %add3A_413 : i32 to index
      %get3A_415 = tpu.vector_load %arg5[%get3A_414] {strides = array<i32>} : memref<20000xf32, #tpu.memory_space<vmem>>, vector<16xf32>,
      %get3A_416 = vector.shape_cast %get3A_415 : vector<16xf32> to vector<16xf32>
      %mul3A_417 = arith.constant 0.699999988 : f32
      %mul3A_418 = vector.broadcast %mul3A_417 : f32 to vector<16xf32>
      %mul3A_419 = arith.mulf %mul3A_418, %get3A_416 : vector<16xf32>
      %get3A_420 = arith.index_cast %add3A_413 : i32 to index
      %get3A_421 = tpu.vector_load %arg6[%get3A_420] {strides = array<i32>} : memref<20000xf32, #tpu.memory_space<vmem>>, vector<16xf32>,
      %get3A_422 = vector.shape_cast %get3A_421 : vector<16xf32> to vector<16xf32>
      %mul3A_423 = arith.constant 3.000000e-01 : f32
      %mul3A_424 = vector.broadcast %mul3A_423 : f32 to vector<16xf32>
      %mul3A_425 = arith.mulf %mul3A_424, %get3A_422 : vector<16xf32>
      %add3A_426 = arith.addf %mul3A_419, %mul3A_425 : vector<16xf32>
      %swap3A_427 = arith.index_cast %add3A_413 : i32 to index
      %swap3A_428 = tpu.vector_load %arg7[%swap3A_427] {strides = array<i32>} : memref<20000xf32, #tpu.memory_space<vmem>>, vector<16xf32>,
      %swap3A_429 = vector.shape_cast %swap3A_428 : vector<16xf32> to vector<16xf32>
      %swap3A_430 = vector.shape_cast %add3A_426 : vector<16xf32> to vector<16xf32>
      tpu.vector_store %arg7[%swap3A_427], %swap3A_430 {strides = array<i32>} : memref<20000xf32, #tpu.memory_space<vmem>>, vector<16xf32>,
    }
    %scan3A_153 = arith.constant 125 : i32
    %add3A_154 = arith.constant 120000 : i32
    %add3A_155 = arith.addi %add3A_4, %add3A_154 : i32
    %dma_start3A_156 = tpu.memref_slice %arg4[%add3A_155] : memref<12800000xf32, #tpu.memory_space<hbm>> -> memref<20000xf32, #tpu.memory_space<hbm>>
    %dma_start3A_157 = tpu.memref_slice %arg4[%add3A_155] : memref<12800000xf32, #tpu.memory_space<hbm>> -> memref<20000xf32, #tpu.memory_space<hbm>>
    tpu.enqueue_dma source(%arg7 : memref<20000xf32, #tpu.memory_space<vmem>>) target(%dma_start3A_157 : memref<20000xf32, #tpu.memory_space<hbm>>) target_semaphore(%arg13 : memref<!tpu.dma_semaphore, #tpu.memory_space<semaphore_mem>>)
    %add3A_158 = arith.constant 160000 : i32
    %add3A_159 = arith.addi %add3A_4, %add3A_158 : i32
    %dma_start3A_160 = tpu.memref_slice %arg2[%add3A_159] : memref<12800000xf32, #tpu.memory_space<hbm>> -> memref<20000xf32, #tpu.memory_space<hbm>>
    %dma_start3A_161 = tpu.memref_slice %arg2[%add3A_159] : memref<12800000xf32, #tpu.memory_space<hbm>> -> memref<20000xf32, #tpu.memory_space<hbm>>
    tpu.enqueue_dma source(%dma_start3A_161 : memref<20000xf32, #tpu.memory_space<hbm>>) target(%arg5 : memref<20000xf32, #tpu.memory_space<vmem>>) target_semaphore(%arg11 : memref<!tpu.dma_semaphore, #tpu.memory_space<semaphore_mem>>)
    %dma_start3A_162 = tpu.memref_slice %arg3[%add3A_159] : memref<12800000xf32, #tpu.memory_space<hbm>> -> memref<20000xf32, #tpu.memory_space<hbm>>
    %dma_start3A_163 = tpu.memref_slice %arg3[%add3A_159] : memref<12800000xf32, #tpu.memory_space<hbm>> -> memref<20000xf32, #tpu.memory_space<hbm>>
    tpu.enqueue_dma source(%dma_start3A_163 : memref<20000xf32, #tpu.memory_space<hbm>>) target(%arg6 : memref<20000xf32, #tpu.memory_space<vmem>>) target_semaphore(%arg11 : memref<!tpu.dma_semaphore, #tpu.memory_space<semaphore_mem>>)
    %dma_wait3A_164 = tpu.memref_slice %arg2[%add3A_137] : memref<12800000xf32, #tpu.memory_space<hbm>> -> memref<20000xf32, #tpu.memory_space<hbm>>
    %dma_wait3A_165 = tpu.memref_slice %arg2[%add3A_137] : memref<12800000xf32, #tpu.memory_space<hbm>> -> memref<20000xf32, #tpu.memory_space<hbm>>
    tpu.wait_dma2 semaphore(%arg12 : memref<!tpu.dma_semaphore, #tpu.memory_space<semaphore_mem>>) src(%dma_wait3A_165 : memref<20000xf32, #tpu.memory_space<hbm>>) dst(%arg8 : memref<20000xf32, #tpu.memory_space<vmem>>)
    %dma_wait3A_166 = tpu.memref_slice %arg3[%add3A_137] : memref<12800000xf32, #tpu.memory_space<hbm>> -> memref<20000xf32, #tpu.memory_space<hbm>>
    %dma_wait3A_167 = tpu.memref_slice %arg3[%add3A_137] : memref<12800000xf32, #tpu.memory_space<hbm>> -> memref<20000xf32, #tpu.memory_space<hbm>>
    tpu.wait_dma2 semaphore(%arg12 : memref<!tpu.dma_semaphore, #tpu.memory_space<semaphore_mem>>) src(%dma_wait3A_167 : memref<20000xf32, #tpu.memory_space<hbm>>) dst(%arg9 : memref<20000xf32, #tpu.memory_space<vmem>>)
    %dma_wait3A_168 = tpu.memref_slice %arg4[%add3A_133] : memref<12800000xf32, #tpu.memory_space<hbm>> -> memref<20000xf32, #tpu.memory_space<hbm>>
    %dma_wait3A_169 = tpu.memref_slice %arg4[%add3A_133] : memref<12800000xf32, #tpu.memory_space<hbm>> -> memref<20000xf32, #tpu.memory_space<hbm>>
    tpu.wait_dma2 semaphore(%arg14 : memref<!tpu.dma_semaphore, #tpu.memory_space<semaphore_mem>>) src(%arg10 : memref<20000xf32, #tpu.memory_space<vmem>>) dst(%dma_wait3A_169 : memref<20000xf32, #tpu.memory_space<hbm>>)
    %scan3A_170 = arith.constant 0 : i32
    %scan3A_171 = arith.constant 0 : i32
    %scan3A_172 = arith.constant 125 : i32
    %scan3A_173 = arith.addi %scan3A_171, %scan3A_172 : i32
    %scan3A_174 = arith.constant 1 : i32
    scf.for %scan3A_222 = %scan3A_171 to %scan3A_173 step %scan3A_174  : i32 {
      %mul3A_223 = arith.constant 160 : i32
      %mul3A_224 = arith.muli %scan3A_222, %mul3A_223 : i32
      %add3A_225 = arith.constant 0 : i32
      %add3A_226 = arith.addi %mul3A_224, %add3A_225 : i32
      %get3A = arith.index_cast %add3A_226 : i32 to index
      %get3A_227 = tpu.vector_load %arg8[%get3A] {strides = array<i32>} : memref<20000xf32, #tpu.memory_space<vmem>>, vector<16xf32>,
      %get3A_228 = vector.shape_cast %get3A_227 : vector<16xf32> to vector<16xf32>
      %mul3A_229 = arith.constant 0.699999988 : f32
      %mul3A_230 = vector.broadcast %mul3A_229 : f32 to vector<16xf32>
      %mul3A_231 = arith.mulf %mul3A_230, %get3A_228 : vector<16xf32>
      %get3A_232 = arith.index_cast %add3A_226 : i32 to index
      %get3A_233 = tpu.vector_load %arg9[%get3A_232] {strides = array<i32>} : memref<20000xf32, #tpu.memory_space<vmem>>, vector<16xf32>,
      %get3A_234 = vector.shape_cast %get3A_233 : vector<16xf32> to vector<16xf32>
      %mul3A_235 = arith.constant 3.000000e-01 : f32
      %mul3A_236 = vector.broadcast %mul3A_235 : f32 to vector<16xf32>
      %mul3A_237 = arith.mulf %mul3A_236, %get3A_234 : vector<16xf32>
      %add3A_238 = arith.addf %mul3A_231, %mul3A_237 : vector<16xf32>
      %swap3A = arith.index_cast %add3A_226 : i32 to index
      %swap3A_239 = tpu.vector_load %arg10[%swap3A] {strides = array<i32>} : memref<20000xf32, #tpu.memory_space<vmem>>, vector<16xf32>,
      %swap3A_240 = vector.shape_cast %swap3A_239 : vector<16xf32> to vector<16xf32>
      %swap3A_241 = vector.shape_cast %add3A_238 : vector<16xf32> to vector<16xf32>
      tpu.vector_store %arg10[%swap3A], %swap3A_241 {strides = array<i32>} : memref<20000xf32, #tpu.memory_space<vmem>>, vector<16xf32>,
      %mul3A_242 = arith.constant 160 : i32
      %mul3A_243 = arith.muli %scan3A_222, %mul3A_242 : i32
      %add3A_244 = arith.constant 16 : i32
      %add3A_245 = arith.addi %mul3A_243, %add3A_244 : i32
      %get3A_246 = arith.index_cast %add3A_245 : i32 to index
      %get3A_247 = tpu.vector_load %arg8[%get3A_246] {strides = array<i32>} : memref<20000xf32, #tpu.memory_space<vmem>>, vector<16xf32>,
      %get3A_248 = vector.shape_cast %get3A_247 : vector<16xf32> to vector<16xf32>
      %mul3A_249 = arith.constant 0.699999988 : f32
      %mul3A_250 = vector.broadcast %mul3A_249 : f32 to vector<16xf32>
      %mul3A_251 = arith.mulf %mul3A_250, %get3A_248 : vector<16xf32>
      %get3A_252 = arith.index_cast %add3A_245 : i32 to index
      %get3A_253 = tpu.vector_load %arg9[%get3A_252] {strides = array<i32>} : memref<20000xf32, #tpu.memory_space<vmem>>, vector<16xf32>,
      %get3A_254 = vector.shape_cast %get3A_253 : vector<16xf32> to vector<16xf32>
      %mul3A_255 = arith.constant 3.000000e-01 : f32
      %mul3A_256 = vector.broadcast %mul3A_255 : f32 to vector<16xf32>
      %mul3A_257 = arith.mulf %mul3A_256, %get3A_254 : vector<16xf32>
      %add3A_258 = arith.addf %mul3A_251, %mul3A_257 : vector<16xf32>
      %swap3A_259 = arith.index_cast %add3A_245 : i32 to index
      %swap3A_260 = tpu.vector_load %arg10[%swap3A_259] {strides = array<i32>} : memref<20000xf32, #tpu.memory_space<vmem>>, vector<16xf32>,
      %swap3A_261 = vector.shape_cast %swap3A_260 : vector<16xf32> to vector<16xf32>
      %swap3A_262 = vector.shape_cast %add3A_258 : vector<16xf32> to vector<16xf32>
      tpu.vector_store %arg10[%swap3A_259], %swap3A_262 {strides = array<i32>} : memref<20000xf32, #tpu.memory_space<vmem>>, vector<16xf32>,
      %mul3A_263 = arith.constant 160 : i32
      %mul3A_264 = arith.muli %scan3A_222, %mul3A_263 : i32
      %add3A_265 = arith.constant 32 : i32
      %add3A_266 = arith.addi %mul3A_264, %add3A_265 : i32
      %get3A_267 = arith.index_cast %add3A_266 : i32 to index
      %get3A_268 = tpu.vector_load %arg8[%get3A_267] {strides = array<i32>} : memref<20000xf32, #tpu.memory_space<vmem>>, vector<16xf32>,
      %get3A_269 = vector.shape_cast %get3A_268 : vector<16xf32> to vector<16xf32>
      %mul3A_270 = arith.constant 0.699999988 : f32
      %mul3A_271 = vector.broadcast %mul3A_270 : f32 to vector<16xf32>
      %mul3A_272 = arith.mulf %mul3A_271, %get3A_269 : vector<16xf32>
      %get3A_273 = arith.index_cast %add3A_266 : i32 to index
      %get3A_274 = tpu.vector_load %arg9[%get3A_273] {strides = array<i32>} : memref<20000xf32, #tpu.memory_space<vmem>>, vector<16xf32>,
      %get3A_275 = vector.shape_cast %get3A_274 : vector<16xf32> to vector<16xf32>
      %mul3A_276 = arith.constant 3.000000e-01 : f32
      %mul3A_277 = vector.broadcast %mul3A_276 : f32 to vector<16xf32>
      %mul3A_278 = arith.mulf %mul3A_277, %get3A_275 : vector<16xf32>
      %add3A_279 = arith.addf %mul3A_272, %mul3A_278 : vector<16xf32>
      %swap3A_280 = arith.index_cast %add3A_266 : i32 to index
      %swap3A_281 = tpu.vector_load %arg10[%swap3A_280] {strides = array<i32>} : memref<20000xf32, #tpu.memory_space<vmem>>, vector<16xf32>,
      %swap3A_282 = vector.shape_cast %swap3A_281 : vector<16xf32> to vector<16xf32>
      %swap3A_283 = vector.shape_cast %add3A_279 : vector<16xf32> to vector<16xf32>
      tpu.vector_store %arg10[%swap3A_280], %swap3A_283 {strides = array<i32>} : memref<20000xf32, #tpu.memory_space<vmem>>, vector<16xf32>,
      %mul3A_284 = arith.constant 160 : i32
      %mul3A_285 = arith.muli %scan3A_222, %mul3A_284 : i32
      %add3A_286 = arith.constant 48 : i32
      %add3A_287 = arith.addi %mul3A_285, %add3A_286 : i32
      %get3A_288 = arith.index_cast %add3A_287 : i32 to index
      %get3A_289 = tpu.vector_load %arg8[%get3A_288] {strides = array<i32>} : memref<20000xf32, #tpu.memory_space<vmem>>, vector<16xf32>,
      %get3A_290 = vector.shape_cast %get3A_289 : vector<16xf32> to vector<16xf32>
      %mul3A_291 = arith.constant 0.699999988 : f32
      %mul3A_292 = vector.broadcast %mul3A_291 : f32 to vector<16xf32>
      %mul3A_293 = arith.mulf %mul3A_292, %get3A_290 : vector<16xf32>
      %get3A_294 = arith.index_cast %add3A_287 : i32 to index
      %get3A_295 = tpu.vector_load %arg9[%get3A_294] {strides = array<i32>} : memref<20000xf32, #tpu.memory_space<vmem>>, vector<16xf32>,
      %get3A_296 = vector.shape_cast %get3A_295 : vector<16xf32> to vector<16xf32>
      %mul3A_297 = arith.constant 3.000000e-01 : f32
      %mul3A_298 = vector.broadcast %mul3A_297 : f32 to vector<16xf32>
      %mul3A_299 = arith.mulf %mul3A_298, %get3A_296 : vector<16xf32>
      %add3A_300 = arith.addf %mul3A_293, %mul3A_299 : vector<16xf32>
      %swap3A_301 = arith.index_cast %add3A_287 : i32 to index
      %swap3A_302 = tpu.vector_load %arg10[%swap3A_301] {strides = array<i32>} : memref<20000xf32, #tpu.memory_space<vmem>>, vector<16xf32>,
      %swap3A_303 = vector.shape_cast %swap3A_302 : vector<16xf32> to vector<16xf32>
      %swap3A_304 = vector.shape_cast %add3A_300 : vector<16xf32> to vector<16xf32>
      tpu.vector_store %arg10[%swap3A_301], %swap3A_304 {strides = array<i32>} : memref<20000xf32, #tpu.memory_space<vmem>>, vector<16xf32>,
      %mul3A_305 = arith.constant 160 : i32
      %mul3A_306 = arith.muli %scan3A_222, %mul3A_305 : i32
      %add3A_307 = arith.constant 64 : i32
      %add3A_308 = arith.addi %mul3A_306, %add3A_307 : i32
      %get3A_309 = arith.index_cast %add3A_308 : i32 to index
      %get3A_310 = tpu.vector_load %arg8[%get3A_309] {strides = array<i32>} : memref<20000xf32, #tpu.memory_space<vmem>>, vector<16xf32>,
      %get3A_311 = vector.shape_cast %get3A_310 : vector<16xf32> to vector<16xf32>
      %mul3A_312 = arith.constant 0.699999988 : f32
      %mul3A_313 = vector.broadcast %mul3A_312 : f32 to vector<16xf32>
      %mul3A_314 = arith.mulf %mul3A_313, %get3A_311 : vector<16xf32>
      %get3A_315 = arith.index_cast %add3A_308 : i32 to index
      %get3A_316 = tpu.vector_load %arg9[%get3A_315] {strides = array<i32>} : memref<20000xf32, #tpu.memory_space<vmem>>, vector<16xf32>,
      %get3A_317 = vector.shape_cast %get3A_316 : vector<16xf32> to vector<16xf32>
      %mul3A_318 = arith.constant 3.000000e-01 : f32
      %mul3A_319 = vector.broadcast %mul3A_318 : f32 to vector<16xf32>
      %mul3A_320 = arith.mulf %mul3A_319, %get3A_317 : vector<16xf32>
      %add3A_321 = arith.addf %mul3A_314, %mul3A_320 : vector<16xf32>
      %swap3A_322 = arith.index_cast %add3A_308 : i32 to index
      %swap3A_323 = tpu.vector_load %arg10[%swap3A_322] {strides = array<i32>} : memref<20000xf32, #tpu.memory_space<vmem>>, vector<16xf32>,
      %swap3A_324 = vector.shape_cast %swap3A_323 : vector<16xf32> to vector<16xf32>
      %swap3A_325 = vector.shape_cast %add3A_321 : vector<16xf32> to vector<16xf32>
      tpu.vector_store %arg10[%swap3A_322], %swap3A_325 {strides = array<i32>} : memref<20000xf32, #tpu.memory_space<vmem>>, vector<16xf32>,
      %mul3A_326 = arith.constant 160 : i32
      %mul3A_327 = arith.muli %scan3A_222, %mul3A_326 : i32
      %add3A_328 = arith.constant 80 : i32
      %add3A_329 = arith.addi %mul3A_327, %add3A_328 : i32
      %get3A_330 = arith.index_cast %add3A_329 : i32 to index
      %get3A_331 = tpu.vector_load %arg8[%get3A_330] {strides = array<i32>} : memref<20000xf32, #tpu.memory_space<vmem>>, vector<16xf32>,
      %get3A_332 = vector.shape_cast %get3A_331 : vector<16xf32> to vector<16xf32>
      %mul3A_333 = arith.constant 0.699999988 : f32
      %mul3A_334 = vector.broadcast %mul3A_333 : f32 to vector<16xf32>
      %mul3A_335 = arith.mulf %mul3A_334, %get3A_332 : vector<16xf32>
      %get3A_336 = arith.index_cast %add3A_329 : i32 to index
      %get3A_337 = tpu.vector_load %arg9[%get3A_336] {strides = array<i32>} : memref<20000xf32, #tpu.memory_space<vmem>>, vector<16xf32>,
      %get3A_338 = vector.shape_cast %get3A_337 : vector<16xf32> to vector<16xf32>
      %mul3A_339 = arith.constant 3.000000e-01 : f32
      %mul3A_340 = vector.broadcast %mul3A_339 : f32 to vector<16xf32>
      %mul3A_341 = arith.mulf %mul3A_340, %get3A_338 : vector<16xf32>
      %add3A_342 = arith.addf %mul3A_335, %mul3A_341 : vector<16xf32>
      %swap3A_343 = arith.index_cast %add3A_329 : i32 to index
      %swap3A_344 = tpu.vector_load %arg10[%swap3A_343] {strides = array<i32>} : memref<20000xf32, #tpu.memory_space<vmem>>, vector<16xf32>,
      %swap3A_345 = vector.shape_cast %swap3A_344 : vector<16xf32> to vector<16xf32>
      %swap3A_346 = vector.shape_cast %add3A_342 : vector<16xf32> to vector<16xf32>
      tpu.vector_store %arg10[%swap3A_343], %swap3A_346 {strides = array<i32>} : memref<20000xf32, #tpu.memory_space<vmem>>, vector<16xf32>,
      %mul3A_347 = arith.constant 160 : i32
      %mul3A_348 = arith.muli %scan3A_222, %mul3A_347 : i32
      %add3A_349 = arith.constant 96 : i32
      %add3A_350 = arith.addi %mul3A_348, %add3A_349 : i32
      %get3A_351 = arith.index_cast %add3A_350 : i32 to index
      %get3A_352 = tpu.vector_load %arg8[%get3A_351] {strides = array<i32>} : memref<20000xf32, #tpu.memory_space<vmem>>, vector<16xf32>,
      %get3A_353 = vector.shape_cast %get3A_352 : vector<16xf32> to vector<16xf32>
      %mul3A_354 = arith.constant 0.699999988 : f32
      %mul3A_355 = vector.broadcast %mul3A_354 : f32 to vector<16xf32>
      %mul3A_356 = arith.mulf %mul3A_355, %get3A_353 : vector<16xf32>
      %get3A_357 = arith.index_cast %add3A_350 : i32 to index
      %get3A_358 = tpu.vector_load %arg9[%get3A_357] {strides = array<i32>} : memref<20000xf32, #tpu.memory_space<vmem>>, vector<16xf32>,
      %get3A_359 = vector.shape_cast %get3A_358 : vector<16xf32> to vector<16xf32>
      %mul3A_360 = arith.constant 3.000000e-01 : f32
      %mul3A_361 = vector.broadcast %mul3A_360 : f32 to vector<16xf32>
      %mul3A_362 = arith.mulf %mul3A_361, %get3A_359 : vector<16xf32>
      %add3A_363 = arith.addf %mul3A_356, %mul3A_362 : vector<16xf32>
      %swap3A_364 = arith.index_cast %add3A_350 : i32 to index
      %swap3A_365 = tpu.vector_load %arg10[%swap3A_364] {strides = array<i32>} : memref<20000xf32, #tpu.memory_space<vmem>>, vector<16xf32>,
      %swap3A_366 = vector.shape_cast %swap3A_365 : vector<16xf32> to vector<16xf32>
      %swap3A_367 = vector.shape_cast %add3A_363 : vector<16xf32> to vector<16xf32>
      tpu.vector_store %arg10[%swap3A_364], %swap3A_367 {strides = array<i32>} : memref<20000xf32, #tpu.memory_space<vmem>>, vector<16xf32>,
      %mul3A_368 = arith.constant 160 : i32
      %mul3A_369 = arith.muli %scan3A_222, %mul3A_368 : i32
      %add3A_370 = arith.constant 112 : i32
      %add3A_371 = arith.addi %mul3A_369, %add3A_370 : i32
      %get3A_372 = arith.index_cast %add3A_371 : i32 to index
      %get3A_373 = tpu.vector_load %arg8[%get3A_372] {strides = array<i32>} : memref<20000xf32, #tpu.memory_space<vmem>>, vector<16xf32>,
      %get3A_374 = vector.shape_cast %get3A_373 : vector<16xf32> to vector<16xf32>
      %mul3A_375 = arith.constant 0.699999988 : f32
      %mul3A_376 = vector.broadcast %mul3A_375 : f32 to vector<16xf32>
      %mul3A_377 = arith.mulf %mul3A_376, %get3A_374 : vector<16xf32>
      %get3A_378 = arith.index_cast %add3A_371 : i32 to index
      %get3A_379 = tpu.vector_load %arg9[%get3A_378] {strides = array<i32>} : memref<20000xf32, #tpu.memory_space<vmem>>, vector<16xf32>,
      %get3A_380 = vector.shape_cast %get3A_379 : vector<16xf32> to vector<16xf32>
      %mul3A_381 = arith.constant 3.000000e-01 : f32
      %mul3A_382 = vector.broadcast %mul3A_381 : f32 to vector<16xf32>
      %mul3A_383 = arith.mulf %mul3A_382, %get3A_380 : vector<16xf32>
      %add3A_384 = arith.addf %mul3A_377, %mul3A_383 : vector<16xf32>
      %swap3A_385 = arith.index_cast %add3A_371 : i32 to index
      %swap3A_386 = tpu.vector_load %arg10[%swap3A_385] {strides = array<i32>} : memref<20000xf32, #tpu.memory_space<vmem>>, vector<16xf32>,
      %swap3A_387 = vector.shape_cast %swap3A_386 : vector<16xf32> to vector<16xf32>
      %swap3A_388 = vector.shape_cast %add3A_384 : vector<16xf32> to vector<16xf32>
      tpu.vector_store %arg10[%swap3A_385], %swap3A_388 {strides = array<i32>} : memref<20000xf32, #tpu.memory_space<vmem>>, vector<16xf32>,
      %mul3A_389 = arith.constant 160 : i32
      %mul3A_390 = arith.muli %scan3A_222, %mul3A_389 : i32
      %add3A_391 = arith.constant 128 : i32
      %add3A_392 = arith.addi %mul3A_390, %add3A_391 : i32
      %get3A_393 = arith.index_cast %add3A_392 : i32 to index
      %get3A_394 = tpu.vector_load %arg8[%get3A_393] {strides = array<i32>} : memref<20000xf32, #tpu.memory_space<vmem>>, vector<16xf32>,
      %get3A_395 = vector.shape_cast %get3A_394 : vector<16xf32> to vector<16xf32>
      %mul3A_396 = arith.constant 0.699999988 : f32
      %mul3A_397 = vector.broadcast %mul3A_396 : f32 to vector<16xf32>
      %mul3A_398 = arith.mulf %mul3A_397, %get3A_395 : vector<16xf32>
      %get3A_399 = arith.index_cast %add3A_392 : i32 to index
      %get3A_400 = tpu.vector_load %arg9[%get3A_399] {strides = array<i32>} : memref<20000xf32, #tpu.memory_space<vmem>>, vector<16xf32>,
      %get3A_401 = vector.shape_cast %get3A_400 : vector<16xf32> to vector<16xf32>
      %mul3A_402 = arith.constant 3.000000e-01 : f32
      %mul3A_403 = vector.broadcast %mul3A_402 : f32 to vector<16xf32>
      %mul3A_404 = arith.mulf %mul3A_403, %get3A_401 : vector<16xf32>
      %add3A_405 = arith.addf %mul3A_398, %mul3A_404 : vector<16xf32>
      %swap3A_406 = arith.index_cast %add3A_392 : i32 to index
      %swap3A_407 = tpu.vector_load %arg10[%swap3A_406] {strides = array<i32>} : memref<20000xf32, #tpu.memory_space<vmem>>, vector<16xf32>,
      %swap3A_408 = vector.shape_cast %swap3A_407 : vector<16xf32> to vector<16xf32>
      %swap3A_409 = vector.shape_cast %add3A_405 : vector<16xf32> to vector<16xf32>
      tpu.vector_store %arg10[%swap3A_406], %swap3A_409 {strides = array<i32>} : memref<20000xf32, #tpu.memory_space<vmem>>, vector<16xf32>,
      %mul3A_410 = arith.constant 160 : i32
      %mul3A_411 = arith.muli %scan3A_222, %mul3A_410 : i32
      %add3A_412 = arith.constant 144 : i32
      %add3A_413 = arith.addi %mul3A_411, %add3A_412 : i32
      %get3A_414 = arith.index_cast %add3A_413 : i32 to index
      %get3A_415 = tpu.vector_load %arg8[%get3A_414] {strides = array<i32>} : memref<20000xf32, #tpu.memory_space<vmem>>, vector<16xf32>,
      %get3A_416 = vector.shape_cast %get3A_415 : vector<16xf32> to vector<16xf32>
      %mul3A_417 = arith.constant 0.699999988 : f32
      %mul3A_418 = vector.broadcast %mul3A_417 : f32 to vector<16xf32>
      %mul3A_419 = arith.mulf %mul3A_418, %get3A_416 : vector<16xf32>
      %get3A_420 = arith.index_cast %add3A_413 : i32 to index
      %get3A_421 = tpu.vector_load %arg9[%get3A_420] {strides = array<i32>} : memref<20000xf32, #tpu.memory_space<vmem>>, vector<16xf32>,
      %get3A_422 = vector.shape_cast %get3A_421 : vector<16xf32> to vector<16xf32>
      %mul3A_423 = arith.constant 3.000000e-01 : f32
      %mul3A_424 = vector.broadcast %mul3A_423 : f32 to vector<16xf32>
      %mul3A_425 = arith.mulf %mul3A_424, %get3A_422 : vector<16xf32>
      %add3A_426 = arith.addf %mul3A_419, %mul3A_425 : vector<16xf32>
      %swap3A_427 = arith.index_cast %add3A_413 : i32 to index
      %swap3A_428 = tpu.vector_load %arg10[%swap3A_427] {strides = array<i32>} : memref<20000xf32, #tpu.memory_space<vmem>>, vector<16xf32>,
      %swap3A_429 = vector.shape_cast %swap3A_428 : vector<16xf32> to vector<16xf32>
      %swap3A_430 = vector.shape_cast %add3A_426 : vector<16xf32> to vector<16xf32>
      tpu.vector_store %arg10[%swap3A_427], %swap3A_430 {strides = array<i32>} : memref<20000xf32, #tpu.memory_space<vmem>>, vector<16xf32>,
    }
    %scan3A_175 = arith.constant 125 : i32
    %add3A_176 = arith.constant 140000 : i32
    %add3A_177 = arith.addi %add3A_4, %add3A_176 : i32
    %dma_start3A_178 = tpu.memref_slice %arg4[%add3A_177] : memref<12800000xf32, #tpu.memory_space<hbm>> -> memref<20000xf32, #tpu.memory_space<hbm>>
    %dma_start3A_179 = tpu.memref_slice %arg4[%add3A_177] : memref<12800000xf32, #tpu.memory_space<hbm>> -> memref<20000xf32, #tpu.memory_space<hbm>>
    tpu.enqueue_dma source(%arg10 : memref<20000xf32, #tpu.memory_space<vmem>>) target(%dma_start3A_179 : memref<20000xf32, #tpu.memory_space<hbm>>) target_semaphore(%arg14 : memref<!tpu.dma_semaphore, #tpu.memory_space<semaphore_mem>>)
    %add3A_180 = arith.constant 180000 : i32
    %add3A_181 = arith.addi %add3A_4, %add3A_180 : i32
    %dma_start3A_182 = tpu.memref_slice %arg2[%add3A_181] : memref<12800000xf32, #tpu.memory_space<hbm>> -> memref<20000xf32, #tpu.memory_space<hbm>>
    %dma_start3A_183 = tpu.memref_slice %arg2[%add3A_181] : memref<12800000xf32, #tpu.memory_space<hbm>> -> memref<20000xf32, #tpu.memory_space<hbm>>
    tpu.enqueue_dma source(%dma_start3A_183 : memref<20000xf32, #tpu.memory_space<hbm>>) target(%arg8 : memref<20000xf32, #tpu.memory_space<vmem>>) target_semaphore(%arg12 : memref<!tpu.dma_semaphore, #tpu.memory_space<semaphore_mem>>)
    %dma_start3A_184 = tpu.memref_slice %arg3[%add3A_181] : memref<12800000xf32, #tpu.memory_space<hbm>> -> memref<20000xf32, #tpu.memory_space<hbm>>
    %dma_start3A_185 = tpu.memref_slice %arg3[%add3A_181] : memref<12800000xf32, #tpu.memory_space<hbm>> -> memref<20000xf32, #tpu.memory_space<hbm>>
    tpu.enqueue_dma source(%dma_start3A_185 : memref<20000xf32, #tpu.memory_space<hbm>>) target(%arg9 : memref<20000xf32, #tpu.memory_space<vmem>>) target_semaphore(%arg12 : memref<!tpu.dma_semaphore, #tpu.memory_space<semaphore_mem>>)
    %dma_wait3A_186 = tpu.memref_slice %arg2[%add3A_159] : memref<12800000xf32, #tpu.memory_space<hbm>> -> memref<20000xf32, #tpu.memory_space<hbm>>
    %dma_wait3A_187 = tpu.memref_slice %arg2[%add3A_159] : memref<12800000xf32, #tpu.memory_space<hbm>> -> memref<20000xf32, #tpu.memory_space<hbm>>
    tpu.wait_dma2 semaphore(%arg11 : memref<!tpu.dma_semaphore, #tpu.memory_space<semaphore_mem>>) src(%dma_wait3A_187 : memref<20000xf32, #tpu.memory_space<hbm>>) dst(%arg5 : memref<20000xf32, #tpu.memory_space<vmem>>)
    %dma_wait3A_188 = tpu.memref_slice %arg3[%add3A_159] : memref<12800000xf32, #tpu.memory_space<hbm>> -> memref<20000xf32, #tpu.memory_space<hbm>>
    %dma_wait3A_189 = tpu.memref_slice %arg3[%add3A_159] : memref<12800000xf32, #tpu.memory_space<hbm>> -> memref<20000xf32, #tpu.memory_space<hbm>>
    tpu.wait_dma2 semaphore(%arg11 : memref<!tpu.dma_semaphore, #tpu.memory_space<semaphore_mem>>) src(%dma_wait3A_189 : memref<20000xf32, #tpu.memory_space<hbm>>) dst(%arg6 : memref<20000xf32, #tpu.memory_space<vmem>>)
    %dma_wait3A_190 = tpu.memref_slice %arg4[%add3A_155] : memref<12800000xf32, #tpu.memory_space<hbm>> -> memref<20000xf32, #tpu.memory_space<hbm>>
    %dma_wait3A_191 = tpu.memref_slice %arg4[%add3A_155] : memref<12800000xf32, #tpu.memory_space<hbm>> -> memref<20000xf32, #tpu.memory_space<hbm>>
    tpu.wait_dma2 semaphore(%arg13 : memref<!tpu.dma_semaphore, #tpu.memory_space<semaphore_mem>>) src(%arg7 : memref<20000xf32, #tpu.memory_space<vmem>>) dst(%dma_wait3A_191 : memref<20000xf32, #tpu.memory_space<hbm>>)
    %scan3A_192 = arith.constant 0 : i32
    %scan3A_193 = arith.constant 0 : i32
    %scan3A_194 = arith.constant 125 : i32
    %scan3A_195 = arith.addi %scan3A_193, %scan3A_194 : i32
    %scan3A_196 = arith.constant 1 : i32
    scf.for %scan3A_222 = %scan3A_193 to %scan3A_195 step %scan3A_196  : i32 {
      %mul3A_223 = arith.constant 160 : i32
      %mul3A_224 = arith.muli %scan3A_222, %mul3A_223 : i32
      %add3A_225 = arith.constant 0 : i32
      %add3A_226 = arith.addi %mul3A_224, %add3A_225 : i32
      %get3A = arith.index_cast %add3A_226 : i32 to index
      %get3A_227 = tpu.vector_load %arg5[%get3A] {strides = array<i32>} : memref<20000xf32, #tpu.memory_space<vmem>>, vector<16xf32>,
      %get3A_228 = vector.shape_cast %get3A_227 : vector<16xf32> to vector<16xf32>
      %mul3A_229 = arith.constant 0.699999988 : f32
      %mul3A_230 = vector.broadcast %mul3A_229 : f32 to vector<16xf32>
      %mul3A_231 = arith.mulf %mul3A_230, %get3A_228 : vector<16xf32>
      %get3A_232 = arith.index_cast %add3A_226 : i32 to index
      %get3A_233 = tpu.vector_load %arg6[%get3A_232] {strides = array<i32>} : memref<20000xf32, #tpu.memory_space<vmem>>, vector<16xf32>,
      %get3A_234 = vector.shape_cast %get3A_233 : vector<16xf32> to vector<16xf32>
      %mul3A_235 = arith.constant 3.000000e-01 : f32
      %mul3A_236 = vector.broadcast %mul3A_235 : f32 to vector<16xf32>
      %mul3A_237 = arith.mulf %mul3A_236, %get3A_234 : vector<16xf32>
      %add3A_238 = arith.addf %mul3A_231, %mul3A_237 : vector<16xf32>
      %swap3A = arith.index_cast %add3A_226 : i32 to index
      %swap3A_239 = tpu.vector_load %arg7[%swap3A] {strides = array<i32>} : memref<20000xf32, #tpu.memory_space<vmem>>, vector<16xf32>,
      %swap3A_240 = vector.shape_cast %swap3A_239 : vector<16xf32> to vector<16xf32>
      %swap3A_241 = vector.shape_cast %add3A_238 : vector<16xf32> to vector<16xf32>
      tpu.vector_store %arg7[%swap3A], %swap3A_241 {strides = array<i32>} : memref<20000xf32, #tpu.memory_space<vmem>>, vector<16xf32>,
      %mul3A_242 = arith.constant 160 : i32
      %mul3A_243 = arith.muli %scan3A_222, %mul3A_242 : i32
      %add3A_244 = arith.constant 16 : i32
      %add3A_245 = arith.addi %mul3A_243, %add3A_244 : i32
      %get3A_246 = arith.index_cast %add3A_245 : i32 to index
      %get3A_247 = tpu.vector_load %arg5[%get3A_246] {strides = array<i32>} : memref<20000xf32, #tpu.memory_space<vmem>>, vector<16xf32>,
      %get3A_248 = vector.shape_cast %get3A_247 : vector<16xf32> to vector<16xf32>
      %mul3A_249 = arith.constant 0.699999988 : f32
      %mul3A_250 = vector.broadcast %mul3A_249 : f32 to vector<16xf32>
      %mul3A_251 = arith.mulf %mul3A_250, %get3A_248 : vector<16xf32>
      %get3A_252 = arith.index_cast %add3A_245 : i32 to index
      %get3A_253 = tpu.vector_load %arg6[%get3A_252] {strides = array<i32>} : memref<20000xf32, #tpu.memory_space<vmem>>, vector<16xf32>,
      %get3A_254 = vector.shape_cast %get3A_253 : vector<16xf32> to vector<16xf32>
      %mul3A_255 = arith.constant 3.000000e-01 : f32
      %mul3A_256 = vector.broadcast %mul3A_255 : f32 to vector<16xf32>
      %mul3A_257 = arith.mulf %mul3A_256, %get3A_254 : vector<16xf32>
      %add3A_258 = arith.addf %mul3A_251, %mul3A_257 : vector<16xf32>
      %swap3A_259 = arith.index_cast %add3A_245 : i32 to index
      %swap3A_260 = tpu.vector_load %arg7[%swap3A_259] {strides = array<i32>} : memref<20000xf32, #tpu.memory_space<vmem>>, vector<16xf32>,
      %swap3A_261 = vector.shape_cast %swap3A_260 : vector<16xf32> to vector<16xf32>
      %swap3A_262 = vector.shape_cast %add3A_258 : vector<16xf32> to vector<16xf32>
      tpu.vector_store %arg7[%swap3A_259], %swap3A_262 {strides = array<i32>} : memref<20000xf32, #tpu.memory_space<vmem>>, vector<16xf32>,
      %mul3A_263 = arith.constant 160 : i32
      %mul3A_264 = arith.muli %scan3A_222, %mul3A_263 : i32
      %add3A_265 = arith.constant 32 : i32
      %add3A_266 = arith.addi %mul3A_264, %add3A_265 : i32
      %get3A_267 = arith.index_cast %add3A_266 : i32 to index
      %get3A_268 = tpu.vector_load %arg5[%get3A_267] {strides = array<i32>} : memref<20000xf32, #tpu.memory_space<vmem>>, vector<16xf32>,
      %get3A_269 = vector.shape_cast %get3A_268 : vector<16xf32> to vector<16xf32>
      %mul3A_270 = arith.constant 0.699999988 : f32
      %mul3A_271 = vector.broadcast %mul3A_270 : f32 to vector<16xf32>
      %mul3A_272 = arith.mulf %mul3A_271, %get3A_269 : vector<16xf32>
      %get3A_273 = arith.index_cast %add3A_266 : i32 to index
      %get3A_274 = tpu.vector_load %arg6[%get3A_273] {strides = array<i32>} : memref<20000xf32, #tpu.memory_space<vmem>>, vector<16xf32>,
      %get3A_275 = vector.shape_cast %get3A_274 : vector<16xf32> to vector<16xf32>
      %mul3A_276 = arith.constant 3.000000e-01 : f32
      %mul3A_277 = vector.broadcast %mul3A_276 : f32 to vector<16xf32>
      %mul3A_278 = arith.mulf %mul3A_277, %get3A_275 : vector<16xf32>
      %add3A_279 = arith.addf %mul3A_272, %mul3A_278 : vector<16xf32>
      %swap3A_280 = arith.index_cast %add3A_266 : i32 to index
      %swap3A_281 = tpu.vector_load %arg7[%swap3A_280] {strides = array<i32>} : memref<20000xf32, #tpu.memory_space<vmem>>, vector<16xf32>,
      %swap3A_282 = vector.shape_cast %swap3A_281 : vector<16xf32> to vector<16xf32>
      %swap3A_283 = vector.shape_cast %add3A_279 : vector<16xf32> to vector<16xf32>
      tpu.vector_store %arg7[%swap3A_280], %swap3A_283 {strides = array<i32>} : memref<20000xf32, #tpu.memory_space<vmem>>, vector<16xf32>,
      %mul3A_284 = arith.constant 160 : i32
      %mul3A_285 = arith.muli %scan3A_222, %mul3A_284 : i32
      %add3A_286 = arith.constant 48 : i32
      %add3A_287 = arith.addi %mul3A_285, %add3A_286 : i32
      %get3A_288 = arith.index_cast %add3A_287 : i32 to index
      %get3A_289 = tpu.vector_load %arg5[%get3A_288] {strides = array<i32>} : memref<20000xf32, #tpu.memory_space<vmem>>, vector<16xf32>,
      %get3A_290 = vector.shape_cast %get3A_289 : vector<16xf32> to vector<16xf32>
      %mul3A_291 = arith.constant 0.699999988 : f32
      %mul3A_292 = vector.broadcast %mul3A_291 : f32 to vector<16xf32>
      %mul3A_293 = arith.mulf %mul3A_292, %get3A_290 : vector<16xf32>
      %get3A_294 = arith.index_cast %add3A_287 : i32 to index
      %get3A_295 = tpu.vector_load %arg6[%get3A_294] {strides = array<i32>} : memref<20000xf32, #tpu.memory_space<vmem>>, vector<16xf32>,
      %get3A_296 = vector.shape_cast %get3A_295 : vector<16xf32> to vector<16xf32>
      %mul3A_297 = arith.constant 3.000000e-01 : f32
      %mul3A_298 = vector.broadcast %mul3A_297 : f32 to vector<16xf32>
      %mul3A_299 = arith.mulf %mul3A_298, %get3A_296 : vector<16xf32>
      %add3A_300 = arith.addf %mul3A_293, %mul3A_299 : vector<16xf32>
      %swap3A_301 = arith.index_cast %add3A_287 : i32 to index
      %swap3A_302 = tpu.vector_load %arg7[%swap3A_301] {strides = array<i32>} : memref<20000xf32, #tpu.memory_space<vmem>>, vector<16xf32>,
      %swap3A_303 = vector.shape_cast %swap3A_302 : vector<16xf32> to vector<16xf32>
      %swap3A_304 = vector.shape_cast %add3A_300 : vector<16xf32> to vector<16xf32>
      tpu.vector_store %arg7[%swap3A_301], %swap3A_304 {strides = array<i32>} : memref<20000xf32, #tpu.memory_space<vmem>>, vector<16xf32>,
      %mul3A_305 = arith.constant 160 : i32
      %mul3A_306 = arith.muli %scan3A_222, %mul3A_305 : i32
      %add3A_307 = arith.constant 64 : i32
      %add3A_308 = arith.addi %mul3A_306, %add3A_307 : i32
      %get3A_309 = arith.index_cast %add3A_308 : i32 to index
      %get3A_310 = tpu.vector_load %arg5[%get3A_309] {strides = array<i32>} : memref<20000xf32, #tpu.memory_space<vmem>>, vector<16xf32>,
      %get3A_311 = vector.shape_cast %get3A_310 : vector<16xf32> to vector<16xf32>
      %mul3A_312 = arith.constant 0.699999988 : f32
      %mul3A_313 = vector.broadcast %mul3A_312 : f32 to vector<16xf32>
      %mul3A_314 = arith.mulf %mul3A_313, %get3A_311 : vector<16xf32>
      %get3A_315 = arith.index_cast %add3A_308 : i32 to index
      %get3A_316 = tpu.vector_load %arg6[%get3A_315] {strides = array<i32>} : memref<20000xf32, #tpu.memory_space<vmem>>, vector<16xf32>,
      %get3A_317 = vector.shape_cast %get3A_316 : vector<16xf32> to vector<16xf32>
      %mul3A_318 = arith.constant 3.000000e-01 : f32
      %mul3A_319 = vector.broadcast %mul3A_318 : f32 to vector<16xf32>
      %mul3A_320 = arith.mulf %mul3A_319, %get3A_317 : vector<16xf32>
      %add3A_321 = arith.addf %mul3A_314, %mul3A_320 : vector<16xf32>
      %swap3A_322 = arith.index_cast %add3A_308 : i32 to index
      %swap3A_323 = tpu.vector_load %arg7[%swap3A_322] {strides = array<i32>} : memref<20000xf32, #tpu.memory_space<vmem>>, vector<16xf32>,
      %swap3A_324 = vector.shape_cast %swap3A_323 : vector<16xf32> to vector<16xf32>
      %swap3A_325 = vector.shape_cast %add3A_321 : vector<16xf32> to vector<16xf32>
      tpu.vector_store %arg7[%swap3A_322], %swap3A_325 {strides = array<i32>} : memref<20000xf32, #tpu.memory_space<vmem>>, vector<16xf32>,
      %mul3A_326 = arith.constant 160 : i32
      %mul3A_327 = arith.muli %scan3A_222, %mul3A_326 : i32
      %add3A_328 = arith.constant 80 : i32
      %add3A_329 = arith.addi %mul3A_327, %add3A_328 : i32
      %get3A_330 = arith.index_cast %add3A_329 : i32 to index
      %get3A_331 = tpu.vector_load %arg5[%get3A_330] {strides = array<i32>} : memref<20000xf32, #tpu.memory_space<vmem>>, vector<16xf32>,
      %get3A_332 = vector.shape_cast %get3A_331 : vector<16xf32> to vector<16xf32>
      %mul3A_333 = arith.constant 0.699999988 : f32
      %mul3A_334 = vector.broadcast %mul3A_333 : f32 to vector<16xf32>
      %mul3A_335 = arith.mulf %mul3A_334, %get3A_332 : vector<16xf32>
      %get3A_336 = arith.index_cast %add3A_329 : i32 to index
      %get3A_337 = tpu.vector_load %arg6[%get3A_336] {strides = array<i32>} : memref<20000xf32, #tpu.memory_space<vmem>>, vector<16xf32>,
      %get3A_338 = vector.shape_cast %get3A_337 : vector<16xf32> to vector<16xf32>
      %mul3A_339 = arith.constant 3.000000e-01 : f32
      %mul3A_340 = vector.broadcast %mul3A_339 : f32 to vector<16xf32>
      %mul3A_341 = arith.mulf %mul3A_340, %get3A_338 : vector<16xf32>
      %add3A_342 = arith.addf %mul3A_335, %mul3A_341 : vector<16xf32>
      %swap3A_343 = arith.index_cast %add3A_329 : i32 to index
      %swap3A_344 = tpu.vector_load %arg7[%swap3A_343] {strides = array<i32>} : memref<20000xf32, #tpu.memory_space<vmem>>, vector<16xf32>,
      %swap3A_345 = vector.shape_cast %swap3A_344 : vector<16xf32> to vector<16xf32>
      %swap3A_346 = vector.shape_cast %add3A_342 : vector<16xf32> to vector<16xf32>
      tpu.vector_store %arg7[%swap3A_343], %swap3A_346 {strides = array<i32>} : memref<20000xf32, #tpu.memory_space<vmem>>, vector<16xf32>,
      %mul3A_347 = arith.constant 160 : i32
      %mul3A_348 = arith.muli %scan3A_222, %mul3A_347 : i32
      %add3A_349 = arith.constant 96 : i32
      %add3A_350 = arith.addi %mul3A_348, %add3A_349 : i32
      %get3A_351 = arith.index_cast %add3A_350 : i32 to index
      %get3A_352 = tpu.vector_load %arg5[%get3A_351] {strides = array<i32>} : memref<20000xf32, #tpu.memory_space<vmem>>, vector<16xf32>,
      %get3A_353 = vector.shape_cast %get3A_352 : vector<16xf32> to vector<16xf32>
      %mul3A_354 = arith.constant 0.699999988 : f32
      %mul3A_355 = vector.broadcast %mul3A_354 : f32 to vector<16xf32>
      %mul3A_356 = arith.mulf %mul3A_355, %get3A_353 : vector<16xf32>
      %get3A_357 = arith.index_cast %add3A_350 : i32 to index
      %get3A_358 = tpu.vector_load %arg6[%get3A_357] {strides = array<i32>} : memref<20000xf32, #tpu.memory_space<vmem>>, vector<16xf32>,
      %get3A_359 = vector.shape_cast %get3A_358 : vector<16xf32> to vector<16xf32>
      %mul3A_360 = arith.constant 3.000000e-01 : f32
      %mul3A_361 = vector.broadcast %mul3A_360 : f32 to vector<16xf32>
      %mul3A_362 = arith.mulf %mul3A_361, %get3A_359 : vector<16xf32>
      %add3A_363 = arith.addf %mul3A_356, %mul3A_362 : vector<16xf32>
      %swap3A_364 = arith.index_cast %add3A_350 : i32 to index
      %swap3A_365 = tpu.vector_load %arg7[%swap3A_364] {strides = array<i32>} : memref<20000xf32, #tpu.memory_space<vmem>>, vector<16xf32>,
      %swap3A_366 = vector.shape_cast %swap3A_365 : vector<16xf32> to vector<16xf32>
      %swap3A_367 = vector.shape_cast %add3A_363 : vector<16xf32> to vector<16xf32>
      tpu.vector_store %arg7[%swap3A_364], %swap3A_367 {strides = array<i32>} : memref<20000xf32, #tpu.memory_space<vmem>>, vector<16xf32>,
      %mul3A_368 = arith.constant 160 : i32
      %mul3A_369 = arith.muli %scan3A_222, %mul3A_368 : i32
      %add3A_370 = arith.constant 112 : i32
      %add3A_371 = arith.addi %mul3A_369, %add3A_370 : i32
      %get3A_372 = arith.index_cast %add3A_371 : i32 to index
      %get3A_373 = tpu.vector_load %arg5[%get3A_372] {strides = array<i32>} : memref<20000xf32, #tpu.memory_space<vmem>>, vector<16xf32>,
      %get3A_374 = vector.shape_cast %get3A_373 : vector<16xf32> to vector<16xf32>
      %mul3A_375 = arith.constant 0.699999988 : f32
      %mul3A_376 = vector.broadcast %mul3A_375 : f32 to vector<16xf32>
      %mul3A_377 = arith.mulf %mul3A_376, %get3A_374 : vector<16xf32>
      %get3A_378 = arith.index_cast %add3A_371 : i32 to index
      %get3A_379 = tpu.vector_load %arg6[%get3A_378] {strides = array<i32>} : memref<20000xf32, #tpu.memory_space<vmem>>, vector<16xf32>,
      %get3A_380 = vector.shape_cast %get3A_379 : vector<16xf32> to vector<16xf32>
      %mul3A_381 = arith.constant 3.000000e-01 : f32
      %mul3A_382 = vector.broadcast %mul3A_381 : f32 to vector<16xf32>
      %mul3A_383 = arith.mulf %mul3A_382, %get3A_380 : vector<16xf32>
      %add3A_384 = arith.addf %mul3A_377, %mul3A_383 : vector<16xf32>
      %swap3A_385 = arith.index_cast %add3A_371 : i32 to index
      %swap3A_386 = tpu.vector_load %arg7[%swap3A_385] {strides = array<i32>} : memref<20000xf32, #tpu.memory_space<vmem>>, vector<16xf32>,
      %swap3A_387 = vector.shape_cast %swap3A_386 : vector<16xf32> to vector<16xf32>
      %swap3A_388 = vector.shape_cast %add3A_384 : vector<16xf32> to vector<16xf32>
      tpu.vector_store %arg7[%swap3A_385], %swap3A_388 {strides = array<i32>} : memref<20000xf32, #tpu.memory_space<vmem>>, vector<16xf32>,
      %mul3A_389 = arith.constant 160 : i32
      %mul3A_390 = arith.muli %scan3A_222, %mul3A_389 : i32
      %add3A_391 = arith.constant 128 : i32
      %add3A_392 = arith.addi %mul3A_390, %add3A_391 : i32
      %get3A_393 = arith.index_cast %add3A_392 : i32 to index
      %get3A_394 = tpu.vector_load %arg5[%get3A_393] {strides = array<i32>} : memref<20000xf32, #tpu.memory_space<vmem>>, vector<16xf32>,
      %get3A_395 = vector.shape_cast %get3A_394 : vector<16xf32> to vector<16xf32>
      %mul3A_396 = arith.constant 0.699999988 : f32
      %mul3A_397 = vector.broadcast %mul3A_396 : f32 to vector<16xf32>
      %mul3A_398 = arith.mulf %mul3A_397, %get3A_395 : vector<16xf32>
      %get3A_399 = arith.index_cast %add3A_392 : i32 to index
      %get3A_400 = tpu.vector_load %arg6[%get3A_399] {strides = array<i32>} : memref<20000xf32, #tpu.memory_space<vmem>>, vector<16xf32>,
      %get3A_401 = vector.shape_cast %get3A_400 : vector<16xf32> to vector<16xf32>
      %mul3A_402 = arith.constant 3.000000e-01 : f32
      %mul3A_403 = vector.broadcast %mul3A_402 : f32 to vector<16xf32>
      %mul3A_404 = arith.mulf %mul3A_403, %get3A_401 : vector<16xf32>
      %add3A_405 = arith.addf %mul3A_398, %mul3A_404 : vector<16xf32>
      %swap3A_406 = arith.index_cast %add3A_392 : i32 to index
      %swap3A_407 = tpu.vector_load %arg7[%swap3A_406] {strides = array<i32>} : memref<20000xf32, #tpu.memory_space<vmem>>, vector<16xf32>,
      %swap3A_408 = vector.shape_cast %swap3A_407 : vector<16xf32> to vector<16xf32>
      %swap3A_409 = vector.shape_cast %add3A_405 : vector<16xf32> to vector<16xf32>
      tpu.vector_store %arg7[%swap3A_406], %swap3A_409 {strides = array<i32>} : memref<20000xf32, #tpu.memory_space<vmem>>, vector<16xf32>,
      %mul3A_410 = arith.constant 160 : i32
      %mul3A_411 = arith.muli %scan3A_222, %mul3A_410 : i32
      %add3A_412 = arith.constant 144 : i32
      %add3A_413 = arith.addi %mul3A_411, %add3A_412 : i32
      %get3A_414 = arith.index_cast %add3A_413 : i32 to index
      %get3A_415 = tpu.vector_load %arg5[%get3A_414] {strides = array<i32>} : memref<20000xf32, #tpu.memory_space<vmem>>, vector<16xf32>,
      %get3A_416 = vector.shape_cast %get3A_415 : vector<16xf32> to vector<16xf32>
      %mul3A_417 = arith.constant 0.699999988 : f32
      %mul3A_418 = vector.broadcast %mul3A_417 : f32 to vector<16xf32>
      %mul3A_419 = arith.mulf %mul3A_418, %get3A_416 : vector<16xf32>
      %get3A_420 = arith.index_cast %add3A_413 : i32 to index
      %get3A_421 = tpu.vector_load %arg6[%get3A_420] {strides = array<i32>} : memref<20000xf32, #tpu.memory_space<vmem>>, vector<16xf32>,
      %get3A_422 = vector.shape_cast %get3A_421 : vector<16xf32> to vector<16xf32>
      %mul3A_423 = arith.constant 3.000000e-01 : f32
      %mul3A_424 = vector.broadcast %mul3A_423 : f32 to vector<16xf32>
      %mul3A_425 = arith.mulf %mul3A_424, %get3A_422 : vector<16xf32>
      %add3A_426 = arith.addf %mul3A_419, %mul3A_425 : vector<16xf32>
      %swap3A_427 = arith.index_cast %add3A_413 : i32 to index
      %swap3A_428 = tpu.vector_load %arg7[%swap3A_427] {strides = array<i32>} : memref<20000xf32, #tpu.memory_space<vmem>>, vector<16xf32>,
      %swap3A_429 = vector.shape_cast %swap3A_428 : vector<16xf32> to vector<16xf32>
      %swap3A_430 = vector.shape_cast %add3A_426 : vector<16xf32> to vector<16xf32>
      tpu.vector_store %arg7[%swap3A_427], %swap3A_430 {strides = array<i32>} : memref<20000xf32, #tpu.memory_space<vmem>>, vector<16xf32>,
    }
    %scan3A_197 = arith.constant 125 : i32
    %add3A_198 = arith.constant 160000 : i32
    %add3A_199 = arith.addi %add3A_4, %add3A_198 : i32
    %dma_start3A_200 = tpu.memref_slice %arg4[%add3A_199] : memref<12800000xf32, #tpu.memory_space<hbm>> -> memref<20000xf32, #tpu.memory_space<hbm>>
    %dma_start3A_201 = tpu.memref_slice %arg4[%add3A_199] : memref<12800000xf32, #tpu.memory_space<hbm>> -> memref<20000xf32, #tpu.memory_space<hbm>>
    tpu.enqueue_dma source(%arg7 : memref<20000xf32, #tpu.memory_space<vmem>>) target(%dma_start3A_201 : memref<20000xf32, #tpu.memory_space<hbm>>) target_semaphore(%arg13 : memref<!tpu.dma_semaphore, #tpu.memory_space<semaphore_mem>>)
    %dma_wait3A_202 = tpu.memref_slice %arg2[%add3A_181] : memref<12800000xf32, #tpu.memory_space<hbm>> -> memref<20000xf32, #tpu.memory_space<hbm>>
    %dma_wait3A_203 = tpu.memref_slice %arg2[%add3A_181] : memref<12800000xf32, #tpu.memory_space<hbm>> -> memref<20000xf32, #tpu.memory_space<hbm>>
    tpu.wait_dma2 semaphore(%arg12 : memref<!tpu.dma_semaphore, #tpu.memory_space<semaphore_mem>>) src(%dma_wait3A_203 : memref<20000xf32, #tpu.memory_space<hbm>>) dst(%arg8 : memref<20000xf32, #tpu.memory_space<vmem>>)
    %dma_wait3A_204 = tpu.memref_slice %arg3[%add3A_181] : memref<12800000xf32, #tpu.memory_space<hbm>> -> memref<20000xf32, #tpu.memory_space<hbm>>
    %dma_wait3A_205 = tpu.memref_slice %arg3[%add3A_181] : memref<12800000xf32, #tpu.memory_space<hbm>> -> memref<20000xf32, #tpu.memory_space<hbm>>
    tpu.wait_dma2 semaphore(%arg12 : memref<!tpu.dma_semaphore, #tpu.memory_space<semaphore_mem>>) src(%dma_wait3A_205 : memref<20000xf32, #tpu.memory_space<hbm>>) dst(%arg9 : memref<20000xf32, #tpu.memory_space<vmem>>)
    %dma_wait3A_206 = tpu.memref_slice %arg4[%add3A_177] : memref<12800000xf32, #tpu.memory_space<hbm>> -> memref<20000xf32, #tpu.memory_space<hbm>>
    %dma_wait3A_207 = tpu.memref_slice %arg4[%add3A_177] : memref<12800000xf32, #tpu.memory_space<hbm>> -> memref<20000xf32, #tpu.memory_space<hbm>>
    tpu.wait_dma2 semaphore(%arg14 : memref<!tpu.dma_semaphore, #tpu.memory_space<semaphore_mem>>) src(%arg10 : memref<20000xf32, #tpu.memory_space<vmem>>) dst(%dma_wait3A_207 : memref<20000xf32, #tpu.memory_space<hbm>>)
    %scan3A_208 = arith.constant 0 : i32
    %scan3A_209 = arith.constant 0 : i32
    %scan3A_210 = arith.constant 125 : i32
    %scan3A_211 = arith.addi %scan3A_209, %scan3A_210 : i32
    %scan3A_212 = arith.constant 1 : i32
    scf.for %scan3A_222 = %scan3A_209 to %scan3A_211 step %scan3A_212  : i32 {
      %mul3A_223 = arith.constant 160 : i32
      %mul3A_224 = arith.muli %scan3A_222, %mul3A_223 : i32
      %add3A_225 = arith.constant 0 : i32
      %add3A_226 = arith.addi %mul3A_224, %add3A_225 : i32
      %get3A = arith.index_cast %add3A_226 : i32 to index
      %get3A_227 = tpu.vector_load %arg8[%get3A] {strides = array<i32>} : memref<20000xf32, #tpu.memory_space<vmem>>, vector<16xf32>,
      %get3A_228 = vector.shape_cast %get3A_227 : vector<16xf32> to vector<16xf32>
      %mul3A_229 = arith.constant 0.699999988 : f32
      %mul3A_230 = vector.broadcast %mul3A_229 : f32 to vector<16xf32>
      %mul3A_231 = arith.mulf %mul3A_230, %get3A_228 : vector<16xf32>
      %get3A_232 = arith.index_cast %add3A_226 : i32 to index
      %get3A_233 = tpu.vector_load %arg9[%get3A_232] {strides = array<i32>} : memref<20000xf32, #tpu.memory_space<vmem>>, vector<16xf32>,
      %get3A_234 = vector.shape_cast %get3A_233 : vector<16xf32> to vector<16xf32>
      %mul3A_235 = arith.constant 3.000000e-01 : f32
      %mul3A_236 = vector.broadcast %mul3A_235 : f32 to vector<16xf32>
      %mul3A_237 = arith.mulf %mul3A_236, %get3A_234 : vector<16xf32>
      %add3A_238 = arith.addf %mul3A_231, %mul3A_237 : vector<16xf32>
      %swap3A = arith.index_cast %add3A_226 : i32 to index
      %swap3A_239 = tpu.vector_load %arg10[%swap3A] {strides = array<i32>} : memref<20000xf32, #tpu.memory_space<vmem>>, vector<16xf32>,
      %swap3A_240 = vector.shape_cast %swap3A_239 : vector<16xf32> to vector<16xf32>
      %swap3A_241 = vector.shape_cast %add3A_238 : vector<16xf32> to vector<16xf32>
      tpu.vector_store %arg10[%swap3A], %swap3A_241 {strides = array<i32>} : memref<20000xf32, #tpu.memory_space<vmem>>, vector<16xf32>,
      %mul3A_242 = arith.constant 160 : i32
      %mul3A_243 = arith.muli %scan3A_222, %mul3A_242 : i32
      %add3A_244 = arith.constant 16 : i32
      %add3A_245 = arith.addi %mul3A_243, %add3A_244 : i32
      %get3A_246 = arith.index_cast %add3A_245 : i32 to index
      %get3A_247 = tpu.vector_load %arg8[%get3A_246] {strides = array<i32>} : memref<20000xf32, #tpu.memory_space<vmem>>, vector<16xf32>,
      %get3A_248 = vector.shape_cast %get3A_247 : vector<16xf32> to vector<16xf32>
      %mul3A_249 = arith.constant 0.699999988 : f32
      %mul3A_250 = vector.broadcast %mul3A_249 : f32 to vector<16xf32>
      %mul3A_251 = arith.mulf %mul3A_250, %get3A_248 : vector<16xf32>
      %get3A_252 = arith.index_cast %add3A_245 : i32 to index
      %get3A_253 = tpu.vector_load %arg9[%get3A_252] {strides = array<i32>} : memref<20000xf32, #tpu.memory_space<vmem>>, vector<16xf32>,
      %get3A_254 = vector.shape_cast %get3A_253 : vector<16xf32> to vector<16xf32>
      %mul3A_255 = arith.constant 3.000000e-01 : f32
      %mul3A_256 = vector.broadcast %mul3A_255 : f32 to vector<16xf32>
      %mul3A_257 = arith.mulf %mul3A_256, %get3A_254 : vector<16xf32>
      %add3A_258 = arith.addf %mul3A_251, %mul3A_257 : vector<16xf32>
      %swap3A_259 = arith.index_cast %add3A_245 : i32 to index
      %swap3A_260 = tpu.vector_load %arg10[%swap3A_259] {strides = array<i32>} : memref<20000xf32, #tpu.memory_space<vmem>>, vector<16xf32>,
      %swap3A_261 = vector.shape_cast %swap3A_260 : vector<16xf32> to vector<16xf32>
      %swap3A_262 = vector.shape_cast %add3A_258 : vector<16xf32> to vector<16xf32>
      tpu.vector_store %arg10[%swap3A_259], %swap3A_262 {strides = array<i32>} : memref<20000xf32, #tpu.memory_space<vmem>>, vector<16xf32>,
      %mul3A_263 = arith.constant 160 : i32
      %mul3A_264 = arith.muli %scan3A_222, %mul3A_263 : i32
      %add3A_265 = arith.constant 32 : i32
      %add3A_266 = arith.addi %mul3A_264, %add3A_265 : i32
      %get3A_267 = arith.index_cast %add3A_266 : i32 to index
      %get3A_268 = tpu.vector_load %arg8[%get3A_267] {strides = array<i32>} : memref<20000xf32, #tpu.memory_space<vmem>>, vector<16xf32>,
      %get3A_269 = vector.shape_cast %get3A_268 : vector<16xf32> to vector<16xf32>
      %mul3A_270 = arith.constant 0.699999988 : f32
      %mul3A_271 = vector.broadcast %mul3A_270 : f32 to vector<16xf32>
      %mul3A_272 = arith.mulf %mul3A_271, %get3A_269 : vector<16xf32>
      %get3A_273 = arith.index_cast %add3A_266 : i32 to index
      %get3A_274 = tpu.vector_load %arg9[%get3A_273] {strides = array<i32>} : memref<20000xf32, #tpu.memory_space<vmem>>, vector<16xf32>,
      %get3A_275 = vector.shape_cast %get3A_274 : vector<16xf32> to vector<16xf32>
      %mul3A_276 = arith.constant 3.000000e-01 : f32
      %mul3A_277 = vector.broadcast %mul3A_276 : f32 to vector<16xf32>
      %mul3A_278 = arith.mulf %mul3A_277, %get3A_275 : vector<16xf32>
      %add3A_279 = arith.addf %mul3A_272, %mul3A_278 : vector<16xf32>
      %swap3A_280 = arith.index_cast %add3A_266 : i32 to index
      %swap3A_281 = tpu.vector_load %arg10[%swap3A_280] {strides = array<i32>} : memref<20000xf32, #tpu.memory_space<vmem>>, vector<16xf32>,
      %swap3A_282 = vector.shape_cast %swap3A_281 : vector<16xf32> to vector<16xf32>
      %swap3A_283 = vector.shape_cast %add3A_279 : vector<16xf32> to vector<16xf32>
      tpu.vector_store %arg10[%swap3A_280], %swap3A_283 {strides = array<i32>} : memref<20000xf32, #tpu.memory_space<vmem>>, vector<16xf32>,
      %mul3A_284 = arith.constant 160 : i32
      %mul3A_285 = arith.muli %scan3A_222, %mul3A_284 : i32
      %add3A_286 = arith.constant 48 : i32
      %add3A_287 = arith.addi %mul3A_285, %add3A_286 : i32
      %get3A_288 = arith.index_cast %add3A_287 : i32 to index
      %get3A_289 = tpu.vector_load %arg8[%get3A_288] {strides = array<i32>} : memref<20000xf32, #tpu.memory_space<vmem>>, vector<16xf32>,
      %get3A_290 = vector.shape_cast %get3A_289 : vector<16xf32> to vector<16xf32>
      %mul3A_291 = arith.constant 0.699999988 : f32
      %mul3A_292 = vector.broadcast %mul3A_291 : f32 to vector<16xf32>
      %mul3A_293 = arith.mulf %mul3A_292, %get3A_290 : vector<16xf32>
      %get3A_294 = arith.index_cast %add3A_287 : i32 to index
      %get3A_295 = tpu.vector_load %arg9[%get3A_294] {strides = array<i32>} : memref<20000xf32, #tpu.memory_space<vmem>>, vector<16xf32>,
      %get3A_296 = vector.shape_cast %get3A_295 : vector<16xf32> to vector<16xf32>
      %mul3A_297 = arith.constant 3.000000e-01 : f32
      %mul3A_298 = vector.broadcast %mul3A_297 : f32 to vector<16xf32>
      %mul3A_299 = arith.mulf %mul3A_298, %get3A_296 : vector<16xf32>
      %add3A_300 = arith.addf %mul3A_293, %mul3A_299 : vector<16xf32>
      %swap3A_301 = arith.index_cast %add3A_287 : i32 to index
      %swap3A_302 = tpu.vector_load %arg10[%swap3A_301] {strides = array<i32>} : memref<20000xf32, #tpu.memory_space<vmem>>, vector<16xf32>,
      %swap3A_303 = vector.shape_cast %swap3A_302 : vector<16xf32> to vector<16xf32>
      %swap3A_304 = vector.shape_cast %add3A_300 : vector<16xf32> to vector<16xf32>
      tpu.vector_store %arg10[%swap3A_301], %swap3A_304 {strides = array<i32>} : memref<20000xf32, #tpu.memory_space<vmem>>, vector<16xf32>,
      %mul3A_305 = arith.constant 160 : i32
      %mul3A_306 = arith.muli %scan3A_222, %mul3A_305 : i32
      %add3A_307 = arith.constant 64 : i32
      %add3A_308 = arith.addi %mul3A_306, %add3A_307 : i32
      %get3A_309 = arith.index_cast %add3A_308 : i32 to index
      %get3A_310 = tpu.vector_load %arg8[%get3A_309] {strides = array<i32>} : memref<20000xf32, #tpu.memory_space<vmem>>, vector<16xf32>,
      %get3A_311 = vector.shape_cast %get3A_310 : vector<16xf32> to vector<16xf32>
      %mul3A_312 = arith.constant 0.699999988 : f32
      %mul3A_313 = vector.broadcast %mul3A_312 : f32 to vector<16xf32>
      %mul3A_314 = arith.mulf %mul3A_313, %get3A_311 : vector<16xf32>
      %get3A_315 = arith.index_cast %add3A_308 : i32 to index
      %get3A_316 = tpu.vector_load %arg9[%get3A_315] {strides = array<i32>} : memref<20000xf32, #tpu.memory_space<vmem>>, vector<16xf32>,
      %get3A_317 = vector.shape_cast %get3A_316 : vector<16xf32> to vector<16xf32>
      %mul3A_318 = arith.constant 3.000000e-01 : f32
      %mul3A_319 = vector.broadcast %mul3A_318 : f32 to vector<16xf32>
      %mul3A_320 = arith.mulf %mul3A_319, %get3A_317 : vector<16xf32>
      %add3A_321 = arith.addf %mul3A_314, %mul3A_320 : vector<16xf32>
      %swap3A_322 = arith.index_cast %add3A_308 : i32 to index
      %swap3A_323 = tpu.vector_load %arg10[%swap3A_322] {strides = array<i32>} : memref<20000xf32, #tpu.memory_space<vmem>>, vector<16xf32>,
      %swap3A_324 = vector.shape_cast %swap3A_323 : vector<16xf32> to vector<16xf32>
      %swap3A_325 = vector.shape_cast %add3A_321 : vector<16xf32> to vector<16xf32>
      tpu.vector_store %arg10[%swap3A_322], %swap3A_325 {strides = array<i32>} : memref<20000xf32, #tpu.memory_space<vmem>>, vector<16xf32>,
      %mul3A_326 = arith.constant 160 : i32
      %mul3A_327 = arith.muli %scan3A_222, %mul3A_326 : i32
      %add3A_328 = arith.constant 80 : i32
      %add3A_329 = arith.addi %mul3A_327, %add3A_328 : i32
      %get3A_330 = arith.index_cast %add3A_329 : i32 to index
      %get3A_331 = tpu.vector_load %arg8[%get3A_330] {strides = array<i32>} : memref<20000xf32, #tpu.memory_space<vmem>>, vector<16xf32>,
      %get3A_332 = vector.shape_cast %get3A_331 : vector<16xf32> to vector<16xf32>
      %mul3A_333 = arith.constant 0.699999988 : f32
      %mul3A_334 = vector.broadcast %mul3A_333 : f32 to vector<16xf32>
      %mul3A_335 = arith.mulf %mul3A_334, %get3A_332 : vector<16xf32>
      %get3A_336 = arith.index_cast %add3A_329 : i32 to index
      %get3A_337 = tpu.vector_load %arg9[%get3A_336] {strides = array<i32>} : memref<20000xf32, #tpu.memory_space<vmem>>, vector<16xf32>,
      %get3A_338 = vector.shape_cast %get3A_337 : vector<16xf32> to vector<16xf32>
      %mul3A_339 = arith.constant 3.000000e-01 : f32
      %mul3A_340 = vector.broadcast %mul3A_339 : f32 to vector<16xf32>
      %mul3A_341 = arith.mulf %mul3A_340, %get3A_338 : vector<16xf32>
      %add3A_342 = arith.addf %mul3A_335, %mul3A_341 : vector<16xf32>
      %swap3A_343 = arith.index_cast %add3A_329 : i32 to index
      %swap3A_344 = tpu.vector_load %arg10[%swap3A_343] {strides = array<i32>} : memref<20000xf32, #tpu.memory_space<vmem>>, vector<16xf32>,
      %swap3A_345 = vector.shape_cast %swap3A_344 : vector<16xf32> to vector<16xf32>
      %swap3A_346 = vector.shape_cast %add3A_342 : vector<16xf32> to vector<16xf32>
      tpu.vector_store %arg10[%swap3A_343], %swap3A_346 {strides = array<i32>} : memref<20000xf32, #tpu.memory_space<vmem>>, vector<16xf32>,
      %mul3A_347 = arith.constant 160 : i32
      %mul3A_348 = arith.muli %scan3A_222, %mul3A_347 : i32
      %add3A_349 = arith.constant 96 : i32
      %add3A_350 = arith.addi %mul3A_348, %add3A_349 : i32
      %get3A_351 = arith.index_cast %add3A_350 : i32 to index
      %get3A_352 = tpu.vector_load %arg8[%get3A_351] {strides = array<i32>} : memref<20000xf32, #tpu.memory_space<vmem>>, vector<16xf32>,
      %get3A_353 = vector.shape_cast %get3A_352 : vector<16xf32> to vector<16xf32>
      %mul3A_354 = arith.constant 0.699999988 : f32
      %mul3A_355 = vector.broadcast %mul3A_354 : f32 to vector<16xf32>
      %mul3A_356 = arith.mulf %mul3A_355, %get3A_353 : vector<16xf32>
      %get3A_357 = arith.index_cast %add3A_350 : i32 to index
      %get3A_358 = tpu.vector_load %arg9[%get3A_357] {strides = array<i32>} : memref<20000xf32, #tpu.memory_space<vmem>>, vector<16xf32>,
      %get3A_359 = vector.shape_cast %get3A_358 : vector<16xf32> to vector<16xf32>
      %mul3A_360 = arith.constant 3.000000e-01 : f32
      %mul3A_361 = vector.broadcast %mul3A_360 : f32 to vector<16xf32>
      %mul3A_362 = arith.mulf %mul3A_361, %get3A_359 : vector<16xf32>
      %add3A_363 = arith.addf %mul3A_356, %mul3A_362 : vector<16xf32>
      %swap3A_364 = arith.index_cast %add3A_350 : i32 to index
      %swap3A_365 = tpu.vector_load %arg10[%swap3A_364] {strides = array<i32>} : memref<20000xf32, #tpu.memory_space<vmem>>, vector<16xf32>,
      %swap3A_366 = vector.shape_cast %swap3A_365 : vector<16xf32> to vector<16xf32>
      %swap3A_367 = vector.shape_cast %add3A_363 : vector<16xf32> to vector<16xf32>
      tpu.vector_store %arg10[%swap3A_364], %swap3A_367 {strides = array<i32>} : memref<20000xf32, #tpu.memory_space<vmem>>, vector<16xf32>,
      %mul3A_368 = arith.constant 160 : i32
      %mul3A_369 = arith.muli %scan3A_222, %mul3A_368 : i32
      %add3A_370 = arith.constant 112 : i32
      %add3A_371 = arith.addi %mul3A_369, %add3A_370 : i32
      %get3A_372 = arith.index_cast %add3A_371 : i32 to index
      %get3A_373 = tpu.vector_load %arg8[%get3A_372] {strides = array<i32>} : memref<20000xf32, #tpu.memory_space<vmem>>, vector<16xf32>,
      %get3A_374 = vector.shape_cast %get3A_373 : vector<16xf32> to vector<16xf32>
      %mul3A_375 = arith.constant 0.699999988 : f32
      %mul3A_376 = vector.broadcast %mul3A_375 : f32 to vector<16xf32>
      %mul3A_377 = arith.mulf %mul3A_376, %get3A_374 : vector<16xf32>
      %get3A_378 = arith.index_cast %add3A_371 : i32 to index
      %get3A_379 = tpu.vector_load %arg9[%get3A_378] {strides = array<i32>} : memref<20000xf32, #tpu.memory_space<vmem>>, vector<16xf32>,
      %get3A_380 = vector.shape_cast %get3A_379 : vector<16xf32> to vector<16xf32>
      %mul3A_381 = arith.constant 3.000000e-01 : f32
      %mul3A_382 = vector.broadcast %mul3A_381 : f32 to vector<16xf32>
      %mul3A_383 = arith.mulf %mul3A_382, %get3A_380 : vector<16xf32>
      %add3A_384 = arith.addf %mul3A_377, %mul3A_383 : vector<16xf32>
      %swap3A_385 = arith.index_cast %add3A_371 : i32 to index
      %swap3A_386 = tpu.vector_load %arg10[%swap3A_385] {strides = array<i32>} : memref<20000xf32, #tpu.memory_space<vmem>>, vector<16xf32>,
      %swap3A_387 = vector.shape_cast %swap3A_386 : vector<16xf32> to vector<16xf32>
      %swap3A_388 = vector.shape_cast %add3A_384 : vector<16xf32> to vector<16xf32>
      tpu.vector_store %arg10[%swap3A_385], %swap3A_388 {strides = array<i32>} : memref<20000xf32, #tpu.memory_space<vmem>>, vector<16xf32>,
      %mul3A_389 = arith.constant 160 : i32
      %mul3A_390 = arith.muli %scan3A_222, %mul3A_389 : i32
      %add3A_391 = arith.constant 128 : i32
      %add3A_392 = arith.addi %mul3A_390, %add3A_391 : i32
      %get3A_393 = arith.index_cast %add3A_392 : i32 to index
      %get3A_394 = tpu.vector_load %arg8[%get3A_393] {strides = array<i32>} : memref<20000xf32, #tpu.memory_space<vmem>>, vector<16xf32>,
      %get3A_395 = vector.shape_cast %get3A_394 : vector<16xf32> to vector<16xf32>
      %mul3A_396 = arith.constant 0.699999988 : f32
      %mul3A_397 = vector.broadcast %mul3A_396 : f32 to vector<16xf32>
      %mul3A_398 = arith.mulf %mul3A_397, %get3A_395 : vector<16xf32>
      %get3A_399 = arith.index_cast %add3A_392 : i32 to index
      %get3A_400 = tpu.vector_load %arg9[%get3A_399] {strides = array<i32>} : memref<20000xf32, #tpu.memory_space<vmem>>, vector<16xf32>,
      %get3A_401 = vector.shape_cast %get3A_400 : vector<16xf32> to vector<16xf32>
      %mul3A_402 = arith.constant 3.000000e-01 : f32
      %mul3A_403 = vector.broadcast %mul3A_402 : f32 to vector<16xf32>
      %mul3A_404 = arith.mulf %mul3A_403, %get3A_401 : vector<16xf32>
      %add3A_405 = arith.addf %mul3A_398, %mul3A_404 : vector<16xf32>
      %swap3A_406 = arith.index_cast %add3A_392 : i32 to index
      %swap3A_407 = tpu.vector_load %arg10[%swap3A_406] {strides = array<i32>} : memref<20000xf32, #tpu.memory_space<vmem>>, vector<16xf32>,
      %swap3A_408 = vector.shape_cast %swap3A_407 : vector<16xf32> to vector<16xf32>
      %swap3A_409 = vector.shape_cast %add3A_405 : vector<16xf32> to vector<16xf32>
      tpu.vector_store %arg10[%swap3A_406], %swap3A_409 {strides = array<i32>} : memref<20000xf32, #tpu.memory_space<vmem>>, vector<16xf32>,
      %mul3A_410 = arith.constant 160 : i32
      %mul3A_411 = arith.muli %scan3A_222, %mul3A_410 : i32
      %add3A_412 = arith.constant 144 : i32
      %add3A_413 = arith.addi %mul3A_411, %add3A_412 : i32
      %get3A_414 = arith.index_cast %add3A_413 : i32 to index
      %get3A_415 = tpu.vector_load %arg8[%get3A_414] {strides = array<i32>} : memref<20000xf32, #tpu.memory_space<vmem>>, vector<16xf32>,
      %get3A_416 = vector.shape_cast %get3A_415 : vector<16xf32> to vector<16xf32>
      %mul3A_417 = arith.constant 0.699999988 : f32
      %mul3A_418 = vector.broadcast %mul3A_417 : f32 to vector<16xf32>
      %mul3A_419 = arith.mulf %mul3A_418, %get3A_416 : vector<16xf32>
      %get3A_420 = arith.index_cast %add3A_413 : i32 to index
      %get3A_421 = tpu.vector_load %arg9[%get3A_420] {strides = array<i32>} : memref<20000xf32, #tpu.memory_space<vmem>>, vector<16xf32>,
      %get3A_422 = vector.shape_cast %get3A_421 : vector<16xf32> to vector<16xf32>
      %mul3A_423 = arith.constant 3.000000e-01 : f32
      %mul3A_424 = vector.broadcast %mul3A_423 : f32 to vector<16xf32>
      %mul3A_425 = arith.mulf %mul3A_424, %get3A_422 : vector<16xf32>
      %add3A_426 = arith.addf %mul3A_419, %mul3A_425 : vector<16xf32>
      %swap3A_427 = arith.index_cast %add3A_413 : i32 to index
      %swap3A_428 = tpu.vector_load %arg10[%swap3A_427] {strides = array<i32>} : memref<20000xf32, #tpu.memory_space<vmem>>, vector<16xf32>,
      %swap3A_429 = vector.shape_cast %swap3A_428 : vector<16xf32> to vector<16xf32>
      %swap3A_430 = vector.shape_cast %add3A_426 : vector<16xf32> to vector<16xf32>
      tpu.vector_store %arg10[%swap3A_427], %swap3A_430 {strides = array<i32>} : memref<20000xf32, #tpu.memory_space<vmem>>, vector<16xf32>,
    }
    %scan3A_213 = arith.constant 125 : i32
    %add3A_214 = arith.constant 180000 : i32
    %add3A_215 = arith.addi %add3A_4, %add3A_214 : i32
    %dma_start3A_216 = tpu.memref_slice %arg4[%add3A_215] : memref<12800000xf32, #tpu.memory_space<hbm>> -> memref<20000xf32, #tpu.memory_space<hbm>>
    %dma_start3A_217 = tpu.memref_slice %arg4[%add3A_215] : memref<12800000xf32, #tpu.memory_space<hbm>> -> memref<20000xf32, #tpu.memory_space<hbm>>
    tpu.enqueue_dma source(%arg10 : memref<20000xf32, #tpu.memory_space<vmem>>) target(%dma_start3A_217 : memref<20000xf32, #tpu.memory_space<hbm>>) target_semaphore(%arg14 : memref<!tpu.dma_semaphore, #tpu.memory_space<semaphore_mem>>)
    %dma_wait3A_218 = tpu.memref_slice %arg4[%add3A_199] : memref<12800000xf32, #tpu.memory_space<hbm>> -> memref<20000xf32, #tpu.memory_space<hbm>>
    %dma_wait3A_219 = tpu.memref_slice %arg4[%add3A_199] : memref<12800000xf32, #tpu.memory_space<hbm>> -> memref<20000xf32, #tpu.memory_space<hbm>>
    tpu.wait_dma2 semaphore(%arg13 : memref<!tpu.dma_semaphore, #tpu.memory_space<semaphore_mem>>) src(%arg7 : memref<20000xf32, #tpu.memory_space<vmem>>) dst(%dma_wait3A_219 : memref<20000xf32, #tpu.memory_space<hbm>>)
    %dma_wait3A_220 = tpu.memref_slice %arg4[%add3A_215] : memref<12800000xf32, #tpu.memory_space<hbm>> -> memref<20000xf32, #tpu.memory_space<hbm>>
    %dma_wait3A_221 = tpu.memref_slice %arg4[%add3A_215] : memref<12800000xf32, #tpu.memory_space<hbm>> -> memref<20000xf32, #tpu.memory_space<hbm>>
    tpu.wait_dma2 semaphore(%arg14 : memref<!tpu.dma_semaphore, #tpu.memory_space<semaphore_mem>>) src(%arg10 : memref<20000xf32, #tpu.memory_space<vmem>>) dst(%dma_wait3A_221 : memref<20000xf32, #tpu.memory_space<hbm>>)
    return
  }
}

module attributes {stable_mosaic.version = 14 : i64} {
  func.func @_tc_patch_body(%arg0: i32, %arg1: memref<2000x128xf32, #tpu.memory_space<vmem>>, %arg2: memref<2000x128xf32, #tpu.memory_space<vmem>>, %arg3: memref<100000x128xf32, #tpu.memory_space<any>>, %arg4: memref<2000x128xf32, #tpu.memory_space<vmem>>) attributes {dimension_semantics = [#tpu.dimension_semantics<arbitrary>], iteration_bounds = array<i64: 25>, scalar_prefetch = 0 : i64, scratch_operands = 0 : i64, tpu.core_type = #tpu.core_type<tc>, window_params = [{transform_indices = @transform_0, window_bounds = array<i64: 2000, 128>}, {transform_indices = @transform_1, window_bounds = array<i64: 2000, 128>}, {}, {transform_indices = @transform_3, window_bounds = array<i64: 2000, 128>}]} {
    %get3A = arith.constant 0 : index
    %get3A_0 = arith.constant 0 : index
    %get3A_1 = vector.load %arg1[%get3A, %get3A_0] : memref<2000x128xf32, #tpu.memory_space<vmem>>, vector<2000x128xf32>
    %mul3A = arith.constant 0.699999988 : f32
    %mul3A_2 = vector.broadcast %mul3A : f32 to vector<2000x128xf32>
    %mul3A_3 = arith.mulf %mul3A_2, %get3A_1 : vector<2000x128xf32>
    %get3A_4 = arith.constant 0 : index
    %get3A_5 = arith.constant 0 : index
    %get3A_6 = vector.load %arg2[%get3A_4, %get3A_5] : memref<2000x128xf32, #tpu.memory_space<vmem>>, vector<2000x128xf32>
    %mul3A_7 = arith.constant 3.000000e-01 : f32
    %mul3A_8 = vector.broadcast %mul3A_7 : f32 to vector<2000x128xf32>
    %mul3A_9 = arith.mulf %mul3A_8, %get3A_6 : vector<2000x128xf32>
    %add3A = arith.addf %mul3A_3, %mul3A_9 : vector<2000x128xf32>
    %swap3A = arith.constant 0 : index
    %swap3A_10 = arith.constant 0 : index
    %swap3A_11 = vector.load %arg4[%swap3A, %swap3A_10] : memref<2000x128xf32, #tpu.memory_space<vmem>>, vector<2000x128xf32>
    tpu.vector_store %arg4[%swap3A, %swap3A_10], %add3A {strides = array<i32>} : memref<2000x128xf32, #tpu.memory_space<vmem>>, vector<2000x128xf32>,
    return
  }
  func.func @transform_0(%arg0: i32) -> (i32, i32) {
    %c0_i32 = arith.constant 0 : i32
    %c0_i32_0 = arith.constant 0 : i32
    return %arg0, %c0_i32 : i32, i32
  }
  func.func @transform_1(%arg0: i32) -> (i32, i32) {
    %c0_i32 = arith.constant 0 : i32
    %c0_i32_0 = arith.constant 0 : i32
    return %arg0, %c0_i32 : i32, i32
  }
  func.func @transform_3(%arg0: i32) -> (i32, i32) {
    %c0_i32 = arith.constant 0 : i32
    %c0_i32_0 = arith.constant 0 : i32
    return %arg0, %c0_i32 : i32, i32
  }
}

module attributes {stable_mosaic.version = 14 : i64} {
  func.func @_tc_body(%arg0: i32, %arg1: memref<4000x128xf32, #tpu.memory_space<vmem>>, %arg2: memref<4000x128xf32, #tpu.memory_space<vmem>>, %arg3: memref<4000x128xf32, #tpu.memory_space<vmem>>) attributes {dimension_semantics = [#tpu.dimension_semantics<arbitrary>], iteration_bounds = array<i64: 25>, scalar_prefetch = 0 : i64, scratch_operands = 0 : i64, tpu.core_type = #tpu.core_type<tc>, window_params = [{transform_indices = @transform_0, window_bounds = array<i64: 4000, 128>}, {transform_indices = @transform_1, window_bounds = array<i64: 4000, 128>}, {transform_indices = @transform_2, window_bounds = array<i64: 4000, 128>}]} {
    %get3A = arith.constant 0 : index
    %get3A_0 = arith.constant 0 : index
    %get3A_1 = vector.load %arg1[%get3A, %get3A_0] : memref<4000x128xf32, #tpu.memory_space<vmem>>, vector<4000x128xf32>
    %mul3A = arith.constant 0.699999988 : f32
    %mul3A_2 = vector.broadcast %mul3A : f32 to vector<4000x128xf32>
    %mul3A_3 = arith.mulf %mul3A_2, %get3A_1 : vector<4000x128xf32>
    %get3A_4 = arith.constant 0 : index
    %get3A_5 = arith.constant 0 : index
    %get3A_6 = vector.load %arg2[%get3A_4, %get3A_5] : memref<4000x128xf32, #tpu.memory_space<vmem>>, vector<4000x128xf32>
    %mul3A_7 = arith.constant 3.000000e-01 : f32
    %mul3A_8 = vector.broadcast %mul3A_7 : f32 to vector<4000x128xf32>
    %mul3A_9 = arith.mulf %mul3A_8, %get3A_6 : vector<4000x128xf32>
    %add3A = arith.addf %mul3A_3, %mul3A_9 : vector<4000x128xf32>
    %swap3A = arith.constant 0 : index
    %swap3A_10 = arith.constant 0 : index
    %swap3A_11 = vector.load %arg3[%swap3A, %swap3A_10] : memref<4000x128xf32, #tpu.memory_space<vmem>>, vector<4000x128xf32>
    tpu.vector_store %arg3[%swap3A, %swap3A_10], %add3A {strides = array<i32>} : memref<4000x128xf32, #tpu.memory_space<vmem>>, vector<4000x128xf32>,
    return
  }
  func.func @transform_0(%arg0: i32) -> (i32, i32) {
    %c0_i32 = arith.constant 0 : i32
    %c0_i32_0 = arith.constant 0 : i32
    return %arg0, %c0_i32 : i32, i32
  }
  func.func @transform_1(%arg0: i32) -> (i32, i32) {
    %c0_i32 = arith.constant 0 : i32
    %c0_i32_0 = arith.constant 0 : i32
    return %arg0, %c0_i32 : i32, i32
  }
  func.func @transform_2(%arg0: i32) -> (i32, i32) {
    %c0_i32 = arith.constant 0 : i32
    %c0_i32_0 = arith.constant 0 : i32
    return %arg0, %c0_i32 : i32, i32
  }
}

</mosaic_0001>

<sc_bundles>
// kernel: kernel.5.cloned.1.call-start
scs
__scs_entry_jumppad:
0x0: {  	(pc) =	sbr.rel $0x88, $3  }
0x1: {  	(tag) =	ssettag $0x0;
	lr =	simm.s32 $0x1  }
0x2: {  	[smem:$0x3F9D] =	sst lr;
	_ =	strace $0xD0000000  }
0x3: {  	_ = 	snop  }
0x4: {  	_ = 	snop  }
0x5: {  	_ = 	snop  }
0x6: {  	_ = 	snop  }
0x7: {  	_ = 	snop  }
__scs_overlays_trampoline_lowered:
0x8: {  	[smem:$0x3FAC] =	sst s0  }
0x9: {  	[smem:$0x3FAD] =	sst s1  }
0xa: {  	[smem:$0x3FAE] =	sst s2  }
0xb: {  	[smem:$0x3FAF] =	sst s3  }
0xc: {  	[smem:$0x3FB0] =	sst s4  }
0xd: {  	[smem:$0x3FB1] =	sst s5  }
0xe: {  	[smem:$0x3FB2] =	sst s6  }
0xf: {  	[smem:$0x3FB3] =	sst s7  }
0x10: {  	[smem:$0x3FB4] =	sst s8  }
0x11: {  	[smem:$0x3FB5] =	sst s9;
	s0 =	simm.s32 @!p0 $0x0  }
0x12: {  	s1 =	sld [smem:$0x3F9B];
	s0 =	simm.s32 @p0 $0x1  }
0x13: {  	[smem:$0x3FB6] =	sst s0;
	s0 =	simm.s32 @!p1 $0x0  }
0x14: {  	s2 =	sld [smem:$0x3F9A];
	s0 =	simm.s32 @p1 $0x1  }
0x15: {  	[smem:$0x3FB7] =	sst s0;
	s0 =	simm.s32 @!p2 $0x0  }
0x16: {  	s3 =	sld [smem:$0x3FDB];
	s0 =	simm.s32 @p2 $0x1  }
0x17: {  	s4 =	simm.s32 $0x1BF5;
	[smem:$0x3FB9] =	sst s0  }
0x18: {  	s0 =	sld [smem:$0x3F9C];
	_ =	swait.ge [sflag:s4], $0x0  }
0x19: {  	s7 =	sld [smem:$0x3F9D]  }
0x1a: {  	s8 =	sadd.s32 $0xFFFFE003, lr  }
0x1b: {  	s9 =	sadd.s32 $0xFFFFFEF7, lr;
	s5 =	simm.s32 $0xFFFFFFFF;
	p2 =	slt.u32 s8, $0xFFFFF086  }
0x1c: {  	p1 =	slt.u32 s9, $0xF7A;
	s5 =	simm.s32 @!p2 $0x0  }
0x1d: {  	s5 =	simm.s32 @p1 $0x1;
	p0 =	seq.s32 s7, s2  }
0x1e: {  	s7 =	smul.u32 @!p0 $0xF7A, s2;
	p2 =	seq.s32 @!p0 s5, $0x0  }
0x1f: {  	s9 =	smul.u32 $0xF7A, s1;
	s8 =	simm.s32 @!p0 $0x1BF5;
	p2 =	por !p2, p0  }
0x20: {  	[sflag:s8] =	ssyncset.s32 @!p0 $0xFFFFF086;
	s6 =	sadd.s32 @!p0 s3, s7;
	s7 =	simm.s32 @!p0 $0x108  }
0x21: {  	s3 =	sadd.s32 s3, s9;
	s6 =	sadd.s32 @!p0 $0x88, s6;
	s7 =	simm.s32 @p2 $0x1082  }
0x22: {  	[simem:s7], [sflag:s8] =	dma.local @!p0 [hbm:s6], $0xF7A  }
0x23: {  	s9 =	sor.u32 $0xD0000000, s2;
	s6 =	simm.s32 $0x108;
	_ =	swait.ge @!p0 [sflag:s8], $0x0  }
0x24: {  	s3 =	sadd.s32 $0x88, s3;
	s6 =	simm.s32 @!p1 $0x1082;
	[sflag:s4] =	ssyncset.s32 $0xFFFFF086  }
0x25: {  	[simem:s6], [sflag:s4] =	dma.local [hbm:s3], $0xF7A  }
0x26: {  	[smem:$0x3F9D] =	sst s1;
	(tag) =	ssettag s2;
	_ =	strace s9  }
0x27: {  	s1 =	sld [smem:$0x3FAD]  }
0x28: {  	s2 =	sld [smem:$0x3FAE]  }
0x29: {  	s4 =	sld [smem:$0x3FB0]  }
0x2a: {  	p0 =	seq.s32 s5, $0x0;
	s5 =	sld [smem:$0x3FB1]  }
0x2b: {  	s6 =	sld [smem:$0x3FB2]  }
0x2c: {  	s7 =	sld [smem:$0x3FB3]  }
0x2d: {  	s3 =	simm.s32 $0x108;
	s8 =	sld [smem:$0x3FB4]  }
0x2e: {  	s3 =	simm.s32 @!p0 $0x1082;
	s9 =	sld [smem:$0x3FB5]  }
0x2f: {  	lr =	sadd.s32 s0, s3;
	s0 =	sld [smem:$0x3FAC]  }
0x30: {  	s3 =	sld [smem:$0x3FAF]  }
0x31: {  	[smem:$0x3FB8] =	sst s10  }
0x32: {  	s10 =	sld [smem:$0x3FB6];
	_ =	sdelay $0x3  }
0x33: {  	p0 =	seq.s32 s10, $0x1;
	s10 =	sld [smem:$0x3FB8];
	_ =	sdelay $0x3  }
0x34: {  	[smem:$0x3FB8] =	sst s10  }
0x35: {  	s10 =	sld [smem:$0x3FB7];
	_ =	sdelay $0x3  }
0x36: {  	p1 =	seq.s32 s10, $0x1;
	s10 =	sld [smem:$0x3FB8];
	_ =	sdelay $0x3  }
0x37: {  	[smem:$0x3FB8] =	sst s10  }
0x38: {  	s10 =	sld [smem:$0x3FB9]  }
0x39: {  	_ = 	snop;
	(pc) =	sbr.ind lr, $3  }
0x3a: {  	_ = 	snop  }
0x3b: {  	_ = 	snop  }
0x3c: {  	p2 =	seq.s32 s10, $0x1;
	s10 =	sld [smem:$0x3FB8]  }
0x3d: {  	_ =	shalt  }
0x3e: {  	_ =	shalt  }
0x3f: {  	_ =	shalt  }
0x40: {  	_ =	shalt  }
0x41: {  	_ =	shalt  }
0x42: {  	_ =	shalt  }
0x43: {  	_ =	shalt  }
0x44: {  	_ =	shalt  }
0x45: {  	_ =	shalt  }
0x46: {  	_ =	shalt  }
0x47: {  	_ =	shalt  }
0x48: {  	_ =	shalt  }
0x49: {  	_ =	shalt  }
0x4a: {  	_ =	shalt  }
0x4b: {  	_ =	shalt  }
0x4c: {  	_ =	shalt  }
0x4d: {  	_ =	shalt  }
0x4e: {  	_ =	shalt  }
0x4f: {  	_ =	shalt  }
0x50: {  	_ =	shalt  }
0x51: {  	_ =	shalt  }
0x52: {  	_ =	shalt  }
0x53: {  	_ =	shalt  }
0x54: {  	_ =	shalt  }
0x55: {  	_ =	shalt  }
0x56: {  	_ =	shalt  }
0x57: {  	_ =	shalt  }
0x58: {  	_ =	shalt  }
0x59: {  	_ =	shalt  }
0x5a: {  	_ =	shalt  }
0x5b: {  	_ =	shalt  }
0x5c: {  	_ =	shalt  }
0x5d: {  	_ =	shalt  }
0x5e: {  	_ =	shalt  }
0x5f: {  	_ =	shalt  }
0x60: {  	_ =	shalt  }
0x61: {  	_ =	shalt  }
0x62: {  	_ =	shalt  }
0x63: {  	_ =	shalt  }
0x64: {  	_ =	shalt  }
0x65: {  	_ =	shalt  }
0x66: {  	_ =	shalt  }
0x67: {  	_ =	shalt  }
0x68: {  	_ =	shalt  }
0x69: {  	_ =	shalt  }
0x6a: {  	_ =	shalt  }
0x6b: {  	_ =	shalt  }
0x6c: {  	_ =	shalt  }
0x6d: {  	_ =	shalt  }
0x6e: {  	_ =	shalt  }
0x6f: {  	_ =	shalt  }
0x70: {  	_ =	shalt  }
0x71: {  	_ =	shalt  }
0x72: {  	_ =	shalt  }
0x73: {  	_ =	shalt  }
0x74: {  	_ =	shalt  }
0x75: {  	_ =	shalt  }
0x76: {  	_ =	shalt  }
0x77: {  	_ =	shalt  }
0x78: {  	_ =	shalt  }
0x79: {  	_ =	shalt  }
0x7a: {  	_ =	shalt  }
0x7b: {  	_ =	shalt  }
0x7c: {  	_ =	shalt  }
0x7d: {  	_ =	shalt  }
0x7e: {  	_ =	shalt  }
0x7f: {  	_ =	shalt  }
0x80: {  	_ =	shalt  }
0x81: {  	_ =	shalt  }
0x82: {  	_ =	shalt  }
0x83: {  	_ =	shalt  }
0x84: {  	_ =	shalt  }
0x85: {  	_ =	shalt  }
0x86: {  	_ =	shalt  }
0x87: {  	_ =	shalt  }
.Lfunc_end0:
.L_simem_size_0:
called_computation_lowered:
.L_overlay_start_0:
0x88: {  	s2 =	sld [smem:$0x3FD9]  }
0x89: {  	s3 =	sld [smem:$0x3FFE];
	_ =	sdelay $0x1  }
0x8a: {  	s1 =	srdreg.scid  }
0x8b: {  	s0 =	sand.u32 $0x1, s1  }
0x8c: {  	s15 =	sshll.u32 s0, $0xA;
	s2 =	sadd.s32 s3, s2  }
0x8d: {  	s2 =	sadd.s32 s2, s15  }
0x8e: {  	[smem:$0x3FC4] =	sst s2  }
0x8f: {  	_ = 	snop  }
0x90: {  	s2 =	sld [smem:$0x3FD0];
	_ =	sdelay $0x1  }
0x91: {  	s16 =	sld [smem:$0x3FC8]  }
0x92: {  	s5 =	simm.s32 $0xA;
	s6 =	simm.s32 $0x10;
	s4 =	sld [smem:$0x3FC6]  }
0x93: {  	[smem:s6], [sflag:s5] =	dma.local [hbm:s2], $0x1  }
0x94: {  	_ =	swait.eq [sflag:s5], $0x1  }
0x95: {  	[sflag:s5] =	ssyncset.done $0x0  }
0x96: {  	[sflag:s5] =	ssyncadd.s32 $0xFFFFFFFF  }
0x97: {  	s17 =	sld [smem:$0x11];
	(tm) =	ssettm $0x1  }
0x98: {  	s18 =	sld [smem:$0x3FFB];
	_ =	sdelay $0x3  }
0x99: {  	_ =	strace s18  }
0x9a: {  	s5 =	sld [smem:$0x3FFC];
	_ =	sdelay $0x3  }
0x9b: {  	_ =	strace s5  }
0x9c: {  	s5 =	sld [smem:$0x3FFD];
	_ =	sdelay $0x3  }
0x9d: {  	_ =	strace s5  }
0x9e: {  	_ =	strace $0x8FFFFFFF  }
0x9f: {  	s19 =	sld [smem:$0x3FDB];
	_ =	sdelay $0x1  }
0xa0: {  	s20 =	simm.s32 $_scs_section_size  }
0xa1: {  	s7 =	simm.s32 $_size__tile_overlayer_lowered;
	s8 =	simm.s32 $_tile_overlayer_lowered  }
0xa2: {  	s23 =	simm.s32 $0x1BFF;
	s22 =	sshll.u32 s8, $0x1;
	s5 =	sadd.s32 s20, s19  }
0xa3: {  	s9 =	simm.s32 $0x0;
	s21 =	sshll.u32 s7, $0x1;
	s7 =	sadd.s32 s22, s5  }
0xa4: {  	[timem:s9], [sflag:s23] =	dma.local [hbm:s7], s21  }
0xa5: {  	_ =	swait.ge [sflag:s23], s21  }
0xa6: {  	s6 =	ssub.s32 $0x0, s21;
	[sflag:s23] =	ssyncset.done $0x0  }
0xa7: {  	[sflag:s23] =	ssyncadd.s32 s6;
	_ =	sdelay $0x1  }
0xa8: {  	s24 =	simm.s32 $0x1B8B  }
0xa9: {  	_ =	swait.ge [sflag:s24], $0x1  }
0xaa: {  	[sflag:s24] =	ssyncset.done $0x0  }
0xab: {  	s25 =	simm.s32 $0x1B8E;
	[sflag:s24] =	ssyncadd.s32 $0xFFFFFFFF  }
0xac: {  	s26 =	simm.s32 $execute0_lowered;
	[smem:$0x3FD2] =	sst s25  }
0xad: {  	s6 =	sshll.u32 s26, $0x1;
	_ =	strace $0x80000046;
	[dreg:$0x1] =	wrdreg $0xFFFFFFFF  }
0xae: {  	s28 =	simm.s32 $_size_execute0_lowered;
	s5 =	sadd.s32 s5, s6;
	[dreg:$0x0] =	wrdreg $0x0  }
0xaf: {  	s6 =	sshll.u32 s28, $0x1;
	[dreg:$0x2] =	wrdreg s5  }
0xb0: {  	[dreg:$0x3] =	wrdreg s6  }
0xb1: {  	[dreg:$0x4] =	wrdreg $0xC0  }
0xb2: {  	_ =	task [dreg:s9], $0x5FFFF  }
0xb3: {  	[dreg:$0x1] =	wrdreg $0xFFFFFFFF  }
0xb4: {  	[dreg:$0x0] =	wrdreg $0x60  }
0xb5: {  	[dreg:$0x2] =	wrdreg s16  }
0xb6: {  	[dreg:$0x3] =	wrdreg s4  }
0xb7: {  	[dreg:$0x4] =	wrdreg s17  }
0xb8: {  	[dreg:$0x5] =	wrdreg $0x9  }
0xb9: {  	_ =	task.clear_ibuf [dreg:s9], $0x6FFFF;
	_ =	strace $0x90000046  }
0xba: {  	s29 =	simm.s32 $0x9;
	_ =	strace $0x80000048  }
0xbb: {  	_ =	swait.ge [sflag:s29], $0x1  }
0xbc: {  	[sflag:s29] =	ssyncadd.s32 $0xFFFFFFFF  }
0xbd: {  	_ =	strace $0x90000048  }
0xbe: {  	_ =	sfence  }
0xbf: {  	s30 =	sld [smem:$0x0];
	_ =	sdelay $0x2  }
0xc0: {  	s31 =	sshll.u32 s1, $0xD;
	s1 =	sshrl.u32 s1, $0x2  }
0xc1: {  	s3 =	sand.u32 $0x4000, s31;
	s1 =	sadd.s32 s1, s30  }
0xc2: {  	s0 =	sor.u32 s3, s0;
	s1 =	sshll.u32 s1, $0x11  }
0xc3: {  	s0 =	sor.u32 s1, s0  }
0xc4: {  	s0 =	sadd.s32 $0x8F2B, s0  }
0xc5: {  	[sflag:s0] =	ssyncadd.remote.s32 $0x1  }
0xc6: {  	_ =	sfence.sel $0xFFFF  }
0xc7: {  	[dreg:$0x0] =	wrdreg $0xFFFFFFFF;
	(pc) =	sbr.abs _section_cstart, $3  }
0xc8: {  	[dreg:$0x1] =	wrdreg $0xFFFFFFFF  }
0xc9: {  	_ =	task.clear_ibuf [dreg:s9], $0x2FFFF;
	_ =	strace $0x9FFFFFFF  }
0xca: {  	(tm) =	ssettm $0x7FFFFFFF  }
0xcb: {  	_ =	shalt  }
tec
execute0_lowered:
.L_overlay_start_1:
0x0: {  	(tag) =	ssettag $0x1  }
0x1: {  	s0 =	srdreg.scid;
	s1 =	stileid.u32  }
0x2: {  	s0 =	sand.u32 $0x1, s0;
	s1 =	sshll.u32 s1, $0x1  }
0x3: {  	s1 =	sor.u32 s0, s1  }
0x4: {  	s4 =	smul.u32 $0x30D40, s1  }
0x5: {  	s2 =	rddreg [dreg:$0x0]  }
0x6: {  	s3 =	rddreg [dreg:$0x1];
	s4 =	sshrl.u32 s4, $0x3  }
0x7: {  	s5 =	rddreg [dreg:$0x2];
	s1 =	simm.s32 $0x0;
	s17 =	sadd.s32 $0xC3500, s4  }
0x8: {  	s0 =	ssub.s32 $0x2, s0;
	[smem:$0x7FF] =	sst s1;
	s8 =	sadd.s32 s2, s17  }
0x9: {  	s7 =	sadd.s32 $0xC3EC4, s4;
	s18 =	sadd.s32 s3, s17;
	[dreg:$0x4] =	wrdreg s8  }
0xa: {  	s6 =	sshrl.u32 s0, $0x1;
	s19 =	sadd.s32 s2, s7;
	[dreg:$0x5] =	wrdreg s18  }
0xb: {  	s6 =	ssub.s32 s0, s6;
	s20 =	sadd.s32 s3, s7;
	[dreg:$0x6] =	wrdreg s19  }
0xc: {  	s21 =	sadd.s32 $0xC4888, s4;
	s0 =	sadd.s32 s5, s17;
	[dreg:$0x7] =	wrdreg s20  }
0xd: {  	s24 =	sadd.s32 $0xC524C, s4;
	s22 =	sadd.s32 s2, s21;
	[dreg:$0x8] =	wrdreg s0  }
0xe: {  	s26 =	sadd.s32 $0xC5C10, s4;
	s23 =	sadd.s32 s3, s21;
	[dreg:$0x9] =	wrdreg s22  }
0xf: {  	s12 =	sadd.s32 $0xC65D4, s4;
	s7 =	sadd.s32 s5, s7;
	[dreg:$0xa] =	wrdreg s23  }
0x10: {  	s15 =	sadd.s32 $0xC6F98, s4;
	s25 =	sadd.s32 s2, s24;
	[dreg:$0xb] =	wrdreg s7  }
0x11: {  	s16 =	sadd.s32 $0xC795C, s4;
	s9 =	sadd.s32 s3, s24;
	[dreg:$0xc] =	wrdreg s25  }
0x12: {  	s10 =	sadd.s32 s3, s26;
	s11 =	sadd.s32 s5, s24;
	[dreg:$0xd] =	wrdreg s9  }
0x13: {  	s13 =	sadd.s32 s2, s12;
	s14 =	sadd.s32 s3, s12;
	[dreg:$0x10] =	wrdreg s10  }
0x14: {  	s24 =	sadd.s32 s3, s16;
	s17 =	sadd.s32 $0xC8320, s4;
	[dreg:$0x11] =	wrdreg s11  }
0x15: {  	s0 =	sadd.s32 s5, s21;
	s9 =	sadd.s32 s2, s26;
	[dreg:$0x12] =	wrdreg s13  }
0x16: {  	[dreg:$0x13] =	wrdreg s14;
	s7 =	sadd.s32 s5, s26;
	s19 =	sadd.s32 s5, s12  }
0x17: {  	s20 =	sadd.s32 s2, s15;
	s21 =	sadd.s32 s3, s15;
	s22 =	sadd.s32 s5, s15  }
0x18: {  	s23 =	sadd.s32 s2, s16;
	s25 =	sadd.s32 s5, s16;
	s18 =	sadd.s32 $0xC8CE4, s4  }
0x19: {  	s28 =	sadd.s32 s2, s17;
	s30 =	sadd.s32 s3, s17;
	s26 =	sadd.s32 s5, s17  }
0x1a: {  	s4 =	simm.s32 $0xEB80;
	s8 =	simm.s32 $0x2;
	[dreg:$0xe] =	wrdreg s0  }
0x1b: {  	s10 =	simm.s32 $0x3;
	s11 =	simm.s32 $0x4;
	[dreg:$0xf] =	wrdreg s9  }
0x1c: {  	s12 =	simm.s32 $0x0;
	[dreg:$0x14] =	wrdreg s7;
	s29 =	sadd.s32 s2, s18  }
0x1d: {  	s31 =	sadd.s32 s3, s18;
	s0 =	sadd.s32 s5, s18;
	s2 =	smax.u32 s6, $0x1  }
0x1e: {  	s3 =	simm.s32 $0x4E80;
	s5 =	simm.s32 $0x13A00;
	s6 =	simm.s32 $0x1  }
0x1f: {  	s7 =	simm.s32 $0x9D00;
	s9 =	simm.s32 $0x18880;
	_ =	strace $0x80000047  }
.LBB2_1:
0x20: {  	s13 =	rddreg [dreg:$0x4]  }
0x21: {  	[tilespmem:s1], [sflag:$0x1] =	stream.linear.gather [hbm4b:s13+s1], $0x4E20, $0x38;
	[tilespmem:$0x1D700] =	vst v63  }
0x22: {  	s16 =	rddreg [dreg:$0x5]  }
0x23: {  	[tilespmem:s3], [sflag:$0x1] =	stream.linear.gather [hbm4b:s16+s1], $0x4E20, $0x38;
	[tilespmem:$0x1D700] =	vst v63  }
0x24: {  	s17 =	rddreg [dreg:$0x6]  }
0x25: {  	[tilespmem:s4], [sflag:$0x2] =	stream.linear.gather [hbm4b:s17+s1], $0x4E20, $0x38;
	[tilespmem:$0x1D700] =	vst v63  }
0x26: {  	s18 =	rddreg [dreg:$0x7]  }
0x27: {  	[tilespmem:s5], [sflag:$0x2] =	stream.linear.gather [hbm4b:s18+s1], $0x4E20, $0x38;
	[tilespmem:$0x1D700] =	vst v63  }
0x28: {  	_ =	swait.ge [sflag:s6], $0x4E20  }
0x29: {  	[sflag:s6] =	ssyncset.done $0x0  }
0x2a: {  	[sflag:s6] =	ssyncadd.s32 $0xFFFFB1E0  }
0x2b: {  	_ =	swait.ge [sflag:s6], $0x4E20  }
0x2c: {  	[sflag:s6] =	ssyncset.done $0x0  }
0x2d: {  	s14 =	simm.s32 $0x50;
	[sflag:s6] =	ssyncadd.s32 $0xFFFFB1E0  }
0x2e: {  	s13 =	simm.s32 $0x4ED0;
	v0 =	vld [tilespmem:s14+$0xFFFFFFB0]  }
0x2f: {  	v1 =	vld [tilespmem:s13+$0xFFFFFFB0];
	_ =	sdelay $0x4  }
0x30: {  	v0 =	vmul.f32 $6.999999880e-01, v0;
	v1 =	vmul.f32 $3.000000120e-01, v1;
	_ =	sdelay $0x1  }
0x31: {  	v0 =	vadd.f32 v1, v0  }
0x32: {  	s15 =	simm.s32 $0x9D50  }
0x33: {  	[tilespmem:s15+$0xFFFFFFB0] =	vst v0  }
0x34: {  	v0 =	vld [tilespmem:s14+$0xFFFFFFC0]  }
0x35: {  	v1 =	vld [tilespmem:s13+$0xFFFFFFC0];
	_ =	sdelay $0x4  }
0x36: {  	v0 =	vmul.f32 $6.999999880e-01, v0;
	v1 =	vmul.f32 $3.000000120e-01, v1;
	_ =	sdelay $0x1  }
0x37: {  	v0 =	vadd.f32 v1, v0;
	_ =	sdelay $0x1  }
0x38: {  	[tilespmem:s15+$0xFFFFFFC0] =	vst v0  }
0x39: {  	v0 =	vld [tilespmem:s14+$0xFFFFFFD0]  }
0x3a: {  	v1 =	vld [tilespmem:s13+$0xFFFFFFD0];
	_ =	sdelay $0x4  }
0x3b: {  	v0 =	vmul.f32 $6.999999880e-01, v0;
	v1 =	vmul.f32 $3.000000120e-01, v1;
	_ =	sdelay $0x1  }
0x3c: {  	v0 =	vadd.f32 v1, v0;
	_ =	sdelay $0x1  }
0x3d: {  	[tilespmem:s15+$0xFFFFFFD0] =	vst v0  }
0x3e: {  	v0 =	vld [tilespmem:s14+$0xFFFFFFE0]  }
0x3f: {  	v1 =	vld [tilespmem:s13+$0xFFFFFFE0];
	_ =	sdelay $0x4  }
0x40: {  	v0 =	vmul.f32 $6.999999880e-01, v0;
	v1 =	vmul.f32 $3.000000120e-01, v1;
	_ =	sdelay $0x1  }
0x41: {  	v0 =	vadd.f32 v1, v0;
	_ =	sdelay $0x1  }
0x42: {  	[tilespmem:s15+$0xFFFFFFE0] =	vst v0  }
0x43: {  	v0 =	vld [tilespmem:s14+$0xFFFFFFF0]  }
0x44: {  	v1 =	vld [tilespmem:s13+$0xFFFFFFF0];
	_ =	sdelay $0x4  }
0x45: {  	v0 =	vmul.f32 $6.999999880e-01, v0;
	v1 =	vmul.f32 $3.000000120e-01, v1;
	_ =	sdelay $0x1  }
0x46: {  	v0 =	vadd.f32 v1, v0;
	_ =	sdelay $0x1  }
0x47: {  	[tilespmem:s15+$0xFFFFFFF0] =	vst v0  }
0x48: {  	v0 =	vld [tilespmem:s14+$0x0]  }
0x49: {  	v1 =	vld [tilespmem:s13+$0x0];
	_ =	sdelay $0x4  }
0x4a: {  	v0 =	vmul.f32 $6.999999880e-01, v0;
	v1 =	vmul.f32 $3.000000120e-01, v1;
	_ =	sdelay $0x1  }
0x4b: {  	v0 =	vadd.f32 v1, v0;
	_ =	sdelay $0x1  }
0x4c: {  	[tilespmem:s15+$0x0] =	vst v0  }
0x4d: {  	v0 =	vld [tilespmem:s14+$0x10]  }
0x4e: {  	v1 =	vld [tilespmem:s13+$0x10];
	_ =	sdelay $0x4  }
0x4f: {  	v0 =	vmul.f32 $6.999999880e-01, v0;
	v1 =	vmul.f32 $3.000000120e-01, v1;
	_ =	sdelay $0x1  }
0x50: {  	v0 =	vadd.f32 v1, v0;
	_ =	sdelay $0x1  }
0x51: {  	[tilespmem:s15+$0x10] =	vst v0  }
0x52: {  	v0 =	vld [tilespmem:s14+$0x20]  }
0x53: {  	v1 =	vld [tilespmem:s13+$0x20];
	_ =	sdelay $0x4  }
0x54: {  	v0 =	vmul.f32 $6.999999880e-01, v0;
	v1 =	vmul.f32 $3.000000120e-01, v1;
	_ =	sdelay $0x1  }
0x55: {  	v0 =	vadd.f32 v1, v0;
	_ =	sdelay $0x1  }
0x56: {  	s16 =	sand.u32 $0x7FE0, s1;
	[tilespmem:s15+$0x20] =	vst v0  }
0x57: {  	v0 =	vld [tilespmem:s16+$0x80]  }
0x58: {  	v1 =	vld [tilespmem:s16+$0x4F00];
	_ =	sdelay $0x4  }
0x59: {  	v0 =	vmul.f32 $6.999999880e-01, v0;
	v1 =	vmul.f32 $3.000000120e-01, v1;
	_ =	sdelay $0x1  }
0x5a: {  	v0 =	vadd.f32 v1, v0;
	_ =	sdelay $0x1  }
0x5b: {  	[tilespmem:s16+$0x9D80] =	vst v0  }
0x5c: {  	s17 =	simm.s32 $0xA0;
	s16 =	simm.s32 $0x9D50;
	v0 =	vld [tilespmem:s14+$0x40]  }
.LBB2_2:
0x5d: {  	v1 =	vld [tilespmem:s13+$0x40];
	s15 =	sadd.s32 $0xA0, s15;
	s13 =	sadd.s32 $0xA0, s13;
	s14 =	sadd.s32 $0xA0, s14  }
0x5e: {  	p0 =	sne.s32 s17, $0x4D80;
	s18 =	smov.u32 s17;
	s17 =	sadd.s32 $0xA0, s17  }
0x5f: {  	_ =	sdelay $0x1  }
0x60: {  	v0 =	vmul.f32 $6.999999880e-01, v0  }
0x61: {  	v1 =	vmul.f32 $3.000000120e-01, v1;
	_ =	sdelay $0x1  }
0x62: {  	v0 =	vadd.f32 v1, v0;
	_ =	sdelay $0x1  }
0x63: {  	[tilespmem:s16+$0x40] =	vst v0;
	s16 =	smov.u32 s15  }
0x64: {  	v0 =	vld [tilespmem:s14+$0xFFFFFFB0]  }
0x65: {  	v1 =	vld [tilespmem:s13+$0xFFFFFFB0];
	_ =	sdelay $0x4  }
0x66: {  	v0 =	vmul.f32 $6.999999880e-01, v0;
	v1 =	vmul.f32 $3.000000120e-01, v1;
	_ =	sdelay $0x1  }
0x67: {  	v0 =	vadd.f32 v1, v0;
	_ =	sdelay $0x1  }
0x68: {  	[tilespmem:s15+$0xFFFFFFB0] =	vst v0  }
0x69: {  	v0 =	vld [tilespmem:s14+$0xFFFFFFC0]  }
0x6a: {  	v1 =	vld [tilespmem:s13+$0xFFFFFFC0];
	_ =	sdelay $0x3  }
0x6b: {  	v0 =	vmul.f32 $6.999999880e-01, v0  }
0x6c: {  	v1 =	vmul.f32 $3.000000120e-01, v1;
	_ =	sdelay $0x1  }
0x6d: {  	v0 =	vadd.f32 v1, v0;
	_ =	sdelay $0x1  }
0x6e: {  	[tilespmem:s15+$0xFFFFFFC0] =	vst v0  }
0x6f: {  	v0 =	vld [tilespmem:s14+$0xFFFFFFD0]  }
0x70: {  	v1 =	vld [tilespmem:s13+$0xFFFFFFD0];
	_ =	sdelay $0x3  }
0x71: {  	v0 =	vmul.f32 $6.999999880e-01, v0  }
0x72: {  	v1 =	vmul.f32 $3.000000120e-01, v1;
	_ =	sdelay $0x1  }
0x73: {  	v0 =	vadd.f32 v1, v0;
	_ =	sdelay $0x1  }
0x74: {  	[tilespmem:s15+$0xFFFFFFD0] =	vst v0  }
0x75: {  	v0 =	vld [tilespmem:s14+$0xFFFFFFE0]  }
0x76: {  	v1 =	vld [tilespmem:s13+$0xFFFFFFE0];
	_ =	sdelay $0x3  }
0x77: {  	v0 =	vmul.f32 $6.999999880e-01, v0  }
0x78: {  	v1 =	vmul.f32 $3.000000120e-01, v1;
	_ =	sdelay $0x1  }
0x79: {  	v0 =	vadd.f32 v1, v0;
	_ =	sdelay $0x1  }
0x7a: {  	[tilespmem:s15+$0xFFFFFFE0] =	vst v0  }
0x7b: {  	v0 =	vld [tilespmem:s14+$0xFFFFFFF0]  }
0x7c: {  	v1 =	vld [tilespmem:s13+$0xFFFFFFF0];
	_ =	sdelay $0x3  }
0x7d: {  	v0 =	vmul.f32 $6.999999880e-01, v0  }
0x7e: {  	v1 =	vmul.f32 $3.000000120e-01, v1;
	_ =	sdelay $0x1  }
0x7f: {  	v0 =	vadd.f32 v1, v0;
	_ =	sdelay $0x1  }
0x80: {  	[tilespmem:s15+$0xFFFFFFF0] =	vst v0  }
0x81: {  	v0 =	vld [tilespmem:s14+$0x0]  }
0x82: {  	v1 =	vld [tilespmem:s13+$0x0];
	_ =	sdelay $0x3  }
0x83: {  	v0 =	vmul.f32 $6.999999880e-01, v0  }
0x84: {  	v1 =	vmul.f32 $3.000000120e-01, v1;
	_ =	sdelay $0x1  }
0x85: {  	v0 =	vadd.f32 v1, v0;
	_ =	sdelay $0x1  }
0x86: {  	[tilespmem:s15+$0x0] =	vst v0  }
0x87: {  	v0 =	vld [tilespmem:s14+$0x10]  }
0x88: {  	v1 =	vld [tilespmem:s13+$0x10];
	_ =	sdelay $0x3  }
0x89: {  	v0 =	vmul.f32 $6.999999880e-01, v0  }
0x8a: {  	v1 =	vmul.f32 $3.000000120e-01, v1;
	_ =	sdelay $0x1  }
0x8b: {  	v0 =	vadd.f32 v1, v0;
	_ =	sdelay $0x1  }
0x8c: {  	[tilespmem:s15+$0x10] =	vst v0  }
0x8d: {  	v0 =	vld [tilespmem:s14+$0x20]  }
0x8e: {  	v1 =	vld [tilespmem:s13+$0x20];
	_ =	sdelay $0x3  }
0x8f: {  	v0 =	vmul.f32 $6.999999880e-01, v0  }
0x90: {  	v1 =	vmul.f32 $3.000000120e-01, v1;
	_ =	sdelay $0x1  }
0x91: {  	v0 =	vadd.f32 v1, v0;
	_ =	sdelay $0x1  }
0x92: {  	s18 =	sand.u32 $0x7FE0, s18;
	[tilespmem:s15+$0x20] =	vst v0  }
0x93: {  	v0 =	vld [tilespmem:s18+$0x80]  }
0x94: {  	v1 =	vld [tilespmem:s18+$0x4F00];
	_ =	sdelay $0x3  }
0x95: {  	v0 =	vmul.f32 $6.999999880e-01, v0  }
0x96: {  	v1 =	vmul.f32 $3.000000120e-01, v1  }
.Ltmp0:
0x97: {  	(pc) =	sbr.rel @p0 .LBB2_2-.Ltmp0, $3  }
0x98: {  	v0 =	vadd.f32 v1, v0;
	_ =	sdelay $0x1  }
0x99: {  	[tilespmem:s18+$0x9D80] =	vst v0  }
0x9a: {  	v0 =	vld [tilespmem:s14+$0x40]  }
0x9b: {  	v1 =	vld [tilespmem:s13+$0x40];
	_ =	sdelay $0x4  }
0x9c: {  	v0 =	vmul.f32 $6.999999880e-01, v0;
	v1 =	vmul.f32 $3.000000120e-01, v1;
	_ =	sdelay $0x1  }
0x9d: {  	v0 =	vadd.f32 v1, v0;
	_ =	sdelay $0x1  }
0x9e: {  	s15 =	rddreg [dreg:$0x8];
	[tilespmem:s16+$0x40] =	vst v0;
	s16 =	simm.s32 $0x0  }
0x9f: {  	[hbm4b:s15+s16] =	stream.linear.scatter [tilespmem:s7], [sflag:$0x3], $0x4E20, $0x38;
	[tilespmem:$0x1D700] =	vst v63  }
0xa0: {  	s17 =	rddreg [dreg:$0x9]  }
0xa1: {  	[tilespmem:s16], [sflag:$0x1] =	stream.linear.gather [hbm4b:s17+s16], $0x4E20, $0x38;
	[tilespmem:$0x1D700] =	vst v63  }
0xa2: {  	s18 =	rddreg [dreg:$0xa]  }
0xa3: {  	[tilespmem:s3], [sflag:$0x1] =	stream.linear.gather [hbm4b:s18+s16], $0x4E20, $0x38;
	[tilespmem:$0x1D700] =	vst v63  }
0xa4: {  	_ =	swait.ge [sflag:s8], $0x4E20  }
0xa5: {  	[sflag:s8] =	ssyncset.done $0x0  }
0xa6: {  	[sflag:s8] =	ssyncadd.s32 $0xFFFFB1E0  }
0xa7: {  	_ =	swait.ge [sflag:s8], $0x4E20  }
0xa8: {  	[sflag:s8] =	ssyncset.done $0x0  }
0xa9: {  	s14 =	simm.s32 $0xEBD0;
	[sflag:s8] =	ssyncadd.s32 $0xFFFFB1E0  }
0xaa: {  	s13 =	simm.s32 $0x13A50;
	v0 =	vld [tilespmem:s14+$0xFFFFFFB0]  }
0xab: {  	v1 =	vld [tilespmem:s13+$0xFFFFFFB0];
	_ =	sdelay $0x4  }
0xac: {  	v0 =	vmul.f32 $6.999999880e-01, v0;
	v1 =	vmul.f32 $3.000000120e-01, v1;
	_ =	sdelay $0x1  }
0xad: {  	v0 =	vadd.f32 v1, v0  }
0xae: {  	s15 =	simm.s32 $0x188D0  }
0xaf: {  	[tilespmem:s15+$0xFFFFFFB0] =	vst v0  }
0xb0: {  	v0 =	vld [tilespmem:s14+$0xFFFFFFC0]  }
0xb1: {  	v1 =	vld [tilespmem:s13+$0xFFFFFFC0];
	_ =	sdelay $0x4  }
0xb2: {  	v0 =	vmul.f32 $6.999999880e-01, v0;
	v1 =	vmul.f32 $3.000000120e-01, v1;
	_ =	sdelay $0x1  }
0xb3: {  	v0 =	vadd.f32 v1, v0;
	_ =	sdelay $0x1  }
0xb4: {  	[tilespmem:s15+$0xFFFFFFC0] =	vst v0  }
0xb5: {  	v0 =	vld [tilespmem:s14+$0xFFFFFFD0]  }
0xb6: {  	v1 =	vld [tilespmem:s13+$0xFFFFFFD0];
	_ =	sdelay $0x4  }
0xb7: {  	v0 =	vmul.f32 $6.999999880e-01, v0;
	v1 =	vmul.f32 $3.000000120e-01, v1;
	_ =	sdelay $0x1  }
0xb8: {  	v0 =	vadd.f32 v1, v0;
	_ =	sdelay $0x1  }
0xb9: {  	[tilespmem:s15+$0xFFFFFFD0] =	vst v0  }
0xba: {  	v0 =	vld [tilespmem:s14+$0xFFFFFFE0]  }
0xbb: {  	v1 =	vld [tilespmem:s13+$0xFFFFFFE0];
	_ =	sdelay $0x4  }
0xbc: {  	v0 =	vmul.f32 $6.999999880e-01, v0;
	v1 =	vmul.f32 $3.000000120e-01, v1;
	_ =	sdelay $0x1  }
0xbd: {  	v0 =	vadd.f32 v1, v0;
	_ =	sdelay $0x1  }
0xbe: {  	[tilespmem:s15+$0xFFFFFFE0] =	vst v0  }
0xbf: {  	v0 =	vld [tilespmem:s14+$0xFFFFFFF0]  }
0xc0: {  	v1 =	vld [tilespmem:s13+$0xFFFFFFF0];
	_ =	sdelay $0x4  }
0xc1: {  	v0 =	vmul.f32 $6.999999880e-01, v0;
	v1 =	vmul.f32 $3.000000120e-01, v1;
	_ =	sdelay $0x1  }
0xc2: {  	v0 =	vadd.f32 v1, v0;
	_ =	sdelay $0x1  }
0xc3: {  	[tilespmem:s15+$0xFFFFFFF0] =	vst v0  }
0xc4: {  	v0 =	vld [tilespmem:s14+$0x0]  }
0xc5: {  	v1 =	vld [tilespmem:s13+$0x0];
	_ =	sdelay $0x4  }
0xc6: {  	v0 =	vmul.f32 $6.999999880e-01, v0;
	v1 =	vmul.f32 $3.000000120e-01, v1;
	_ =	sdelay $0x1  }
0xc7: {  	v0 =	vadd.f32 v1, v0;
	_ =	sdelay $0x1  }
0xc8: {  	[tilespmem:s15+$0x0] =	vst v0  }
0xc9: {  	v0 =	vld [tilespmem:s14+$0x10]  }
0xca: {  	v1 =	vld [tilespmem:s13+$0x10];
	_ =	sdelay $0x4  }
0xcb: {  	v0 =	vmul.f32 $6.999999880e-01, v0;
	v1 =	vmul.f32 $3.000000120e-01, v1;
	_ =	sdelay $0x1  }
0xcc: {  	v0 =	vadd.f32 v1, v0;
	_ =	sdelay $0x1  }
0xcd: {  	[tilespmem:s15+$0x10] =	vst v0  }
0xce: {  	v0 =	vld [tilespmem:s14+$0x20]  }
0xcf: {  	v1 =	vld [tilespmem:s13+$0x20];
	_ =	sdelay $0x4  }
0xd0: {  	v0 =	vmul.f32 $6.999999880e-01, v0;
	v1 =	vmul.f32 $3.000000120e-01, v1;
	_ =	sdelay $0x1  }
0xd1: {  	v0 =	vadd.f32 v1, v0;
	_ =	sdelay $0x1  }
0xd2: {  	s16 =	sand.u32 $0x7FE0, s16;
	[tilespmem:s15+$0x20] =	vst v0  }
0xd3: {  	v0 =	vld [tilespmem:s16+$0xEC00]  }
0xd4: {  	v1 =	vld [tilespmem:s16+$0x13A80];
	_ =	sdelay $0x4  }
0xd5: {  	v0 =	vmul.f32 $6.999999880e-01, v0;
	v1 =	vmul.f32 $3.000000120e-01, v1;
	_ =	sdelay $0x1  }
0xd6: {  	v0 =	vadd.f32 v1, v0;
	_ =	sdelay $0x1  }
0xd7: {  	[tilespmem:s16+$0x18900] =	vst v0  }
0xd8: {  	s17 =	simm.s32 $0xA0;
	s16 =	simm.s32 $0x188D0;
	v0 =	vld [tilespmem:s14+$0x40]  }
.LBB2_4:
0xd9: {  	v1 =	vld [tilespmem:s13+$0x40];
	s15 =	sadd.s32 $0xA0, s15;
	s13 =	sadd.s32 $0xA0, s13;
	s14 =	sadd.s32 $0xA0, s14  }
0xda: {  	p0 =	sne.s32 s17, $0x4D80;
	s18 =	smov.u32 s17;
	s17 =	sadd.s32 $0xA0, s17  }
0xdb: {  	_ =	sdelay $0x1  }
0xdc: {  	v0 =	vmul.f32 $6.999999880e-01, v0  }
0xdd: {  	v1 =	vmul.f32 $3.000000120e-01, v1;
	_ =	sdelay $0x1  }
0xde: {  	v0 =	vadd.f32 v1, v0;
	_ =	sdelay $0x1  }
0xdf: {  	[tilespmem:s16+$0x40] =	vst v0;
	s16 =	smov.u32 s15  }
0xe0: {  	v0 =	vld [tilespmem:s14+$0xFFFFFFB0]  }
0xe1: {  	v1 =	vld [tilespmem:s13+$0xFFFFFFB0];
	_ =	sdelay $0x4  }
0xe2: {  	v0 =	vmul.f32 $6.999999880e-01, v0;
	v1 =	vmul.f32 $3.000000120e-01, v1;
	_ =	sdelay $0x1  }
0xe3: {  	v0 =	vadd.f32 v1, v0;
	_ =	sdelay $0x1  }
0xe4: {  	[tilespmem:s15+$0xFFFFFFB0] =	vst v0  }
0xe5: {  	v0 =	vld [tilespmem:s14+$0xFFFFFFC0]  }
0xe6: {  	v1 =	vld [tilespmem:s13+$0xFFFFFFC0];
	_ =	sdelay $0x3  }
0xe7: {  	v0 =	vmul.f32 $6.999999880e-01, v0  }
0xe8: {  	v1 =	vmul.f32 $3.000000120e-01, v1;
	_ =	sdelay $0x1  }
0xe9: {  	v0 =	vadd.f32 v1, v0;
	_ =	sdelay $0x1  }
0xea: {  	[tilespmem:s15+$0xFFFFFFC0] =	vst v0  }
0xeb: {  	v0 =	vld [tilespmem:s14+$0xFFFFFFD0]  }
0xec: {  	v1 =	vld [tilespmem:s13+$0xFFFFFFD0];
	_ =	sdelay $0x3  }
0xed: {  	v0 =	vmul.f32 $6.999999880e-01, v0  }
0xee: {  	v1 =	vmul.f32 $3.000000120e-01, v1;
	_ =	sdelay $0x1  }
0xef: {  	v0 =	vadd.f32 v1, v0;
	_ =	sdelay $0x1  }
0xf0: {  	[tilespmem:s15+$0xFFFFFFD0] =	vst v0  }
0xf1: {  	v0 =	vld [tilespmem:s14+$0xFFFFFFE0]  }
0xf2: {  	v1 =	vld [tilespmem:s13+$0xFFFFFFE0];
	_ =	sdelay $0x3  }
0xf3: {  	v0 =	vmul.f32 $6.999999880e-01, v0  }
0xf4: {  	v1 =	vmul.f32 $3.000000120e-01, v1;
	_ =	sdelay $0x1  }
0xf5: {  	v0 =	vadd.f32 v1, v0;
	_ =	sdelay $0x1  }
0xf6: {  	[tilespmem:s15+$0xFFFFFFE0] =	vst v0  }
0xf7: {  	v0 =	vld [tilespmem:s14+$0xFFFFFFF0]  }
0xf8: {  	v1 =	vld [tilespmem:s13+$0xFFFFFFF0];
	_ =	sdelay $0x3  }
0xf9: {  	v0 =	vmul.f32 $6.999999880e-01, v0  }
0xfa: {  	v1 =	vmul.f32 $3.000000120e-01, v1;
	_ =	sdelay $0x1  }
0xfb: {  	v0 =	vadd.f32 v1, v0;
	_ =	sdelay $0x1  }
0xfc: {  	[tilespmem:s15+$0xFFFFFFF0] =	vst v0  }
0xfd: {  	v0 =	vld [tilespmem:s14+$0x0]  }
0xfe: {  	v1 =	vld [tilespmem:s13+$0x0];
	_ =	sdelay $0x3  }
0xff: {  	v0 =	vmul.f32 $6.999999880e-01, v0  }
0x100: {  	v1 =	vmul.f32 $3.000000120e-01, v1;
	_ =	sdelay $0x1  }
0x101: {  	v0 =	vadd.f32 v1, v0;
	_ =	sdelay $0x1  }
0x102: {  	[tilespmem:s15+$0x0] =	vst v0  }
0x103: {  	v0 =	vld [tilespmem:s14+$0x10]  }
0x104: {  	v1 =	vld [tilespmem:s13+$0x10];
	_ =	sdelay $0x3  }
0x105: {  	v0 =	vmul.f32 $6.999999880e-01, v0  }
0x106: {  	v1 =	vmul.f32 $3.000000120e-01, v1;
	_ =	sdelay $0x1  }
0x107: {  	v0 =	vadd.f32 v1, v0;
	_ =	sdelay $0x1  }
0x108: {  	[tilespmem:s15+$0x10] =	vst v0  }
0x109: {  	v0 =	vld [tilespmem:s14+$0x20]  }
0x10a: {  	v1 =	vld [tilespmem:s13+$0x20];
	_ =	sdelay $0x3  }
0x10b: {  	v0 =	vmul.f32 $6.999999880e-01, v0  }
0x10c: {  	v1 =	vmul.f32 $3.000000120e-01, v1;
	_ =	sdelay $0x1  }
0x10d: {  	v0 =	vadd.f32 v1, v0;
	_ =	sdelay $0x1  }
0x10e: {  	s18 =	sand.u32 $0x7FE0, s18;
	[tilespmem:s15+$0x20] =	vst v0  }
0x10f: {  	v0 =	vld [tilespmem:s18+$0xEC00]  }
0x110: {  	v1 =	vld [tilespmem:s18+$0x13A80];
	_ =	sdelay $0x3  }
0x111: {  	v0 =	vmul.f32 $6.999999880e-01, v0  }
0x112: {  	v1 =	vmul.f32 $3.000000120e-01, v1  }
.Ltmp1:
0x113: {  	(pc) =	sbr.rel @p0 .LBB2_4-.Ltmp1, $3  }
0x114: {  	v0 =	vadd.f32 v1, v0;
	_ =	sdelay $0x1  }
0x115: {  	[tilespmem:s18+$0x18900] =	vst v0  }
0x116: {  	v0 =	vld [tilespmem:s14+$0x40]  }
0x117: {  	v1 =	vld [tilespmem:s13+$0x40];
	_ =	sdelay $0x4  }
0x118: {  	v0 =	vmul.f32 $6.999999880e-01, v0;
	v1 =	vmul.f32 $3.000000120e-01, v1;
	_ =	sdelay $0x1  }
0x119: {  	v0 =	vadd.f32 v1, v0;
	_ =	sdelay $0x1  }
0x11a: {  	s15 =	rddreg [dreg:$0xb];
	[tilespmem:s16+$0x40] =	vst v0;
	s16 =	simm.s32 $0x0  }
0x11b: {  	[hbm4b:s15+s16] =	stream.linear.scatter [tilespmem:s9], [sflag:$0x4], $0x4E20, $0x38;
	[tilespmem:$0x1D700] =	vst v63  }
0x11c: {  	s17 =	rddreg [dreg:$0xc]  }
0x11d: {  	[tilespmem:s4], [sflag:$0x2] =	stream.linear.gather [hbm4b:s17+s16], $0x4E20, $0x38;
	[tilespmem:$0x1D700] =	vst v63  }
0x11e: {  	s18 =	rddreg [dreg:$0xd]  }
0x11f: {  	[tilespmem:s5], [sflag:$0x2] =	stream.linear.gather [hbm4b:s18+s16], $0x4E20, $0x38;
	[tilespmem:$0x1D700] =	vst v63  }
0x120: {  	_ =	swait.ge [sflag:s6], $0x4E20  }
0x121: {  	[sflag:s6] =	ssyncset.done $0x0  }
0x122: {  	[sflag:s6] =	ssyncadd.s32 $0xFFFFB1E0  }
0x123: {  	_ =	swait.ge [sflag:s6], $0x4E20  }
0x124: {  	[sflag:s6] =	ssyncset.done $0x0  }
0x125: {  	[sflag:s6] =	ssyncadd.s32 $0xFFFFB1E0  }
0x126: {  	_ =	swait.ge [sflag:s10], $0x4E20  }
0x127: {  	[sflag:s10] =	ssyncset.done $0x0  }
0x128: {  	s14 =	simm.s32 $0x50;
	[sflag:s10] =	ssyncadd.s32 $0xFFFFB1E0  }
0x129: {  	s13 =	simm.s32 $0x4ED0;
	v0 =	vld [tilespmem:s14+$0xFFFFFFB0]  }
0x12a: {  	v1 =	vld [tilespmem:s13+$0xFFFFFFB0];
	_ =	sdelay $0x4  }
0x12b: {  	v0 =	vmul.f32 $6.999999880e-01, v0;
	v1 =	vmul.f32 $3.000000120e-01, v1;
	_ =	sdelay $0x1  }
0x12c: {  	v0 =	vadd.f32 v1, v0  }
0x12d: {  	s15 =	simm.s32 $0x9D50  }
0x12e: {  	[tilespmem:s15+$0xFFFFFFB0] =	vst v0  }
0x12f: {  	v0 =	vld [tilespmem:s14+$0xFFFFFFC0]  }
0x130: {  	v1 =	vld [tilespmem:s13+$0xFFFFFFC0];
	_ =	sdelay $0x4  }
0x131: {  	v0 =	vmul.f32 $6.999999880e-01, v0;
	v1 =	vmul.f32 $3.000000120e-01, v1;
	_ =	sdelay $0x1  }
0x132: {  	v0 =	vadd.f32 v1, v0;
	_ =	sdelay $0x1  }
0x133: {  	[tilespmem:s15+$0xFFFFFFC0] =	vst v0  }
0x134: {  	v0 =	vld [tilespmem:s14+$0xFFFFFFD0]  }
0x135: {  	v1 =	vld [tilespmem:s13+$0xFFFFFFD0];
	_ =	sdelay $0x4  }
0x136: {  	v0 =	vmul.f32 $6.999999880e-01, v0;
	v1 =	vmul.f32 $3.000000120e-01, v1;
	_ =	sdelay $0x1  }
0x137: {  	v0 =	vadd.f32 v1, v0;
	_ =	sdelay $0x1  }
0x138: {  	[tilespmem:s15+$0xFFFFFFD0] =	vst v0  }
0x139: {  	v0 =	vld [tilespmem:s14+$0xFFFFFFE0]  }
0x13a: {  	v1 =	vld [tilespmem:s13+$0xFFFFFFE0];
	_ =	sdelay $0x4  }
0x13b: {  	v0 =	vmul.f32 $6.999999880e-01, v0;
	v1 =	vmul.f32 $3.000000120e-01, v1;
	_ =	sdelay $0x1  }
0x13c: {  	v0 =	vadd.f32 v1, v0;
	_ =	sdelay $0x1  }
0x13d: {  	[tilespmem:s15+$0xFFFFFFE0] =	vst v0  }
0x13e: {  	v0 =	vld [tilespmem:s14+$0xFFFFFFF0]  }
0x13f: {  	v1 =	vld [tilespmem:s13+$0xFFFFFFF0];
	_ =	sdelay $0x4  }
0x140: {  	v0 =	vmul.f32 $6.999999880e-01, v0;
	v1 =	vmul.f32 $3.000000120e-01, v1;
	_ =	sdelay $0x1  }
0x141: {  	v0 =	vadd.f32 v1, v0;
	_ =	sdelay $0x1  }
0x142: {  	[tilespmem:s15+$0xFFFFFFF0] =	vst v0  }
0x143: {  	v0 =	vld [tilespmem:s14+$0x0]  }
0x144: {  	v1 =	vld [tilespmem:s13+$0x0];
	_ =	sdelay $0x4  }
0x145: {  	v0 =	vmul.f32 $6.999999880e-01, v0;
	v1 =	vmul.f32 $3.000000120e-01, v1;
	_ =	sdelay $0x1  }
0x146: {  	v0 =	vadd.f32 v1, v0;
	_ =	sdelay $0x1  }
0x147: {  	[tilespmem:s15+$0x0] =	vst v0  }
0x148: {  	v0 =	vld [tilespmem:s14+$0x10]  }
0x149: {  	v1 =	vld [tilespmem:s13+$0x10];
	_ =	sdelay $0x4  }
0x14a: {  	v0 =	vmul.f32 $6.999999880e-01, v0;
	v1 =	vmul.f32 $3.000000120e-01, v1;
	_ =	sdelay $0x1  }
0x14b: {  	v0 =	vadd.f32 v1, v0;
	_ =	sdelay $0x1  }
0x14c: {  	[tilespmem:s15+$0x10] =	vst v0  }
0x14d: {  	v0 =	vld [tilespmem:s14+$0x20]  }
0x14e: {  	v1 =	vld [tilespmem:s13+$0x20];
	_ =	sdelay $0x4  }
0x14f: {  	v0 =	vmul.f32 $6.999999880e-01, v0;
	v1 =	vmul.f32 $3.000000120e-01, v1;
	_ =	sdelay $0x1  }
0x150: {  	v0 =	vadd.f32 v1, v0;
	_ =	sdelay $0x1  }
0x151: {  	s16 =	sand.u32 $0x7FE0, s16;
	[tilespmem:s15+$0x20] =	vst v0  }
0x152: {  	v0 =	vld [tilespmem:s16+$0x80]  }
0x153: {  	v1 =	vld [tilespmem:s16+$0x4F00];
	_ =	sdelay $0x4  }
0x154: {  	v0 =	vmul.f32 $6.999999880e-01, v0;
	v1 =	vmul.f32 $3.000000120e-01, v1;
	_ =	sdelay $0x1  }
0x155: {  	v0 =	vadd.f32 v1, v0;
	_ =	sdelay $0x1  }
0x156: {  	[tilespmem:s16+$0x9D80] =	vst v0  }
0x157: {  	s17 =	simm.s32 $0xA0;
	s16 =	simm.s32 $0x9D50;
	v0 =	vld [tilespmem:s14+$0x40]  }
.LBB2_6:
0x158: {  	v1 =	vld [tilespmem:s13+$0x40];
	s15 =	sadd.s32 $0xA0, s15;
	s13 =	sadd.s32 $0xA0, s13;
	s14 =	sadd.s32 $0xA0, s14  }
0x159: {  	p0 =	sne.s32 s17, $0x4D80;
	s18 =	smov.u32 s17;
	s17 =	sadd.s32 $0xA0, s17  }
0x15a: {  	_ =	sdelay $0x1  }
0x15b: {  	v0 =	vmul.f32 $6.999999880e-01, v0  }
0x15c: {  	v1 =	vmul.f32 $3.000000120e-01, v1;
	_ =	sdelay $0x1  }
0x15d: {  	v0 =	vadd.f32 v1, v0;
	_ =	sdelay $0x1  }
0x15e: {  	[tilespmem:s16+$0x40] =	vst v0;
	s16 =	smov.u32 s15  }
0x15f: {  	v0 =	vld [tilespmem:s14+$0xFFFFFFB0]  }
0x160: {  	v1 =	vld [tilespmem:s13+$0xFFFFFFB0];
	_ =	sdelay $0x4  }
0x161: {  	v0 =	vmul.f32 $6.999999880e-01, v0;
	v1 =	vmul.f32 $3.000000120e-01, v1;
	_ =	sdelay $0x1  }
0x162: {  	v0 =	vadd.f32 v1, v0;
	_ =	sdelay $0x1  }
0x163: {  	[tilespmem:s15+$0xFFFFFFB0] =	vst v0  }
0x164: {  	v0 =	vld [tilespmem:s14+$0xFFFFFFC0]  }
0x165: {  	v1 =	vld [tilespmem:s13+$0xFFFFFFC0];
	_ =	sdelay $0x3  }
0x166: {  	v0 =	vmul.f32 $6.999999880e-01, v0  }
0x167: {  	v1 =	vmul.f32 $3.000000120e-01, v1;
	_ =	sdelay $0x1  }
0x168: {  	v0 =	vadd.f32 v1, v0;
	_ =	sdelay $0x1  }
0x169: {  	[tilespmem:s15+$0xFFFFFFC0] =	vst v0  }
0x16a: {  	v0 =	vld [tilespmem:s14+$0xFFFFFFD0]  }
0x16b: {  	v1 =	vld [tilespmem:s13+$0xFFFFFFD0];
	_ =	sdelay $0x3  }
0x16c: {  	v0 =	vmul.f32 $6.999999880e-01, v0  }
0x16d: {  	v1 =	vmul.f32 $3.000000120e-01, v1;
	_ =	sdelay $0x1  }
0x16e: {  	v0 =	vadd.f32 v1, v0;
	_ =	sdelay $0x1  }
0x16f: {  	[tilespmem:s15+$0xFFFFFFD0] =	vst v0  }
0x170: {  	v0 =	vld [tilespmem:s14+$0xFFFFFFE0]  }
0x171: {  	v1 =	vld [tilespmem:s13+$0xFFFFFFE0];
	_ =	sdelay $0x3  }
0x172: {  	v0 =	vmul.f32 $6.999999880e-01, v0  }
0x173: {  	v1 =	vmul.f32 $3.000000120e-01, v1;
	_ =	sdelay $0x1  }
0x174: {  	v0 =	vadd.f32 v1, v0;
	_ =	sdelay $0x1  }
0x175: {  	[tilespmem:s15+$0xFFFFFFE0] =	vst v0  }
0x176: {  	v0 =	vld [tilespmem:s14+$0xFFFFFFF0]  }
0x177: {  	v1 =	vld [tilespmem:s13+$0xFFFFFFF0];
	_ =	sdelay $0x3  }
0x178: {  	v0 =	vmul.f32 $6.999999880e-01, v0  }
0x179: {  	v1 =	vmul.f32 $3.000000120e-01, v1;
	_ =	sdelay $0x1  }
0x17a: {  	v0 =	vadd.f32 v1, v0;
	_ =	sdelay $0x1  }
0x17b: {  	[tilespmem:s15+$0xFFFFFFF0] =	vst v0  }
0x17c: {  	v0 =	vld [tilespmem:s14+$0x0]  }
0x17d: {  	v1 =	vld [tilespmem:s13+$0x0];
	_ =	sdelay $0x3  }
0x17e: {  	v0 =	vmul.f32 $6.999999880e-01, v0  }
0x17f: {  	v1 =	vmul.f32 $3.000000120e-01, v1;
	_ =	sdelay $0x1  }
0x180: {  	v0 =	vadd.f32 v1, v0;
	_ =	sdelay $0x1  }
0x181: {  	[tilespmem:s15+$0x0] =	vst v0  }
0x182: {  	v0 =	vld [tilespmem:s14+$0x10]  }
0x183: {  	v1 =	vld [tilespmem:s13+$0x10];
	_ =	sdelay $0x3  }
0x184: {  	v0 =	vmul.f32 $6.999999880e-01, v0  }
0x185: {  	v1 =	vmul.f32 $3.000000120e-01, v1;
	_ =	sdelay $0x1  }
0x186: {  	v0 =	vadd.f32 v1, v0;
	_ =	sdelay $0x1  }
0x187: {  	[tilespmem:s15+$0x10] =	vst v0  }
0x188: {  	v0 =	vld [tilespmem:s14+$0x20]  }
0x189: {  	v1 =	vld [tilespmem:s13+$0x20];
	_ =	sdelay $0x3  }
0x18a: {  	v0 =	vmul.f32 $6.999999880e-01, v0  }
0x18b: {  	v1 =	vmul.f32 $3.000000120e-01, v1;
	_ =	sdelay $0x1  }
0x18c: {  	v0 =	vadd.f32 v1, v0;
	_ =	sdelay $0x1  }
0x18d: {  	s18 =	sand.u32 $0x7FE0, s18;
	[tilespmem:s15+$0x20] =	vst v0  }
0x18e: {  	v0 =	vld [tilespmem:s18+$0x80]  }
0x18f: {  	v1 =	vld [tilespmem:s18+$0x4F00];
	_ =	sdelay $0x3  }
0x190: {  	v0 =	vmul.f32 $6.999999880e-01, v0  }
0x191: {  	v1 =	vmul.f32 $3.000000120e-01, v1  }
.Ltmp2:
0x192: {  	(pc) =	sbr.rel @p0 .LBB2_6-.Ltmp2, $3  }
0x193: {  	v0 =	vadd.f32 v1, v0;
	_ =	sdelay $0x1  }
0x194: {  	[tilespmem:s18+$0x9D80] =	vst v0  }
0x195: {  	v0 =	vld [tilespmem:s14+$0x40]  }
0x196: {  	v1 =	vld [tilespmem:s13+$0x40];
	_ =	sdelay $0x4  }
0x197: {  	v0 =	vmul.f32 $6.999999880e-01, v0;
	v1 =	vmul.f32 $3.000000120e-01, v1;
	_ =	sdelay $0x1  }
0x198: {  	v0 =	vadd.f32 v1, v0;
	_ =	sdelay $0x1  }
0x199: {  	s15 =	rddreg [dreg:$0xe];
	[tilespmem:s16+$0x40] =	vst v0;
	s16 =	simm.s32 $0x0  }
0x19a: {  	[hbm4b:s15+s16] =	stream.linear.scatter [tilespmem:s7], [sflag:$0x3], $0x4E20, $0x38;
	[tilespmem:$0x1D700] =	vst v63  }
0x19b: {  	s17 =	rddreg [dreg:$0xf]  }
0x19c: {  	[tilespmem:s16], [sflag:$0x1] =	stream.linear.gather [hbm4b:s17+s16], $0x4E20, $0x38;
	[tilespmem:$0x1D700] =	vst v63  }
0x19d: {  	s18 =	rddreg [dreg:$0x10]  }
0x19e: {  	[tilespmem:s3], [sflag:$0x1] =	stream.linear.gather [hbm4b:s18+s16], $0x4E20, $0x38;
	[tilespmem:$0x1D700] =	vst v63  }
0x19f: {  	_ =	swait.ge [sflag:s8], $0x4E20  }
0x1a0: {  	[sflag:s8] =	ssyncset.done $0x0  }
0x1a1: {  	[sflag:s8] =	ssyncadd.s32 $0xFFFFB1E0  }
0x1a2: {  	_ =	swait.ge [sflag:s8], $0x4E20  }
0x1a3: {  	[sflag:s8] =	ssyncset.done $0x0  }
0x1a4: {  	[sflag:s8] =	ssyncadd.s32 $0xFFFFB1E0  }
0x1a5: {  	_ =	swait.ge [sflag:s11], $0x4E20  }
0x1a6: {  	[sflag:s11] =	ssyncset.done $0x0  }
0x1a7: {  	s14 =	simm.s32 $0xEBD0;
	[sflag:s11] =	ssyncadd.s32 $0xFFFFB1E0  }
0x1a8: {  	s13 =	simm.s32 $0x13A50;
	v0 =	vld [tilespmem:s14+$0xFFFFFFB0]  }
0x1a9: {  	v1 =	vld [tilespmem:s13+$0xFFFFFFB0];
	_ =	sdelay $0x4  }
0x1aa: {  	v0 =	vmul.f32 $6.999999880e-01, v0;
	v1 =	vmul.f32 $3.000000120e-01, v1;
	_ =	sdelay $0x1  }
0x1ab: {  	v0 =	vadd.f32 v1, v0  }
0x1ac: {  	s15 =	simm.s32 $0x188D0  }
0x1ad: {  	[tilespmem:s15+$0xFFFFFFB0] =	vst v0  }
0x1ae: {  	v0 =	vld [tilespmem:s14+$0xFFFFFFC0]  }
0x1af: {  	v1 =	vld [tilespmem:s13+$0xFFFFFFC0];
	_ =	sdelay $0x4  }
0x1b0: {  	v0 =	vmul.f32 $6.999999880e-01, v0;
	v1 =	vmul.f32 $3.000000120e-01, v1;
	_ =	sdelay $0x1  }
0x1b1: {  	v0 =	vadd.f32 v1, v0;
	_ =	sdelay $0x1  }
0x1b2: {  	[tilespmem:s15+$0xFFFFFFC0] =	vst v0  }
0x1b3: {  	v0 =	vld [tilespmem:s14+$0xFFFFFFD0]  }
0x1b4: {  	v1 =	vld [tilespmem:s13+$0xFFFFFFD0];
	_ =	sdelay $0x4  }
0x1b5: {  	v0 =	vmul.f32 $6.999999880e-01, v0;
	v1 =	vmul.f32 $3.000000120e-01, v1;
	_ =	sdelay $0x1  }
0x1b6: {  	v0 =	vadd.f32 v1, v0;
	_ =	sdelay $0x1  }
0x1b7: {  	[tilespmem:s15+$0xFFFFFFD0] =	vst v0  }
0x1b8: {  	v0 =	vld [tilespmem:s14+$0xFFFFFFE0]  }
0x1b9: {  	v1 =	vld [tilespmem:s13+$0xFFFFFFE0];
	_ =	sdelay $0x4  }
0x1ba: {  	v0 =	vmul.f32 $6.999999880e-01, v0;
	v1 =	vmul.f32 $3.000000120e-01, v1;
	_ =	sdelay $0x1  }
0x1bb: {  	v0 =	vadd.f32 v1, v0;
	_ =	sdelay $0x1  }
0x1bc: {  	[tilespmem:s15+$0xFFFFFFE0] =	vst v0  }
0x1bd: {  	v0 =	vld [tilespmem:s14+$0xFFFFFFF0]  }
0x1be: {  	v1 =	vld [tilespmem:s13+$0xFFFFFFF0];
	_ =	sdelay $0x4  }
0x1bf: {  	v0 =	vmul.f32 $6.999999880e-01, v0;
	v1 =	vmul.f32 $3.000000120e-01, v1;
	_ =	sdelay $0x1  }
0x1c0: {  	v0 =	vadd.f32 v1, v0;
	_ =	sdelay $0x1  }
0x1c1: {  	[tilespmem:s15+$0xFFFFFFF0] =	vst v0  }
0x1c2: {  	v0 =	vld [tilespmem:s14+$0x0]  }
0x1c3: {  	v1 =	vld [tilespmem:s13+$0x0];
	_ =	sdelay $0x4  }
0x1c4: {  	v0 =	vmul.f32 $6.999999880e-01, v0;
	v1 =	vmul.f32 $3.000000120e-01, v1;
	_ =	sdelay $0x1  }
0x1c5: {  	v0 =	vadd.f32 v1, v0;
	_ =	sdelay $0x1  }
0x1c6: {  	[tilespmem:s15+$0x0] =	vst v0  }
0x1c7: {  	v0 =	vld [tilespmem:s14+$0x10]  }
0x1c8: {  	v1 =	vld [tilespmem:s13+$0x10];
	_ =	sdelay $0x4  }
0x1c9: {  	v0 =	vmul.f32 $6.999999880e-01, v0;
	v1 =	vmul.f32 $3.000000120e-01, v1;
	_ =	sdelay $0x1  }
0x1ca: {  	v0 =	vadd.f32 v1, v0;
	_ =	sdelay $0x1  }
0x1cb: {  	[tilespmem:s15+$0x10] =	vst v0  }
0x1cc: {  	v0 =	vld [tilespmem:s14+$0x20]  }
0x1cd: {  	v1 =	vld [tilespmem:s13+$0x20];
	_ =	sdelay $0x4  }
0x1ce: {  	v0 =	vmul.f32 $6.999999880e-01, v0;
	v1 =	vmul.f32 $3.000000120e-01, v1;
	_ =	sdelay $0x1  }
0x1cf: {  	v0 =	vadd.f32 v1, v0;
	_ =	sdelay $0x1  }
0x1d0: {  	s16 =	sand.u32 $0x7FE0, s16;
	[tilespmem:s15+$0x20] =	vst v0  }
0x1d1: {  	v0 =	vld [tilespmem:s16+$0xEC00]  }
0x1d2: {  	v1 =	vld [tilespmem:s16+$0x13A80];
	_ =	sdelay $0x4  }
0x1d3: {  	v0 =	vmul.f32 $6.999999880e-01, v0;
	v1 =	vmul.f32 $3.000000120e-01, v1;
	_ =	sdelay $0x1  }
0x1d4: {  	v0 =	vadd.f32 v1, v0;
	_ =	sdelay $0x1  }
0x1d5: {  	[tilespmem:s16+$0x18900] =	vst v0  }
0x1d6: {  	s17 =	simm.s32 $0xA0;
	s16 =	simm.s32 $0x188D0;
	v0 =	vld [tilespmem:s14+$0x40]  }
.LBB2_8:
0x1d7: {  	v1 =	vld [tilespmem:s13+$0x40];
	s15 =	sadd.s32 $0xA0, s15;
	s13 =	sadd.s32 $0xA0, s13;
	s14 =	sadd.s32 $0xA0, s14  }
0x1d8: {  	p0 =	sne.s32 s17, $0x4D80;
	s18 =	smov.u32 s17;
	s17 =	sadd.s32 $0xA0, s17  }
0x1d9: {  	_ =	sdelay $0x1  }
0x1da: {  	v0 =	vmul.f32 $6.999999880e-01, v0  }
0x1db: {  	v1 =	vmul.f32 $3.000000120e-01, v1;
	_ =	sdelay $0x1  }
0x1dc: {  	v0 =	vadd.f32 v1, v0;
	_ =	sdelay $0x1  }
0x1dd: {  	[tilespmem:s16+$0x40] =	vst v0;
	s16 =	smov.u32 s15  }
0x1de: {  	v0 =	vld [tilespmem:s14+$0xFFFFFFB0]  }
0x1df: {  	v1 =	vld [tilespmem:s13+$0xFFFFFFB0];
	_ =	sdelay $0x4  }
0x1e0: {  	v0 =	vmul.f32 $6.999999880e-01, v0;
	v1 =	vmul.f32 $3.000000120e-01, v1;
	_ =	sdelay $0x1  }
0x1e1: {  	v0 =	vadd.f32 v1, v0;
	_ =	sdelay $0x1  }
0x1e2: {  	[tilespmem:s15+$0xFFFFFFB0] =	vst v0  }
0x1e3: {  	v0 =	vld [tilespmem:s14+$0xFFFFFFC0]  }
0x1e4: {  	v1 =	vld [tilespmem:s13+$0xFFFFFFC0];
	_ =	sdelay $0x3  }
0x1e5: {  	v0 =	vmul.f32 $6.999999880e-01, v0  }
0x1e6: {  	v1 =	vmul.f32 $3.000000120e-01, v1;
	_ =	sdelay $0x1  }
0x1e7: {  	v0 =	vadd.f32 v1, v0;
	_ =	sdelay $0x1  }
0x1e8: {  	[tilespmem:s15+$0xFFFFFFC0] =	vst v0  }
0x1e9: {  	v0 =	vld [tilespmem:s14+$0xFFFFFFD0]  }
0x1ea: {  	v1 =	vld [tilespmem:s13+$0xFFFFFFD0];
	_ =	sdelay $0x3  }
0x1eb: {  	v0 =	vmul.f32 $6.999999880e-01, v0  }
0x1ec: {  	v1 =	vmul.f32 $3.000000120e-01, v1;
	_ =	sdelay $0x1  }
0x1ed: {  	v0 =	vadd.f32 v1, v0;
	_ =	sdelay $0x1  }
0x1ee: {  	[tilespmem:s15+$0xFFFFFFD0] =	vst v0  }
0x1ef: {  	v0 =	vld [tilespmem:s14+$0xFFFFFFE0]  }
0x1f0: {  	v1 =	vld [tilespmem:s13+$0xFFFFFFE0];
	_ =	sdelay $0x3  }
0x1f1: {  	v0 =	vmul.f32 $6.999999880e-01, v0  }
0x1f2: {  	v1 =	vmul.f32 $3.000000120e-01, v1;
	_ =	sdelay $0x1  }
0x1f3: {  	v0 =	vadd.f32 v1, v0;
	_ =	sdelay $0x1  }
0x1f4: {  	[tilespmem:s15+$0xFFFFFFE0] =	vst v0  }
0x1f5: {  	v0 =	vld [tilespmem:s14+$0xFFFFFFF0]  }
0x1f6: {  	v1 =	vld [tilespmem:s13+$0xFFFFFFF0];
	_ =	sdelay $0x3  }
0x1f7: {  	v0 =	vmul.f32 $6.999999880e-01, v0  }
0x1f8: {  	v1 =	vmul.f32 $3.000000120e-01, v1;
	_ =	sdelay $0x1  }
0x1f9: {  	v0 =	vadd.f32 v1, v0;
	_ =	sdelay $0x1  }
0x1fa: {  	[tilespmem:s15+$0xFFFFFFF0] =	vst v0  }
0x1fb: {  	v0 =	vld [tilespmem:s14+$0x0]  }
0x1fc: {  	v1 =	vld [tilespmem:s13+$0x0];
	_ =	sdelay $0x3  }
0x1fd: {  	v0 =	vmul.f32 $6.999999880e-01, v0  }
0x1fe: {  	v1 =	vmul.f32 $3.000000120e-01, v1;
	_ =	sdelay $0x1  }
0x1ff: {  	v0 =	vadd.f32 v1, v0;
	_ =	sdelay $0x1  }
0x200: {  	[tilespmem:s15+$0x0] =	vst v0  }
0x201: {  	v0 =	vld [tilespmem:s14+$0x10]  }
0x202: {  	v1 =	vld [tilespmem:s13+$0x10];
	_ =	sdelay $0x3  }
0x203: {  	v0 =	vmul.f32 $6.999999880e-01, v0  }
0x204: {  	v1 =	vmul.f32 $3.000000120e-01, v1;
	_ =	sdelay $0x1  }
0x205: {  	v0 =	vadd.f32 v1, v0;
	_ =	sdelay $0x1  }
0x206: {  	[tilespmem:s15+$0x10] =	vst v0  }
0x207: {  	v0 =	vld [tilespmem:s14+$0x20]  }
0x208: {  	v1 =	vld [tilespmem:s13+$0x20];
	_ =	sdelay $0x3  }
0x209: {  	v0 =	vmul.f32 $6.999999880e-01, v0  }
0x20a: {  	v1 =	vmul.f32 $3.000000120e-01, v1;
	_ =	sdelay $0x1  }
0x20b: {  	v0 =	vadd.f32 v1, v0;
	_ =	sdelay $0x1  }
0x20c: {  	s18 =	sand.u32 $0x7FE0, s18;
	[tilespmem:s15+$0x20] =	vst v0  }
0x20d: {  	v0 =	vld [tilespmem:s18+$0xEC00]  }
0x20e: {  	v1 =	vld [tilespmem:s18+$0x13A80];
	_ =	sdelay $0x3  }
0x20f: {  	v0 =	vmul.f32 $6.999999880e-01, v0  }
0x210: {  	v1 =	vmul.f32 $3.000000120e-01, v1  }
.Ltmp3:
0x211: {  	(pc) =	sbr.rel @p0 .LBB2_8-.Ltmp3, $3  }
0x212: {  	v0 =	vadd.f32 v1, v0;
	_ =	sdelay $0x1  }
0x213: {  	[tilespmem:s18+$0x18900] =	vst v0  }
0x214: {  	v0 =	vld [tilespmem:s14+$0x40]  }
0x215: {  	v1 =	vld [tilespmem:s13+$0x40];
	_ =	sdelay $0x4  }
0x216: {  	v0 =	vmul.f32 $6.999999880e-01, v0;
	v1 =	vmul.f32 $3.000000120e-01, v1;
	_ =	sdelay $0x1  }
0x217: {  	v0 =	vadd.f32 v1, v0;
	_ =	sdelay $0x1  }
0x218: {  	s15 =	rddreg [dreg:$0x11];
	[tilespmem:s16+$0x40] =	vst v0;
	s16 =	simm.s32 $0x0  }
0x219: {  	[hbm4b:s15+s16] =	stream.linear.scatter [tilespmem:s9], [sflag:$0x4], $0x4E20, $0x38;
	[tilespmem:$0x1D700] =	vst v63  }
0x21a: {  	s17 =	rddreg [dreg:$0x12]  }
0x21b: {  	[tilespmem:s4], [sflag:$0x2] =	stream.linear.gather [hbm4b:s17+s16], $0x4E20, $0x38;
	[tilespmem:$0x1D700] =	vst v63  }
0x21c: {  	s18 =	rddreg [dreg:$0x13]  }
0x21d: {  	[tilespmem:s5], [sflag:$0x2] =	stream.linear.gather [hbm4b:s18+s16], $0x4E20, $0x38;
	[tilespmem:$0x1D700] =	vst v63  }
0x21e: {  	_ =	swait.ge [sflag:s6], $0x4E20  }
0x21f: {  	[sflag:s6] =	ssyncset.done $0x0  }
0x220: {  	[sflag:s6] =	ssyncadd.s32 $0xFFFFB1E0  }
0x221: {  	_ =	swait.ge [sflag:s6], $0x4E20  }
0x222: {  	[sflag:s6] =	ssyncset.done $0x0  }
0x223: {  	[sflag:s6] =	ssyncadd.s32 $0xFFFFB1E0  }
0x224: {  	_ =	swait.ge [sflag:s10], $0x4E20  }
0x225: {  	[sflag:s10] =	ssyncset.done $0x0  }
0x226: {  	s14 =	simm.s32 $0x50;
	[sflag:s10] =	ssyncadd.s32 $0xFFFFB1E0  }
0x227: {  	s13 =	simm.s32 $0x4ED0;
	v0 =	vld [tilespmem:s14+$0xFFFFFFB0]  }
0x228: {  	v1 =	vld [tilespmem:s13+$0xFFFFFFB0];
	_ =	sdelay $0x4  }
0x229: {  	v0 =	vmul.f32 $6.999999880e-01, v0;
	v1 =	vmul.f32 $3.000000120e-01, v1;
	_ =	sdelay $0x1  }
0x22a: {  	v0 =	vadd.f32 v1, v0  }
0x22b: {  	s15 =	simm.s32 $0x9D50  }
0x22c: {  	[tilespmem:s15+$0xFFFFFFB0] =	vst v0  }
0x22d: {  	v0 =	vld [tilespmem:s14+$0xFFFFFFC0]  }
0x22e: {  	v1 =	vld [tilespmem:s13+$0xFFFFFFC0];
	_ =	sdelay $0x4  }
0x22f: {  	v0 =	vmul.f32 $6.999999880e-01, v0;
	v1 =	vmul.f32 $3.000000120e-01, v1;
	_ =	sdelay $0x1  }
0x230: {  	v0 =	vadd.f32 v1, v0;
	_ =	sdelay $0x1  }
0x231: {  	[tilespmem:s15+$0xFFFFFFC0] =	vst v0  }
0x232: {  	v0 =	vld [tilespmem:s14+$0xFFFFFFD0]  }
0x233: {  	v1 =	vld [tilespmem:s13+$0xFFFFFFD0];
	_ =	sdelay $0x4  }
0x234: {  	v0 =	vmul.f32 $6.999999880e-01, v0;
	v1 =	vmul.f32 $3.000000120e-01, v1;
	_ =	sdelay $0x1  }
0x235: {  	v0 =	vadd.f32 v1, v0;
	_ =	sdelay $0x1  }
0x236: {  	[tilespmem:s15+$0xFFFFFFD0] =	vst v0  }
0x237: {  	v0 =	vld [tilespmem:s14+$0xFFFFFFE0]  }
0x238: {  	v1 =	vld [tilespmem:s13+$0xFFFFFFE0];
	_ =	sdelay $0x4  }
0x239: {  	v0 =	vmul.f32 $6.999999880e-01, v0;
	v1 =	vmul.f32 $3.000000120e-01, v1;
	_ =	sdelay $0x1  }
0x23a: {  	v0 =	vadd.f32 v1, v0;
	_ =	sdelay $0x1  }
0x23b: {  	[tilespmem:s15+$0xFFFFFFE0] =	vst v0  }
0x23c: {  	v0 =	vld [tilespmem:s14+$0xFFFFFFF0]  }
0x23d: {  	v1 =	vld [tilespmem:s13+$0xFFFFFFF0];
	_ =	sdelay $0x4  }
0x23e: {  	v0 =	vmul.f32 $6.999999880e-01, v0;
	v1 =	vmul.f32 $3.000000120e-01, v1;
	_ =	sdelay $0x1  }
0x23f: {  	v0 =	vadd.f32 v1, v0;
	_ =	sdelay $0x1  }
0x240: {  	[tilespmem:s15+$0xFFFFFFF0] =	vst v0  }
0x241: {  	v0 =	vld [tilespmem:s14+$0x0]  }
0x242: {  	v1 =	vld [tilespmem:s13+$0x0];
	_ =	sdelay $0x4  }
0x243: {  	v0 =	vmul.f32 $6.999999880e-01, v0;
	v1 =	vmul.f32 $3.000000120e-01, v1;
	_ =	sdelay $0x1  }
0x244: {  	v0 =	vadd.f32 v1, v0;
	_ =	sdelay $0x1  }
0x245: {  	[tilespmem:s15+$0x0] =	vst v0  }
0x246: {  	v0 =	vld [tilespmem:s14+$0x10]  }
0x247: {  	v1 =	vld [tilespmem:s13+$0x10];
	_ =	sdelay $0x4  }
0x248: {  	v0 =	vmul.f32 $6.999999880e-01, v0;
	v1 =	vmul.f32 $3.000000120e-01, v1;
	_ =	sdelay $0x1  }
0x249: {  	v0 =	vadd.f32 v1, v0;
	_ =	sdelay $0x1  }
0x24a: {  	[tilespmem:s15+$0x10] =	vst v0  }
0x24b: {  	v0 =	vld [tilespmem:s14+$0x20]  }
0x24c: {  	v1 =	vld [tilespmem:s13+$0x20];
	_ =	sdelay $0x4  }
0x24d: {  	v0 =	vmul.f32 $6.999999880e-01, v0;
	v1 =	vmul.f32 $3.000000120e-01, v1;
	_ =	sdelay $0x1  }
0x24e: {  	v0 =	vadd.f32 v1, v0;
	_ =	sdelay $0x1  }
0x24f: {  	s16 =	sand.u32 $0x7FE0, s16;
	[tilespmem:s15+$0x20] =	vst v0  }
0x250: {  	v0 =	vld [tilespmem:s16+$0x80]  }
0x251: {  	v1 =	vld [tilespmem:s16+$0x4F00];
	_ =	sdelay $0x4  }
0x252: {  	v0 =	vmul.f32 $6.999999880e-01, v0;
	v1 =	vmul.f32 $3.000000120e-01, v1;
	_ =	sdelay $0x1  }
0x253: {  	v0 =	vadd.f32 v1, v0;
	_ =	sdelay $0x1  }
0x254: {  	[tilespmem:s16+$0x9D80] =	vst v0  }
0x255: {  	s17 =	simm.s32 $0xA0;
	s16 =	simm.s32 $0x9D50;
	v0 =	vld [tilespmem:s14+$0x40]  }
.LBB2_10:
0x256: {  	v1 =	vld [tilespmem:s13+$0x40];
	s15 =	sadd.s32 $0xA0, s15;
	s13 =	sadd.s32 $0xA0, s13;
	s14 =	sadd.s32 $0xA0, s14  }
0x257: {  	p0 =	sne.s32 s17, $0x4D80;
	s18 =	smov.u32 s17;
	s17 =	sadd.s32 $0xA0, s17  }
0x258: {  	_ =	sdelay $0x1  }
0x259: {  	v0 =	vmul.f32 $6.999999880e-01, v0  }
0x25a: {  	v1 =	vmul.f32 $3.000000120e-01, v1;
	_ =	sdelay $0x1  }
0x25b: {  	v0 =	vadd.f32 v1, v0;
	_ =	sdelay $0x1  }
0x25c: {  	[tilespmem:s16+$0x40] =	vst v0;
	s16 =	smov.u32 s15  }
0x25d: {  	v0 =	vld [tilespmem:s14+$0xFFFFFFB0]  }
0x25e: {  	v1 =	vld [tilespmem:s13+$0xFFFFFFB0];
	_ =	sdelay $0x4  }
0x25f: {  	v0 =	vmul.f32 $6.999999880e-01, v0;
	v1 =	vmul.f32 $3.000000120e-01, v1;
	_ =	sdelay $0x1  }
0x260: {  	v0 =	vadd.f32 v1, v0;
	_ =	sdelay $0x1  }
0x261: {  	[tilespmem:s15+$0xFFFFFFB0] =	vst v0  }
0x262: {  	v0 =	vld [tilespmem:s14+$0xFFFFFFC0]  }
0x263: {  	v1 =	vld [tilespmem:s13+$0xFFFFFFC0];
	_ =	sdelay $0x3  }
0x264: {  	v0 =	vmul.f32 $6.999999880e-01, v0  }
0x265: {  	v1 =	vmul.f32 $3.000000120e-01, v1;
	_ =	sdelay $0x1  }
0x266: {  	v0 =	vadd.f32 v1, v0;
	_ =	sdelay $0x1  }
0x267: {  	[tilespmem:s15+$0xFFFFFFC0] =	vst v0  }
0x268: {  	v0 =	vld [tilespmem:s14+$0xFFFFFFD0]  }
0x269: {  	v1 =	vld [tilespmem:s13+$0xFFFFFFD0];
	_ =	sdelay $0x3  }
0x26a: {  	v0 =	vmul.f32 $6.999999880e-01, v0  }
0x26b: {  	v1 =	vmul.f32 $3.000000120e-01, v1;
	_ =	sdelay $0x1  }
0x26c: {  	v0 =	vadd.f32 v1, v0;
	_ =	sdelay $0x1  }
0x26d: {  	[tilespmem:s15+$0xFFFFFFD0] =	vst v0  }
0x26e: {  	v0 =	vld [tilespmem:s14+$0xFFFFFFE0]  }
0x26f: {  	v1 =	vld [tilespmem:s13+$0xFFFFFFE0];
	_ =	sdelay $0x3  }
0x270: {  	v0 =	vmul.f32 $6.999999880e-01, v0  }
0x271: {  	v1 =	vmul.f32 $3.000000120e-01, v1;
	_ =	sdelay $0x1  }
0x272: {  	v0 =	vadd.f32 v1, v0;
	_ =	sdelay $0x1  }
0x273: {  	[tilespmem:s15+$0xFFFFFFE0] =	vst v0  }
0x274: {  	v0 =	vld [tilespmem:s14+$0xFFFFFFF0]  }
0x275: {  	v1 =	vld [tilespmem:s13+$0xFFFFFFF0];
	_ =	sdelay $0x3  }
0x276: {  	v0 =	vmul.f32 $6.999999880e-01, v0  }
0x277: {  	v1 =	vmul.f32 $3.000000120e-01, v1;
	_ =	sdelay $0x1  }
0x278: {  	v0 =	vadd.f32 v1, v0;
	_ =	sdelay $0x1  }
0x279: {  	[tilespmem:s15+$0xFFFFFFF0] =	vst v0  }
0x27a: {  	v0 =	vld [tilespmem:s14+$0x0]  }
0x27b: {  	v1 =	vld [tilespmem:s13+$0x0];
	_ =	sdelay $0x3  }
0x27c: {  	v0 =	vmul.f32 $6.999999880e-01, v0  }
0x27d: {  	v1 =	vmul.f32 $3.000000120e-01, v1;
	_ =	sdelay $0x1  }
0x27e: {  	v0 =	vadd.f32 v1, v0;
	_ =	sdelay $0x1  }
0x27f: {  	[tilespmem:s15+$0x0] =	vst v0  }
0x280: {  	v0 =	vld [tilespmem:s14+$0x10]  }
0x281: {  	v1 =	vld [tilespmem:s13+$0x10];
	_ =	sdelay $0x3  }
0x282: {  	v0 =	vmul.f32 $6.999999880e-01, v0  }
0x283: {  	v1 =	vmul.f32 $3.000000120e-01, v1;
	_ =	sdelay $0x1  }
0x284: {  	v0 =	vadd.f32 v1, v0;
	_ =	sdelay $0x1  }
0x285: {  	[tilespmem:s15+$0x10] =	vst v0  }
0x286: {  	v0 =	vld [tilespmem:s14+$0x20]  }
0x287: {  	v1 =	vld [tilespmem:s13+$0x20];
	_ =	sdelay $0x3  }
0x288: {  	v0 =	vmul.f32 $6.999999880e-01, v0  }
0x289: {  	v1 =	vmul.f32 $3.000000120e-01, v1;
	_ =	sdelay $0x1  }
0x28a: {  	v0 =	vadd.f32 v1, v0;
	_ =	sdelay $0x1  }
0x28b: {  	s18 =	sand.u32 $0x7FE0, s18;
	[tilespmem:s15+$0x20] =	vst v0  }
0x28c: {  	v0 =	vld [tilespmem:s18+$0x80]  }
0x28d: {  	v1 =	vld [tilespmem:s18+$0x4F00];
	_ =	sdelay $0x3  }
0x28e: {  	v0 =	vmul.f32 $6.999999880e-01, v0  }
0x28f: {  	v1 =	vmul.f32 $3.000000120e-01, v1  }
.Ltmp4:
0x290: {  	(pc) =	sbr.rel @p0 .LBB2_10-.Ltmp4, $3  }
0x291: {  	v0 =	vadd.f32 v1, v0;
	_ =	sdelay $0x1  }
0x292: {  	[tilespmem:s18+$0x9D80] =	vst v0  }
0x293: {  	v0 =	vld [tilespmem:s14+$0x40]  }
0x294: {  	v1 =	vld [tilespmem:s13+$0x40];
	_ =	sdelay $0x4  }
0x295: {  	v0 =	vmul.f32 $6.999999880e-01, v0;
	v1 =	vmul.f32 $3.000000120e-01, v1;
	_ =	sdelay $0x1  }
0x296: {  	v0 =	vadd.f32 v1, v0;
	_ =	sdelay $0x1  }
0x297: {  	s17 =	simm.s32 $0x0;
	s18 =	rddreg [dreg:$0x14];
	[tilespmem:s16+$0x40] =	vst v0  }
0x298: {  	[hbm4b:s18+s17] =	stream.linear.scatter [tilespmem:s7], [sflag:$0x3], $0x4E20, $0x38;
	[tilespmem:$0x1D700] =	vst v63  }
0x299: {  	_ = 	snop  }
0x29a: {  	[tilespmem:s17], [sflag:$0x1] =	stream.linear.gather [hbm4b:s20+s17], $0x4E20, $0x38;
	[tilespmem:$0x1D700] =	vst v63  }
0x29b: {  	_ = 	snop  }
0x29c: {  	[tilespmem:s3], [sflag:$0x1] =	stream.linear.gather [hbm4b:s21+s17], $0x4E20, $0x38;
	[tilespmem:$0x1D700] =	vst v63  }
0x29d: {  	_ =	swait.ge [sflag:s8], $0x4E20  }
0x29e: {  	[sflag:s8] =	ssyncset.done $0x0  }
0x29f: {  	[sflag:s8] =	ssyncadd.s32 $0xFFFFB1E0  }
0x2a0: {  	_ =	swait.ge [sflag:s8], $0x4E20  }
0x2a1: {  	[sflag:s8] =	ssyncset.done $0x0  }
0x2a2: {  	[sflag:s8] =	ssyncadd.s32 $0xFFFFB1E0  }
0x2a3: {  	_ =	swait.ge [sflag:s11], $0x4E20  }
0x2a4: {  	[sflag:s11] =	ssyncset.done $0x0  }
0x2a5: {  	s14 =	simm.s32 $0xEBD0;
	[sflag:s11] =	ssyncadd.s32 $0xFFFFB1E0  }
0x2a6: {  	s13 =	simm.s32 $0x13A50;
	v0 =	vld [tilespmem:s14+$0xFFFFFFB0]  }
0x2a7: {  	v1 =	vld [tilespmem:s13+$0xFFFFFFB0];
	_ =	sdelay $0x4  }
0x2a8: {  	v0 =	vmul.f32 $6.999999880e-01, v0;
	v1 =	vmul.f32 $3.000000120e-01, v1;
	_ =	sdelay $0x1  }
0x2a9: {  	v0 =	vadd.f32 v1, v0  }
0x2aa: {  	s15 =	simm.s32 $0x188D0  }
0x2ab: {  	[tilespmem:s15+$0xFFFFFFB0] =	vst v0  }
0x2ac: {  	v0 =	vld [tilespmem:s14+$0xFFFFFFC0]  }
0x2ad: {  	v1 =	vld [tilespmem:s13+$0xFFFFFFC0];
	_ =	sdelay $0x4  }
0x2ae: {  	v0 =	vmul.f32 $6.999999880e-01, v0;
	v1 =	vmul.f32 $3.000000120e-01, v1;
	_ =	sdelay $0x1  }
0x2af: {  	v0 =	vadd.f32 v1, v0;
	_ =	sdelay $0x1  }
0x2b0: {  	[tilespmem:s15+$0xFFFFFFC0] =	vst v0  }
0x2b1: {  	v0 =	vld [tilespmem:s14+$0xFFFFFFD0]  }
0x2b2: {  	v1 =	vld [tilespmem:s13+$0xFFFFFFD0];
	_ =	sdelay $0x4  }
0x2b3: {  	v0 =	vmul.f32 $6.999999880e-01, v0;
	v1 =	vmul.f32 $3.000000120e-01, v1;
	_ =	sdelay $0x1  }
0x2b4: {  	v0 =	vadd.f32 v1, v0;
	_ =	sdelay $0x1  }
0x2b5: {  	[tilespmem:s15+$0xFFFFFFD0] =	vst v0  }
0x2b6: {  	v0 =	vld [tilespmem:s14+$0xFFFFFFE0]  }
0x2b7: {  	v1 =	vld [tilespmem:s13+$0xFFFFFFE0];
	_ =	sdelay $0x4  }
0x2b8: {  	v0 =	vmul.f32 $6.999999880e-01, v0;
	v1 =	vmul.f32 $3.000000120e-01, v1;
	_ =	sdelay $0x1  }
0x2b9: {  	v0 =	vadd.f32 v1, v0;
	_ =	sdelay $0x1  }
0x2ba: {  	[tilespmem:s15+$0xFFFFFFE0] =	vst v0  }
0x2bb: {  	v0 =	vld [tilespmem:s14+$0xFFFFFFF0]  }
0x2bc: {  	v1 =	vld [tilespmem:s13+$0xFFFFFFF0];
	_ =	sdelay $0x4  }
0x2bd: {  	v0 =	vmul.f32 $6.999999880e-01, v0;
	v1 =	vmul.f32 $3.000000120e-01, v1;
	_ =	sdelay $0x1  }
0x2be: {  	v0 =	vadd.f32 v1, v0;
	_ =	sdelay $0x1  }
0x2bf: {  	[tilespmem:s15+$0xFFFFFFF0] =	vst v0  }
0x2c0: {  	v0 =	vld [tilespmem:s14+$0x0]  }
0x2c1: {  	v1 =	vld [tilespmem:s13+$0x0];
	_ =	sdelay $0x4  }
0x2c2: {  	v0 =	vmul.f32 $6.999999880e-01, v0;
	v1 =	vmul.f32 $3.000000120e-01, v1;
	_ =	sdelay $0x1  }
0x2c3: {  	v0 =	vadd.f32 v1, v0;
	_ =	sdelay $0x1  }
0x2c4: {  	[tilespmem:s15+$0x0] =	vst v0  }
0x2c5: {  	v0 =	vld [tilespmem:s14+$0x10]  }
0x2c6: {  	v1 =	vld [tilespmem:s13+$0x10];
	_ =	sdelay $0x4  }
0x2c7: {  	v0 =	vmul.f32 $6.999999880e-01, v0;
	v1 =	vmul.f32 $3.000000120e-01, v1;
	_ =	sdelay $0x1  }
0x2c8: {  	v0 =	vadd.f32 v1, v0;
	_ =	sdelay $0x1  }
0x2c9: {  	[tilespmem:s15+$0x10] =	vst v0  }
0x2ca: {  	v0 =	vld [tilespmem:s14+$0x20]  }
0x2cb: {  	v1 =	vld [tilespmem:s13+$0x20];
	_ =	sdelay $0x4  }
0x2cc: {  	v0 =	vmul.f32 $6.999999880e-01, v0;
	v1 =	vmul.f32 $3.000000120e-01, v1;
	_ =	sdelay $0x1  }
0x2cd: {  	v0 =	vadd.f32 v1, v0;
	_ =	sdelay $0x1  }
0x2ce: {  	s16 =	sand.u32 $0x7FE0, s17;
	[tilespmem:s15+$0x20] =	vst v0  }
0x2cf: {  	v0 =	vld [tilespmem:s16+$0xEC00]  }
0x2d0: {  	v1 =	vld [tilespmem:s16+$0x13A80];
	_ =	sdelay $0x4  }
0x2d1: {  	v0 =	vmul.f32 $6.999999880e-01, v0;
	v1 =	vmul.f32 $3.000000120e-01, v1;
	_ =	sdelay $0x1  }
0x2d2: {  	v0 =	vadd.f32 v1, v0;
	_ =	sdelay $0x1  }
0x2d3: {  	[tilespmem:s16+$0x18900] =	vst v0  }
0x2d4: {  	s17 =	simm.s32 $0xA0;
	s16 =	simm.s32 $0x188D0;
	v0 =	vld [tilespmem:s14+$0x40]  }
.LBB2_12:
0x2d5: {  	v1 =	vld [tilespmem:s13+$0x40];
	s15 =	sadd.s32 $0xA0, s15;
	s13 =	sadd.s32 $0xA0, s13;
	s14 =	sadd.s32 $0xA0, s14  }
0x2d6: {  	p0 =	sne.s32 s17, $0x4D80;
	s18 =	smov.u32 s17;
	s17 =	sadd.s32 $0xA0, s17  }
0x2d7: {  	_ =	sdelay $0x1  }
0x2d8: {  	v0 =	vmul.f32 $6.999999880e-01, v0  }
0x2d9: {  	v1 =	vmul.f32 $3.000000120e-01, v1;
	_ =	sdelay $0x1  }
0x2da: {  	v0 =	vadd.f32 v1, v0;
	_ =	sdelay $0x1  }
0x2db: {  	[tilespmem:s16+$0x40] =	vst v0;
	s16 =	smov.u32 s15  }
0x2dc: {  	v0 =	vld [tilespmem:s14+$0xFFFFFFB0]  }
0x2dd: {  	v1 =	vld [tilespmem:s13+$0xFFFFFFB0];
	_ =	sdelay $0x4  }
0x2de: {  	v0 =	vmul.f32 $6.999999880e-01, v0;
	v1 =	vmul.f32 $3.000000120e-01, v1;
	_ =	sdelay $0x1  }
0x2df: {  	v0 =	vadd.f32 v1, v0;
	_ =	sdelay $0x1  }
0x2e0: {  	[tilespmem:s15+$0xFFFFFFB0] =	vst v0  }
0x2e1: {  	v0 =	vld [tilespmem:s14+$0xFFFFFFC0]  }
0x2e2: {  	v1 =	vld [tilespmem:s13+$0xFFFFFFC0];
	_ =	sdelay $0x3  }
0x2e3: {  	v0 =	vmul.f32 $6.999999880e-01, v0  }
0x2e4: {  	v1 =	vmul.f32 $3.000000120e-01, v1;
	_ =	sdelay $0x1  }
0x2e5: {  	v0 =	vadd.f32 v1, v0;
	_ =	sdelay $0x1  }
0x2e6: {  	[tilespmem:s15+$0xFFFFFFC0] =	vst v0  }
0x2e7: {  	v0 =	vld [tilespmem:s14+$0xFFFFFFD0]  }
0x2e8: {  	v1 =	vld [tilespmem:s13+$0xFFFFFFD0];
	_ =	sdelay $0x3  }
0x2e9: {  	v0 =	vmul.f32 $6.999999880e-01, v0  }
0x2ea: {  	v1 =	vmul.f32 $3.000000120e-01, v1;
	_ =	sdelay $0x1  }
0x2eb: {  	v0 =	vadd.f32 v1, v0;
	_ =	sdelay $0x1  }
0x2ec: {  	[tilespmem:s15+$0xFFFFFFD0] =	vst v0  }
0x2ed: {  	v0 =	vld [tilespmem:s14+$0xFFFFFFE0]  }
0x2ee: {  	v1 =	vld [tilespmem:s13+$0xFFFFFFE0];
	_ =	sdelay $0x3  }
0x2ef: {  	v0 =	vmul.f32 $6.999999880e-01, v0  }
0x2f0: {  	v1 =	vmul.f32 $3.000000120e-01, v1;
	_ =	sdelay $0x1  }
0x2f1: {  	v0 =	vadd.f32 v1, v0;
	_ =	sdelay $0x1  }
0x2f2: {  	[tilespmem:s15+$0xFFFFFFE0] =	vst v0  }
0x2f3: {  	v0 =	vld [tilespmem:s14+$0xFFFFFFF0]  }
0x2f4: {  	v1 =	vld [tilespmem:s13+$0xFFFFFFF0];
	_ =	sdelay $0x3  }
0x2f5: {  	v0 =	vmul.f32 $6.999999880e-01, v0  }
0x2f6: {  	v1 =	vmul.f32 $3.000000120e-01, v1;
	_ =	sdelay $0x1  }
0x2f7: {  	v0 =	vadd.f32 v1, v0;
	_ =	sdelay $0x1  }
0x2f8: {  	[tilespmem:s15+$0xFFFFFFF0] =	vst v0  }
0x2f9: {  	v0 =	vld [tilespmem:s14+$0x0]  }
0x2fa: {  	v1 =	vld [tilespmem:s13+$0x0];
	_ =	sdelay $0x3  }
0x2fb: {  	v0 =	vmul.f32 $6.999999880e-01, v0  }
0x2fc: {  	v1 =	vmul.f32 $3.000000120e-01, v1;
	_ =	sdelay $0x1  }
0x2fd: {  	v0 =	vadd.f32 v1, v0;
	_ =	sdelay $0x1  }
0x2fe: {  	[tilespmem:s15+$0x0] =	vst v0  }
0x2ff: {  	v0 =	vld [tilespmem:s14+$0x10]  }
0x300: {  	v1 =	vld [tilespmem:s13+$0x10];
	_ =	sdelay $0x3  }
0x301: {  	v0 =	vmul.f32 $6.999999880e-01, v0  }
0x302: {  	v1 =	vmul.f32 $3.000000120e-01, v1;
	_ =	sdelay $0x1  }
0x303: {  	v0 =	vadd.f32 v1, v0;
	_ =	sdelay $0x1  }
0x304: {  	[tilespmem:s15+$0x10] =	vst v0  }
0x305: {  	v0 =	vld [tilespmem:s14+$0x20]  }
0x306: {  	v1 =	vld [tilespmem:s13+$0x20];
	_ =	sdelay $0x3  }
0x307: {  	v0 =	vmul.f32 $6.999999880e-01, v0  }
0x308: {  	v1 =	vmul.f32 $3.000000120e-01, v1;
	_ =	sdelay $0x1  }
0x309: {  	v0 =	vadd.f32 v1, v0;
	_ =	sdelay $0x1  }
0x30a: {  	s18 =	sand.u32 $0x7FE0, s18;
	[tilespmem:s15+$0x20] =	vst v0  }
0x30b: {  	v0 =	vld [tilespmem:s18+$0xEC00]  }
0x30c: {  	v1 =	vld [tilespmem:s18+$0x13A80];
	_ =	sdelay $0x3  }
0x30d: {  	v0 =	vmul.f32 $6.999999880e-01, v0  }
0x30e: {  	v1 =	vmul.f32 $3.000000120e-01, v1  }
.Ltmp5:
0x30f: {  	(pc) =	sbr.rel @p0 .LBB2_12-.Ltmp5, $3  }
0x310: {  	v0 =	vadd.f32 v1, v0;
	_ =	sdelay $0x1  }
0x311: {  	[tilespmem:s18+$0x18900] =	vst v0  }
0x312: {  	v0 =	vld [tilespmem:s14+$0x40]  }
0x313: {  	v1 =	vld [tilespmem:s13+$0x40];
	_ =	sdelay $0x4  }
0x314: {  	v0 =	vmul.f32 $6.999999880e-01, v0;
	v1 =	vmul.f32 $3.000000120e-01, v1;
	_ =	sdelay $0x1  }
0x315: {  	v0 =	vadd.f32 v1, v0;
	_ =	sdelay $0x1  }
0x316: {  	s18 =	simm.s32 $0x0;
	[tilespmem:s16+$0x40] =	vst v0  }
0x317: {  	[hbm4b:s19+s18] =	stream.linear.scatter [tilespmem:s9], [sflag:$0x4], $0x4E20, $0x38;
	[tilespmem:$0x1D700] =	vst v63  }
0x318: {  	_ = 	snop  }
0x319: {  	[tilespmem:s4], [sflag:$0x2] =	stream.linear.gather [hbm4b:s23+s18], $0x4E20, $0x38;
	[tilespmem:$0x1D700] =	vst v63  }
0x31a: {  	_ = 	snop  }
0x31b: {  	[tilespmem:s5], [sflag:$0x2] =	stream.linear.gather [hbm4b:s24+s18], $0x4E20, $0x38;
	[tilespmem:$0x1D700] =	vst v63  }
0x31c: {  	_ =	swait.ge [sflag:s6], $0x4E20  }
0x31d: {  	[sflag:s6] =	ssyncset.done $0x0  }
0x31e: {  	[sflag:s6] =	ssyncadd.s32 $0xFFFFB1E0  }
0x31f: {  	_ =	swait.ge [sflag:s6], $0x4E20  }
0x320: {  	[sflag:s6] =	ssyncset.done $0x0  }
0x321: {  	[sflag:s6] =	ssyncadd.s32 $0xFFFFB1E0  }
0x322: {  	_ =	swait.ge [sflag:s10], $0x4E20  }
0x323: {  	[sflag:s10] =	ssyncset.done $0x0  }
0x324: {  	s14 =	simm.s32 $0x50;
	[sflag:s10] =	ssyncadd.s32 $0xFFFFB1E0  }
0x325: {  	s13 =	simm.s32 $0x4ED0;
	v0 =	vld [tilespmem:s14+$0xFFFFFFB0]  }
0x326: {  	v1 =	vld [tilespmem:s13+$0xFFFFFFB0];
	_ =	sdelay $0x4  }
0x327: {  	v0 =	vmul.f32 $6.999999880e-01, v0;
	v1 =	vmul.f32 $3.000000120e-01, v1;
	_ =	sdelay $0x1  }
0x328: {  	v0 =	vadd.f32 v1, v0  }
0x329: {  	s15 =	simm.s32 $0x9D50  }
0x32a: {  	[tilespmem:s15+$0xFFFFFFB0] =	vst v0  }
0x32b: {  	v0 =	vld [tilespmem:s14+$0xFFFFFFC0]  }
0x32c: {  	v1 =	vld [tilespmem:s13+$0xFFFFFFC0];
	_ =	sdelay $0x4  }
0x32d: {  	v0 =	vmul.f32 $6.999999880e-01, v0;
	v1 =	vmul.f32 $3.000000120e-01, v1;
	_ =	sdelay $0x1  }
0x32e: {  	v0 =	vadd.f32 v1, v0;
	_ =	sdelay $0x1  }
0x32f: {  	[tilespmem:s15+$0xFFFFFFC0] =	vst v0  }
0x330: {  	v0 =	vld [tilespmem:s14+$0xFFFFFFD0]  }
0x331: {  	v1 =	vld [tilespmem:s13+$0xFFFFFFD0];
	_ =	sdelay $0x4  }
0x332: {  	v0 =	vmul.f32 $6.999999880e-01, v0;
	v1 =	vmul.f32 $3.000000120e-01, v1;
	_ =	sdelay $0x1  }
0x333: {  	v0 =	vadd.f32 v1, v0;
	_ =	sdelay $0x1  }
0x334: {  	[tilespmem:s15+$0xFFFFFFD0] =	vst v0  }
0x335: {  	v0 =	vld [tilespmem:s14+$0xFFFFFFE0]  }
0x336: {  	v1 =	vld [tilespmem:s13+$0xFFFFFFE0];
	_ =	sdelay $0x4  }
0x337: {  	v0 =	vmul.f32 $6.999999880e-01, v0;
	v1 =	vmul.f32 $3.000000120e-01, v1;
	_ =	sdelay $0x1  }
0x338: {  	v0 =	vadd.f32 v1, v0;
	_ =	sdelay $0x1  }
0x339: {  	[tilespmem:s15+$0xFFFFFFE0] =	vst v0  }
0x33a: {  	v0 =	vld [tilespmem:s14+$0xFFFFFFF0]  }
0x33b: {  	v1 =	vld [tilespmem:s13+$0xFFFFFFF0];
	_ =	sdelay $0x4  }
0x33c: {  	v0 =	vmul.f32 $6.999999880e-01, v0;
	v1 =	vmul.f32 $3.000000120e-01, v1;
	_ =	sdelay $0x1  }
0x33d: {  	v0 =	vadd.f32 v1, v0;
	_ =	sdelay $0x1  }
0x33e: {  	[tilespmem:s15+$0xFFFFFFF0] =	vst v0  }
0x33f: {  	v0 =	vld [tilespmem:s14+$0x0]  }
0x340: {  	v1 =	vld [tilespmem:s13+$0x0];
	_ =	sdelay $0x4  }
0x341: {  	v0 =	vmul.f32 $6.999999880e-01, v0;
	v1 =	vmul.f32 $3.000000120e-01, v1;
	_ =	sdelay $0x1  }
0x342: {  	v0 =	vadd.f32 v1, v0;
	_ =	sdelay $0x1  }
0x343: {  	[tilespmem:s15+$0x0] =	vst v0  }
0x344: {  	v0 =	vld [tilespmem:s14+$0x10]  }
0x345: {  	v1 =	vld [tilespmem:s13+$0x10];
	_ =	sdelay $0x4  }
0x346: {  	v0 =	vmul.f32 $6.999999880e-01, v0;
	v1 =	vmul.f32 $3.000000120e-01, v1;
	_ =	sdelay $0x1  }
0x347: {  	v0 =	vadd.f32 v1, v0;
	_ =	sdelay $0x1  }
0x348: {  	[tilespmem:s15+$0x10] =	vst v0  }
0x349: {  	v0 =	vld [tilespmem:s14+$0x20]  }
0x34a: {  	v1 =	vld [tilespmem:s13+$0x20];
	_ =	sdelay $0x4  }
0x34b: {  	v0 =	vmul.f32 $6.999999880e-01, v0;
	v1 =	vmul.f32 $3.000000120e-01, v1;
	_ =	sdelay $0x1  }
0x34c: {  	v0 =	vadd.f32 v1, v0;
	_ =	sdelay $0x1  }
0x34d: {  	s16 =	sand.u32 $0x7FE0, s18;
	[tilespmem:s15+$0x20] =	vst v0  }
0x34e: {  	v0 =	vld [tilespmem:s16+$0x80]  }
0x34f: {  	v1 =	vld [tilespmem:s16+$0x4F00];
	_ =	sdelay $0x4  }
0x350: {  	v0 =	vmul.f32 $6.999999880e-01, v0;
	v1 =	vmul.f32 $3.000000120e-01, v1;
	_ =	sdelay $0x1  }
0x351: {  	v0 =	vadd.f32 v1, v0;
	_ =	sdelay $0x1  }
0x352: {  	[tilespmem:s16+$0x9D80] =	vst v0  }
0x353: {  	s17 =	simm.s32 $0xA0;
	s16 =	simm.s32 $0x9D50;
	v0 =	vld [tilespmem:s14+$0x40]  }
.LBB2_14:
0x354: {  	v1 =	vld [tilespmem:s13+$0x40];
	s15 =	sadd.s32 $0xA0, s15;
	s13 =	sadd.s32 $0xA0, s13;
	s14 =	sadd.s32 $0xA0, s14  }
0x355: {  	p0 =	sne.s32 s17, $0x4D80;
	s18 =	smov.u32 s17;
	s17 =	sadd.s32 $0xA0, s17  }
0x356: {  	_ =	sdelay $0x1  }
0x357: {  	v0 =	vmul.f32 $6.999999880e-01, v0  }
0x358: {  	v1 =	vmul.f32 $3.000000120e-01, v1;
	_ =	sdelay $0x1  }
0x359: {  	v0 =	vadd.f32 v1, v0;
	_ =	sdelay $0x1  }
0x35a: {  	[tilespmem:s16+$0x40] =	vst v0;
	s16 =	smov.u32 s15  }
0x35b: {  	v0 =	vld [tilespmem:s14+$0xFFFFFFB0]  }
0x35c: {  	v1 =	vld [tilespmem:s13+$0xFFFFFFB0];
	_ =	sdelay $0x4  }
0x35d: {  	v0 =	vmul.f32 $6.999999880e-01, v0;
	v1 =	vmul.f32 $3.000000120e-01, v1;
	_ =	sdelay $0x1  }
0x35e: {  	v0 =	vadd.f32 v1, v0;
	_ =	sdelay $0x1  }
0x35f: {  	[tilespmem:s15+$0xFFFFFFB0] =	vst v0  }
0x360: {  	v0 =	vld [tilespmem:s14+$0xFFFFFFC0]  }
0x361: {  	v1 =	vld [tilespmem:s13+$0xFFFFFFC0];
	_ =	sdelay $0x3  }
0x362: {  	v0 =	vmul.f32 $6.999999880e-01, v0  }
0x363: {  	v1 =	vmul.f32 $3.000000120e-01, v1;
	_ =	sdelay $0x1  }
0x364: {  	v0 =	vadd.f32 v1, v0;
	_ =	sdelay $0x1  }
0x365: {  	[tilespmem:s15+$0xFFFFFFC0] =	vst v0  }
0x366: {  	v0 =	vld [tilespmem:s14+$0xFFFFFFD0]  }
0x367: {  	v1 =	vld [tilespmem:s13+$0xFFFFFFD0];
	_ =	sdelay $0x3  }
0x368: {  	v0 =	vmul.f32 $6.999999880e-01, v0  }
0x369: {  	v1 =	vmul.f32 $3.000000120e-01, v1;
	_ =	sdelay $0x1  }
0x36a: {  	v0 =	vadd.f32 v1, v0;
	_ =	sdelay $0x1  }
0x36b: {  	[tilespmem:s15+$0xFFFFFFD0] =	vst v0  }
0x36c: {  	v0 =	vld [tilespmem:s14+$0xFFFFFFE0]  }
0x36d: {  	v1 =	vld [tilespmem:s13+$0xFFFFFFE0];
	_ =	sdelay $0x3  }
0x36e: {  	v0 =	vmul.f32 $6.999999880e-01, v0  }
0x36f: {  	v1 =	vmul.f32 $3.000000120e-01, v1;
	_ =	sdelay $0x1  }
0x370: {  	v0 =	vadd.f32 v1, v0;
	_ =	sdelay $0x1  }
0x371: {  	[tilespmem:s15+$0xFFFFFFE0] =	vst v0  }
0x372: {  	v0 =	vld [tilespmem:s14+$0xFFFFFFF0]  }
0x373: {  	v1 =	vld [tilespmem:s13+$0xFFFFFFF0];
	_ =	sdelay $0x3  }
0x374: {  	v0 =	vmul.f32 $6.999999880e-01, v0  }
0x375: {  	v1 =	vmul.f32 $3.000000120e-01, v1;
	_ =	sdelay $0x1  }
0x376: {  	v0 =	vadd.f32 v1, v0;
	_ =	sdelay $0x1  }
0x377: {  	[tilespmem:s15+$0xFFFFFFF0] =	vst v0  }
0x378: {  	v0 =	vld [tilespmem:s14+$0x0]  }
0x379: {  	v1 =	vld [tilespmem:s13+$0x0];
	_ =	sdelay $0x3  }
0x37a: {  	v0 =	vmul.f32 $6.999999880e-01, v0  }
0x37b: {  	v1 =	vmul.f32 $3.000000120e-01, v1;
	_ =	sdelay $0x1  }
0x37c: {  	v0 =	vadd.f32 v1, v0;
	_ =	sdelay $0x1  }
0x37d: {  	[tilespmem:s15+$0x0] =	vst v0  }
0x37e: {  	v0 =	vld [tilespmem:s14+$0x10]  }
0x37f: {  	v1 =	vld [tilespmem:s13+$0x10];
	_ =	sdelay $0x3  }
0x380: {  	v0 =	vmul.f32 $6.999999880e-01, v0  }
0x381: {  	v1 =	vmul.f32 $3.000000120e-01, v1;
	_ =	sdelay $0x1  }
0x382: {  	v0 =	vadd.f32 v1, v0;
	_ =	sdelay $0x1  }
0x383: {  	[tilespmem:s15+$0x10] =	vst v0  }
0x384: {  	v0 =	vld [tilespmem:s14+$0x20]  }
0x385: {  	v1 =	vld [tilespmem:s13+$0x20];
	_ =	sdelay $0x3  }
0x386: {  	v0 =	vmul.f32 $6.999999880e-01, v0  }
0x387: {  	v1 =	vmul.f32 $3.000000120e-01, v1;
	_ =	sdelay $0x1  }
0x388: {  	v0 =	vadd.f32 v1, v0;
	_ =	sdelay $0x1  }
0x389: {  	s18 =	sand.u32 $0x7FE0, s18;
	[tilespmem:s15+$0x20] =	vst v0  }
0x38a: {  	v0 =	vld [tilespmem:s18+$0x80]  }
0x38b: {  	v1 =	vld [tilespmem:s18+$0x4F00];
	_ =	sdelay $0x3  }
0x38c: {  	v0 =	vmul.f32 $6.999999880e-01, v0  }
0x38d: {  	v1 =	vmul.f32 $3.000000120e-01, v1  }
.Ltmp6:
0x38e: {  	(pc) =	sbr.rel @p0 .LBB2_14-.Ltmp6, $3  }
0x38f: {  	v0 =	vadd.f32 v1, v0;
	_ =	sdelay $0x1  }
0x390: {  	[tilespmem:s18+$0x9D80] =	vst v0  }
0x391: {  	v0 =	vld [tilespmem:s14+$0x40]  }
0x392: {  	v1 =	vld [tilespmem:s13+$0x40];
	_ =	sdelay $0x4  }
0x393: {  	v0 =	vmul.f32 $6.999999880e-01, v0;
	v1 =	vmul.f32 $3.000000120e-01, v1;
	_ =	sdelay $0x1  }
0x394: {  	v0 =	vadd.f32 v1, v0;
	_ =	sdelay $0x1  }
0x395: {  	s18 =	simm.s32 $0x0;
	[tilespmem:s16+$0x40] =	vst v0  }
0x396: {  	[hbm4b:s22+s18] =	stream.linear.scatter [tilespmem:s7], [sflag:$0x3], $0x4E20, $0x38;
	[tilespmem:$0x1D700] =	vst v63  }
0x397: {  	_ = 	snop  }
0x398: {  	[tilespmem:s18], [sflag:$0x1] =	stream.linear.gather [hbm4b:s28+s18], $0x4E20, $0x38;
	[tilespmem:$0x1D700] =	vst v63  }
0x399: {  	_ = 	snop  }
0x39a: {  	[tilespmem:s3], [sflag:$0x1] =	stream.linear.gather [hbm4b:s30+s18], $0x4E20, $0x38;
	[tilespmem:$0x1D700] =	vst v63  }
0x39b: {  	_ =	swait.ge [sflag:s8], $0x4E20  }
0x39c: {  	[sflag:s8] =	ssyncset.done $0x0  }
0x39d: {  	[sflag:s8] =	ssyncadd.s32 $0xFFFFB1E0  }
0x39e: {  	_ =	swait.ge [sflag:s8], $0x4E20  }
0x39f: {  	[sflag:s8] =	ssyncset.done $0x0  }
0x3a0: {  	[sflag:s8] =	ssyncadd.s32 $0xFFFFB1E0  }
0x3a1: {  	_ =	swait.ge [sflag:s11], $0x4E20  }
0x3a2: {  	[sflag:s11] =	ssyncset.done $0x0  }
0x3a3: {  	s14 =	simm.s32 $0xEBD0;
	[sflag:s11] =	ssyncadd.s32 $0xFFFFB1E0  }
0x3a4: {  	s13 =	simm.s32 $0x13A50;
	v0 =	vld [tilespmem:s14+$0xFFFFFFB0]  }
0x3a5: {  	v1 =	vld [tilespmem:s13+$0xFFFFFFB0];
	_ =	sdelay $0x4  }
0x3a6: {  	v0 =	vmul.f32 $6.999999880e-01, v0;
	v1 =	vmul.f32 $3.000000120e-01, v1;
	_ =	sdelay $0x1  }
0x3a7: {  	v0 =	vadd.f32 v1, v0  }
0x3a8: {  	s15 =	simm.s32 $0x188D0  }
0x3a9: {  	[tilespmem:s15+$0xFFFFFFB0] =	vst v0  }
0x3aa: {  	v0 =	vld [tilespmem:s14+$0xFFFFFFC0]  }
0x3ab: {  	v1 =	vld [tilespmem:s13+$0xFFFFFFC0];
	_ =	sdelay $0x4  }
0x3ac: {  	v0 =	vmul.f32 $6.999999880e-01, v0;
	v1 =	vmul.f32 $3.000000120e-01, v1;
	_ =	sdelay $0x1  }
0x3ad: {  	v0 =	vadd.f32 v1, v0;
	_ =	sdelay $0x1  }
0x3ae: {  	[tilespmem:s15+$0xFFFFFFC0] =	vst v0  }
0x3af: {  	v0 =	vld [tilespmem:s14+$0xFFFFFFD0]  }
0x3b0: {  	v1 =	vld [tilespmem:s13+$0xFFFFFFD0];
	_ =	sdelay $0x4  }
0x3b1: {  	v0 =	vmul.f32 $6.999999880e-01, v0;
	v1 =	vmul.f32 $3.000000120e-01, v1;
	_ =	sdelay $0x1  }
0x3b2: {  	v0 =	vadd.f32 v1, v0;
	_ =	sdelay $0x1  }
0x3b3: {  	[tilespmem:s15+$0xFFFFFFD0] =	vst v0  }
0x3b4: {  	v0 =	vld [tilespmem:s14+$0xFFFFFFE0]  }
0x3b5: {  	v1 =	vld [tilespmem:s13+$0xFFFFFFE0];
	_ =	sdelay $0x4  }
0x3b6: {  	v0 =	vmul.f32 $6.999999880e-01, v0;
	v1 =	vmul.f32 $3.000000120e-01, v1;
	_ =	sdelay $0x1  }
0x3b7: {  	v0 =	vadd.f32 v1, v0;
	_ =	sdelay $0x1  }
0x3b8: {  	[tilespmem:s15+$0xFFFFFFE0] =	vst v0  }
0x3b9: {  	v0 =	vld [tilespmem:s14+$0xFFFFFFF0]  }
0x3ba: {  	v1 =	vld [tilespmem:s13+$0xFFFFFFF0];
	_ =	sdelay $0x4  }
0x3bb: {  	v0 =	vmul.f32 $6.999999880e-01, v0;
	v1 =	vmul.f32 $3.000000120e-01, v1;
	_ =	sdelay $0x1  }
0x3bc: {  	v0 =	vadd.f32 v1, v0;
	_ =	sdelay $0x1  }
0x3bd: {  	[tilespmem:s15+$0xFFFFFFF0] =	vst v0  }
0x3be: {  	v0 =	vld [tilespmem:s14+$0x0]  }
0x3bf: {  	v1 =	vld [tilespmem:s13+$0x0];
	_ =	sdelay $0x4  }
0x3c0: {  	v0 =	vmul.f32 $6.999999880e-01, v0;
	v1 =	vmul.f32 $3.000000120e-01, v1;
	_ =	sdelay $0x1  }
0x3c1: {  	v0 =	vadd.f32 v1, v0;
	_ =	sdelay $0x1  }
0x3c2: {  	[tilespmem:s15+$0x0] =	vst v0  }
0x3c3: {  	v0 =	vld [tilespmem:s14+$0x10]  }
0x3c4: {  	v1 =	vld [tilespmem:s13+$0x10];
	_ =	sdelay $0x4  }
0x3c5: {  	v0 =	vmul.f32 $6.999999880e-01, v0;
	v1 =	vmul.f32 $3.000000120e-01, v1;
	_ =	sdelay $0x1  }
0x3c6: {  	v0 =	vadd.f32 v1, v0;
	_ =	sdelay $0x1  }
0x3c7: {  	[tilespmem:s15+$0x10] =	vst v0  }
0x3c8: {  	v0 =	vld [tilespmem:s14+$0x20]  }
0x3c9: {  	v1 =	vld [tilespmem:s13+$0x20];
	_ =	sdelay $0x4  }
0x3ca: {  	v0 =	vmul.f32 $6.999999880e-01, v0;
	v1 =	vmul.f32 $3.000000120e-01, v1;
	_ =	sdelay $0x1  }
0x3cb: {  	v0 =	vadd.f32 v1, v0;
	_ =	sdelay $0x1  }
0x3cc: {  	s16 =	sand.u32 $0x7FE0, s18;
	[tilespmem:s15+$0x20] =	vst v0  }
0x3cd: {  	v0 =	vld [tilespmem:s16+$0xEC00]  }
0x3ce: {  	v1 =	vld [tilespmem:s16+$0x13A80];
	_ =	sdelay $0x4  }
0x3cf: {  	v0 =	vmul.f32 $6.999999880e-01, v0;
	v1 =	vmul.f32 $3.000000120e-01, v1;
	_ =	sdelay $0x1  }
0x3d0: {  	v0 =	vadd.f32 v1, v0;
	_ =	sdelay $0x1  }
0x3d1: {  	[tilespmem:s16+$0x18900] =	vst v0  }
0x3d2: {  	s17 =	simm.s32 $0xA0;
	s16 =	simm.s32 $0x188D0;
	v0 =	vld [tilespmem:s14+$0x40]  }
.LBB2_16:
0x3d3: {  	v1 =	vld [tilespmem:s13+$0x40];
	s15 =	sadd.s32 $0xA0, s15;
	s13 =	sadd.s32 $0xA0, s13;
	s14 =	sadd.s32 $0xA0, s14  }
0x3d4: {  	p0 =	sne.s32 s17, $0x4D80;
	s18 =	smov.u32 s17;
	s17 =	sadd.s32 $0xA0, s17  }
0x3d5: {  	_ =	sdelay $0x1  }
0x3d6: {  	v0 =	vmul.f32 $6.999999880e-01, v0  }
0x3d7: {  	v1 =	vmul.f32 $3.000000120e-01, v1;
	_ =	sdelay $0x1  }
0x3d8: {  	v0 =	vadd.f32 v1, v0;
	_ =	sdelay $0x1  }
0x3d9: {  	[tilespmem:s16+$0x40] =	vst v0;
	s16 =	smov.u32 s15  }
0x3da: {  	v0 =	vld [tilespmem:s14+$0xFFFFFFB0]  }
0x3db: {  	v1 =	vld [tilespmem:s13+$0xFFFFFFB0];
	_ =	sdelay $0x4  }
0x3dc: {  	v0 =	vmul.f32 $6.999999880e-01, v0;
	v1 =	vmul.f32 $3.000000120e-01, v1;
	_ =	sdelay $0x1  }
0x3dd: {  	v0 =	vadd.f32 v1, v0;
	_ =	sdelay $0x1  }
0x3de: {  	[tilespmem:s15+$0xFFFFFFB0] =	vst v0  }
0x3df: {  	v0 =	vld [tilespmem:s14+$0xFFFFFFC0]  }
0x3e0: {  	v1 =	vld [tilespmem:s13+$0xFFFFFFC0];
	_ =	sdelay $0x3  }
0x3e1: {  	v0 =	vmul.f32 $6.999999880e-01, v0  }
0x3e2: {  	v1 =	vmul.f32 $3.000000120e-01, v1;
	_ =	sdelay $0x1  }
0x3e3: {  	v0 =	vadd.f32 v1, v0;
	_ =	sdelay $0x1  }
0x3e4: {  	[tilespmem:s15+$0xFFFFFFC0] =	vst v0  }
0x3e5: {  	v0 =	vld [tilespmem:s14+$0xFFFFFFD0]  }
0x3e6: {  	v1 =	vld [tilespmem:s13+$0xFFFFFFD0];
	_ =	sdelay $0x3  }
0x3e7: {  	v0 =	vmul.f32 $6.999999880e-01, v0  }
0x3e8: {  	v1 =	vmul.f32 $3.000000120e-01, v1;
	_ =	sdelay $0x1  }
0x3e9: {  	v0 =	vadd.f32 v1, v0;
	_ =	sdelay $0x1  }
0x3ea: {  	[tilespmem:s15+$0xFFFFFFD0] =	vst v0  }
0x3eb: {  	v0 =	vld [tilespmem:s14+$0xFFFFFFE0]  }
0x3ec: {  	v1 =	vld [tilespmem:s13+$0xFFFFFFE0];
	_ =	sdelay $0x3  }
0x3ed: {  	v0 =	vmul.f32 $6.999999880e-01, v0  }
0x3ee: {  	v1 =	vmul.f32 $3.000000120e-01, v1;
	_ =	sdelay $0x1  }
0x3ef: {  	v0 =	vadd.f32 v1, v0;
	_ =	sdelay $0x1  }
0x3f0: {  	[tilespmem:s15+$0xFFFFFFE0] =	vst v0  }
0x3f1: {  	v0 =	vld [tilespmem:s14+$0xFFFFFFF0]  }
0x3f2: {  	v1 =	vld [tilespmem:s13+$0xFFFFFFF0];
	_ =	sdelay $0x3  }
0x3f3: {  	v0 =	vmul.f32 $6.999999880e-01, v0  }
0x3f4: {  	v1 =	vmul.f32 $3.000000120e-01, v1;
	_ =	sdelay $0x1  }
0x3f5: {  	v0 =	vadd.f32 v1, v0;
	_ =	sdelay $0x1  }
0x3f6: {  	[tilespmem:s15+$0xFFFFFFF0] =	vst v0  }
0x3f7: {  	v0 =	vld [tilespmem:s14+$0x0]  }
0x3f8: {  	v1 =	vld [tilespmem:s13+$0x0];
	_ =	sdelay $0x3  }
0x3f9: {  	v0 =	vmul.f32 $6.999999880e-01, v0  }
0x3fa: {  	v1 =	vmul.f32 $3.000000120e-01, v1;
	_ =	sdelay $0x1  }
0x3fb: {  	v0 =	vadd.f32 v1, v0;
	_ =	sdelay $0x1  }
0x3fc: {  	[tilespmem:s15+$0x0] =	vst v0  }
0x3fd: {  	v0 =	vld [tilespmem:s14+$0x10]  }
0x3fe: {  	v1 =	vld [tilespmem:s13+$0x10];
	_ =	sdelay $0x3  }
0x3ff: {  	v0 =	vmul.f32 $6.999999880e-01, v0  }
0x400: {  	v1 =	vmul.f32 $3.000000120e-01, v1;
	_ =	sdelay $0x1  }
0x401: {  	v0 =	vadd.f32 v1, v0;
	_ =	sdelay $0x1  }
0x402: {  	[tilespmem:s15+$0x10] =	vst v0  }
0x403: {  	v0 =	vld [tilespmem:s14+$0x20]  }
0x404: {  	v1 =	vld [tilespmem:s13+$0x20];
	_ =	sdelay $0x3  }
0x405: {  	v0 =	vmul.f32 $6.999999880e-01, v0  }
0x406: {  	v1 =	vmul.f32 $3.000000120e-01, v1;
	_ =	sdelay $0x1  }
0x407: {  	v0 =	vadd.f32 v1, v0;
	_ =	sdelay $0x1  }
0x408: {  	s18 =	sand.u32 $0x7FE0, s18;
	[tilespmem:s15+$0x20] =	vst v0  }
0x409: {  	v0 =	vld [tilespmem:s18+$0xEC00]  }
0x40a: {  	v1 =	vld [tilespmem:s18+$0x13A80];
	_ =	sdelay $0x3  }
0x40b: {  	v0 =	vmul.f32 $6.999999880e-01, v0  }
0x40c: {  	v1 =	vmul.f32 $3.000000120e-01, v1  }
.Ltmp7:
0x40d: {  	(pc) =	sbr.rel @p0 .LBB2_16-.Ltmp7, $3  }
0x40e: {  	v0 =	vadd.f32 v1, v0;
	_ =	sdelay $0x1  }
0x40f: {  	[tilespmem:s18+$0x18900] =	vst v0  }
0x410: {  	v0 =	vld [tilespmem:s14+$0x40]  }
0x411: {  	v1 =	vld [tilespmem:s13+$0x40];
	_ =	sdelay $0x4  }
0x412: {  	v0 =	vmul.f32 $6.999999880e-01, v0;
	v1 =	vmul.f32 $3.000000120e-01, v1;
	_ =	sdelay $0x1  }
0x413: {  	v0 =	vadd.f32 v1, v0;
	_ =	sdelay $0x1  }
0x414: {  	s18 =	simm.s32 $0x0;
	[tilespmem:s16+$0x40] =	vst v0  }
0x415: {  	[hbm4b:s25+s18] =	stream.linear.scatter [tilespmem:s9], [sflag:$0x4], $0x4E20, $0x38;
	[tilespmem:$0x1D700] =	vst v63  }
0x416: {  	_ = 	snop  }
0x417: {  	[tilespmem:s4], [sflag:$0x2] =	stream.linear.gather [hbm4b:s29+s18], $0x4E20, $0x38;
	[tilespmem:$0x1D700] =	vst v63  }
0x418: {  	_ = 	snop  }
0x419: {  	[tilespmem:s5], [sflag:$0x2] =	stream.linear.gather [hbm4b:s31+s18], $0x4E20, $0x38;
	[tilespmem:$0x1D700] =	vst v63  }
0x41a: {  	_ =	swait.ge [sflag:s6], $0x4E20  }
0x41b: {  	[sflag:s6] =	ssyncset.done $0x0  }
0x41c: {  	[sflag:s6] =	ssyncadd.s32 $0xFFFFB1E0  }
0x41d: {  	_ =	swait.ge [sflag:s6], $0x4E20  }
0x41e: {  	[sflag:s6] =	ssyncset.done $0x0  }
0x41f: {  	[sflag:s6] =	ssyncadd.s32 $0xFFFFB1E0  }
0x420: {  	_ =	swait.ge [sflag:s10], $0x4E20  }
0x421: {  	[sflag:s10] =	ssyncset.done $0x0  }
0x422: {  	s14 =	simm.s32 $0x50;
	[sflag:s10] =	ssyncadd.s32 $0xFFFFB1E0  }
0x423: {  	s13 =	simm.s32 $0x4ED0;
	v0 =	vld [tilespmem:s14+$0xFFFFFFB0]  }
0x424: {  	v1 =	vld [tilespmem:s13+$0xFFFFFFB0];
	_ =	sdelay $0x4  }
0x425: {  	v0 =	vmul.f32 $6.999999880e-01, v0;
	v1 =	vmul.f32 $3.000000120e-01, v1;
	_ =	sdelay $0x1  }
0x426: {  	v0 =	vadd.f32 v1, v0  }
0x427: {  	s15 =	simm.s32 $0x9D50  }
0x428: {  	[tilespmem:s15+$0xFFFFFFB0] =	vst v0  }
0x429: {  	v0 =	vld [tilespmem:s14+$0xFFFFFFC0]  }
0x42a: {  	v1 =	vld [tilespmem:s13+$0xFFFFFFC0];
	_ =	sdelay $0x4  }
0x42b: {  	v0 =	vmul.f32 $6.999999880e-01, v0;
	v1 =	vmul.f32 $3.000000120e-01, v1;
	_ =	sdelay $0x1  }
0x42c: {  	v0 =	vadd.f32 v1, v0;
	_ =	sdelay $0x1  }
0x42d: {  	[tilespmem:s15+$0xFFFFFFC0] =	vst v0  }
0x42e: {  	v0 =	vld [tilespmem:s14+$0xFFFFFFD0]  }
0x42f: {  	v1 =	vld [tilespmem:s13+$0xFFFFFFD0];
	_ =	sdelay $0x4  }
0x430: {  	v0 =	vmul.f32 $6.999999880e-01, v0;
	v1 =	vmul.f32 $3.000000120e-01, v1;
	_ =	sdelay $0x1  }
0x431: {  	v0 =	vadd.f32 v1, v0;
	_ =	sdelay $0x1  }
0x432: {  	[tilespmem:s15+$0xFFFFFFD0] =	vst v0  }
0x433: {  	v0 =	vld [tilespmem:s14+$0xFFFFFFE0]  }
0x434: {  	v1 =	vld [tilespmem:s13+$0xFFFFFFE0];
	_ =	sdelay $0x4  }
0x435: {  	v0 =	vmul.f32 $6.999999880e-01, v0;
	v1 =	vmul.f32 $3.000000120e-01, v1;
	_ =	sdelay $0x1  }
0x436: {  	v0 =	vadd.f32 v1, v0;
	_ =	sdelay $0x1  }
0x437: {  	[tilespmem:s15+$0xFFFFFFE0] =	vst v0  }
0x438: {  	v0 =	vld [tilespmem:s14+$0xFFFFFFF0]  }
0x439: {  	v1 =	vld [tilespmem:s13+$0xFFFFFFF0];
	_ =	sdelay $0x4  }
0x43a: {  	v0 =	vmul.f32 $6.999999880e-01, v0;
	v1 =	vmul.f32 $3.000000120e-01, v1;
	_ =	sdelay $0x1  }
0x43b: {  	v0 =	vadd.f32 v1, v0;
	_ =	sdelay $0x1  }
0x43c: {  	[tilespmem:s15+$0xFFFFFFF0] =	vst v0  }
0x43d: {  	v0 =	vld [tilespmem:s14+$0x0]  }
0x43e: {  	v1 =	vld [tilespmem:s13+$0x0];
	_ =	sdelay $0x4  }
0x43f: {  	v0 =	vmul.f32 $6.999999880e-01, v0;
	v1 =	vmul.f32 $3.000000120e-01, v1;
	_ =	sdelay $0x1  }
0x440: {  	v0 =	vadd.f32 v1, v0;
	_ =	sdelay $0x1  }
0x441: {  	[tilespmem:s15+$0x0] =	vst v0  }
0x442: {  	v0 =	vld [tilespmem:s14+$0x10]  }
0x443: {  	v1 =	vld [tilespmem:s13+$0x10];
	_ =	sdelay $0x4  }
0x444: {  	v0 =	vmul.f32 $6.999999880e-01, v0;
	v1 =	vmul.f32 $3.000000120e-01, v1;
	_ =	sdelay $0x1  }
0x445: {  	v0 =	vadd.f32 v1, v0;
	_ =	sdelay $0x1  }
0x446: {  	[tilespmem:s15+$0x10] =	vst v0  }
0x447: {  	v0 =	vld [tilespmem:s14+$0x20]  }
0x448: {  	v1 =	vld [tilespmem:s13+$0x20];
	_ =	sdelay $0x4  }
0x449: {  	v0 =	vmul.f32 $6.999999880e-01, v0;
	v1 =	vmul.f32 $3.000000120e-01, v1;
	_ =	sdelay $0x1  }
0x44a: {  	v0 =	vadd.f32 v1, v0;
	_ =	sdelay $0x1  }
0x44b: {  	s16 =	sand.u32 $0x7FE0, s18;
	[tilespmem:s15+$0x20] =	vst v0  }
0x44c: {  	v0 =	vld [tilespmem:s16+$0x80]  }
0x44d: {  	v1 =	vld [tilespmem:s16+$0x4F00];
	_ =	sdelay $0x4  }
0x44e: {  	v0 =	vmul.f32 $6.999999880e-01, v0;
	v1 =	vmul.f32 $3.000000120e-01, v1;
	_ =	sdelay $0x1  }
0x44f: {  	v0 =	vadd.f32 v1, v0;
	_ =	sdelay $0x1  }
0x450: {  	[tilespmem:s16+$0x9D80] =	vst v0  }
0x451: {  	s17 =	simm.s32 $0xA0;
	s16 =	simm.s32 $0x9D50;
	v0 =	vld [tilespmem:s14+$0x40]  }
.LBB2_18:
0x452: {  	v1 =	vld [tilespmem:s13+$0x40];
	s15 =	sadd.s32 $0xA0, s15;
	s13 =	sadd.s32 $0xA0, s13;
	s14 =	sadd.s32 $0xA0, s14  }
0x453: {  	p0 =	sne.s32 s17, $0x4D80;
	s18 =	smov.u32 s17;
	s17 =	sadd.s32 $0xA0, s17  }
0x454: {  	_ =	sdelay $0x1  }
0x455: {  	v0 =	vmul.f32 $6.999999880e-01, v0  }
0x456: {  	v1 =	vmul.f32 $3.000000120e-01, v1;
	_ =	sdelay $0x1  }
0x457: {  	v0 =	vadd.f32 v1, v0;
	_ =	sdelay $0x1  }
0x458: {  	[tilespmem:s16+$0x40] =	vst v0;
	s16 =	smov.u32 s15  }
0x459: {  	v0 =	vld [tilespmem:s14+$0xFFFFFFB0]  }
0x45a: {  	v1 =	vld [tilespmem:s13+$0xFFFFFFB0];
	_ =	sdelay $0x4  }
0x45b: {  	v0 =	vmul.f32 $6.999999880e-01, v0;
	v1 =	vmul.f32 $3.000000120e-01, v1;
	_ =	sdelay $0x1  }
0x45c: {  	v0 =	vadd.f32 v1, v0;
	_ =	sdelay $0x1  }
0x45d: {  	[tilespmem:s15+$0xFFFFFFB0] =	vst v0  }
0x45e: {  	v0 =	vld [tilespmem:s14+$0xFFFFFFC0]  }
0x45f: {  	v1 =	vld [tilespmem:s13+$0xFFFFFFC0];
	_ =	sdelay $0x3  }
0x460: {  	v0 =	vmul.f32 $6.999999880e-01, v0  }
0x461: {  	v1 =	vmul.f32 $3.000000120e-01, v1;
	_ =	sdelay $0x1  }
0x462: {  	v0 =	vadd.f32 v1, v0;
	_ =	sdelay $0x1  }
0x463: {  	[tilespmem:s15+$0xFFFFFFC0] =	vst v0  }
0x464: {  	v0 =	vld [tilespmem:s14+$0xFFFFFFD0]  }
0x465: {  	v1 =	vld [tilespmem:s13+$0xFFFFFFD0];
	_ =	sdelay $0x3  }
0x466: {  	v0 =	vmul.f32 $6.999999880e-01, v0  }
0x467: {  	v1 =	vmul.f32 $3.000000120e-01, v1;
	_ =	sdelay $0x1  }
0x468: {  	v0 =	vadd.f32 v1, v0;
	_ =	sdelay $0x1  }
0x469: {  	[tilespmem:s15+$0xFFFFFFD0] =	vst v0  }
0x46a: {  	v0 =	vld [tilespmem:s14+$0xFFFFFFE0]  }
0x46b: {  	v1 =	vld [tilespmem:s13+$0xFFFFFFE0];
	_ =	sdelay $0x3  }
0x46c: {  	v0 =	vmul.f32 $6.999999880e-01, v0  }
0x46d: {  	v1 =	vmul.f32 $3.000000120e-01, v1;
	_ =	sdelay $0x1  }
0x46e: {  	v0 =	vadd.f32 v1, v0;
	_ =	sdelay $0x1  }
0x46f: {  	[tilespmem:s15+$0xFFFFFFE0] =	vst v0  }
0x470: {  	v0 =	vld [tilespmem:s14+$0xFFFFFFF0]  }
0x471: {  	v1 =	vld [tilespmem:s13+$0xFFFFFFF0];
	_ =	sdelay $0x3  }
0x472: {  	v0 =	vmul.f32 $6.999999880e-01, v0  }
0x473: {  	v1 =	vmul.f32 $3.000000120e-01, v1;
	_ =	sdelay $0x1  }
0x474: {  	v0 =	vadd.f32 v1, v0;
	_ =	sdelay $0x1  }
0x475: {  	[tilespmem:s15+$0xFFFFFFF0] =	vst v0  }
0x476: {  	v0 =	vld [tilespmem:s14+$0x0]  }
0x477: {  	v1 =	vld [tilespmem:s13+$0x0];
	_ =	sdelay $0x3  }
0x478: {  	v0 =	vmul.f32 $6.999999880e-01, v0  }
0x479: {  	v1 =	vmul.f32 $3.000000120e-01, v1;
	_ =	sdelay $0x1  }
0x47a: {  	v0 =	vadd.f32 v1, v0;
	_ =	sdelay $0x1  }
0x47b: {  	[tilespmem:s15+$0x0] =	vst v0  }
0x47c: {  	v0 =	vld [tilespmem:s14+$0x10]  }
0x47d: {  	v1 =	vld [tilespmem:s13+$0x10];
	_ =	sdelay $0x3  }
0x47e: {  	v0 =	vmul.f32 $6.999999880e-01, v0  }
0x47f: {  	v1 =	vmul.f32 $3.000000120e-01, v1;
	_ =	sdelay $0x1  }
0x480: {  	v0 =	vadd.f32 v1, v0;
	_ =	sdelay $0x1  }
0x481: {  	[tilespmem:s15+$0x10] =	vst v0  }
0x482: {  	v0 =	vld [tilespmem:s14+$0x20]  }
0x483: {  	v1 =	vld [tilespmem:s13+$0x20];
	_ =	sdelay $0x3  }
0x484: {  	v0 =	vmul.f32 $6.999999880e-01, v0  }
0x485: {  	v1 =	vmul.f32 $3.000000120e-01, v1;
	_ =	sdelay $0x1  }
0x486: {  	v0 =	vadd.f32 v1, v0;
	_ =	sdelay $0x1  }
0x487: {  	s18 =	sand.u32 $0x7FE0, s18;
	[tilespmem:s15+$0x20] =	vst v0  }
0x488: {  	v0 =	vld [tilespmem:s18+$0x80]  }
0x489: {  	v1 =	vld [tilespmem:s18+$0x4F00];
	_ =	sdelay $0x3  }
0x48a: {  	v0 =	vmul.f32 $6.999999880e-01, v0  }
0x48b: {  	v1 =	vmul.f32 $3.000000120e-01, v1  }
.Ltmp8:
0x48c: {  	(pc) =	sbr.rel @p0 .LBB2_18-.Ltmp8, $3  }
0x48d: {  	v0 =	vadd.f32 v1, v0;
	_ =	sdelay $0x1  }
0x48e: {  	[tilespmem:s18+$0x9D80] =	vst v0  }
0x48f: {  	v0 =	vld [tilespmem:s14+$0x40]  }
0x490: {  	v1 =	vld [tilespmem:s13+$0x40];
	_ =	sdelay $0x4  }
0x491: {  	v0 =	vmul.f32 $6.999999880e-01, v0;
	v1 =	vmul.f32 $3.000000120e-01, v1;
	_ =	sdelay $0x1  }
0x492: {  	v0 =	vadd.f32 v1, v0;
	_ =	sdelay $0x1  }
0x493: {  	s18 =	simm.s32 $0x0;
	[tilespmem:s16+$0x40] =	vst v0  }
0x494: {  	[hbm4b:s26+s18] =	stream.linear.scatter [tilespmem:s7], [sflag:$0x3], $0x4E20, $0x38;
	[tilespmem:$0x1D700] =	vst v63  }
0x495: {  	_ =	swait.ge [sflag:s8], $0x4E20  }
0x496: {  	[sflag:s8] =	ssyncset.done $0x0  }
0x497: {  	[sflag:s8] =	ssyncadd.s32 $0xFFFFB1E0  }
0x498: {  	_ =	swait.ge [sflag:s8], $0x4E20  }
0x499: {  	[sflag:s8] =	ssyncset.done $0x0  }
0x49a: {  	[sflag:s8] =	ssyncadd.s32 $0xFFFFB1E0  }
0x49b: {  	_ =	swait.ge [sflag:s11], $0x4E20  }
0x49c: {  	[sflag:s11] =	ssyncset.done $0x0  }
0x49d: {  	s14 =	simm.s32 $0xEBD0;
	[sflag:s11] =	ssyncadd.s32 $0xFFFFB1E0  }
0x49e: {  	s13 =	simm.s32 $0x13A50;
	v0 =	vld [tilespmem:s14+$0xFFFFFFB0]  }
0x49f: {  	v1 =	vld [tilespmem:s13+$0xFFFFFFB0];
	_ =	sdelay $0x4  }
0x4a0: {  	v0 =	vmul.f32 $6.999999880e-01, v0;
	v1 =	vmul.f32 $3.000000120e-01, v1;
	_ =	sdelay $0x1  }
0x4a1: {  	v0 =	vadd.f32 v1, v0  }
0x4a2: {  	s15 =	simm.s32 $0x188D0  }
0x4a3: {  	[tilespmem:s15+$0xFFFFFFB0] =	vst v0  }
0x4a4: {  	v0 =	vld [tilespmem:s14+$0xFFFFFFC0]  }
0x4a5: {  	v1 =	vld [tilespmem:s13+$0xFFFFFFC0];
	_ =	sdelay $0x4  }
0x4a6: {  	v0 =	vmul.f32 $6.999999880e-01, v0;
	v1 =	vmul.f32 $3.000000120e-01, v1;
	_ =	sdelay $0x1  }
0x4a7: {  	v0 =	vadd.f32 v1, v0;
	_ =	sdelay $0x1  }
0x4a8: {  	[tilespmem:s15+$0xFFFFFFC0] =	vst v0  }
0x4a9: {  	v0 =	vld [tilespmem:s14+$0xFFFFFFD0]  }
0x4aa: {  	v1 =	vld [tilespmem:s13+$0xFFFFFFD0];
	_ =	sdelay $0x4  }
0x4ab: {  	v0 =	vmul.f32 $6.999999880e-01, v0;
	v1 =	vmul.f32 $3.000000120e-01, v1;
	_ =	sdelay $0x1  }
0x4ac: {  	v0 =	vadd.f32 v1, v0;
	_ =	sdelay $0x1  }
0x4ad: {  	[tilespmem:s15+$0xFFFFFFD0] =	vst v0  }
0x4ae: {  	v0 =	vld [tilespmem:s14+$0xFFFFFFE0]  }
0x4af: {  	v1 =	vld [tilespmem:s13+$0xFFFFFFE0];
	_ =	sdelay $0x4  }
0x4b0: {  	v0 =	vmul.f32 $6.999999880e-01, v0;
	v1 =	vmul.f32 $3.000000120e-01, v1;
	_ =	sdelay $0x1  }
0x4b1: {  	v0 =	vadd.f32 v1, v0;
	_ =	sdelay $0x1  }
0x4b2: {  	[tilespmem:s15+$0xFFFFFFE0] =	vst v0  }
0x4b3: {  	v0 =	vld [tilespmem:s14+$0xFFFFFFF0]  }
0x4b4: {  	v1 =	vld [tilespmem:s13+$0xFFFFFFF0];
	_ =	sdelay $0x4  }
0x4b5: {  	v0 =	vmul.f32 $6.999999880e-01, v0;
	v1 =	vmul.f32 $3.000000120e-01, v1;
	_ =	sdelay $0x1  }
0x4b6: {  	v0 =	vadd.f32 v1, v0;
	_ =	sdelay $0x1  }
0x4b7: {  	[tilespmem:s15+$0xFFFFFFF0] =	vst v0  }
0x4b8: {  	v0 =	vld [tilespmem:s14+$0x0]  }
0x4b9: {  	v1 =	vld [tilespmem:s13+$0x0];
	_ =	sdelay $0x4  }
0x4ba: {  	v0 =	vmul.f32 $6.999999880e-01, v0;
	v1 =	vmul.f32 $3.000000120e-01, v1;
	_ =	sdelay $0x1  }
0x4bb: {  	v0 =	vadd.f32 v1, v0;
	_ =	sdelay $0x1  }
0x4bc: {  	[tilespmem:s15+$0x0] =	vst v0  }
0x4bd: {  	v0 =	vld [tilespmem:s14+$0x10]  }
0x4be: {  	v1 =	vld [tilespmem:s13+$0x10];
	_ =	sdelay $0x4  }
0x4bf: {  	v0 =	vmul.f32 $6.999999880e-01, v0;
	v1 =	vmul.f32 $3.000000120e-01, v1;
	_ =	sdelay $0x1  }
0x4c0: {  	v0 =	vadd.f32 v1, v0;
	_ =	sdelay $0x1  }
0x4c1: {  	[tilespmem:s15+$0x10] =	vst v0  }
0x4c2: {  	v0 =	vld [tilespmem:s14+$0x20]  }
0x4c3: {  	v1 =	vld [tilespmem:s13+$0x20];
	_ =	sdelay $0x4  }
0x4c4: {  	v0 =	vmul.f32 $6.999999880e-01, v0;
	v1 =	vmul.f32 $3.000000120e-01, v1;
	_ =	sdelay $0x1  }
0x4c5: {  	v0 =	vadd.f32 v1, v0;
	_ =	sdelay $0x1  }
0x4c6: {  	s16 =	sand.u32 $0x7FE0, s18;
	[tilespmem:s15+$0x20] =	vst v0  }
0x4c7: {  	v0 =	vld [tilespmem:s16+$0xEC00]  }
0x4c8: {  	v1 =	vld [tilespmem:s16+$0x13A80];
	_ =	sdelay $0x4  }
0x4c9: {  	v0 =	vmul.f32 $6.999999880e-01, v0;
	v1 =	vmul.f32 $3.000000120e-01, v1;
	_ =	sdelay $0x1  }
0x4ca: {  	v0 =	vadd.f32 v1, v0;
	_ =	sdelay $0x1  }
0x4cb: {  	[tilespmem:s16+$0x18900] =	vst v0  }
0x4cc: {  	s17 =	simm.s32 $0xA0;
	s16 =	simm.s32 $0x188D0;
	v0 =	vld [tilespmem:s14+$0x40]  }
.LBB2_20:
0x4cd: {  	v1 =	vld [tilespmem:s13+$0x40];
	s15 =	sadd.s32 $0xA0, s15;
	s13 =	sadd.s32 $0xA0, s13;
	s14 =	sadd.s32 $0xA0, s14  }
0x4ce: {  	p0 =	sne.s32 s17, $0x4D80;
	s18 =	smov.u32 s17;
	s17 =	sadd.s32 $0xA0, s17  }
0x4cf: {  	_ =	sdelay $0x1  }
0x4d0: {  	v0 =	vmul.f32 $6.999999880e-01, v0  }
0x4d1: {  	v1 =	vmul.f32 $3.000000120e-01, v1;
	_ =	sdelay $0x1  }
0x4d2: {  	v0 =	vadd.f32 v1, v0;
	_ =	sdelay $0x1  }
0x4d3: {  	[tilespmem:s16+$0x40] =	vst v0;
	s16 =	smov.u32 s15  }
0x4d4: {  	v0 =	vld [tilespmem:s14+$0xFFFFFFB0]  }
0x4d5: {  	v1 =	vld [tilespmem:s13+$0xFFFFFFB0];
	_ =	sdelay $0x4  }
0x4d6: {  	v0 =	vmul.f32 $6.999999880e-01, v0;
	v1 =	vmul.f32 $3.000000120e-01, v1;
	_ =	sdelay $0x1  }
0x4d7: {  	v0 =	vadd.f32 v1, v0;
	_ =	sdelay $0x1  }
0x4d8: {  	[tilespmem:s15+$0xFFFFFFB0] =	vst v0  }
0x4d9: {  	v0 =	vld [tilespmem:s14+$0xFFFFFFC0]  }
0x4da: {  	v1 =	vld [tilespmem:s13+$0xFFFFFFC0];
	_ =	sdelay $0x3  }
0x4db: {  	v0 =	vmul.f32 $6.999999880e-01, v0  }
0x4dc: {  	v1 =	vmul.f32 $3.000000120e-01, v1;
	_ =	sdelay $0x1  }
0x4dd: {  	v0 =	vadd.f32 v1, v0;
	_ =	sdelay $0x1  }
0x4de: {  	[tilespmem:s15+$0xFFFFFFC0] =	vst v0  }
0x4df: {  	v0 =	vld [tilespmem:s14+$0xFFFFFFD0]  }
0x4e0: {  	v1 =	vld [tilespmem:s13+$0xFFFFFFD0];
	_ =	sdelay $0x3  }
0x4e1: {  	v0 =	vmul.f32 $6.999999880e-01, v0  }
0x4e2: {  	v1 =	vmul.f32 $3.000000120e-01, v1;
	_ =	sdelay $0x1  }
0x4e3: {  	v0 =	vadd.f32 v1, v0;
	_ =	sdelay $0x1  }
0x4e4: {  	[tilespmem:s15+$0xFFFFFFD0] =	vst v0  }
0x4e5: {  	v0 =	vld [tilespmem:s14+$0xFFFFFFE0]  }
0x4e6: {  	v1 =	vld [tilespmem:s13+$0xFFFFFFE0];
	_ =	sdelay $0x3  }
0x4e7: {  	v0 =	vmul.f32 $6.999999880e-01, v0  }
0x4e8: {  	v1 =	vmul.f32 $3.000000120e-01, v1;
	_ =	sdelay $0x1  }
0x4e9: {  	v0 =	vadd.f32 v1, v0;
	_ =	sdelay $0x1  }
0x4ea: {  	[tilespmem:s15+$0xFFFFFFE0] =	vst v0  }
0x4eb: {  	v0 =	vld [tilespmem:s14+$0xFFFFFFF0]  }
0x4ec: {  	v1 =	vld [tilespmem:s13+$0xFFFFFFF0];
	_ =	sdelay $0x3  }
0x4ed: {  	v0 =	vmul.f32 $6.999999880e-01, v0  }
0x4ee: {  	v1 =	vmul.f32 $3.000000120e-01, v1;
	_ =	sdelay $0x1  }
0x4ef: {  	v0 =	vadd.f32 v1, v0;
	_ =	sdelay $0x1  }
0x4f0: {  	[tilespmem:s15+$0xFFFFFFF0] =	vst v0  }
0x4f1: {  	v0 =	vld [tilespmem:s14+$0x0]  }
0x4f2: {  	v1 =	vld [tilespmem:s13+$0x0];
	_ =	sdelay $0x3  }
0x4f3: {  	v0 =	vmul.f32 $6.999999880e-01, v0  }
0x4f4: {  	v1 =	vmul.f32 $3.000000120e-01, v1;
	_ =	sdelay $0x1  }
0x4f5: {  	v0 =	vadd.f32 v1, v0;
	_ =	sdelay $0x1  }
0x4f6: {  	[tilespmem:s15+$0x0] =	vst v0  }
0x4f7: {  	v0 =	vld [tilespmem:s14+$0x10]  }
0x4f8: {  	v1 =	vld [tilespmem:s13+$0x10];
	_ =	sdelay $0x3  }
0x4f9: {  	v0 =	vmul.f32 $6.999999880e-01, v0  }
0x4fa: {  	v1 =	vmul.f32 $3.000000120e-01, v1;
	_ =	sdelay $0x1  }
0x4fb: {  	v0 =	vadd.f32 v1, v0;
	_ =	sdelay $0x1  }
0x4fc: {  	[tilespmem:s15+$0x10] =	vst v0  }
0x4fd: {  	v0 =	vld [tilespmem:s14+$0x20]  }
0x4fe: {  	v1 =	vld [tilespmem:s13+$0x20];
	_ =	sdelay $0x3  }
0x4ff: {  	v0 =	vmul.f32 $6.999999880e-01, v0  }
0x500: {  	v1 =	vmul.f32 $3.000000120e-01, v1;
	_ =	sdelay $0x1  }
0x501: {  	v0 =	vadd.f32 v1, v0;
	_ =	sdelay $0x1  }
0x502: {  	s18 =	sand.u32 $0x7FE0, s18;
	[tilespmem:s15+$0x20] =	vst v0  }
0x503: {  	v0 =	vld [tilespmem:s18+$0xEC00]  }
0x504: {  	v1 =	vld [tilespmem:s18+$0x13A80];
	_ =	sdelay $0x3  }
0x505: {  	v0 =	vmul.f32 $6.999999880e-01, v0  }
0x506: {  	v1 =	vmul.f32 $3.000000120e-01, v1  }
.Ltmp9:
0x507: {  	(pc) =	sbr.rel @p0 .LBB2_20-.Ltmp9, $3  }
0x508: {  	v0 =	vadd.f32 v1, v0;
	_ =	sdelay $0x1  }
0x509: {  	[tilespmem:s18+$0x18900] =	vst v0  }
0x50a: {  	v0 =	vld [tilespmem:s14+$0x40]  }
0x50b: {  	v1 =	vld [tilespmem:s13+$0x40];
	_ =	sdelay $0x4  }
0x50c: {  	v0 =	vmul.f32 $6.999999880e-01, v0;
	v1 =	vmul.f32 $3.000000120e-01, v1;
	_ =	sdelay $0x1  }
0x50d: {  	v0 =	vadd.f32 v1, v0;
	_ =	sdelay $0x1  }
0x50e: {  	s12 =	sadd.s32 $0x1, s12;
	[tilespmem:s16+$0x40] =	vst v0  }
0x50f: {  	[hbm4b:s0+s1] =	stream.linear.scatter [tilespmem:s9], [sflag:$0x4], $0x4E20, $0x38;
	[tilespmem:$0x1D700] =	vst v63  }
0x510: {  	p0 =	sne.s32 s12, s2;
	_ =	swait.ge [sflag:s10], $0x4E20  }
.Ltmp10:
0x511: {  	[sflag:s10] =	ssyncset.done $0x0;
	(pc) =	sbr.rel @p0 .LBB2_1-.Ltmp10, $4  }
0x512: {  	[sflag:s10] =	ssyncadd.s32 $0xFFFFB1E0  }
0x513: {  	_ =	swait.ge [sflag:s11], $0x4E20  }
0x514: {  	[sflag:s11] =	ssyncset.done $0x0  }
0x515: {  	[sflag:s11] =	ssyncadd.s32 $0xFFFFB1E0  }
0x516: {  	_ =	sfence.sel $0x180000  }
0x517: {  	[bflag:$0x0] =	sbarrier.arrive $0xFFFF  }
0x518: {  	_ =	strace $0x90000047  }
0x519: {  	s0 =	stileid.u32;
	[bflag:$0x2] =	sbarrier.arrive $0xFFFF  }
0x51a: {  	p0 =	sne.s32 s0, $0x0;
	s0 =	rddreg [dreg:$0x3]  }
0x51b: {  	s0 =	sadd.s32 @!p0 $0x100000, s0  }
0x51c: {  	[sflag:s0] =	ssyncadd.tile.s32 @!p0 $0x1;
	_ =	shalt  }
.Lfunc_end2:
_tile_overlayer_lowered:
.L_overlay_start_2:
0x51d: {  	(tag) =	ssettag $0x2  }
0x51e: {  	s0 =	rddreg [dreg:$0x0];
	s2 =	stileid.u32  }
0x51f: {  	s1 =	rddreg [dreg:$0x1];
	p0 =	sne.s32 s2, $0x0  }
0x520: {  	s3 =	rddreg [dreg:$0x2];
	[bflag:$0x3] =	sbarrier.arrive $0xFFFF;
	s2 =	simm.s32 @!p0 $0x1C05  }
0x521: {  	[timem:s3], [sflag:s2] =	dma.local @!p0 [hbm:s0], s1  }
0x522: {  	s0 =	simm.s32 @!p0 $0x5  }
0x523: {  	_ =	swait.ge @!p0 [sflag:s0], s1  }
0x524: {  	s1 =	ssub.s32 @!p0 $0x0, s1;
	[sflag:s0] =	ssyncset.done @!p0 $0x0  }
0x525: {  	[sflag:s0] =	ssyncadd.s32 @!p0 s1  }
0x526: {  	[bflag:$0x3] =	sbarrier.arrive $0xFFFF  }
0x527: {  	_ =	shalt  }

</sc_bundles>
